<compile_context>
chip_gen: v7x
topology: tpu7x:2x2x1
jax: 0.10.2.dev20260603
libtpu: 0.0.44.dev20260713+nightly
codegen_flags: <defaults>
</compile_context>

<pallas_src>
import functools

import jax
import jax.numpy as jnp
from jax import lax
from jax.experimental import pallas as pl
from jax.experimental.pallas import tpu as pltpu
from jax.experimental.pallas import tpu_sc as plsc

N = 10000
E = 320000
H = 64
C_IN = 128
ITERS = 8
EPS = 1e-5

RB = 256
N_PAD = 10240
NBLK = N_PAD // RB

NC, NS = 2, 16
NW = NC * NS
CHUNK = 128

MSG_CHUNKS = 158
MSG_EPT = MSG_CHUNKS * CHUNK
MSG_PAD = NW * MSG_EPT
MSG_RING = 2

EG_CHUNKS = 80
EG_EPT = EG_CHUNKS * CHUNK
EG_PAD = NW * EG_EPT
EB = 512
EBLK = EG_PAD // EB

DUMMY = N_PAD - 1
ZROWS = N_PAD // NS


def _dot(a, b):
    return lax.dot_general(a.astype(jnp.bfloat16), b.astype(jnp.bfloat16),
                           (((1,), (0,)), ((), ())),
                           preferred_element_type=jnp.float32)


def _ln_relu(t, g, b):
    mu = jnp.mean(t, axis=-1, keepdims=True)
    var = jnp.mean((t - mu) ** 2, axis=-1, keepdims=True)
    t = (t - mu) * lax.rsqrt(var + EPS)
    return jnp.maximum(t * g + b, 0.0)



def _enc_body(x_ref, w1, b1, g1, be1, w2, b2, g2, be2, w3, b3, g3, be3, o_ref):
    t = _ln_relu(_dot(x_ref[...], w1[...]) + b1[...], g1[...], be1[...])
    t = _ln_relu(_dot(t, w2[...]) + b2[...], g2[...], be2[...])
    o_ref[...] = _ln_relu(_dot(t, w3[...]) + b3[...], g3[...], be3[...])


def _node_body(h_ref, m0_ref, m1_ref, w1, b1, g1, be1,
               w2, b2, g2, be2, w3, b3, g3, be3, o_ref):
    m = m0_ref[...] + m1_ref[...]
    t = _dot(jnp.concatenate([h_ref[...], m], axis=-1), w1[...]) + b1[...]
    t = _ln_relu(t, g1[...], be1[...])
    t = _ln_relu(_dot(t, w2[...]) + b2[...], g2[...], be2[...])
    o_ref[...] = _ln_relu(_dot(t, w3[...]) + b3[...], g3[...], be3[...])


def _ab_body(h_ref, wa, wb, a_ref, b_ref):
    a_ref[...] = _dot(h_ref[...], wa[...])
    b_ref[...] = _dot(h_ref[...], wb[...])


def _edge_body(u_ref, v_ref, b1, g1, be1, w2, b2, g2, be2,
               w3, b3, g3, be3, w4, b4, o_ref):
    t = _ln_relu(u_ref[...] + v_ref[...] + b1[...], g1[...], be1[...])
    t = _ln_relu(_dot(t, w2[...]) + b2[...], g2[...], be2[...])
    t = _ln_relu(_dot(t, w3[...]) + b3[...], g3[...], be3[...])
    o_ref[...] = _dot(t, w4[...]) + b4[...]


def _wspec(r, c):
    return pl.BlockSpec((r, c), lambda i: (0, 0))


_enc = pl.pallas_call(
    _enc_body,
    grid=(NBLK,),
    in_specs=[pl.BlockSpec((RB, C_IN), lambda i: (i, 0)),
              _wspec(C_IN, H), _wspec(1, H), _wspec(1, H), _wspec(1, H),
              _wspec(H, H), _wspec(1, H), _wspec(1, H), _wspec(1, H),
              _wspec(H, H), _wspec(1, H), _wspec(1, H), _wspec(1, H)],
    out_specs=pl.BlockSpec((RB, H), lambda i: (i, 0)),
    out_shape=jax.ShapeDtypeStruct((N_PAD, H), jnp.float32),
)

_node = pl.pallas_call(
    _node_body,
    grid=(NBLK,),
    in_specs=[pl.BlockSpec((RB, H), lambda i: (i, 0)),
              pl.BlockSpec((RB, H), lambda i: (i, 0)),
              pl.BlockSpec((RB, H), lambda i: (i, 0)),
              _wspec(C_IN, H), _wspec(1, H), _wspec(1, H), _wspec(1, H),
              _wspec(H, H), _wspec(1, H), _wspec(1, H), _wspec(1, H),
              _wspec(H, H), _wspec(1, H), _wspec(1, H), _wspec(1, H)],
    out_specs=pl.BlockSpec((RB, H), lambda i: (i, 0)),
    out_shape=jax.ShapeDtypeStruct((N_PAD, H), jnp.float32),
)

_ab = pl.pallas_call(
    _ab_body,
    grid=(NBLK,),
    in_specs=[pl.BlockSpec((RB, H), lambda i: (i, 0)),
              _wspec(H, H), _wspec(H, H)],
    out_specs=[pl.BlockSpec((RB, H), lambda i: (i, 0)),
               pl.BlockSpec((RB, H), lambda i: (i, 0))],
    out_shape=[jax.ShapeDtypeStruct((N_PAD, H), jnp.float32),
               jax.ShapeDtypeStruct((N_PAD, H), jnp.float32)],
)

_edge = pl.pallas_call(
    _edge_body,
    grid=(EBLK,),
    in_specs=[pl.BlockSpec((EB, H), lambda i: (i, 0)),
              pl.BlockSpec((EB, H), lambda i: (i, 0)),
              _wspec(1, H), _wspec(1, H), _wspec(1, H),
              _wspec(H, H), _wspec(1, H), _wspec(1, H), _wspec(1, H),
              _wspec(H, H), _wspec(1, H), _wspec(1, H), _wspec(1, H),
              _wspec(H, 1), _wspec(1, 1)],
    out_specs=pl.BlockSpec((EB, 1), lambda i: (i, 0)),
    out_shape=jax.ShapeDtypeStruct((EG_PAD, 1), jnp.float32),
)




@functools.cache
def _sc_kernels():
    mesh = plsc.VectorSubcoreMesh(core_axis_name="c", subcore_axis_name="s",
                                  num_cores=NC, num_subcores=NS)

    @functools.partial(
        pl.kernel,
        out_type=jax.ShapeDtypeStruct((NC * N_PAD, H), jnp.float32),
        mesh=mesh,
        compiler_params=pltpu.CompilerParams(use_tc_tiling_on_sc=False),
        scratch_types=[
            pltpu.VMEM((MSG_CHUNKS, CHUNK), jnp.int32),
            pltpu.VMEM((MSG_CHUNKS, CHUNK), jnp.int32),
            [pltpu.VMEM((CHUNK, H), jnp.float32) for _ in range(MSG_RING)],
            pltpu.VMEM_SHARED((N_PAD, H), jnp.float32),
            [pltpu.SemaphoreType.DMA for _ in range(MSG_RING)],
        ],
    )
    def sc_messages(h_hbm, src_hbm, dst_hbm, z_hbm, out_hbm,
                    src_v, dst_v, bufs, acc_sh, gsem):
        c = lax.axis_index("c")
        s = lax.axis_index("s")
        wid = c * NS + s
        pltpu.sync_copy(z_hbm, acc_sh.at[pl.ds(s * ZROWS, ZROWS)])
        pltpu.sync_copy(src_hbm.at[wid], src_v)
        pltpu.sync_copy(dst_hbm.at[wid], dst_v)
        plsc.subcore_barrier()

        buf0, buf1 = bufs[0], bufs[1]
        sem0, sem1 = gsem[0], gsem[1]
        pltpu.async_copy(h_hbm.at[src_v.at[0]], buf0, sem0)

        def body(i, carry):
            j0 = 2 * i
            j1 = 2 * i + 1
            jn = lax.rem(j1 + 1, MSG_CHUNKS)
            pltpu.async_copy(h_hbm.at[src_v.at[j1]], buf1, sem1)
            pltpu.make_async_copy(h_hbm.at[src_v.at[j0]], buf0, sem0).wait()
            pltpu.sync_copy(buf0, acc_sh.at[dst_v.at[j0]], add=True)
            pltpu.async_copy(h_hbm.at[src_v.at[jn]], buf0, sem0)
            pltpu.make_async_copy(h_hbm.at[src_v.at[j1]], buf1, sem1).wait()
            pltpu.sync_copy(buf1, acc_sh.at[dst_v.at[j1]], add=True)
            return carry

        lax.fori_loop(0, MSG_CHUNKS // 2, body, 0)
        pltpu.make_async_copy(h_hbm.at[src_v.at[0]], buf0, sem0).wait()
        plsc.subcore_barrier()
        pltpu.sync_copy(acc_sh.at[pl.ds(s * ZROWS, ZROWS)],
                        out_hbm.at[pl.ds(c * N_PAD + s * ZROWS, ZROWS)])

    @functools.partial(
        pl.kernel,
        out_type=[jax.ShapeDtypeStruct((EG_PAD, H), jnp.float32),
                  jax.ShapeDtypeStruct((EG_PAD, H), jnp.float32)],
        mesh=mesh,
        compiler_params=pltpu.CompilerParams(use_tc_tiling_on_sc=False),
        scratch_types=[
            pltpu.VMEM((EG_CHUNKS, CHUNK), jnp.int32),
            pltpu.VMEM((EG_CHUNKS, CHUNK), jnp.int32),
            pltpu.VMEM((CHUNK, H), jnp.float32),
            pltpu.VMEM((CHUNK, H), jnp.float32),
            pltpu.VMEM((CHUNK, H), jnp.float32),
            pltpu.VMEM((CHUNK, H), jnp.float32),
            pltpu.SemaphoreType.DMA,
            pltpu.SemaphoreType.DMA,
            pltpu.SemaphoreType.DMA,
            pltpu.SemaphoreType.DMA,
        ],
    )
    def sc_edge_gather(a_hbm, b_hbm, s_hbm, e_hbm, u_hbm, v_hbm,
                       s_v, e_v, a0, a1, b0, b1, sa0, sa1, sb0, sb1):
        c = lax.axis_index("c")
        s = lax.axis_index("s")
        wid = c * NS + s
        base = wid * EG_EPT
        pltpu.sync_copy(s_hbm.at[wid], s_v)
        pltpu.sync_copy(e_hbm.at[wid], e_v)

        pltpu.async_copy(a_hbm.at[s_v.at[0]], a0, sa0)
        pltpu.async_copy(b_hbm.at[e_v.at[0]], b0, sb0)

        def body(i, carry):
            j0 = 2 * i
            j1 = 2 * i + 1
            jn = lax.rem(j1 + 1, EG_CHUNKS)
            off0 = base + j0 * CHUNK
            off1 = base + j1 * CHUNK
            pltpu.async_copy(a_hbm.at[s_v.at[j1]], a1, sa1)
            pltpu.async_copy(b_hbm.at[e_v.at[j1]], b1, sb1)
            pltpu.make_async_copy(a_hbm.at[s_v.at[j0]], a0, sa0).wait()
            pltpu.sync_copy(a0, u_hbm.at[pl.ds(off0, CHUNK)])
            pltpu.make_async_copy(b_hbm.at[e_v.at[j0]], b0, sb0).wait()
            pltpu.sync_copy(b0, v_hbm.at[pl.ds(off0, CHUNK)])
            pltpu.async_copy(a_hbm.at[s_v.at[jn]], a0, sa0)
            pltpu.async_copy(b_hbm.at[e_v.at[jn]], b0, sb0)
            pltpu.make_async_copy(a_hbm.at[s_v.at[j1]], a1, sa1).wait()
            pltpu.sync_copy(a1, u_hbm.at[pl.ds(off1, CHUNK)])
            pltpu.make_async_copy(b_hbm.at[e_v.at[j1]], b1, sb1).wait()
            pltpu.sync_copy(b1, v_hbm.at[pl.ds(off1, CHUNK)])
            return carry

        lax.fori_loop(0, EG_CHUNKS // 2, body, 0)
        pltpu.make_async_copy(a_hbm.at[s_v.at[0]], a0, sa0).wait()
        pltpu.make_async_copy(b_hbm.at[e_v.at[0]], b0, sb0).wait()

    return sc_messages, sc_edge_gather



def kernel(x, edge_index, enc_Ws, enc_bs, enc_gs, enc_betas,
           node_Ws, node_bs, node_gs, node_betas,
           edge_Ws, edge_bs, edge_gs, edge_betas):
    f32 = jnp.float32
    xp = jnp.pad(x.astype(f32), ((0, N_PAD - N), (0, 0)))
    start = edge_index[0].astype(jnp.int32)
    end = edge_index[1].astype(jnp.int32)

    src = jnp.concatenate([start, end])
    dst = jnp.concatenate([end, start])
    src = jnp.pad(src, (0, MSG_PAD - 2 * E), constant_values=DUMMY)
    dst = jnp.pad(dst, (0, MSG_PAD - 2 * E), constant_values=DUMMY)
    src = src.reshape(NW, MSG_CHUNKS, CHUNK)
    dst = dst.reshape(NW, MSG_CHUNKS, CHUNK)

    sg = jnp.pad(start, (0, EG_PAD - E)).reshape(NW, EG_CHUNKS, CHUNK)
    eg = jnp.pad(end, (0, EG_PAD - E)).reshape(NW, EG_CHUNKS, CHUNK)

    zrows = jnp.zeros((ZROWS, H), f32)
    r2 = lambda v: v.reshape(1, -1)
    sc_messages, sc_edge_gather = _sc_kernels()

    h = _enc(xp,
             enc_Ws[0], r2(enc_bs[0]), r2(enc_gs[0]), r2(enc_betas[0]),
             enc_Ws[1], r2(enc_bs[1]), r2(enc_gs[1]), r2(enc_betas[1]),
             enc_Ws[2], r2(enc_bs[2]), r2(enc_gs[2]), r2(enc_betas[2]))

    for _ in range(ITERS):
        parts = sc_messages(h, src, dst, zrows)
        h = _node(h, parts[:N_PAD], parts[N_PAD:],
                  node_Ws[0], r2(node_bs[0]), r2(node_gs[0]), r2(node_betas[0]),
                  node_Ws[1], r2(node_bs[1]), r2(node_gs[1]), r2(node_betas[1]),
                  node_Ws[2], r2(node_bs[2]), r2(node_gs[2]), r2(node_betas[2]))

    a, b = _ab(h, edge_Ws[0][:H], edge_Ws[0][H:])
    u, v = sc_edge_gather(a, b, sg, eg)
    out = _edge(u, v,
                r2(edge_bs[0]), r2(edge_gs[0]), r2(edge_betas[0]),
                edge_Ws[1], r2(edge_bs[1]), r2(edge_gs[1]), r2(edge_betas[1]),
                edge_Ws[2], r2(edge_bs[2]), r2(edge_gs[2]), r2(edge_betas[2]),
                edge_Ws[3], edge_bs[3].reshape(1, 1))
    return out[:E]

# --- scband reference (transcript-rebuilt; emitter-appended) ---
"""Pipeline reference for scband-vanilla-gcn-34918084116972 (READ-ONLY COPY).

The authoritative reference and input builder live on the scoring server;
editing this copy changes nothing except your own understanding.
"""

import jax, jax.numpy as jnp
import numpy as np

N_NODES = 10000
N_EDGES = 320000
IN_CHANNELS = 128
HIDDEN = 64
N_ITERS = 8
EPS = 1e-5

def _init_mlp(key, sizes, n_ln):
    Ws, bs, gs, betas = [], [], [], []
    for i in range(len(sizes) - 1):
        key, k = jax.random.split(key)
        Ws.append(jax.random.normal(k, (sizes[i], sizes[i + 1]), dtype=jnp.float32) / np.sqrt(sizes[i]))
        bs.append(jnp.zeros((sizes[i + 1],), dtype=jnp.float32))
    for i in range(n_ln):
        gs.append(jnp.ones((sizes[i + 1],), dtype=jnp.float32))
        betas.append(jnp.zeros((sizes[i + 1],), dtype=jnp.float32))
    return Ws, bs, gs, betas

def _apply_mlp(Ws, bs, gs, betas, x):
    # Linear -> [LayerNorm -> ReLU] for layers with LN params; final layer of
    # edge_network has no LN/activation (output_activation=None).
    for i in range(len(Ws)):
        x = x @ Ws[i] + bs[i]
        if i < len(gs):
            mu = jnp.mean(x, axis=-1, keepdims=True)
            var = jnp.var(x, axis=-1, keepdims=True)
            x = (x - mu) / jnp.sqrt(var + EPS)
            x = x * gs[i] + betas[i]
            x = jax.nn.relu(x)
    return x

def setup_inputs(seed: int = 0):
    key = jax.random.key(seed)
    kx, ke, k1, k2, k3 = jax.random.split(key, 5)
    x = jax.random.normal(kx, (N_NODES, IN_CHANNELS), dtype=jnp.float32)
    edge_index = jax.random.randint(ke, (2, N_EDGES), 0, N_NODES)
    enc_Ws, enc_bs, enc_gs, enc_betas = _init_mlp(k1, [IN_CHANNELS, HIDDEN, HIDDEN, HIDDEN], 3)
    node_Ws, node_bs, node_gs, node_betas = _init_mlp(k2, [2 * HIDDEN, HIDDEN, HIDDEN, HIDDEN], 3)
    edge_Ws, edge_bs, edge_gs, edge_betas = _init_mlp(k3, [2 * HIDDEN, HIDDEN, HIDDEN, HIDDEN, 1], 3)
    return {"x": x, "edge_index": edge_index,
            "enc_Ws": enc_Ws, "enc_bs": enc_bs, "enc_gs": enc_gs, "enc_betas": enc_betas,
            "node_Ws": node_Ws, "node_bs": node_bs, "node_gs": node_gs, "node_betas": node_betas,
            "edge_Ws": edge_Ws, "edge_bs": edge_bs, "edge_gs": edge_gs, "edge_betas": edge_betas}

def reference(x, edge_index, enc_Ws, enc_bs, enc_gs, enc_betas, node_Ws, node_bs, node_gs, node_betas, edge_Ws, edge_bs, edge_gs, edge_betas):
    h = _apply_mlp(enc_Ws, enc_bs, enc_gs, enc_betas, x)
    start = edge_index[0]
    end = edge_index[1]
    n = x.shape[0]
    for _ in range(N_ITERS):
        messages = jax.ops.segment_sum(h[start], end, num_segments=n) + jax.ops.segment_sum(h[end], start, num_segments=n)
        h = _apply_mlp(node_Ws, node_bs, node_gs, node_betas, jnp.concatenate([h, messages], axis=-1))
    edge_inputs = jnp.concatenate([h[start], h[end]], axis=1)
    return _apply_mlp(edge_Ws, edge_bs, edge_gs, edge_betas, edge_inputs)

if __name__ == "__main__":
    import jax
    _d = setup_inputs()
    print(jax.jit(kernel)(*tuple(_d.values())))

</pallas_src>

<mosaic_0001>
#map = affine_map<(d0, d1) -> (0, 0)>
#map1 = affine_map<(d0, d1) -> (0, 0, 0)>
module attributes {stable_mosaic.version = 14 : i64} {
  func.func @sc_messages(%arg0: i32, %arg1: i32, %arg2: memref<10240x64xf32, #tpu.memory_space<hbm>>, %arg3: memref<32x158x128xi32, #tpu.memory_space<hbm>>, %arg4: memref<32x158x128xi32, #tpu.memory_space<hbm>>, %arg5: memref<640x64xf32, #tpu.memory_space<hbm>>, %arg6: memref<20480x64xf32, #tpu.memory_space<hbm>>, %arg7: memref<158x128xi32, #tpu.memory_space<vmem>>, %arg8: memref<158x128xi32, #tpu.memory_space<vmem>>, %arg9: memref<128x64xf32, #tpu.memory_space<vmem>>, %arg10: memref<128x64xf32, #tpu.memory_space<vmem>>, %arg11: memref<10240x64xf32, #tpu.memory_space<vmem_shared>>, %arg12: memref<!tpu.dma_semaphore, #tpu.memory_space<semaphore_mem>>, %arg13: memref<!tpu.dma_semaphore, #tpu.memory_space<semaphore_mem>>) attributes {dimension_semantics = [#tpu.dimension_semantics<core_parallel>, #tpu.dimension_semantics<subcore_parallel>], iteration_bounds = array<i64: 2, 16>, scalar_prefetch = 0 : i64, scratch_operands = 7 : i64, tpu.core_type = #tpu.core_type<sc_vector_subcore>, window_params = [{transform_indices = #map}, {transform_indices = #map1}, {transform_indices = #map1}, {transform_indices = #map}, {transform_indices = #map}]} {
    %mul3A = arith.constant 16 : i32
    %mul3A_0 = arith.muli %arg0, %mul3A : i32
    %add3A = arith.addi %mul3A_0, %arg1 : i32
    %mul3A_1 = arith.constant 640 : i32
    %mul3A_2 = arith.muli %arg1, %mul3A_1 : i32
    "tpu.region"() ({
      %run_scoped3A = tpu.sem_alloc : memref<!tpu.dma_semaphore, #tpu.memory_space<semaphore_mem>>
      %dma_start3A_28 = arith.constant 0 : i32
      %dma_start3A_29 = tpu.memref_slice %arg11[%mul3A_2, %dma_start3A_28] : memref<10240x64xf32, #tpu.memory_space<vmem_shared>> -> memref<640x64xf32, #tpu.memory_space<vmem_shared>>
      tpu.enqueue_dma source(%arg5 : memref<640x64xf32, #tpu.memory_space<hbm>>) target(%dma_start3A_29 : memref<640x64xf32, #tpu.memory_space<vmem_shared>>) target_semaphore(%run_scoped3A : memref<!tpu.dma_semaphore, #tpu.memory_space<semaphore_mem>>)
      %dma_wait3A_30 = arith.constant 0 : i32
      %dma_wait3A_31 = tpu.memref_slice %arg11[%mul3A_2, %dma_wait3A_30] : memref<10240x64xf32, #tpu.memory_space<vmem_shared>> -> memref<640x64xf32, #tpu.memory_space<vmem_shared>>
      tpu.wait_dma2 semaphore(%run_scoped3A : memref<!tpu.dma_semaphore, #tpu.memory_space<semaphore_mem>>) src(%arg5 : memref<640x64xf32, #tpu.memory_space<hbm>>) dst(%dma_wait3A_31 : memref<640x64xf32, #tpu.memory_space<vmem_shared>>)
      tpu.yield
    }) : () -> ()
    "tpu.region"() ({
      %run_scoped3A = tpu.sem_alloc : memref<!tpu.dma_semaphore, #tpu.memory_space<semaphore_mem>>
      %dma_start3A_28 = arith.constant 0 : i32
      %dma_start3A_29 = arith.constant 0 : i32
      %dma_start3A_30 = tpu.memref_slice %arg3[%add3A, %dma_start3A_28, %dma_start3A_29] : memref<32x158x128xi32, #tpu.memory_space<hbm>> -> memref<1x158x128xi32, #tpu.memory_space<hbm>>
      %dma_start3A_31 = tpu.memref_squeeze %dma_start3A_30 : memref<1x158x128xi32, #tpu.memory_space<hbm>> -> memref<158x128xi32, #tpu.memory_space<hbm>>
      %dma_start3A_32 = arith.constant 0 : i32
      %dma_start3A_33 = arith.constant 0 : i32
      %dma_start3A_34 = tpu.memref_slice %arg3[%add3A, %dma_start3A_32, %dma_start3A_33] : memref<32x158x128xi32, #tpu.memory_space<hbm>> -> memref<1x158x128xi32, #tpu.memory_space<hbm>>
      %dma_start3A_35 = tpu.memref_squeeze %dma_start3A_34 : memref<1x158x128xi32, #tpu.memory_space<hbm>> -> memref<158x128xi32, #tpu.memory_space<hbm>>
      tpu.enqueue_dma source(%dma_start3A_35 : memref<158x128xi32, #tpu.memory_space<hbm>>) target(%arg7 : memref<158x128xi32, #tpu.memory_space<vmem>>) target_semaphore(%run_scoped3A : memref<!tpu.dma_semaphore, #tpu.memory_space<semaphore_mem>>)
      %dma_wait3A_36 = arith.constant 0 : i32
      %dma_wait3A_37 = arith.constant 0 : i32
      %dma_wait3A_38 = tpu.memref_slice %arg3[%add3A, %dma_wait3A_36, %dma_wait3A_37] : memref<32x158x128xi32, #tpu.memory_space<hbm>> -> memref<1x158x128xi32, #tpu.memory_space<hbm>>
      %dma_wait3A_39 = tpu.memref_squeeze %dma_wait3A_38 : memref<1x158x128xi32, #tpu.memory_space<hbm>> -> memref<158x128xi32, #tpu.memory_space<hbm>>
      %dma_wait3A_40 = arith.constant 0 : i32
      %dma_wait3A_41 = arith.constant 0 : i32
      %dma_wait3A_42 = tpu.memref_slice %arg3[%add3A, %dma_wait3A_40, %dma_wait3A_41] : memref<32x158x128xi32, #tpu.memory_space<hbm>> -> memref<1x158x128xi32, #tpu.memory_space<hbm>>
      %dma_wait3A_43 = tpu.memref_squeeze %dma_wait3A_42 : memref<1x158x128xi32, #tpu.memory_space<hbm>> -> memref<158x128xi32, #tpu.memory_space<hbm>>
      tpu.wait_dma2 semaphore(%run_scoped3A : memref<!tpu.dma_semaphore, #tpu.memory_space<semaphore_mem>>) src(%dma_wait3A_43 : memref<158x128xi32, #tpu.memory_space<hbm>>) dst(%arg7 : memref<158x128xi32, #tpu.memory_space<vmem>>)
      tpu.yield
    }) : () -> ()
    "tpu.region"() ({
      %run_scoped3A = tpu.sem_alloc : memref<!tpu.dma_semaphore, #tpu.memory_space<semaphore_mem>>
      %dma_start3A_28 = arith.constant 0 : i32
      %dma_start3A_29 = arith.constant 0 : i32
      %dma_start3A_30 = tpu.memref_slice %arg4[%add3A, %dma_start3A_28, %dma_start3A_29] : memref<32x158x128xi32, #tpu.memory_space<hbm>> -> memref<1x158x128xi32, #tpu.memory_space<hbm>>
      %dma_start3A_31 = tpu.memref_squeeze %dma_start3A_30 : memref<1x158x128xi32, #tpu.memory_space<hbm>> -> memref<158x128xi32, #tpu.memory_space<hbm>>
      %dma_start3A_32 = arith.constant 0 : i32
      %dma_start3A_33 = arith.constant 0 : i32
      %dma_start3A_34 = tpu.memref_slice %arg4[%add3A, %dma_start3A_32, %dma_start3A_33] : memref<32x158x128xi32, #tpu.memory_space<hbm>> -> memref<1x158x128xi32, #tpu.memory_space<hbm>>
      %dma_start3A_35 = tpu.memref_squeeze %dma_start3A_34 : memref<1x158x128xi32, #tpu.memory_space<hbm>> -> memref<158x128xi32, #tpu.memory_space<hbm>>
      tpu.enqueue_dma source(%dma_start3A_35 : memref<158x128xi32, #tpu.memory_space<hbm>>) target(%arg8 : memref<158x128xi32, #tpu.memory_space<vmem>>) target_semaphore(%run_scoped3A : memref<!tpu.dma_semaphore, #tpu.memory_space<semaphore_mem>>)
      %dma_wait3A_36 = arith.constant 0 : i32
      %dma_wait3A_37 = arith.constant 0 : i32
      %dma_wait3A_38 = tpu.memref_slice %arg4[%add3A, %dma_wait3A_36, %dma_wait3A_37] : memref<32x158x128xi32, #tpu.memory_space<hbm>> -> memref<1x158x128xi32, #tpu.memory_space<hbm>>
      %dma_wait3A_39 = tpu.memref_squeeze %dma_wait3A_38 : memref<1x158x128xi32, #tpu.memory_space<hbm>> -> memref<158x128xi32, #tpu.memory_space<hbm>>
      %dma_wait3A_40 = arith.constant 0 : i32
      %dma_wait3A_41 = arith.constant 0 : i32
      %dma_wait3A_42 = tpu.memref_slice %arg4[%add3A, %dma_wait3A_40, %dma_wait3A_41] : memref<32x158x128xi32, #tpu.memory_space<hbm>> -> memref<1x158x128xi32, #tpu.memory_space<hbm>>
      %dma_wait3A_43 = tpu.memref_squeeze %dma_wait3A_42 : memref<1x158x128xi32, #tpu.memory_space<hbm>> -> memref<158x128xi32, #tpu.memory_space<hbm>>
      tpu.wait_dma2 semaphore(%run_scoped3A : memref<!tpu.dma_semaphore, #tpu.memory_space<semaphore_mem>>) src(%dma_wait3A_43 : memref<158x128xi32, #tpu.memory_space<hbm>>) dst(%arg8 : memref<158x128xi32, #tpu.memory_space<vmem>>)
      tpu.yield
    }) : () -> ()
    %barrier3A = arith.constant 0 : index
    tpu.barrier barrier_id(%barrier3A)
    %dma_start3A = arith.constant 0 : i32
    %dma_start3A_3 = arith.constant 0 : i32
    %dma_start3A_4 = tpu.memref_slice %arg7[%dma_start3A, %dma_start3A_3] : memref<158x128xi32, #tpu.memory_space<vmem>> -> memref<1x128xi32, #tpu.memory_space<vmem>>
    %dma_start3A_5 = tpu.memref_squeeze %dma_start3A_4 : memref<1x128xi32, #tpu.memory_space<vmem>> -> memref<128xi32, #tpu.memory_space<vmem>>
    %dma_start3A_6 = arith.constant 0 : i32
    %dma_start3A_7 = arith.constant 0 : i32
    %dma_start3A_8 = tpu.memref_slice %arg2[%dma_start3A_6, %dma_start3A_7] : memref<10240x64xf32, #tpu.memory_space<hbm>> -> memref<10240x64xf32, #tpu.memory_space<hbm>>
    tpu.enqueue_indirect_dma source(%dma_start3A_8 : memref<10240x64xf32, #tpu.memory_space<hbm>>) target(%arg9 : memref<128x64xf32, #tpu.memory_space<vmem>>) offsets(%dma_start3A_5 : memref<128xi32, #tpu.memory_space<vmem>>) semaphore(%arg12 : memref<!tpu.dma_semaphore, #tpu.memory_space<semaphore_mem>>)
    %scan3A = arith.constant 0 : i32
    %scan3A_9 = arith.constant 0 : i32
    %scan3A_10 = arith.constant 79 : i32
    %scan3A_11 = arith.addi %scan3A_9, %scan3A_10 : i32
    %scan3A_12 = arith.constant 1 : i32
    scf.for %scan3A_28 = %scan3A_9 to %scan3A_11 step %scan3A_12  : i32 {
      %mul3A_29 = arith.constant 2 : i32
      %mul3A_30 = arith.muli %mul3A_29, %scan3A_28 : i32
      %mul3A_31 = arith.constant 2 : i32
      %mul3A_32 = arith.muli %mul3A_31, %scan3A_28 : i32
      %add3A_33 = arith.constant 1 : i32
      %add3A_34 = arith.addi %mul3A_32, %add3A_33 : i32
      %add3A_35 = arith.constant 1 : i32
      %add3A_36 = arith.addi %add3A_34, %add3A_35 : i32
      %rem3A = arith.constant 158 : i32
      %rem3A_37 = arith.remsi %add3A_36, %rem3A : i32
      %dma_start3A_38 = arith.constant 0 : i32
      %dma_start3A_39 = tpu.memref_slice %arg7[%add3A_34, %dma_start3A_38] : memref<158x128xi32, #tpu.memory_space<vmem>> -> memref<1x128xi32, #tpu.memory_space<vmem>>
      %dma_start3A_40 = tpu.memref_squeeze %dma_start3A_39 : memref<1x128xi32, #tpu.memory_space<vmem>> -> memref<128xi32, #tpu.memory_space<vmem>>
      %dma_start3A_41 = arith.constant 0 : i32
      %dma_start3A_42 = arith.constant 0 : i32
      %dma_start3A_43 = tpu.memref_slice %arg2[%dma_start3A_41, %dma_start3A_42] : memref<10240x64xf32, #tpu.memory_space<hbm>> -> memref<10240x64xf32, #tpu.memory_space<hbm>>
      tpu.enqueue_indirect_dma source(%dma_start3A_43 : memref<10240x64xf32, #tpu.memory_space<hbm>>) target(%arg10 : memref<128x64xf32, #tpu.memory_space<vmem>>) offsets(%dma_start3A_40 : memref<128xi32, #tpu.memory_space<vmem>>) semaphore(%arg13 : memref<!tpu.dma_semaphore, #tpu.memory_space<semaphore_mem>>)
      %dma_wait3A_44 = arith.constant 0 : i32
      %dma_wait3A_45 = tpu.memref_slice %arg7[%mul3A_30, %dma_wait3A_44] : memref<158x128xi32, #tpu.memory_space<vmem>> -> memref<1x128xi32, #tpu.memory_space<vmem>>
      %dma_wait3A_46 = tpu.memref_squeeze %dma_wait3A_45 : memref<1x128xi32, #tpu.memory_space<vmem>> -> memref<128xi32, #tpu.memory_space<vmem>>
      %dma_wait3A_47 = arith.constant 0 : i32
      %dma_wait3A_48 = arith.constant 0 : i32
      %dma_wait3A_49 = tpu.memref_slice %arg2[%dma_wait3A_47, %dma_wait3A_48] : memref<10240x64xf32, #tpu.memory_space<hbm>> -> memref<10240x64xf32, #tpu.memory_space<hbm>>
      tpu.wait_indirect_dma semaphore(%arg12 : memref<!tpu.dma_semaphore, #tpu.memory_space<semaphore_mem>>) src(%dma_wait3A_49 : memref<10240x64xf32, #tpu.memory_space<hbm>>) dst(%arg9 : memref<128x64xf32, #tpu.memory_space<vmem>>)
      "tpu.region"() ({
        %run_scoped3A = tpu.sem_alloc : memref<!tpu.dma_semaphore, #tpu.memory_space<semaphore_mem>>
        %dma_start3A_62 = arith.constant 0 : i32
        %dma_start3A_63 = tpu.memref_slice %arg8[%mul3A_30, %dma_start3A_62] : memref<158x128xi32, #tpu.memory_space<vmem>> -> memref<1x128xi32, #tpu.memory_space<vmem>>
        %dma_start3A_64 = tpu.memref_squeeze %dma_start3A_63 : memref<1x128xi32, #tpu.memory_space<vmem>> -> memref<128xi32, #tpu.memory_space<vmem>>
        %dma_start3A_65 = arith.constant 0 : i32
        %dma_start3A_66 = arith.constant 0 : i32
        %dma_start3A_67 = tpu.memref_slice %arg11[%dma_start3A_65, %dma_start3A_66] : memref<10240x64xf32, #tpu.memory_space<vmem_shared>> -> memref<10240x64xf32, #tpu.memory_space<vmem_shared>>
        tpu.enqueue_indirect_dma source(%arg9 : memref<128x64xf32, #tpu.memory_space<vmem>>) target(%dma_start3A_67 : memref<10240x64xf32, #tpu.memory_space<vmem_shared>>) offsets(%dma_start3A_64 : memref<128xi32, #tpu.memory_space<vmem>>) semaphore(%run_scoped3A : memref<!tpu.dma_semaphore, #tpu.memory_space<semaphore_mem>>) {add = true}
        %dma_wait3A_68 = arith.constant 0 : i32
        %dma_wait3A_69 = tpu.memref_slice %arg8[%mul3A_30, %dma_wait3A_68] : memref<158x128xi32, #tpu.memory_space<vmem>> -> memref<1x128xi32, #tpu.memory_space<vmem>>
        %dma_wait3A_70 = tpu.memref_squeeze %dma_wait3A_69 : memref<1x128xi32, #tpu.memory_space<vmem>> -> memref<128xi32, #tpu.memory_space<vmem>>
        %dma_wait3A_71 = arith.constant 0 : i32
        %dma_wait3A_72 = arith.constant 0 : i32
        %dma_wait3A_73 = tpu.memref_slice %arg11[%dma_wait3A_71, %dma_wait3A_72] : memref<10240x64xf32, #tpu.memory_space<vmem_shared>> -> memref<10240x64xf32, #tpu.memory_space<vmem_shared>>
        tpu.wait_indirect_dma semaphore(%run_scoped3A : memref<!tpu.dma_semaphore, #tpu.memory_space<semaphore_mem>>) src(%arg9 : memref<128x64xf32, #tpu.memory_space<vmem>>) dst(%dma_wait3A_73 : memref<10240x64xf32, #tpu.memory_space<vmem_shared>>)
        tpu.yield
      }) : () -> ()
      %dma_start3A_50 = arith.constant 0 : i32
      %dma_start3A_51 = tpu.memref_slice %arg7[%rem3A_37, %dma_start3A_50] : memref<158x128xi32, #tpu.memory_space<vmem>> -> memref<1x128xi32, #tpu.memory_space<vmem>>
      %dma_start3A_52 = tpu.memref_squeeze %dma_start3A_51 : memref<1x128xi32, #tpu.memory_space<vmem>> -> memref<128xi32, #tpu.memory_space<vmem>>
      %dma_start3A_53 = arith.constant 0 : i32
      %dma_start3A_54 = arith.constant 0 : i32
      %dma_start3A_55 = tpu.memref_slice %arg2[%dma_start3A_53, %dma_start3A_54] : memref<10240x64xf32, #tpu.memory_space<hbm>> -> memref<10240x64xf32, #tpu.memory_space<hbm>>
      tpu.enqueue_indirect_dma source(%dma_start3A_55 : memref<10240x64xf32, #tpu.memory_space<hbm>>) target(%arg9 : memref<128x64xf32, #tpu.memory_space<vmem>>) offsets(%dma_start3A_52 : memref<128xi32, #tpu.memory_space<vmem>>) semaphore(%arg12 : memref<!tpu.dma_semaphore, #tpu.memory_space<semaphore_mem>>)
      %dma_wait3A_56 = arith.constant 0 : i32
      %dma_wait3A_57 = tpu.memref_slice %arg7[%add3A_34, %dma_wait3A_56] : memref<158x128xi32, #tpu.memory_space<vmem>> -> memref<1x128xi32, #tpu.memory_space<vmem>>
      %dma_wait3A_58 = tpu.memref_squeeze %dma_wait3A_57 : memref<1x128xi32, #tpu.memory_space<vmem>> -> memref<128xi32, #tpu.memory_space<vmem>>
      %dma_wait3A_59 = arith.constant 0 : i32
      %dma_wait3A_60 = arith.constant 0 : i32
      %dma_wait3A_61 = tpu.memref_slice %arg2[%dma_wait3A_59, %dma_wait3A_60] : memref<10240x64xf32, #tpu.memory_space<hbm>> -> memref<10240x64xf32, #tpu.memory_space<hbm>>
      tpu.wait_indirect_dma semaphore(%arg13 : memref<!tpu.dma_semaphore, #tpu.memory_space<semaphore_mem>>) src(%dma_wait3A_61 : memref<10240x64xf32, #tpu.memory_space<hbm>>) dst(%arg10 : memref<128x64xf32, #tpu.memory_space<vmem>>)
      "tpu.region"() ({
        %run_scoped3A = tpu.sem_alloc : memref<!tpu.dma_semaphore, #tpu.memory_space<semaphore_mem>>
        %dma_start3A_62 = arith.constant 0 : i32
        %dma_start3A_63 = tpu.memref_slice %arg8[%add3A_34, %dma_start3A_62] : memref<158x128xi32, #tpu.memory_space<vmem>> -> memref<1x128xi32, #tpu.memory_space<vmem>>
        %dma_start3A_64 = tpu.memref_squeeze %dma_start3A_63 : memref<1x128xi32, #tpu.memory_space<vmem>> -> memref<128xi32, #tpu.memory_space<vmem>>
        %dma_start3A_65 = arith.constant 0 : i32
        %dma_start3A_66 = arith.constant 0 : i32
        %dma_start3A_67 = tpu.memref_slice %arg11[%dma_start3A_65, %dma_start3A_66] : memref<10240x64xf32, #tpu.memory_space<vmem_shared>> -> memref<10240x64xf32, #tpu.memory_space<vmem_shared>>
        tpu.enqueue_indirect_dma source(%arg10 : memref<128x64xf32, #tpu.memory_space<vmem>>) target(%dma_start3A_67 : memref<10240x64xf32, #tpu.memory_space<vmem_shared>>) offsets(%dma_start3A_64 : memref<128xi32, #tpu.memory_space<vmem>>) semaphore(%run_scoped3A : memref<!tpu.dma_semaphore, #tpu.memory_space<semaphore_mem>>) {add = true}
        %dma_wait3A_68 = arith.constant 0 : i32
        %dma_wait3A_69 = tpu.memref_slice %arg8[%add3A_34, %dma_wait3A_68] : memref<158x128xi32, #tpu.memory_space<vmem>> -> memref<1x128xi32, #tpu.memory_space<vmem>>
        %dma_wait3A_70 = tpu.memref_squeeze %dma_wait3A_69 : memref<1x128xi32, #tpu.memory_space<vmem>> -> memref<128xi32, #tpu.memory_space<vmem>>
        %dma_wait3A_71 = arith.constant 0 : i32
        %dma_wait3A_72 = arith.constant 0 : i32
        %dma_wait3A_73 = tpu.memref_slice %arg11[%dma_wait3A_71, %dma_wait3A_72] : memref<10240x64xf32, #tpu.memory_space<vmem_shared>> -> memref<10240x64xf32, #tpu.memory_space<vmem_shared>>
        tpu.wait_indirect_dma semaphore(%run_scoped3A : memref<!tpu.dma_semaphore, #tpu.memory_space<semaphore_mem>>) src(%arg10 : memref<128x64xf32, #tpu.memory_space<vmem>>) dst(%dma_wait3A_73 : memref<10240x64xf32, #tpu.memory_space<vmem_shared>>)
        tpu.yield
      }) : () -> ()
    }
    %scan3A_13 = arith.constant 79 : i32
    %dma_wait3A = arith.constant 0 : i32
    %dma_wait3A_14 = arith.constant 0 : i32
    %dma_wait3A_15 = tpu.memref_slice %arg7[%dma_wait3A, %dma_wait3A_14] : memref<158x128xi32, #tpu.memory_space<vmem>> -> memref<1x128xi32, #tpu.memory_space<vmem>>
    %dma_wait3A_16 = tpu.memref_squeeze %dma_wait3A_15 : memref<1x128xi32, #tpu.memory_space<vmem>> -> memref<128xi32, #tpu.memory_space<vmem>>
    %dma_wait3A_17 = arith.constant 0 : i32
    %dma_wait3A_18 = arith.constant 0 : i32
    %dma_wait3A_19 = tpu.memref_slice %arg2[%dma_wait3A_17, %dma_wait3A_18] : memref<10240x64xf32, #tpu.memory_space<hbm>> -> memref<10240x64xf32, #tpu.memory_space<hbm>>
    tpu.wait_indirect_dma semaphore(%arg12 : memref<!tpu.dma_semaphore, #tpu.memory_space<semaphore_mem>>) src(%dma_wait3A_19 : memref<10240x64xf32, #tpu.memory_space<hbm>>) dst(%arg9 : memref<128x64xf32, #tpu.memory_space<vmem>>)
    %barrier3A_20 = arith.constant 0 : index
    tpu.barrier barrier_id(%barrier3A_20)
    %mul3A_21 = arith.constant 640 : i32
    %mul3A_22 = arith.muli %arg1, %mul3A_21 : i32
    %mul3A_23 = arith.constant 10240 : i32
    %mul3A_24 = arith.muli %arg0, %mul3A_23 : i32
    %mul3A_25 = arith.constant 640 : i32
    %mul3A_26 = arith.muli %arg1, %mul3A_25 : i32
    %add3A_27 = arith.addi %mul3A_24, %mul3A_26 : i32
    "tpu.region"() ({
      %run_scoped3A = tpu.sem_alloc : memref<!tpu.dma_semaphore, #tpu.memory_space<semaphore_mem>>
      %dma_start3A_28 = arith.constant 0 : i32
      %dma_start3A_29 = tpu.memref_slice %arg6[%add3A_27, %dma_start3A_28] : memref<20480x64xf32, #tpu.memory_space<hbm>> -> memref<640x64xf32, #tpu.memory_space<hbm>>
      %dma_start3A_30 = arith.constant 0 : i32
      %dma_start3A_31 = tpu.memref_slice %arg11[%mul3A_22, %dma_start3A_30] : memref<10240x64xf32, #tpu.memory_space<vmem_shared>> -> memref<640x64xf32, #tpu.memory_space<vmem_shared>>
      tpu.enqueue_dma source(%dma_start3A_31 : memref<640x64xf32, #tpu.memory_space<vmem_shared>>) target(%dma_start3A_29 : memref<640x64xf32, #tpu.memory_space<hbm>>) target_semaphore(%run_scoped3A : memref<!tpu.dma_semaphore, #tpu.memory_space<semaphore_mem>>)
      %dma_wait3A_32 = arith.constant 0 : i32
      %dma_wait3A_33 = tpu.memref_slice %arg6[%add3A_27, %dma_wait3A_32] : memref<20480x64xf32, #tpu.memory_space<hbm>> -> memref<640x64xf32, #tpu.memory_space<hbm>>
      %dma_wait3A_34 = arith.constant 0 : i32
      %dma_wait3A_35 = tpu.memref_slice %arg11[%mul3A_22, %dma_wait3A_34] : memref<10240x64xf32, #tpu.memory_space<vmem_shared>> -> memref<640x64xf32, #tpu.memory_space<vmem_shared>>
      tpu.wait_dma2 semaphore(%run_scoped3A : memref<!tpu.dma_semaphore, #tpu.memory_space<semaphore_mem>>) src(%dma_wait3A_35 : memref<640x64xf32, #tpu.memory_space<vmem_shared>>) dst(%dma_wait3A_33 : memref<640x64xf32, #tpu.memory_space<hbm>>)
      tpu.yield
    }) : () -> ()
    return
  }
}

#map = affine_map<(d0, d1) -> (0, 0)>
#map1 = affine_map<(d0, d1) -> (0, 0, 0)>
module attributes {stable_mosaic.version = 14 : i64} {
  func.func @sc_messages(%arg0: i32, %arg1: i32, %arg2: memref<10240x64xf32, #tpu.memory_space<hbm>>, %arg3: memref<32x158x128xi32, #tpu.memory_space<hbm>>, %arg4: memref<32x158x128xi32, #tpu.memory_space<hbm>>, %arg5: memref<640x64xf32, #tpu.memory_space<hbm>>, %arg6: memref<20480x64xf32, #tpu.memory_space<hbm>>, %arg7: memref<158x128xi32, #tpu.memory_space<vmem>>, %arg8: memref<158x128xi32, #tpu.memory_space<vmem>>, %arg9: memref<128x64xf32, #tpu.memory_space<vmem>>, %arg10: memref<128x64xf32, #tpu.memory_space<vmem>>, %arg11: memref<10240x64xf32, #tpu.memory_space<vmem_shared>>, %arg12: memref<!tpu.dma_semaphore, #tpu.memory_space<semaphore_mem>>, %arg13: memref<!tpu.dma_semaphore, #tpu.memory_space<semaphore_mem>>) attributes {dimension_semantics = [#tpu.dimension_semantics<core_parallel>, #tpu.dimension_semantics<subcore_parallel>], iteration_bounds = array<i64: 2, 16>, scalar_prefetch = 0 : i64, scratch_operands = 7 : i64, tpu.core_type = #tpu.core_type<sc_vector_subcore>, window_params = [{transform_indices = #map}, {transform_indices = #map1}, {transform_indices = #map1}, {transform_indices = #map}, {transform_indices = #map}]} {
    %mul3A = arith.constant 16 : i32
    %mul3A_0 = arith.muli %arg0, %mul3A : i32
    %add3A = arith.addi %mul3A_0, %arg1 : i32
    %mul3A_1 = arith.constant 640 : i32
    %mul3A_2 = arith.muli %arg1, %mul3A_1 : i32
    "tpu.region"() ({
      %run_scoped3A = tpu.sem_alloc : memref<!tpu.dma_semaphore, #tpu.memory_space<semaphore_mem>>
      %dma_start3A_28 = arith.constant 0 : i32
      %dma_start3A_29 = tpu.memref_slice %arg11[%mul3A_2, %dma_start3A_28] : memref<10240x64xf32, #tpu.memory_space<vmem_shared>> -> memref<640x64xf32, #tpu.memory_space<vmem_shared>>
      tpu.enqueue_dma source(%arg5 : memref<640x64xf32, #tpu.memory_space<hbm>>) target(%dma_start3A_29 : memref<640x64xf32, #tpu.memory_space<vmem_shared>>) target_semaphore(%run_scoped3A : memref<!tpu.dma_semaphore, #tpu.memory_space<semaphore_mem>>)
      %dma_wait3A_30 = arith.constant 0 : i32
      %dma_wait3A_31 = tpu.memref_slice %arg11[%mul3A_2, %dma_wait3A_30] : memref<10240x64xf32, #tpu.memory_space<vmem_shared>> -> memref<640x64xf32, #tpu.memory_space<vmem_shared>>
      tpu.wait_dma2 semaphore(%run_scoped3A : memref<!tpu.dma_semaphore, #tpu.memory_space<semaphore_mem>>) src(%arg5 : memref<640x64xf32, #tpu.memory_space<hbm>>) dst(%dma_wait3A_31 : memref<640x64xf32, #tpu.memory_space<vmem_shared>>)
      tpu.yield
    }) : () -> ()
    "tpu.region"() ({
      %run_scoped3A = tpu.sem_alloc : memref<!tpu.dma_semaphore, #tpu.memory_space<semaphore_mem>>
      %dma_start3A_28 = arith.constant 0 : i32
      %dma_start3A_29 = arith.constant 0 : i32
      %dma_start3A_30 = tpu.memref_slice %arg3[%add3A, %dma_start3A_28, %dma_start3A_29] : memref<32x158x128xi32, #tpu.memory_space<hbm>> -> memref<1x158x128xi32, #tpu.memory_space<hbm>>
      %dma_start3A_31 = tpu.memref_squeeze %dma_start3A_30 : memref<1x158x128xi32, #tpu.memory_space<hbm>> -> memref<158x128xi32, #tpu.memory_space<hbm>>
      %dma_start3A_32 = arith.constant 0 : i32
      %dma_start3A_33 = arith.constant 0 : i32
      %dma_start3A_34 = tpu.memref_slice %arg3[%add3A, %dma_start3A_32, %dma_start3A_33] : memref<32x158x128xi32, #tpu.memory_space<hbm>> -> memref<1x158x128xi32, #tpu.memory_space<hbm>>
      %dma_start3A_35 = tpu.memref_squeeze %dma_start3A_34 : memref<1x158x128xi32, #tpu.memory_space<hbm>> -> memref<158x128xi32, #tpu.memory_space<hbm>>
      tpu.enqueue_dma source(%dma_start3A_35 : memref<158x128xi32, #tpu.memory_space<hbm>>) target(%arg7 : memref<158x128xi32, #tpu.memory_space<vmem>>) target_semaphore(%run_scoped3A : memref<!tpu.dma_semaphore, #tpu.memory_space<semaphore_mem>>)
      %dma_wait3A_36 = arith.constant 0 : i32
      %dma_wait3A_37 = arith.constant 0 : i32
      %dma_wait3A_38 = tpu.memref_slice %arg3[%add3A, %dma_wait3A_36, %dma_wait3A_37] : memref<32x158x128xi32, #tpu.memory_space<hbm>> -> memref<1x158x128xi32, #tpu.memory_space<hbm>>
      %dma_wait3A_39 = tpu.memref_squeeze %dma_wait3A_38 : memref<1x158x128xi32, #tpu.memory_space<hbm>> -> memref<158x128xi32, #tpu.memory_space<hbm>>
      %dma_wait3A_40 = arith.constant 0 : i32
      %dma_wait3A_41 = arith.constant 0 : i32
      %dma_wait3A_42 = tpu.memref_slice %arg3[%add3A, %dma_wait3A_40, %dma_wait3A_41] : memref<32x158x128xi32, #tpu.memory_space<hbm>> -> memref<1x158x128xi32, #tpu.memory_space<hbm>>
      %dma_wait3A_43 = tpu.memref_squeeze %dma_wait3A_42 : memref<1x158x128xi32, #tpu.memory_space<hbm>> -> memref<158x128xi32, #tpu.memory_space<hbm>>
      tpu.wait_dma2 semaphore(%run_scoped3A : memref<!tpu.dma_semaphore, #tpu.memory_space<semaphore_mem>>) src(%dma_wait3A_43 : memref<158x128xi32, #tpu.memory_space<hbm>>) dst(%arg7 : memref<158x128xi32, #tpu.memory_space<vmem>>)
      tpu.yield
    }) : () -> ()
    "tpu.region"() ({
      %run_scoped3A = tpu.sem_alloc : memref<!tpu.dma_semaphore, #tpu.memory_space<semaphore_mem>>
      %dma_start3A_28 = arith.constant 0 : i32
      %dma_start3A_29 = arith.constant 0 : i32
      %dma_start3A_30 = tpu.memref_slice %arg4[%add3A, %dma_start3A_28, %dma_start3A_29] : memref<32x158x128xi32, #tpu.memory_space<hbm>> -> memref<1x158x128xi32, #tpu.memory_space<hbm>>
      %dma_start3A_31 = tpu.memref_squeeze %dma_start3A_30 : memref<1x158x128xi32, #tpu.memory_space<hbm>> -> memref<158x128xi32, #tpu.memory_space<hbm>>
      %dma_start3A_32 = arith.constant 0 : i32
      %dma_start3A_33 = arith.constant 0 : i32
      %dma_start3A_34 = tpu.memref_slice %arg4[%add3A, %dma_start3A_32, %dma_start3A_33] : memref<32x158x128xi32, #tpu.memory_space<hbm>> -> memref<1x158x128xi32, #tpu.memory_space<hbm>>
      %dma_start3A_35 = tpu.memref_squeeze %dma_start3A_34 : memref<1x158x128xi32, #tpu.memory_space<hbm>> -> memref<158x128xi32, #tpu.memory_space<hbm>>
      tpu.enqueue_dma source(%dma_start3A_35 : memref<158x128xi32, #tpu.memory_space<hbm>>) target(%arg8 : memref<158x128xi32, #tpu.memory_space<vmem>>) target_semaphore(%run_scoped3A : memref<!tpu.dma_semaphore, #tpu.memory_space<semaphore_mem>>)
      %dma_wait3A_36 = arith.constant 0 : i32
      %dma_wait3A_37 = arith.constant 0 : i32
      %dma_wait3A_38 = tpu.memref_slice %arg4[%add3A, %dma_wait3A_36, %dma_wait3A_37] : memref<32x158x128xi32, #tpu.memory_space<hbm>> -> memref<1x158x128xi32, #tpu.memory_space<hbm>>
      %dma_wait3A_39 = tpu.memref_squeeze %dma_wait3A_38 : memref<1x158x128xi32, #tpu.memory_space<hbm>> -> memref<158x128xi32, #tpu.memory_space<hbm>>
      %dma_wait3A_40 = arith.constant 0 : i32
      %dma_wait3A_41 = arith.constant 0 : i32
      %dma_wait3A_42 = tpu.memref_slice %arg4[%add3A, %dma_wait3A_40, %dma_wait3A_41] : memref<32x158x128xi32, #tpu.memory_space<hbm>> -> memref<1x158x128xi32, #tpu.memory_space<hbm>>
      %dma_wait3A_43 = tpu.memref_squeeze %dma_wait3A_42 : memref<1x158x128xi32, #tpu.memory_space<hbm>> -> memref<158x128xi32, #tpu.memory_space<hbm>>
      tpu.wait_dma2 semaphore(%run_scoped3A : memref<!tpu.dma_semaphore, #tpu.memory_space<semaphore_mem>>) src(%dma_wait3A_43 : memref<158x128xi32, #tpu.memory_space<hbm>>) dst(%arg8 : memref<158x128xi32, #tpu.memory_space<vmem>>)
      tpu.yield
    }) : () -> ()
    %barrier3A = arith.constant 0 : index
    tpu.barrier barrier_id(%barrier3A)
    %dma_start3A = arith.constant 0 : i32
    %dma_start3A_3 = arith.constant 0 : i32
    %dma_start3A_4 = tpu.memref_slice %arg7[%dma_start3A, %dma_start3A_3] : memref<158x128xi32, #tpu.memory_space<vmem>> -> memref<1x128xi32, #tpu.memory_space<vmem>>
    %dma_start3A_5 = tpu.memref_squeeze %dma_start3A_4 : memref<1x128xi32, #tpu.memory_space<vmem>> -> memref<128xi32, #tpu.memory_space<vmem>>
    %dma_start3A_6 = arith.constant 0 : i32
    %dma_start3A_7 = arith.constant 0 : i32
    %dma_start3A_8 = tpu.memref_slice %arg2[%dma_start3A_6, %dma_start3A_7] : memref<10240x64xf32, #tpu.memory_space<hbm>> -> memref<10240x64xf32, #tpu.memory_space<hbm>>
    tpu.enqueue_indirect_dma source(%dma_start3A_8 : memref<10240x64xf32, #tpu.memory_space<hbm>>) target(%arg9 : memref<128x64xf32, #tpu.memory_space<vmem>>) offsets(%dma_start3A_5 : memref<128xi32, #tpu.memory_space<vmem>>) semaphore(%arg12 : memref<!tpu.dma_semaphore, #tpu.memory_space<semaphore_mem>>)
    %scan3A = arith.constant 0 : i32
    %scan3A_9 = arith.constant 0 : i32
    %scan3A_10 = arith.constant 79 : i32
    %scan3A_11 = arith.addi %scan3A_9, %scan3A_10 : i32
    %scan3A_12 = arith.constant 1 : i32
    scf.for %scan3A_28 = %scan3A_9 to %scan3A_11 step %scan3A_12  : i32 {
      %mul3A_29 = arith.constant 2 : i32
      %mul3A_30 = arith.muli %mul3A_29, %scan3A_28 : i32
      %mul3A_31 = arith.constant 2 : i32
      %mul3A_32 = arith.muli %mul3A_31, %scan3A_28 : i32
      %add3A_33 = arith.constant 1 : i32
      %add3A_34 = arith.addi %mul3A_32, %add3A_33 : i32
      %add3A_35 = arith.constant 1 : i32
      %add3A_36 = arith.addi %add3A_34, %add3A_35 : i32
      %rem3A = arith.constant 158 : i32
      %rem3A_37 = arith.remsi %add3A_36, %rem3A : i32
      %dma_start3A_38 = arith.constant 0 : i32
      %dma_start3A_39 = tpu.memref_slice %arg7[%add3A_34, %dma_start3A_38] : memref<158x128xi32, #tpu.memory_space<vmem>> -> memref<1x128xi32, #tpu.memory_space<vmem>>
      %dma_start3A_40 = tpu.memref_squeeze %dma_start3A_39 : memref<1x128xi32, #tpu.memory_space<vmem>> -> memref<128xi32, #tpu.memory_space<vmem>>
      %dma_start3A_41 = arith.constant 0 : i32
      %dma_start3A_42 = arith.constant 0 : i32
      %dma_start3A_43 = tpu.memref_slice %arg2[%dma_start3A_41, %dma_start3A_42] : memref<10240x64xf32, #tpu.memory_space<hbm>> -> memref<10240x64xf32, #tpu.memory_space<hbm>>
      tpu.enqueue_indirect_dma source(%dma_start3A_43 : memref<10240x64xf32, #tpu.memory_space<hbm>>) target(%arg10 : memref<128x64xf32, #tpu.memory_space<vmem>>) offsets(%dma_start3A_40 : memref<128xi32, #tpu.memory_space<vmem>>) semaphore(%arg13 : memref<!tpu.dma_semaphore, #tpu.memory_space<semaphore_mem>>)
      %dma_wait3A_44 = arith.constant 0 : i32
      %dma_wait3A_45 = tpu.memref_slice %arg7[%mul3A_30, %dma_wait3A_44] : memref<158x128xi32, #tpu.memory_space<vmem>> -> memref<1x128xi32, #tpu.memory_space<vmem>>
      %dma_wait3A_46 = tpu.memref_squeeze %dma_wait3A_45 : memref<1x128xi32, #tpu.memory_space<vmem>> -> memref<128xi32, #tpu.memory_space<vmem>>
      %dma_wait3A_47 = arith.constant 0 : i32
      %dma_wait3A_48 = arith.constant 0 : i32
      %dma_wait3A_49 = tpu.memref_slice %arg2[%dma_wait3A_47, %dma_wait3A_48] : memref<10240x64xf32, #tpu.memory_space<hbm>> -> memref<10240x64xf32, #tpu.memory_space<hbm>>
      tpu.wait_indirect_dma semaphore(%arg12 : memref<!tpu.dma_semaphore, #tpu.memory_space<semaphore_mem>>) src(%dma_wait3A_49 : memref<10240x64xf32, #tpu.memory_space<hbm>>) dst(%arg9 : memref<128x64xf32, #tpu.memory_space<vmem>>)
      "tpu.region"() ({
        %run_scoped3A = tpu.sem_alloc : memref<!tpu.dma_semaphore, #tpu.memory_space<semaphore_mem>>
        %dma_start3A_62 = arith.constant 0 : i32
        %dma_start3A_63 = tpu.memref_slice %arg8[%mul3A_30, %dma_start3A_62] : memref<158x128xi32, #tpu.memory_space<vmem>> -> memref<1x128xi32, #tpu.memory_space<vmem>>
        %dma_start3A_64 = tpu.memref_squeeze %dma_start3A_63 : memref<1x128xi32, #tpu.memory_space<vmem>> -> memref<128xi32, #tpu.memory_space<vmem>>
        %dma_start3A_65 = arith.constant 0 : i32
        %dma_start3A_66 = arith.constant 0 : i32
        %dma_start3A_67 = tpu.memref_slice %arg11[%dma_start3A_65, %dma_start3A_66] : memref<10240x64xf32, #tpu.memory_space<vmem_shared>> -> memref<10240x64xf32, #tpu.memory_space<vmem_shared>>
        tpu.enqueue_indirect_dma source(%arg9 : memref<128x64xf32, #tpu.memory_space<vmem>>) target(%dma_start3A_67 : memref<10240x64xf32, #tpu.memory_space<vmem_shared>>) offsets(%dma_start3A_64 : memref<128xi32, #tpu.memory_space<vmem>>) semaphore(%run_scoped3A : memref<!tpu.dma_semaphore, #tpu.memory_space<semaphore_mem>>) {add = true}
        %dma_wait3A_68 = arith.constant 0 : i32
        %dma_wait3A_69 = tpu.memref_slice %arg8[%mul3A_30, %dma_wait3A_68] : memref<158x128xi32, #tpu.memory_space<vmem>> -> memref<1x128xi32, #tpu.memory_space<vmem>>
        %dma_wait3A_70 = tpu.memref_squeeze %dma_wait3A_69 : memref<1x128xi32, #tpu.memory_space<vmem>> -> memref<128xi32, #tpu.memory_space<vmem>>
        %dma_wait3A_71 = arith.constant 0 : i32
        %dma_wait3A_72 = arith.constant 0 : i32
        %dma_wait3A_73 = tpu.memref_slice %arg11[%dma_wait3A_71, %dma_wait3A_72] : memref<10240x64xf32, #tpu.memory_space<vmem_shared>> -> memref<10240x64xf32, #tpu.memory_space<vmem_shared>>
        tpu.wait_indirect_dma semaphore(%run_scoped3A : memref<!tpu.dma_semaphore, #tpu.memory_space<semaphore_mem>>) src(%arg9 : memref<128x64xf32, #tpu.memory_space<vmem>>) dst(%dma_wait3A_73 : memref<10240x64xf32, #tpu.memory_space<vmem_shared>>)
        tpu.yield
      }) : () -> ()
      %dma_start3A_50 = arith.constant 0 : i32
      %dma_start3A_51 = tpu.memref_slice %arg7[%rem3A_37, %dma_start3A_50] : memref<158x128xi32, #tpu.memory_space<vmem>> -> memref<1x128xi32, #tpu.memory_space<vmem>>
      %dma_start3A_52 = tpu.memref_squeeze %dma_start3A_51 : memref<1x128xi32, #tpu.memory_space<vmem>> -> memref<128xi32, #tpu.memory_space<vmem>>
      %dma_start3A_53 = arith.constant 0 : i32
      %dma_start3A_54 = arith.constant 0 : i32
      %dma_start3A_55 = tpu.memref_slice %arg2[%dma_start3A_53, %dma_start3A_54] : memref<10240x64xf32, #tpu.memory_space<hbm>> -> memref<10240x64xf32, #tpu.memory_space<hbm>>
      tpu.enqueue_indirect_dma source(%dma_start3A_55 : memref<10240x64xf32, #tpu.memory_space<hbm>>) target(%arg9 : memref<128x64xf32, #tpu.memory_space<vmem>>) offsets(%dma_start3A_52 : memref<128xi32, #tpu.memory_space<vmem>>) semaphore(%arg12 : memref<!tpu.dma_semaphore, #tpu.memory_space<semaphore_mem>>)
      %dma_wait3A_56 = arith.constant 0 : i32
      %dma_wait3A_57 = tpu.memref_slice %arg7[%add3A_34, %dma_wait3A_56] : memref<158x128xi32, #tpu.memory_space<vmem>> -> memref<1x128xi32, #tpu.memory_space<vmem>>
      %dma_wait3A_58 = tpu.memref_squeeze %dma_wait3A_57 : memref<1x128xi32, #tpu.memory_space<vmem>> -> memref<128xi32, #tpu.memory_space<vmem>>
      %dma_wait3A_59 = arith.constant 0 : i32
      %dma_wait3A_60 = arith.constant 0 : i32
      %dma_wait3A_61 = tpu.memref_slice %arg2[%dma_wait3A_59, %dma_wait3A_60] : memref<10240x64xf32, #tpu.memory_space<hbm>> -> memref<10240x64xf32, #tpu.memory_space<hbm>>
      tpu.wait_indirect_dma semaphore(%arg13 : memref<!tpu.dma_semaphore, #tpu.memory_space<semaphore_mem>>) src(%dma_wait3A_61 : memref<10240x64xf32, #tpu.memory_space<hbm>>) dst(%arg10 : memref<128x64xf32, #tpu.memory_space<vmem>>)
      "tpu.region"() ({
        %run_scoped3A = tpu.sem_alloc : memref<!tpu.dma_semaphore, #tpu.memory_space<semaphore_mem>>
        %dma_start3A_62 = arith.constant 0 : i32
        %dma_start3A_63 = tpu.memref_slice %arg8[%add3A_34, %dma_start3A_62] : memref<158x128xi32, #tpu.memory_space<vmem>> -> memref<1x128xi32, #tpu.memory_space<vmem>>
        %dma_start3A_64 = tpu.memref_squeeze %dma_start3A_63 : memref<1x128xi32, #tpu.memory_space<vmem>> -> memref<128xi32, #tpu.memory_space<vmem>>
        %dma_start3A_65 = arith.constant 0 : i32
        %dma_start3A_66 = arith.constant 0 : i32
        %dma_start3A_67 = tpu.memref_slice %arg11[%dma_start3A_65, %dma_start3A_66] : memref<10240x64xf32, #tpu.memory_space<vmem_shared>> -> memref<10240x64xf32, #tpu.memory_space<vmem_shared>>
        tpu.enqueue_indirect_dma source(%arg10 : memref<128x64xf32, #tpu.memory_space<vmem>>) target(%dma_start3A_67 : memref<10240x64xf32, #tpu.memory_space<vmem_shared>>) offsets(%dma_start3A_64 : memref<128xi32, #tpu.memory_space<vmem>>) semaphore(%run_scoped3A : memref<!tpu.dma_semaphore, #tpu.memory_space<semaphore_mem>>) {add = true}
        %dma_wait3A_68 = arith.constant 0 : i32
        %dma_wait3A_69 = tpu.memref_slice %arg8[%add3A_34, %dma_wait3A_68] : memref<158x128xi32, #tpu.memory_space<vmem>> -> memref<1x128xi32, #tpu.memory_space<vmem>>
        %dma_wait3A_70 = tpu.memref_squeeze %dma_wait3A_69 : memref<1x128xi32, #tpu.memory_space<vmem>> -> memref<128xi32, #tpu.memory_space<vmem>>
        %dma_wait3A_71 = arith.constant 0 : i32
        %dma_wait3A_72 = arith.constant 0 : i32
        %dma_wait3A_73 = tpu.memref_slice %arg11[%dma_wait3A_71, %dma_wait3A_72] : memref<10240x64xf32, #tpu.memory_space<vmem_shared>> -> memref<10240x64xf32, #tpu.memory_space<vmem_shared>>
        tpu.wait_indirect_dma semaphore(%run_scoped3A : memref<!tpu.dma_semaphore, #tpu.memory_space<semaphore_mem>>) src(%arg10 : memref<128x64xf32, #tpu.memory_space<vmem>>) dst(%dma_wait3A_73 : memref<10240x64xf32, #tpu.memory_space<vmem_shared>>)
        tpu.yield
      }) : () -> ()
    }
    %scan3A_13 = arith.constant 79 : i32
    %dma_wait3A = arith.constant 0 : i32
    %dma_wait3A_14 = arith.constant 0 : i32
    %dma_wait3A_15 = tpu.memref_slice %arg7[%dma_wait3A, %dma_wait3A_14] : memref<158x128xi32, #tpu.memory_space<vmem>> -> memref<1x128xi32, #tpu.memory_space<vmem>>
    %dma_wait3A_16 = tpu.memref_squeeze %dma_wait3A_15 : memref<1x128xi32, #tpu.memory_space<vmem>> -> memref<128xi32, #tpu.memory_space<vmem>>
    %dma_wait3A_17 = arith.constant 0 : i32
    %dma_wait3A_18 = arith.constant 0 : i32
    %dma_wait3A_19 = tpu.memref_slice %arg2[%dma_wait3A_17, %dma_wait3A_18] : memref<10240x64xf32, #tpu.memory_space<hbm>> -> memref<10240x64xf32, #tpu.memory_space<hbm>>
    tpu.wait_indirect_dma semaphore(%arg12 : memref<!tpu.dma_semaphore, #tpu.memory_space<semaphore_mem>>) src(%dma_wait3A_19 : memref<10240x64xf32, #tpu.memory_space<hbm>>) dst(%arg9 : memref<128x64xf32, #tpu.memory_space<vmem>>)
    %barrier3A_20 = arith.constant 0 : index
    tpu.barrier barrier_id(%barrier3A_20)
    %mul3A_21 = arith.constant 640 : i32
    %mul3A_22 = arith.muli %arg1, %mul3A_21 : i32
    %mul3A_23 = arith.constant 10240 : i32
    %mul3A_24 = arith.muli %arg0, %mul3A_23 : i32
    %mul3A_25 = arith.constant 640 : i32
    %mul3A_26 = arith.muli %arg1, %mul3A_25 : i32
    %add3A_27 = arith.addi %mul3A_24, %mul3A_26 : i32
    "tpu.region"() ({
      %run_scoped3A = tpu.sem_alloc : memref<!tpu.dma_semaphore, #tpu.memory_space<semaphore_mem>>
      %dma_start3A_28 = arith.constant 0 : i32
      %dma_start3A_29 = tpu.memref_slice %arg6[%add3A_27, %dma_start3A_28] : memref<20480x64xf32, #tpu.memory_space<hbm>> -> memref<640x64xf32, #tpu.memory_space<hbm>>
      %dma_start3A_30 = arith.constant 0 : i32
      %dma_start3A_31 = tpu.memref_slice %arg11[%mul3A_22, %dma_start3A_30] : memref<10240x64xf32, #tpu.memory_space<vmem_shared>> -> memref<640x64xf32, #tpu.memory_space<vmem_shared>>
      tpu.enqueue_dma source(%dma_start3A_31 : memref<640x64xf32, #tpu.memory_space<vmem_shared>>) target(%dma_start3A_29 : memref<640x64xf32, #tpu.memory_space<hbm>>) target_semaphore(%run_scoped3A : memref<!tpu.dma_semaphore, #tpu.memory_space<semaphore_mem>>)
      %dma_wait3A_32 = arith.constant 0 : i32
      %dma_wait3A_33 = tpu.memref_slice %arg6[%add3A_27, %dma_wait3A_32] : memref<20480x64xf32, #tpu.memory_space<hbm>> -> memref<640x64xf32, #tpu.memory_space<hbm>>
      %dma_wait3A_34 = arith.constant 0 : i32
      %dma_wait3A_35 = tpu.memref_slice %arg11[%mul3A_22, %dma_wait3A_34] : memref<10240x64xf32, #tpu.memory_space<vmem_shared>> -> memref<640x64xf32, #tpu.memory_space<vmem_shared>>
      tpu.wait_dma2 semaphore(%run_scoped3A : memref<!tpu.dma_semaphore, #tpu.memory_space<semaphore_mem>>) src(%dma_wait3A_35 : memref<640x64xf32, #tpu.memory_space<vmem_shared>>) dst(%dma_wait3A_33 : memref<640x64xf32, #tpu.memory_space<hbm>>)
      tpu.yield
    }) : () -> ()
    return
  }
}

#map = affine_map<(d0, d1) -> (0, 0)>
#map1 = affine_map<(d0, d1) -> (0, 0, 0)>
module attributes {stable_mosaic.version = 14 : i64} {
  func.func @sc_messages(%arg0: i32, %arg1: i32, %arg2: memref<10240x64xf32, #tpu.memory_space<hbm>>, %arg3: memref<32x158x128xi32, #tpu.memory_space<hbm>>, %arg4: memref<32x158x128xi32, #tpu.memory_space<hbm>>, %arg5: memref<640x64xf32, #tpu.memory_space<hbm>>, %arg6: memref<20480x64xf32, #tpu.memory_space<hbm>>, %arg7: memref<158x128xi32, #tpu.memory_space<vmem>>, %arg8: memref<158x128xi32, #tpu.memory_space<vmem>>, %arg9: memref<128x64xf32, #tpu.memory_space<vmem>>, %arg10: memref<128x64xf32, #tpu.memory_space<vmem>>, %arg11: memref<10240x64xf32, #tpu.memory_space<vmem_shared>>, %arg12: memref<!tpu.dma_semaphore, #tpu.memory_space<semaphore_mem>>, %arg13: memref<!tpu.dma_semaphore, #tpu.memory_space<semaphore_mem>>) attributes {dimension_semantics = [#tpu.dimension_semantics<core_parallel>, #tpu.dimension_semantics<subcore_parallel>], iteration_bounds = array<i64: 2, 16>, scalar_prefetch = 0 : i64, scratch_operands = 7 : i64, tpu.core_type = #tpu.core_type<sc_vector_subcore>, window_params = [{transform_indices = #map}, {transform_indices = #map1}, {transform_indices = #map1}, {transform_indices = #map}, {transform_indices = #map}]} {
    %mul3A = arith.constant 16 : i32
    %mul3A_0 = arith.muli %arg0, %mul3A : i32
    %add3A = arith.addi %mul3A_0, %arg1 : i32
    %mul3A_1 = arith.constant 640 : i32
    %mul3A_2 = arith.muli %arg1, %mul3A_1 : i32
    "tpu.region"() ({
      %run_scoped3A = tpu.sem_alloc : memref<!tpu.dma_semaphore, #tpu.memory_space<semaphore_mem>>
      %dma_start3A_28 = arith.constant 0 : i32
      %dma_start3A_29 = tpu.memref_slice %arg11[%mul3A_2, %dma_start3A_28] : memref<10240x64xf32, #tpu.memory_space<vmem_shared>> -> memref<640x64xf32, #tpu.memory_space<vmem_shared>>
      tpu.enqueue_dma source(%arg5 : memref<640x64xf32, #tpu.memory_space<hbm>>) target(%dma_start3A_29 : memref<640x64xf32, #tpu.memory_space<vmem_shared>>) target_semaphore(%run_scoped3A : memref<!tpu.dma_semaphore, #tpu.memory_space<semaphore_mem>>)
      %dma_wait3A_30 = arith.constant 0 : i32
      %dma_wait3A_31 = tpu.memref_slice %arg11[%mul3A_2, %dma_wait3A_30] : memref<10240x64xf32, #tpu.memory_space<vmem_shared>> -> memref<640x64xf32, #tpu.memory_space<vmem_shared>>
      tpu.wait_dma2 semaphore(%run_scoped3A : memref<!tpu.dma_semaphore, #tpu.memory_space<semaphore_mem>>) src(%arg5 : memref<640x64xf32, #tpu.memory_space<hbm>>) dst(%dma_wait3A_31 : memref<640x64xf32, #tpu.memory_space<vmem_shared>>)
      tpu.yield
    }) : () -> ()
    "tpu.region"() ({
      %run_scoped3A = tpu.sem_alloc : memref<!tpu.dma_semaphore, #tpu.memory_space<semaphore_mem>>
      %dma_start3A_28 = arith.constant 0 : i32
      %dma_start3A_29 = arith.constant 0 : i32
      %dma_start3A_30 = tpu.memref_slice %arg3[%add3A, %dma_start3A_28, %dma_start3A_29] : memref<32x158x128xi32, #tpu.memory_space<hbm>> -> memref<1x158x128xi32, #tpu.memory_space<hbm>>
      %dma_start3A_31 = tpu.memref_squeeze %dma_start3A_30 : memref<1x158x128xi32, #tpu.memory_space<hbm>> -> memref<158x128xi32, #tpu.memory_space<hbm>>
      %dma_start3A_32 = arith.constant 0 : i32
      %dma_start3A_33 = arith.constant 0 : i32
      %dma_start3A_34 = tpu.memref_slice %arg3[%add3A, %dma_start3A_32, %dma_start3A_33] : memref<32x158x128xi32, #tpu.memory_space<hbm>> -> memref<1x158x128xi32, #tpu.memory_space<hbm>>
      %dma_start3A_35 = tpu.memref_squeeze %dma_start3A_34 : memref<1x158x128xi32, #tpu.memory_space<hbm>> -> memref<158x128xi32, #tpu.memory_space<hbm>>
      tpu.enqueue_dma source(%dma_start3A_35 : memref<158x128xi32, #tpu.memory_space<hbm>>) target(%arg7 : memref<158x128xi32, #tpu.memory_space<vmem>>) target_semaphore(%run_scoped3A : memref<!tpu.dma_semaphore, #tpu.memory_space<semaphore_mem>>)
      %dma_wait3A_36 = arith.constant 0 : i32
      %dma_wait3A_37 = arith.constant 0 : i32
      %dma_wait3A_38 = tpu.memref_slice %arg3[%add3A, %dma_wait3A_36, %dma_wait3A_37] : memref<32x158x128xi32, #tpu.memory_space<hbm>> -> memref<1x158x128xi32, #tpu.memory_space<hbm>>
      %dma_wait3A_39 = tpu.memref_squeeze %dma_wait3A_38 : memref<1x158x128xi32, #tpu.memory_space<hbm>> -> memref<158x128xi32, #tpu.memory_space<hbm>>
      %dma_wait3A_40 = arith.constant 0 : i32
      %dma_wait3A_41 = arith.constant 0 : i32
      %dma_wait3A_42 = tpu.memref_slice %arg3[%add3A, %dma_wait3A_40, %dma_wait3A_41] : memref<32x158x128xi32, #tpu.memory_space<hbm>> -> memref<1x158x128xi32, #tpu.memory_space<hbm>>
      %dma_wait3A_43 = tpu.memref_squeeze %dma_wait3A_42 : memref<1x158x128xi32, #tpu.memory_space<hbm>> -> memref<158x128xi32, #tpu.memory_space<hbm>>
      tpu.wait_dma2 semaphore(%run_scoped3A : memref<!tpu.dma_semaphore, #tpu.memory_space<semaphore_mem>>) src(%dma_wait3A_43 : memref<158x128xi32, #tpu.memory_space<hbm>>) dst(%arg7 : memref<158x128xi32, #tpu.memory_space<vmem>>)
      tpu.yield
    }) : () -> ()
    "tpu.region"() ({
      %run_scoped3A = tpu.sem_alloc : memref<!tpu.dma_semaphore, #tpu.memory_space<semaphore_mem>>
      %dma_start3A_28 = arith.constant 0 : i32
      %dma_start3A_29 = arith.constant 0 : i32
      %dma_start3A_30 = tpu.memref_slice %arg4[%add3A, %dma_start3A_28, %dma_start3A_29] : memref<32x158x128xi32, #tpu.memory_space<hbm>> -> memref<1x158x128xi32, #tpu.memory_space<hbm>>
      %dma_start3A_31 = tpu.memref_squeeze %dma_start3A_30 : memref<1x158x128xi32, #tpu.memory_space<hbm>> -> memref<158x128xi32, #tpu.memory_space<hbm>>
      %dma_start3A_32 = arith.constant 0 : i32
      %dma_start3A_33 = arith.constant 0 : i32
      %dma_start3A_34 = tpu.memref_slice %arg4[%add3A, %dma_start3A_32, %dma_start3A_33] : memref<32x158x128xi32, #tpu.memory_space<hbm>> -> memref<1x158x128xi32, #tpu.memory_space<hbm>>
      %dma_start3A_35 = tpu.memref_squeeze %dma_start3A_34 : memref<1x158x128xi32, #tpu.memory_space<hbm>> -> memref<158x128xi32, #tpu.memory_space<hbm>>
      tpu.enqueue_dma source(%dma_start3A_35 : memref<158x128xi32, #tpu.memory_space<hbm>>) target(%arg8 : memref<158x128xi32, #tpu.memory_space<vmem>>) target_semaphore(%run_scoped3A : memref<!tpu.dma_semaphore, #tpu.memory_space<semaphore_mem>>)
      %dma_wait3A_36 = arith.constant 0 : i32
      %dma_wait3A_37 = arith.constant 0 : i32
      %dma_wait3A_38 = tpu.memref_slice %arg4[%add3A, %dma_wait3A_36, %dma_wait3A_37] : memref<32x158x128xi32, #tpu.memory_space<hbm>> -> memref<1x158x128xi32, #tpu.memory_space<hbm>>
      %dma_wait3A_39 = tpu.memref_squeeze %dma_wait3A_38 : memref<1x158x128xi32, #tpu.memory_space<hbm>> -> memref<158x128xi32, #tpu.memory_space<hbm>>
      %dma_wait3A_40 = arith.constant 0 : i32
      %dma_wait3A_41 = arith.constant 0 : i32
      %dma_wait3A_42 = tpu.memref_slice %arg4[%add3A, %dma_wait3A_40, %dma_wait3A_41] : memref<32x158x128xi32, #tpu.memory_space<hbm>> -> memref<1x158x128xi32, #tpu.memory_space<hbm>>
      %dma_wait3A_43 = tpu.memref_squeeze %dma_wait3A_42 : memref<1x158x128xi32, #tpu.memory_space<hbm>> -> memref<158x128xi32, #tpu.memory_space<hbm>>
      tpu.wait_dma2 semaphore(%run_scoped3A : memref<!tpu.dma_semaphore, #tpu.memory_space<semaphore_mem>>) src(%dma_wait3A_43 : memref<158x128xi32, #tpu.memory_space<hbm>>) dst(%arg8 : memref<158x128xi32, #tpu.memory_space<vmem>>)
      tpu.yield
    }) : () -> ()
    %barrier3A = arith.constant 0 : index
    tpu.barrier barrier_id(%barrier3A)
    %dma_start3A = arith.constant 0 : i32
    %dma_start3A_3 = arith.constant 0 : i32
    %dma_start3A_4 = tpu.memref_slice %arg7[%dma_start3A, %dma_start3A_3] : memref<158x128xi32, #tpu.memory_space<vmem>> -> memref<1x128xi32, #tpu.memory_space<vmem>>
    %dma_start3A_5 = tpu.memref_squeeze %dma_start3A_4 : memref<1x128xi32, #tpu.memory_space<vmem>> -> memref<128xi32, #tpu.memory_space<vmem>>
    %dma_start3A_6 = arith.constant 0 : i32
    %dma_start3A_7 = arith.constant 0 : i32
    %dma_start3A_8 = tpu.memref_slice %arg2[%dma_start3A_6, %dma_start3A_7] : memref<10240x64xf32, #tpu.memory_space<hbm>> -> memref<10240x64xf32, #tpu.memory_space<hbm>>
    tpu.enqueue_indirect_dma source(%dma_start3A_8 : memref<10240x64xf32, #tpu.memory_space<hbm>>) target(%arg9 : memref<128x64xf32, #tpu.memory_space<vmem>>) offsets(%dma_start3A_5 : memref<128xi32, #tpu.memory_space<vmem>>) semaphore(%arg12 : memref<!tpu.dma_semaphore, #tpu.memory_space<semaphore_mem>>)
    %scan3A = arith.constant 0 : i32
    %scan3A_9 = arith.constant 0 : i32
    %scan3A_10 = arith.constant 79 : i32
    %scan3A_11 = arith.addi %scan3A_9, %scan3A_10 : i32
    %scan3A_12 = arith.constant 1 : i32
    scf.for %scan3A_28 = %scan3A_9 to %scan3A_11 step %scan3A_12  : i32 {
      %mul3A_29 = arith.constant 2 : i32
      %mul3A_30 = arith.muli %mul3A_29, %scan3A_28 : i32
      %mul3A_31 = arith.constant 2 : i32
      %mul3A_32 = arith.muli %mul3A_31, %scan3A_28 : i32
      %add3A_33 = arith.constant 1 : i32
      %add3A_34 = arith.addi %mul3A_32, %add3A_33 : i32
      %add3A_35 = arith.constant 1 : i32
      %add3A_36 = arith.addi %add3A_34, %add3A_35 : i32
      %rem3A = arith.constant 158 : i32
      %rem3A_37 = arith.remsi %add3A_36, %rem3A : i32
      %dma_start3A_38 = arith.constant 0 : i32
      %dma_start3A_39 = tpu.memref_slice %arg7[%add3A_34, %dma_start3A_38] : memref<158x128xi32, #tpu.memory_space<vmem>> -> memref<1x128xi32, #tpu.memory_space<vmem>>
      %dma_start3A_40 = tpu.memref_squeeze %dma_start3A_39 : memref<1x128xi32, #tpu.memory_space<vmem>> -> memref<128xi32, #tpu.memory_space<vmem>>
      %dma_start3A_41 = arith.constant 0 : i32
      %dma_start3A_42 = arith.constant 0 : i32
      %dma_start3A_43 = tpu.memref_slice %arg2[%dma_start3A_41, %dma_start3A_42] : memref<10240x64xf32, #tpu.memory_space<hbm>> -> memref<10240x64xf32, #tpu.memory_space<hbm>>
      tpu.enqueue_indirect_dma source(%dma_start3A_43 : memref<10240x64xf32, #tpu.memory_space<hbm>>) target(%arg10 : memref<128x64xf32, #tpu.memory_space<vmem>>) offsets(%dma_start3A_40 : memref<128xi32, #tpu.memory_space<vmem>>) semaphore(%arg13 : memref<!tpu.dma_semaphore, #tpu.memory_space<semaphore_mem>>)
      %dma_wait3A_44 = arith.constant 0 : i32
      %dma_wait3A_45 = tpu.memref_slice %arg7[%mul3A_30, %dma_wait3A_44] : memref<158x128xi32, #tpu.memory_space<vmem>> -> memref<1x128xi32, #tpu.memory_space<vmem>>
      %dma_wait3A_46 = tpu.memref_squeeze %dma_wait3A_45 : memref<1x128xi32, #tpu.memory_space<vmem>> -> memref<128xi32, #tpu.memory_space<vmem>>
      %dma_wait3A_47 = arith.constant 0 : i32
      %dma_wait3A_48 = arith.constant 0 : i32
      %dma_wait3A_49 = tpu.memref_slice %arg2[%dma_wait3A_47, %dma_wait3A_48] : memref<10240x64xf32, #tpu.memory_space<hbm>> -> memref<10240x64xf32, #tpu.memory_space<hbm>>
      tpu.wait_indirect_dma semaphore(%arg12 : memref<!tpu.dma_semaphore, #tpu.memory_space<semaphore_mem>>) src(%dma_wait3A_49 : memref<10240x64xf32, #tpu.memory_space<hbm>>) dst(%arg9 : memref<128x64xf32, #tpu.memory_space<vmem>>)
      "tpu.region"() ({
        %run_scoped3A = tpu.sem_alloc : memref<!tpu.dma_semaphore, #tpu.memory_space<semaphore_mem>>
        %dma_start3A_62 = arith.constant 0 : i32
        %dma_start3A_63 = tpu.memref_slice %arg8[%mul3A_30, %dma_start3A_62] : memref<158x128xi32, #tpu.memory_space<vmem>> -> memref<1x128xi32, #tpu.memory_space<vmem>>
        %dma_start3A_64 = tpu.memref_squeeze %dma_start3A_63 : memref<1x128xi32, #tpu.memory_space<vmem>> -> memref<128xi32, #tpu.memory_space<vmem>>
        %dma_start3A_65 = arith.constant 0 : i32
        %dma_start3A_66 = arith.constant 0 : i32
        %dma_start3A_67 = tpu.memref_slice %arg11[%dma_start3A_65, %dma_start3A_66] : memref<10240x64xf32, #tpu.memory_space<vmem_shared>> -> memref<10240x64xf32, #tpu.memory_space<vmem_shared>>
        tpu.enqueue_indirect_dma source(%arg9 : memref<128x64xf32, #tpu.memory_space<vmem>>) target(%dma_start3A_67 : memref<10240x64xf32, #tpu.memory_space<vmem_shared>>) offsets(%dma_start3A_64 : memref<128xi32, #tpu.memory_space<vmem>>) semaphore(%run_scoped3A : memref<!tpu.dma_semaphore, #tpu.memory_space<semaphore_mem>>) {add = true}
        %dma_wait3A_68 = arith.constant 0 : i32
        %dma_wait3A_69 = tpu.memref_slice %arg8[%mul3A_30, %dma_wait3A_68] : memref<158x128xi32, #tpu.memory_space<vmem>> -> memref<1x128xi32, #tpu.memory_space<vmem>>
        %dma_wait3A_70 = tpu.memref_squeeze %dma_wait3A_69 : memref<1x128xi32, #tpu.memory_space<vmem>> -> memref<128xi32, #tpu.memory_space<vmem>>
        %dma_wait3A_71 = arith.constant 0 : i32
        %dma_wait3A_72 = arith.constant 0 : i32
        %dma_wait3A_73 = tpu.memref_slice %arg11[%dma_wait3A_71, %dma_wait3A_72] : memref<10240x64xf32, #tpu.memory_space<vmem_shared>> -> memref<10240x64xf32, #tpu.memory_space<vmem_shared>>
        tpu.wait_indirect_dma semaphore(%run_scoped3A : memref<!tpu.dma_semaphore, #tpu.memory_space<semaphore_mem>>) src(%arg9 : memref<128x64xf32, #tpu.memory_space<vmem>>) dst(%dma_wait3A_73 : memref<10240x64xf32, #tpu.memory_space<vmem_shared>>)
        tpu.yield
      }) : () -> ()
      %dma_start3A_50 = arith.constant 0 : i32
      %dma_start3A_51 = tpu.memref_slice %arg7[%rem3A_37, %dma_start3A_50] : memref<158x128xi32, #tpu.memory_space<vmem>> -> memref<1x128xi32, #tpu.memory_space<vmem>>
      %dma_start3A_52 = tpu.memref_squeeze %dma_start3A_51 : memref<1x128xi32, #tpu.memory_space<vmem>> -> memref<128xi32, #tpu.memory_space<vmem>>
      %dma_start3A_53 = arith.constant 0 : i32
      %dma_start3A_54 = arith.constant 0 : i32
      %dma_start3A_55 = tpu.memref_slice %arg2[%dma_start3A_53, %dma_start3A_54] : memref<10240x64xf32, #tpu.memory_space<hbm>> -> memref<10240x64xf32, #tpu.memory_space<hbm>>
      tpu.enqueue_indirect_dma source(%dma_start3A_55 : memref<10240x64xf32, #tpu.memory_space<hbm>>) target(%arg9 : memref<128x64xf32, #tpu.memory_space<vmem>>) offsets(%dma_start3A_52 : memref<128xi32, #tpu.memory_space<vmem>>) semaphore(%arg12 : memref<!tpu.dma_semaphore, #tpu.memory_space<semaphore_mem>>)
      %dma_wait3A_56 = arith.constant 0 : i32
      %dma_wait3A_57 = tpu.memref_slice %arg7[%add3A_34, %dma_wait3A_56] : memref<158x128xi32, #tpu.memory_space<vmem>> -> memref<1x128xi32, #tpu.memory_space<vmem>>
      %dma_wait3A_58 = tpu.memref_squeeze %dma_wait3A_57 : memref<1x128xi32, #tpu.memory_space<vmem>> -> memref<128xi32, #tpu.memory_space<vmem>>
      %dma_wait3A_59 = arith.constant 0 : i32
      %dma_wait3A_60 = arith.constant 0 : i32
      %dma_wait3A_61 = tpu.memref_slice %arg2[%dma_wait3A_59, %dma_wait3A_60] : memref<10240x64xf32, #tpu.memory_space<hbm>> -> memref<10240x64xf32, #tpu.memory_space<hbm>>
      tpu.wait_indirect_dma semaphore(%arg13 : memref<!tpu.dma_semaphore, #tpu.memory_space<semaphore_mem>>) src(%dma_wait3A_61 : memref<10240x64xf32, #tpu.memory_space<hbm>>) dst(%arg10 : memref<128x64xf32, #tpu.memory_space<vmem>>)
      "tpu.region"() ({
        %run_scoped3A = tpu.sem_alloc : memref<!tpu.dma_semaphore, #tpu.memory_space<semaphore_mem>>
        %dma_start3A_62 = arith.constant 0 : i32
        %dma_start3A_63 = tpu.memref_slice %arg8[%add3A_34, %dma_start3A_62] : memref<158x128xi32, #tpu.memory_space<vmem>> -> memref<1x128xi32, #tpu.memory_space<vmem>>
        %dma_start3A_64 = tpu.memref_squeeze %dma_start3A_63 : memref<1x128xi32, #tpu.memory_space<vmem>> -> memref<128xi32, #tpu.memory_space<vmem>>
        %dma_start3A_65 = arith.constant 0 : i32
        %dma_start3A_66 = arith.constant 0 : i32
        %dma_start3A_67 = tpu.memref_slice %arg11[%dma_start3A_65, %dma_start3A_66] : memref<10240x64xf32, #tpu.memory_space<vmem_shared>> -> memref<10240x64xf32, #tpu.memory_space<vmem_shared>>
        tpu.enqueue_indirect_dma source(%arg10 : memref<128x64xf32, #tpu.memory_space<vmem>>) target(%dma_start3A_67 : memref<10240x64xf32, #tpu.memory_space<vmem_shared>>) offsets(%dma_start3A_64 : memref<128xi32, #tpu.memory_space<vmem>>) semaphore(%run_scoped3A : memref<!tpu.dma_semaphore, #tpu.memory_space<semaphore_mem>>) {add = true}
        %dma_wait3A_68 = arith.constant 0 : i32
        %dma_wait3A_69 = tpu.memref_slice %arg8[%add3A_34, %dma_wait3A_68] : memref<158x128xi32, #tpu.memory_space<vmem>> -> memref<1x128xi32, #tpu.memory_space<vmem>>
        %dma_wait3A_70 = tpu.memref_squeeze %dma_wait3A_69 : memref<1x128xi32, #tpu.memory_space<vmem>> -> memref<128xi32, #tpu.memory_space<vmem>>
        %dma_wait3A_71 = arith.constant 0 : i32
        %dma_wait3A_72 = arith.constant 0 : i32
        %dma_wait3A_73 = tpu.memref_slice %arg11[%dma_wait3A_71, %dma_wait3A_72] : memref<10240x64xf32, #tpu.memory_space<vmem_shared>> -> memref<10240x64xf32, #tpu.memory_space<vmem_shared>>
        tpu.wait_indirect_dma semaphore(%run_scoped3A : memref<!tpu.dma_semaphore, #tpu.memory_space<semaphore_mem>>) src(%arg10 : memref<128x64xf32, #tpu.memory_space<vmem>>) dst(%dma_wait3A_73 : memref<10240x64xf32, #tpu.memory_space<vmem_shared>>)
        tpu.yield
      }) : () -> ()
    }
    %scan3A_13 = arith.constant 79 : i32
    %dma_wait3A = arith.constant 0 : i32
    %dma_wait3A_14 = arith.constant 0 : i32
    %dma_wait3A_15 = tpu.memref_slice %arg7[%dma_wait3A, %dma_wait3A_14] : memref<158x128xi32, #tpu.memory_space<vmem>> -> memref<1x128xi32, #tpu.memory_space<vmem>>
    %dma_wait3A_16 = tpu.memref_squeeze %dma_wait3A_15 : memref<1x128xi32, #tpu.memory_space<vmem>> -> memref<128xi32, #tpu.memory_space<vmem>>
    %dma_wait3A_17 = arith.constant 0 : i32
    %dma_wait3A_18 = arith.constant 0 : i32
    %dma_wait3A_19 = tpu.memref_slice %arg2[%dma_wait3A_17, %dma_wait3A_18] : memref<10240x64xf32, #tpu.memory_space<hbm>> -> memref<10240x64xf32, #tpu.memory_space<hbm>>
    tpu.wait_indirect_dma semaphore(%arg12 : memref<!tpu.dma_semaphore, #tpu.memory_space<semaphore_mem>>) src(%dma_wait3A_19 : memref<10240x64xf32, #tpu.memory_space<hbm>>) dst(%arg9 : memref<128x64xf32, #tpu.memory_space<vmem>>)
    %barrier3A_20 = arith.constant 0 : index
    tpu.barrier barrier_id(%barrier3A_20)
    %mul3A_21 = arith.constant 640 : i32
    %mul3A_22 = arith.muli %arg1, %mul3A_21 : i32
    %mul3A_23 = arith.constant 10240 : i32
    %mul3A_24 = arith.muli %arg0, %mul3A_23 : i32
    %mul3A_25 = arith.constant 640 : i32
    %mul3A_26 = arith.muli %arg1, %mul3A_25 : i32
    %add3A_27 = arith.addi %mul3A_24, %mul3A_26 : i32
    "tpu.region"() ({
      %run_scoped3A = tpu.sem_alloc : memref<!tpu.dma_semaphore, #tpu.memory_space<semaphore_mem>>
      %dma_start3A_28 = arith.constant 0 : i32
      %dma_start3A_29 = tpu.memref_slice %arg6[%add3A_27, %dma_start3A_28] : memref<20480x64xf32, #tpu.memory_space<hbm>> -> memref<640x64xf32, #tpu.memory_space<hbm>>
      %dma_start3A_30 = arith.constant 0 : i32
      %dma_start3A_31 = tpu.memref_slice %arg11[%mul3A_22, %dma_start3A_30] : memref<10240x64xf32, #tpu.memory_space<vmem_shared>> -> memref<640x64xf32, #tpu.memory_space<vmem_shared>>
      tpu.enqueue_dma source(%dma_start3A_31 : memref<640x64xf32, #tpu.memory_space<vmem_shared>>) target(%dma_start3A_29 : memref<640x64xf32, #tpu.memory_space<hbm>>) target_semaphore(%run_scoped3A : memref<!tpu.dma_semaphore, #tpu.memory_space<semaphore_mem>>)
      %dma_wait3A_32 = arith.constant 0 : i32
      %dma_wait3A_33 = tpu.memref_slice %arg6[%add3A_27, %dma_wait3A_32] : memref<20480x64xf32, #tpu.memory_space<hbm>> -> memref<640x64xf32, #tpu.memory_space<hbm>>
      %dma_wait3A_34 = arith.constant 0 : i32
      %dma_wait3A_35 = tpu.memref_slice %arg11[%mul3A_22, %dma_wait3A_34] : memref<10240x64xf32, #tpu.memory_space<vmem_shared>> -> memref<640x64xf32, #tpu.memory_space<vmem_shared>>
      tpu.wait_dma2 semaphore(%run_scoped3A : memref<!tpu.dma_semaphore, #tpu.memory_space<semaphore_mem>>) src(%dma_wait3A_35 : memref<640x64xf32, #tpu.memory_space<vmem_shared>>) dst(%dma_wait3A_33 : memref<640x64xf32, #tpu.memory_space<hbm>>)
      tpu.yield
    }) : () -> ()
    return
  }
}

#map = affine_map<(d0, d1) -> (0, 0)>
#map1 = affine_map<(d0, d1) -> (0, 0, 0)>
module attributes {stable_mosaic.version = 14 : i64} {
  func.func @sc_messages(%arg0: i32, %arg1: i32, %arg2: memref<10240x64xf32, #tpu.memory_space<hbm>>, %arg3: memref<32x158x128xi32, #tpu.memory_space<hbm>>, %arg4: memref<32x158x128xi32, #tpu.memory_space<hbm>>, %arg5: memref<640x64xf32, #tpu.memory_space<hbm>>, %arg6: memref<20480x64xf32, #tpu.memory_space<hbm>>, %arg7: memref<158x128xi32, #tpu.memory_space<vmem>>, %arg8: memref<158x128xi32, #tpu.memory_space<vmem>>, %arg9: memref<128x64xf32, #tpu.memory_space<vmem>>, %arg10: memref<128x64xf32, #tpu.memory_space<vmem>>, %arg11: memref<10240x64xf32, #tpu.memory_space<vmem_shared>>, %arg12: memref<!tpu.dma_semaphore, #tpu.memory_space<semaphore_mem>>, %arg13: memref<!tpu.dma_semaphore, #tpu.memory_space<semaphore_mem>>) attributes {dimension_semantics = [#tpu.dimension_semantics<core_parallel>, #tpu.dimension_semantics<subcore_parallel>], iteration_bounds = array<i64: 2, 16>, scalar_prefetch = 0 : i64, scratch_operands = 7 : i64, tpu.core_type = #tpu.core_type<sc_vector_subcore>, window_params = [{transform_indices = #map}, {transform_indices = #map1}, {transform_indices = #map1}, {transform_indices = #map}, {transform_indices = #map}]} {
    %mul3A = arith.constant 16 : i32
    %mul3A_0 = arith.muli %arg0, %mul3A : i32
    %add3A = arith.addi %mul3A_0, %arg1 : i32
    %mul3A_1 = arith.constant 640 : i32
    %mul3A_2 = arith.muli %arg1, %mul3A_1 : i32
    "tpu.region"() ({
      %run_scoped3A = tpu.sem_alloc : memref<!tpu.dma_semaphore, #tpu.memory_space<semaphore_mem>>
      %dma_start3A_28 = arith.constant 0 : i32
      %dma_start3A_29 = tpu.memref_slice %arg11[%mul3A_2, %dma_start3A_28] : memref<10240x64xf32, #tpu.memory_space<vmem_shared>> -> memref<640x64xf32, #tpu.memory_space<vmem_shared>>
      tpu.enqueue_dma source(%arg5 : memref<640x64xf32, #tpu.memory_space<hbm>>) target(%dma_start3A_29 : memref<640x64xf32, #tpu.memory_space<vmem_shared>>) target_semaphore(%run_scoped3A : memref<!tpu.dma_semaphore, #tpu.memory_space<semaphore_mem>>)
      %dma_wait3A_30 = arith.constant 0 : i32
      %dma_wait3A_31 = tpu.memref_slice %arg11[%mul3A_2, %dma_wait3A_30] : memref<10240x64xf32, #tpu.memory_space<vmem_shared>> -> memref<640x64xf32, #tpu.memory_space<vmem_shared>>
      tpu.wait_dma2 semaphore(%run_scoped3A : memref<!tpu.dma_semaphore, #tpu.memory_space<semaphore_mem>>) src(%arg5 : memref<640x64xf32, #tpu.memory_space<hbm>>) dst(%dma_wait3A_31 : memref<640x64xf32, #tpu.memory_space<vmem_shared>>)
      tpu.yield
    }) : () -> ()
    "tpu.region"() ({
      %run_scoped3A = tpu.sem_alloc : memref<!tpu.dma_semaphore, #tpu.memory_space<semaphore_mem>>
      %dma_start3A_28 = arith.constant 0 : i32
      %dma_start3A_29 = arith.constant 0 : i32
      %dma_start3A_30 = tpu.memref_slice %arg3[%add3A, %dma_start3A_28, %dma_start3A_29] : memref<32x158x128xi32, #tpu.memory_space<hbm>> -> memref<1x158x128xi32, #tpu.memory_space<hbm>>
      %dma_start3A_31 = tpu.memref_squeeze %dma_start3A_30 : memref<1x158x128xi32, #tpu.memory_space<hbm>> -> memref<158x128xi32, #tpu.memory_space<hbm>>
      %dma_start3A_32 = arith.constant 0 : i32
      %dma_start3A_33 = arith.constant 0 : i32
      %dma_start3A_34 = tpu.memref_slice %arg3[%add3A, %dma_start3A_32, %dma_start3A_33] : memref<32x158x128xi32, #tpu.memory_space<hbm>> -> memref<1x158x128xi32, #tpu.memory_space<hbm>>
      %dma_start3A_35 = tpu.memref_squeeze %dma_start3A_34 : memref<1x158x128xi32, #tpu.memory_space<hbm>> -> memref<158x128xi32, #tpu.memory_space<hbm>>
      tpu.enqueue_dma source(%dma_start3A_35 : memref<158x128xi32, #tpu.memory_space<hbm>>) target(%arg7 : memref<158x128xi32, #tpu.memory_space<vmem>>) target_semaphore(%run_scoped3A : memref<!tpu.dma_semaphore, #tpu.memory_space<semaphore_mem>>)
      %dma_wait3A_36 = arith.constant 0 : i32
      %dma_wait3A_37 = arith.constant 0 : i32
      %dma_wait3A_38 = tpu.memref_slice %arg3[%add3A, %dma_wait3A_36, %dma_wait3A_37] : memref<32x158x128xi32, #tpu.memory_space<hbm>> -> memref<1x158x128xi32, #tpu.memory_space<hbm>>
      %dma_wait3A_39 = tpu.memref_squeeze %dma_wait3A_38 : memref<1x158x128xi32, #tpu.memory_space<hbm>> -> memref<158x128xi32, #tpu.memory_space<hbm>>
      %dma_wait3A_40 = arith.constant 0 : i32
      %dma_wait3A_41 = arith.constant 0 : i32
      %dma_wait3A_42 = tpu.memref_slice %arg3[%add3A, %dma_wait3A_40, %dma_wait3A_41] : memref<32x158x128xi32, #tpu.memory_space<hbm>> -> memref<1x158x128xi32, #tpu.memory_space<hbm>>
      %dma_wait3A_43 = tpu.memref_squeeze %dma_wait3A_42 : memref<1x158x128xi32, #tpu.memory_space<hbm>> -> memref<158x128xi32, #tpu.memory_space<hbm>>
      tpu.wait_dma2 semaphore(%run_scoped3A : memref<!tpu.dma_semaphore, #tpu.memory_space<semaphore_mem>>) src(%dma_wait3A_43 : memref<158x128xi32, #tpu.memory_space<hbm>>) dst(%arg7 : memref<158x128xi32, #tpu.memory_space<vmem>>)
      tpu.yield
    }) : () -> ()
    "tpu.region"() ({
      %run_scoped3A = tpu.sem_alloc : memref<!tpu.dma_semaphore, #tpu.memory_space<semaphore_mem>>
      %dma_start3A_28 = arith.constant 0 : i32
      %dma_start3A_29 = arith.constant 0 : i32
      %dma_start3A_30 = tpu.memref_slice %arg4[%add3A, %dma_start3A_28, %dma_start3A_29] : memref<32x158x128xi32, #tpu.memory_space<hbm>> -> memref<1x158x128xi32, #tpu.memory_space<hbm>>
      %dma_start3A_31 = tpu.memref_squeeze %dma_start3A_30 : memref<1x158x128xi32, #tpu.memory_space<hbm>> -> memref<158x128xi32, #tpu.memory_space<hbm>>
      %dma_start3A_32 = arith.constant 0 : i32
      %dma_start3A_33 = arith.constant 0 : i32
      %dma_start3A_34 = tpu.memref_slice %arg4[%add3A, %dma_start3A_32, %dma_start3A_33] : memref<32x158x128xi32, #tpu.memory_space<hbm>> -> memref<1x158x128xi32, #tpu.memory_space<hbm>>
      %dma_start3A_35 = tpu.memref_squeeze %dma_start3A_34 : memref<1x158x128xi32, #tpu.memory_space<hbm>> -> memref<158x128xi32, #tpu.memory_space<hbm>>
      tpu.enqueue_dma source(%dma_start3A_35 : memref<158x128xi32, #tpu.memory_space<hbm>>) target(%arg8 : memref<158x128xi32, #tpu.memory_space<vmem>>) target_semaphore(%run_scoped3A : memref<!tpu.dma_semaphore, #tpu.memory_space<semaphore_mem>>)
      %dma_wait3A_36 = arith.constant 0 : i32
      %dma_wait3A_37 = arith.constant 0 : i32
      %dma_wait3A_38 = tpu.memref_slice %arg4[%add3A, %dma_wait3A_36, %dma_wait3A_37] : memref<32x158x128xi32, #tpu.memory_space<hbm>> -> memref<1x158x128xi32, #tpu.memory_space<hbm>>
      %dma_wait3A_39 = tpu.memref_squeeze %dma_wait3A_38 : memref<1x158x128xi32, #tpu.memory_space<hbm>> -> memref<158x128xi32, #tpu.memory_space<hbm>>
      %dma_wait3A_40 = arith.constant 0 : i32
      %dma_wait3A_41 = arith.constant 0 : i32
      %dma_wait3A_42 = tpu.memref_slice %arg4[%add3A, %dma_wait3A_40, %dma_wait3A_41] : memref<32x158x128xi32, #tpu.memory_space<hbm>> -> memref<1x158x128xi32, #tpu.memory_space<hbm>>
      %dma_wait3A_43 = tpu.memref_squeeze %dma_wait3A_42 : memref<1x158x128xi32, #tpu.memory_space<hbm>> -> memref<158x128xi32, #tpu.memory_space<hbm>>
      tpu.wait_dma2 semaphore(%run_scoped3A : memref<!tpu.dma_semaphore, #tpu.memory_space<semaphore_mem>>) src(%dma_wait3A_43 : memref<158x128xi32, #tpu.memory_space<hbm>>) dst(%arg8 : memref<158x128xi32, #tpu.memory_space<vmem>>)
      tpu.yield
    }) : () -> ()
    %barrier3A = arith.constant 0 : index
    tpu.barrier barrier_id(%barrier3A)
    %dma_start3A = arith.constant 0 : i32
    %dma_start3A_3 = arith.constant 0 : i32
    %dma_start3A_4 = tpu.memref_slice %arg7[%dma_start3A, %dma_start3A_3] : memref<158x128xi32, #tpu.memory_space<vmem>> -> memref<1x128xi32, #tpu.memory_space<vmem>>
    %dma_start3A_5 = tpu.memref_squeeze %dma_start3A_4 : memref<1x128xi32, #tpu.memory_space<vmem>> -> memref<128xi32, #tpu.memory_space<vmem>>
    %dma_start3A_6 = arith.constant 0 : i32
    %dma_start3A_7 = arith.constant 0 : i32
    %dma_start3A_8 = tpu.memref_slice %arg2[%dma_start3A_6, %dma_start3A_7] : memref<10240x64xf32, #tpu.memory_space<hbm>> -> memref<10240x64xf32, #tpu.memory_space<hbm>>
    tpu.enqueue_indirect_dma source(%dma_start3A_8 : memref<10240x64xf32, #tpu.memory_space<hbm>>) target(%arg9 : memref<128x64xf32, #tpu.memory_space<vmem>>) offsets(%dma_start3A_5 : memref<128xi32, #tpu.memory_space<vmem>>) semaphore(%arg12 : memref<!tpu.dma_semaphore, #tpu.memory_space<semaphore_mem>>)
    %scan3A = arith.constant 0 : i32
    %scan3A_9 = arith.constant 0 : i32
    %scan3A_10 = arith.constant 79 : i32
    %scan3A_11 = arith.addi %scan3A_9, %scan3A_10 : i32
    %scan3A_12 = arith.constant 1 : i32
    scf.for %scan3A_28 = %scan3A_9 to %scan3A_11 step %scan3A_12  : i32 {
      %mul3A_29 = arith.constant 2 : i32
      %mul3A_30 = arith.muli %mul3A_29, %scan3A_28 : i32
      %mul3A_31 = arith.constant 2 : i32
      %mul3A_32 = arith.muli %mul3A_31, %scan3A_28 : i32
      %add3A_33 = arith.constant 1 : i32
      %add3A_34 = arith.addi %mul3A_32, %add3A_33 : i32
      %add3A_35 = arith.constant 1 : i32
      %add3A_36 = arith.addi %add3A_34, %add3A_35 : i32
      %rem3A = arith.constant 158 : i32
      %rem3A_37 = arith.remsi %add3A_36, %rem3A : i32
      %dma_start3A_38 = arith.constant 0 : i32
      %dma_start3A_39 = tpu.memref_slice %arg7[%add3A_34, %dma_start3A_38] : memref<158x128xi32, #tpu.memory_space<vmem>> -> memref<1x128xi32, #tpu.memory_space<vmem>>
      %dma_start3A_40 = tpu.memref_squeeze %dma_start3A_39 : memref<1x128xi32, #tpu.memory_space<vmem>> -> memref<128xi32, #tpu.memory_space<vmem>>
      %dma_start3A_41 = arith.constant 0 : i32
      %dma_start3A_42 = arith.constant 0 : i32
      %dma_start3A_43 = tpu.memref_slice %arg2[%dma_start3A_41, %dma_start3A_42] : memref<10240x64xf32, #tpu.memory_space<hbm>> -> memref<10240x64xf32, #tpu.memory_space<hbm>>
      tpu.enqueue_indirect_dma source(%dma_start3A_43 : memref<10240x64xf32, #tpu.memory_space<hbm>>) target(%arg10 : memref<128x64xf32, #tpu.memory_space<vmem>>) offsets(%dma_start3A_40 : memref<128xi32, #tpu.memory_space<vmem>>) semaphore(%arg13 : memref<!tpu.dma_semaphore, #tpu.memory_space<semaphore_mem>>)
      %dma_wait3A_44 = arith.constant 0 : i32
      %dma_wait3A_45 = tpu.memref_slice %arg7[%mul3A_30, %dma_wait3A_44] : memref<158x128xi32, #tpu.memory_space<vmem>> -> memref<1x128xi32, #tpu.memory_space<vmem>>
      %dma_wait3A_46 = tpu.memref_squeeze %dma_wait3A_45 : memref<1x128xi32, #tpu.memory_space<vmem>> -> memref<128xi32, #tpu.memory_space<vmem>>
      %dma_wait3A_47 = arith.constant 0 : i32
      %dma_wait3A_48 = arith.constant 0 : i32
      %dma_wait3A_49 = tpu.memref_slice %arg2[%dma_wait3A_47, %dma_wait3A_48] : memref<10240x64xf32, #tpu.memory_space<hbm>> -> memref<10240x64xf32, #tpu.memory_space<hbm>>
      tpu.wait_indirect_dma semaphore(%arg12 : memref<!tpu.dma_semaphore, #tpu.memory_space<semaphore_mem>>) src(%dma_wait3A_49 : memref<10240x64xf32, #tpu.memory_space<hbm>>) dst(%arg9 : memref<128x64xf32, #tpu.memory_space<vmem>>)
      "tpu.region"() ({
        %run_scoped3A = tpu.sem_alloc : memref<!tpu.dma_semaphore, #tpu.memory_space<semaphore_mem>>
        %dma_start3A_62 = arith.constant 0 : i32
        %dma_start3A_63 = tpu.memref_slice %arg8[%mul3A_30, %dma_start3A_62] : memref<158x128xi32, #tpu.memory_space<vmem>> -> memref<1x128xi32, #tpu.memory_space<vmem>>
        %dma_start3A_64 = tpu.memref_squeeze %dma_start3A_63 : memref<1x128xi32, #tpu.memory_space<vmem>> -> memref<128xi32, #tpu.memory_space<vmem>>
        %dma_start3A_65 = arith.constant 0 : i32
        %dma_start3A_66 = arith.constant 0 : i32
        %dma_start3A_67 = tpu.memref_slice %arg11[%dma_start3A_65, %dma_start3A_66] : memref<10240x64xf32, #tpu.memory_space<vmem_shared>> -> memref<10240x64xf32, #tpu.memory_space<vmem_shared>>
        tpu.enqueue_indirect_dma source(%arg9 : memref<128x64xf32, #tpu.memory_space<vmem>>) target(%dma_start3A_67 : memref<10240x64xf32, #tpu.memory_space<vmem_shared>>) offsets(%dma_start3A_64 : memref<128xi32, #tpu.memory_space<vmem>>) semaphore(%run_scoped3A : memref<!tpu.dma_semaphore, #tpu.memory_space<semaphore_mem>>) {add = true}
        %dma_wait3A_68 = arith.constant 0 : i32
        %dma_wait3A_69 = tpu.memref_slice %arg8[%mul3A_30, %dma_wait3A_68] : memref<158x128xi32, #tpu.memory_space<vmem>> -> memref<1x128xi32, #tpu.memory_space<vmem>>
        %dma_wait3A_70 = tpu.memref_squeeze %dma_wait3A_69 : memref<1x128xi32, #tpu.memory_space<vmem>> -> memref<128xi32, #tpu.memory_space<vmem>>
        %dma_wait3A_71 = arith.constant 0 : i32
        %dma_wait3A_72 = arith.constant 0 : i32
        %dma_wait3A_73 = tpu.memref_slice %arg11[%dma_wait3A_71, %dma_wait3A_72] : memref<10240x64xf32, #tpu.memory_space<vmem_shared>> -> memref<10240x64xf32, #tpu.memory_space<vmem_shared>>
        tpu.wait_indirect_dma semaphore(%run_scoped3A : memref<!tpu.dma_semaphore, #tpu.memory_space<semaphore_mem>>) src(%arg9 : memref<128x64xf32, #tpu.memory_space<vmem>>) dst(%dma_wait3A_73 : memref<10240x64xf32, #tpu.memory_space<vmem_shared>>)
        tpu.yield
      }) : () -> ()
      %dma_start3A_50 = arith.constant 0 : i32
      %dma_start3A_51 = tpu.memref_slice %arg7[%rem3A_37, %dma_start3A_50] : memref<158x128xi32, #tpu.memory_space<vmem>> -> memref<1x128xi32, #tpu.memory_space<vmem>>
      %dma_start3A_52 = tpu.memref_squeeze %dma_start3A_51 : memref<1x128xi32, #tpu.memory_space<vmem>> -> memref<128xi32, #tpu.memory_space<vmem>>
      %dma_start3A_53 = arith.constant 0 : i32
      %dma_start3A_54 = arith.constant 0 : i32
      %dma_start3A_55 = tpu.memref_slice %arg2[%dma_start3A_53, %dma_start3A_54] : memref<10240x64xf32, #tpu.memory_space<hbm>> -> memref<10240x64xf32, #tpu.memory_space<hbm>>
      tpu.enqueue_indirect_dma source(%dma_start3A_55 : memref<10240x64xf32, #tpu.memory_space<hbm>>) target(%arg9 : memref<128x64xf32, #tpu.memory_space<vmem>>) offsets(%dma_start3A_52 : memref<128xi32, #tpu.memory_space<vmem>>) semaphore(%arg12 : memref<!tpu.dma_semaphore, #tpu.memory_space<semaphore_mem>>)
      %dma_wait3A_56 = arith.constant 0 : i32
      %dma_wait3A_57 = tpu.memref_slice %arg7[%add3A_34, %dma_wait3A_56] : memref<158x128xi32, #tpu.memory_space<vmem>> -> memref<1x128xi32, #tpu.memory_space<vmem>>
      %dma_wait3A_58 = tpu.memref_squeeze %dma_wait3A_57 : memref<1x128xi32, #tpu.memory_space<vmem>> -> memref<128xi32, #tpu.memory_space<vmem>>
      %dma_wait3A_59 = arith.constant 0 : i32
      %dma_wait3A_60 = arith.constant 0 : i32
      %dma_wait3A_61 = tpu.memref_slice %arg2[%dma_wait3A_59, %dma_wait3A_60] : memref<10240x64xf32, #tpu.memory_space<hbm>> -> memref<10240x64xf32, #tpu.memory_space<hbm>>
      tpu.wait_indirect_dma semaphore(%arg13 : memref<!tpu.dma_semaphore, #tpu.memory_space<semaphore_mem>>) src(%dma_wait3A_61 : memref<10240x64xf32, #tpu.memory_space<hbm>>) dst(%arg10 : memref<128x64xf32, #tpu.memory_space<vmem>>)
      "tpu.region"() ({
        %run_scoped3A = tpu.sem_alloc : memref<!tpu.dma_semaphore, #tpu.memory_space<semaphore_mem>>
        %dma_start3A_62 = arith.constant 0 : i32
        %dma_start3A_63 = tpu.memref_slice %arg8[%add3A_34, %dma_start3A_62] : memref<158x128xi32, #tpu.memory_space<vmem>> -> memref<1x128xi32, #tpu.memory_space<vmem>>
        %dma_start3A_64 = tpu.memref_squeeze %dma_start3A_63 : memref<1x128xi32, #tpu.memory_space<vmem>> -> memref<128xi32, #tpu.memory_space<vmem>>
        %dma_start3A_65 = arith.constant 0 : i32
        %dma_start3A_66 = arith.constant 0 : i32
        %dma_start3A_67 = tpu.memref_slice %arg11[%dma_start3A_65, %dma_start3A_66] : memref<10240x64xf32, #tpu.memory_space<vmem_shared>> -> memref<10240x64xf32, #tpu.memory_space<vmem_shared>>
        tpu.enqueue_indirect_dma source(%arg10 : memref<128x64xf32, #tpu.memory_space<vmem>>) target(%dma_start3A_67 : memref<10240x64xf32, #tpu.memory_space<vmem_shared>>) offsets(%dma_start3A_64 : memref<128xi32, #tpu.memory_space<vmem>>) semaphore(%run_scoped3A : memref<!tpu.dma_semaphore, #tpu.memory_space<semaphore_mem>>) {add = true}
        %dma_wait3A_68 = arith.constant 0 : i32
        %dma_wait3A_69 = tpu.memref_slice %arg8[%add3A_34, %dma_wait3A_68] : memref<158x128xi32, #tpu.memory_space<vmem>> -> memref<1x128xi32, #tpu.memory_space<vmem>>
        %dma_wait3A_70 = tpu.memref_squeeze %dma_wait3A_69 : memref<1x128xi32, #tpu.memory_space<vmem>> -> memref<128xi32, #tpu.memory_space<vmem>>
        %dma_wait3A_71 = arith.constant 0 : i32
        %dma_wait3A_72 = arith.constant 0 : i32
        %dma_wait3A_73 = tpu.memref_slice %arg11[%dma_wait3A_71, %dma_wait3A_72] : memref<10240x64xf32, #tpu.memory_space<vmem_shared>> -> memref<10240x64xf32, #tpu.memory_space<vmem_shared>>
        tpu.wait_indirect_dma semaphore(%run_scoped3A : memref<!tpu.dma_semaphore, #tpu.memory_space<semaphore_mem>>) src(%arg10 : memref<128x64xf32, #tpu.memory_space<vmem>>) dst(%dma_wait3A_73 : memref<10240x64xf32, #tpu.memory_space<vmem_shared>>)
        tpu.yield
      }) : () -> ()
    }
    %scan3A_13 = arith.constant 79 : i32
    %dma_wait3A = arith.constant 0 : i32
    %dma_wait3A_14 = arith.constant 0 : i32
    %dma_wait3A_15 = tpu.memref_slice %arg7[%dma_wait3A, %dma_wait3A_14] : memref<158x128xi32, #tpu.memory_space<vmem>> -> memref<1x128xi32, #tpu.memory_space<vmem>>
    %dma_wait3A_16 = tpu.memref_squeeze %dma_wait3A_15 : memref<1x128xi32, #tpu.memory_space<vmem>> -> memref<128xi32, #tpu.memory_space<vmem>>
    %dma_wait3A_17 = arith.constant 0 : i32
    %dma_wait3A_18 = arith.constant 0 : i32
    %dma_wait3A_19 = tpu.memref_slice %arg2[%dma_wait3A_17, %dma_wait3A_18] : memref<10240x64xf32, #tpu.memory_space<hbm>> -> memref<10240x64xf32, #tpu.memory_space<hbm>>
    tpu.wait_indirect_dma semaphore(%arg12 : memref<!tpu.dma_semaphore, #tpu.memory_space<semaphore_mem>>) src(%dma_wait3A_19 : memref<10240x64xf32, #tpu.memory_space<hbm>>) dst(%arg9 : memref<128x64xf32, #tpu.memory_space<vmem>>)
    %barrier3A_20 = arith.constant 0 : index
    tpu.barrier barrier_id(%barrier3A_20)
    %mul3A_21 = arith.constant 640 : i32
    %mul3A_22 = arith.muli %arg1, %mul3A_21 : i32
    %mul3A_23 = arith.constant 10240 : i32
    %mul3A_24 = arith.muli %arg0, %mul3A_23 : i32
    %mul3A_25 = arith.constant 640 : i32
    %mul3A_26 = arith.muli %arg1, %mul3A_25 : i32
    %add3A_27 = arith.addi %mul3A_24, %mul3A_26 : i32
    "tpu.region"() ({
      %run_scoped3A = tpu.sem_alloc : memref<!tpu.dma_semaphore, #tpu.memory_space<semaphore_mem>>
      %dma_start3A_28 = arith.constant 0 : i32
      %dma_start3A_29 = tpu.memref_slice %arg6[%add3A_27, %dma_start3A_28] : memref<20480x64xf32, #tpu.memory_space<hbm>> -> memref<640x64xf32, #tpu.memory_space<hbm>>
      %dma_start3A_30 = arith.constant 0 : i32
      %dma_start3A_31 = tpu.memref_slice %arg11[%mul3A_22, %dma_start3A_30] : memref<10240x64xf32, #tpu.memory_space<vmem_shared>> -> memref<640x64xf32, #tpu.memory_space<vmem_shared>>
      tpu.enqueue_dma source(%dma_start3A_31 : memref<640x64xf32, #tpu.memory_space<vmem_shared>>) target(%dma_start3A_29 : memref<640x64xf32, #tpu.memory_space<hbm>>) target_semaphore(%run_scoped3A : memref<!tpu.dma_semaphore, #tpu.memory_space<semaphore_mem>>)
      %dma_wait3A_32 = arith.constant 0 : i32
      %dma_wait3A_33 = tpu.memref_slice %arg6[%add3A_27, %dma_wait3A_32] : memref<20480x64xf32, #tpu.memory_space<hbm>> -> memref<640x64xf32, #tpu.memory_space<hbm>>
      %dma_wait3A_34 = arith.constant 0 : i32
      %dma_wait3A_35 = tpu.memref_slice %arg11[%mul3A_22, %dma_wait3A_34] : memref<10240x64xf32, #tpu.memory_space<vmem_shared>> -> memref<640x64xf32, #tpu.memory_space<vmem_shared>>
      tpu.wait_dma2 semaphore(%run_scoped3A : memref<!tpu.dma_semaphore, #tpu.memory_space<semaphore_mem>>) src(%dma_wait3A_35 : memref<640x64xf32, #tpu.memory_space<vmem_shared>>) dst(%dma_wait3A_33 : memref<640x64xf32, #tpu.memory_space<hbm>>)
      tpu.yield
    }) : () -> ()
    return
  }
}

#map = affine_map<(d0, d1) -> (0, 0)>
#map1 = affine_map<(d0, d1) -> (0, 0, 0)>
module attributes {stable_mosaic.version = 14 : i64} {
  func.func @sc_messages(%arg0: i32, %arg1: i32, %arg2: memref<10240x64xf32, #tpu.memory_space<hbm>>, %arg3: memref<32x158x128xi32, #tpu.memory_space<hbm>>, %arg4: memref<32x158x128xi32, #tpu.memory_space<hbm>>, %arg5: memref<640x64xf32, #tpu.memory_space<hbm>>, %arg6: memref<20480x64xf32, #tpu.memory_space<hbm>>, %arg7: memref<158x128xi32, #tpu.memory_space<vmem>>, %arg8: memref<158x128xi32, #tpu.memory_space<vmem>>, %arg9: memref<128x64xf32, #tpu.memory_space<vmem>>, %arg10: memref<128x64xf32, #tpu.memory_space<vmem>>, %arg11: memref<10240x64xf32, #tpu.memory_space<vmem_shared>>, %arg12: memref<!tpu.dma_semaphore, #tpu.memory_space<semaphore_mem>>, %arg13: memref<!tpu.dma_semaphore, #tpu.memory_space<semaphore_mem>>) attributes {dimension_semantics = [#tpu.dimension_semantics<core_parallel>, #tpu.dimension_semantics<subcore_parallel>], iteration_bounds = array<i64: 2, 16>, scalar_prefetch = 0 : i64, scratch_operands = 7 : i64, tpu.core_type = #tpu.core_type<sc_vector_subcore>, window_params = [{transform_indices = #map}, {transform_indices = #map1}, {transform_indices = #map1}, {transform_indices = #map}, {transform_indices = #map}]} {
    %mul3A = arith.constant 16 : i32
    %mul3A_0 = arith.muli %arg0, %mul3A : i32
    %add3A = arith.addi %mul3A_0, %arg1 : i32
    %mul3A_1 = arith.constant 640 : i32
    %mul3A_2 = arith.muli %arg1, %mul3A_1 : i32
    "tpu.region"() ({
      %run_scoped3A = tpu.sem_alloc : memref<!tpu.dma_semaphore, #tpu.memory_space<semaphore_mem>>
      %dma_start3A_28 = arith.constant 0 : i32
      %dma_start3A_29 = tpu.memref_slice %arg11[%mul3A_2, %dma_start3A_28] : memref<10240x64xf32, #tpu.memory_space<vmem_shared>> -> memref<640x64xf32, #tpu.memory_space<vmem_shared>>
      tpu.enqueue_dma source(%arg5 : memref<640x64xf32, #tpu.memory_space<hbm>>) target(%dma_start3A_29 : memref<640x64xf32, #tpu.memory_space<vmem_shared>>) target_semaphore(%run_scoped3A : memref<!tpu.dma_semaphore, #tpu.memory_space<semaphore_mem>>)
      %dma_wait3A_30 = arith.constant 0 : i32
      %dma_wait3A_31 = tpu.memref_slice %arg11[%mul3A_2, %dma_wait3A_30] : memref<10240x64xf32, #tpu.memory_space<vmem_shared>> -> memref<640x64xf32, #tpu.memory_space<vmem_shared>>
      tpu.wait_dma2 semaphore(%run_scoped3A : memref<!tpu.dma_semaphore, #tpu.memory_space<semaphore_mem>>) src(%arg5 : memref<640x64xf32, #tpu.memory_space<hbm>>) dst(%dma_wait3A_31 : memref<640x64xf32, #tpu.memory_space<vmem_shared>>)
      tpu.yield
    }) : () -> ()
    "tpu.region"() ({
      %run_scoped3A = tpu.sem_alloc : memref<!tpu.dma_semaphore, #tpu.memory_space<semaphore_mem>>
      %dma_start3A_28 = arith.constant 0 : i32
      %dma_start3A_29 = arith.constant 0 : i32
      %dma_start3A_30 = tpu.memref_slice %arg3[%add3A, %dma_start3A_28, %dma_start3A_29] : memref<32x158x128xi32, #tpu.memory_space<hbm>> -> memref<1x158x128xi32, #tpu.memory_space<hbm>>
      %dma_start3A_31 = tpu.memref_squeeze %dma_start3A_30 : memref<1x158x128xi32, #tpu.memory_space<hbm>> -> memref<158x128xi32, #tpu.memory_space<hbm>>
      %dma_start3A_32 = arith.constant 0 : i32
      %dma_start3A_33 = arith.constant 0 : i32
      %dma_start3A_34 = tpu.memref_slice %arg3[%add3A, %dma_start3A_32, %dma_start3A_33] : memref<32x158x128xi32, #tpu.memory_space<hbm>> -> memref<1x158x128xi32, #tpu.memory_space<hbm>>
      %dma_start3A_35 = tpu.memref_squeeze %dma_start3A_34 : memref<1x158x128xi32, #tpu.memory_space<hbm>> -> memref<158x128xi32, #tpu.memory_space<hbm>>
      tpu.enqueue_dma source(%dma_start3A_35 : memref<158x128xi32, #tpu.memory_space<hbm>>) target(%arg7 : memref<158x128xi32, #tpu.memory_space<vmem>>) target_semaphore(%run_scoped3A : memref<!tpu.dma_semaphore, #tpu.memory_space<semaphore_mem>>)
      %dma_wait3A_36 = arith.constant 0 : i32
      %dma_wait3A_37 = arith.constant 0 : i32
      %dma_wait3A_38 = tpu.memref_slice %arg3[%add3A, %dma_wait3A_36, %dma_wait3A_37] : memref<32x158x128xi32, #tpu.memory_space<hbm>> -> memref<1x158x128xi32, #tpu.memory_space<hbm>>
      %dma_wait3A_39 = tpu.memref_squeeze %dma_wait3A_38 : memref<1x158x128xi32, #tpu.memory_space<hbm>> -> memref<158x128xi32, #tpu.memory_space<hbm>>
      %dma_wait3A_40 = arith.constant 0 : i32
      %dma_wait3A_41 = arith.constant 0 : i32
      %dma_wait3A_42 = tpu.memref_slice %arg3[%add3A, %dma_wait3A_40, %dma_wait3A_41] : memref<32x158x128xi32, #tpu.memory_space<hbm>> -> memref<1x158x128xi32, #tpu.memory_space<hbm>>
      %dma_wait3A_43 = tpu.memref_squeeze %dma_wait3A_42 : memref<1x158x128xi32, #tpu.memory_space<hbm>> -> memref<158x128xi32, #tpu.memory_space<hbm>>
      tpu.wait_dma2 semaphore(%run_scoped3A : memref<!tpu.dma_semaphore, #tpu.memory_space<semaphore_mem>>) src(%dma_wait3A_43 : memref<158x128xi32, #tpu.memory_space<hbm>>) dst(%arg7 : memref<158x128xi32, #tpu.memory_space<vmem>>)
      tpu.yield
    }) : () -> ()
    "tpu.region"() ({
      %run_scoped3A = tpu.sem_alloc : memref<!tpu.dma_semaphore, #tpu.memory_space<semaphore_mem>>
      %dma_start3A_28 = arith.constant 0 : i32
      %dma_start3A_29 = arith.constant 0 : i32
      %dma_start3A_30 = tpu.memref_slice %arg4[%add3A, %dma_start3A_28, %dma_start3A_29] : memref<32x158x128xi32, #tpu.memory_space<hbm>> -> memref<1x158x128xi32, #tpu.memory_space<hbm>>
      %dma_start3A_31 = tpu.memref_squeeze %dma_start3A_30 : memref<1x158x128xi32, #tpu.memory_space<hbm>> -> memref<158x128xi32, #tpu.memory_space<hbm>>
      %dma_start3A_32 = arith.constant 0 : i32
      %dma_start3A_33 = arith.constant 0 : i32
      %dma_start3A_34 = tpu.memref_slice %arg4[%add3A, %dma_start3A_32, %dma_start3A_33] : memref<32x158x128xi32, #tpu.memory_space<hbm>> -> memref<1x158x128xi32, #tpu.memory_space<hbm>>
      %dma_start3A_35 = tpu.memref_squeeze %dma_start3A_34 : memref<1x158x128xi32, #tpu.memory_space<hbm>> -> memref<158x128xi32, #tpu.memory_space<hbm>>
      tpu.enqueue_dma source(%dma_start3A_35 : memref<158x128xi32, #tpu.memory_space<hbm>>) target(%arg8 : memref<158x128xi32, #tpu.memory_space<vmem>>) target_semaphore(%run_scoped3A : memref<!tpu.dma_semaphore, #tpu.memory_space<semaphore_mem>>)
      %dma_wait3A_36 = arith.constant 0 : i32
      %dma_wait3A_37 = arith.constant 0 : i32
      %dma_wait3A_38 = tpu.memref_slice %arg4[%add3A, %dma_wait3A_36, %dma_wait3A_37] : memref<32x158x128xi32, #tpu.memory_space<hbm>> -> memref<1x158x128xi32, #tpu.memory_space<hbm>>
      %dma_wait3A_39 = tpu.memref_squeeze %dma_wait3A_38 : memref<1x158x128xi32, #tpu.memory_space<hbm>> -> memref<158x128xi32, #tpu.memory_space<hbm>>
      %dma_wait3A_40 = arith.constant 0 : i32
      %dma_wait3A_41 = arith.constant 0 : i32
      %dma_wait3A_42 = tpu.memref_slice %arg4[%add3A, %dma_wait3A_40, %dma_wait3A_41] : memref<32x158x128xi32, #tpu.memory_space<hbm>> -> memref<1x158x128xi32, #tpu.memory_space<hbm>>
      %dma_wait3A_43 = tpu.memref_squeeze %dma_wait3A_42 : memref<1x158x128xi32, #tpu.memory_space<hbm>> -> memref<158x128xi32, #tpu.memory_space<hbm>>
      tpu.wait_dma2 semaphore(%run_scoped3A : memref<!tpu.dma_semaphore, #tpu.memory_space<semaphore_mem>>) src(%dma_wait3A_43 : memref<158x128xi32, #tpu.memory_space<hbm>>) dst(%arg8 : memref<158x128xi32, #tpu.memory_space<vmem>>)
      tpu.yield
    }) : () -> ()
    %barrier3A = arith.constant 0 : index
    tpu.barrier barrier_id(%barrier3A)
    %dma_start3A = arith.constant 0 : i32
    %dma_start3A_3 = arith.constant 0 : i32
    %dma_start3A_4 = tpu.memref_slice %arg7[%dma_start3A, %dma_start3A_3] : memref<158x128xi32, #tpu.memory_space<vmem>> -> memref<1x128xi32, #tpu.memory_space<vmem>>
    %dma_start3A_5 = tpu.memref_squeeze %dma_start3A_4 : memref<1x128xi32, #tpu.memory_space<vmem>> -> memref<128xi32, #tpu.memory_space<vmem>>
    %dma_start3A_6 = arith.constant 0 : i32
    %dma_start3A_7 = arith.constant 0 : i32
    %dma_start3A_8 = tpu.memref_slice %arg2[%dma_start3A_6, %dma_start3A_7] : memref<10240x64xf32, #tpu.memory_space<hbm>> -> memref<10240x64xf32, #tpu.memory_space<hbm>>
    tpu.enqueue_indirect_dma source(%dma_start3A_8 : memref<10240x64xf32, #tpu.memory_space<hbm>>) target(%arg9 : memref<128x64xf32, #tpu.memory_space<vmem>>) offsets(%dma_start3A_5 : memref<128xi32, #tpu.memory_space<vmem>>) semaphore(%arg12 : memref<!tpu.dma_semaphore, #tpu.memory_space<semaphore_mem>>)
    %scan3A = arith.constant 0 : i32
    %scan3A_9 = arith.constant 0 : i32
    %scan3A_10 = arith.constant 79 : i32
    %scan3A_11 = arith.addi %scan3A_9, %scan3A_10 : i32
    %scan3A_12 = arith.constant 1 : i32
    scf.for %scan3A_28 = %scan3A_9 to %scan3A_11 step %scan3A_12  : i32 {
      %mul3A_29 = arith.constant 2 : i32
      %mul3A_30 = arith.muli %mul3A_29, %scan3A_28 : i32
      %mul3A_31 = arith.constant 2 : i32
      %mul3A_32 = arith.muli %mul3A_31, %scan3A_28 : i32
      %add3A_33 = arith.constant 1 : i32
      %add3A_34 = arith.addi %mul3A_32, %add3A_33 : i32
      %add3A_35 = arith.constant 1 : i32
      %add3A_36 = arith.addi %add3A_34, %add3A_35 : i32
      %rem3A = arith.constant 158 : i32
      %rem3A_37 = arith.remsi %add3A_36, %rem3A : i32
      %dma_start3A_38 = arith.constant 0 : i32
      %dma_start3A_39 = tpu.memref_slice %arg7[%add3A_34, %dma_start3A_38] : memref<158x128xi32, #tpu.memory_space<vmem>> -> memref<1x128xi32, #tpu.memory_space<vmem>>
      %dma_start3A_40 = tpu.memref_squeeze %dma_start3A_39 : memref<1x128xi32, #tpu.memory_space<vmem>> -> memref<128xi32, #tpu.memory_space<vmem>>
      %dma_start3A_41 = arith.constant 0 : i32
      %dma_start3A_42 = arith.constant 0 : i32
      %dma_start3A_43 = tpu.memref_slice %arg2[%dma_start3A_41, %dma_start3A_42] : memref<10240x64xf32, #tpu.memory_space<hbm>> -> memref<10240x64xf32, #tpu.memory_space<hbm>>
      tpu.enqueue_indirect_dma source(%dma_start3A_43 : memref<10240x64xf32, #tpu.memory_space<hbm>>) target(%arg10 : memref<128x64xf32, #tpu.memory_space<vmem>>) offsets(%dma_start3A_40 : memref<128xi32, #tpu.memory_space<vmem>>) semaphore(%arg13 : memref<!tpu.dma_semaphore, #tpu.memory_space<semaphore_mem>>)
      %dma_wait3A_44 = arith.constant 0 : i32
      %dma_wait3A_45 = tpu.memref_slice %arg7[%mul3A_30, %dma_wait3A_44] : memref<158x128xi32, #tpu.memory_space<vmem>> -> memref<1x128xi32, #tpu.memory_space<vmem>>
      %dma_wait3A_46 = tpu.memref_squeeze %dma_wait3A_45 : memref<1x128xi32, #tpu.memory_space<vmem>> -> memref<128xi32, #tpu.memory_space<vmem>>
      %dma_wait3A_47 = arith.constant 0 : i32
      %dma_wait3A_48 = arith.constant 0 : i32
      %dma_wait3A_49 = tpu.memref_slice %arg2[%dma_wait3A_47, %dma_wait3A_48] : memref<10240x64xf32, #tpu.memory_space<hbm>> -> memref<10240x64xf32, #tpu.memory_space<hbm>>
      tpu.wait_indirect_dma semaphore(%arg12 : memref<!tpu.dma_semaphore, #tpu.memory_space<semaphore_mem>>) src(%dma_wait3A_49 : memref<10240x64xf32, #tpu.memory_space<hbm>>) dst(%arg9 : memref<128x64xf32, #tpu.memory_space<vmem>>)
      "tpu.region"() ({
        %run_scoped3A = tpu.sem_alloc : memref<!tpu.dma_semaphore, #tpu.memory_space<semaphore_mem>>
        %dma_start3A_62 = arith.constant 0 : i32
        %dma_start3A_63 = tpu.memref_slice %arg8[%mul3A_30, %dma_start3A_62] : memref<158x128xi32, #tpu.memory_space<vmem>> -> memref<1x128xi32, #tpu.memory_space<vmem>>
        %dma_start3A_64 = tpu.memref_squeeze %dma_start3A_63 : memref<1x128xi32, #tpu.memory_space<vmem>> -> memref<128xi32, #tpu.memory_space<vmem>>
        %dma_start3A_65 = arith.constant 0 : i32
        %dma_start3A_66 = arith.constant 0 : i32
        %dma_start3A_67 = tpu.memref_slice %arg11[%dma_start3A_65, %dma_start3A_66] : memref<10240x64xf32, #tpu.memory_space<vmem_shared>> -> memref<10240x64xf32, #tpu.memory_space<vmem_shared>>
        tpu.enqueue_indirect_dma source(%arg9 : memref<128x64xf32, #tpu.memory_space<vmem>>) target(%dma_start3A_67 : memref<10240x64xf32, #tpu.memory_space<vmem_shared>>) offsets(%dma_start3A_64 : memref<128xi32, #tpu.memory_space<vmem>>) semaphore(%run_scoped3A : memref<!tpu.dma_semaphore, #tpu.memory_space<semaphore_mem>>) {add = true}
        %dma_wait3A_68 = arith.constant 0 : i32
        %dma_wait3A_69 = tpu.memref_slice %arg8[%mul3A_30, %dma_wait3A_68] : memref<158x128xi32, #tpu.memory_space<vmem>> -> memref<1x128xi32, #tpu.memory_space<vmem>>
        %dma_wait3A_70 = tpu.memref_squeeze %dma_wait3A_69 : memref<1x128xi32, #tpu.memory_space<vmem>> -> memref<128xi32, #tpu.memory_space<vmem>>
        %dma_wait3A_71 = arith.constant 0 : i32
        %dma_wait3A_72 = arith.constant 0 : i32
        %dma_wait3A_73 = tpu.memref_slice %arg11[%dma_wait3A_71, %dma_wait3A_72] : memref<10240x64xf32, #tpu.memory_space<vmem_shared>> -> memref<10240x64xf32, #tpu.memory_space<vmem_shared>>
        tpu.wait_indirect_dma semaphore(%run_scoped3A : memref<!tpu.dma_semaphore, #tpu.memory_space<semaphore_mem>>) src(%arg9 : memref<128x64xf32, #tpu.memory_space<vmem>>) dst(%dma_wait3A_73 : memref<10240x64xf32, #tpu.memory_space<vmem_shared>>)
        tpu.yield
      }) : () -> ()
      %dma_start3A_50 = arith.constant 0 : i32
      %dma_start3A_51 = tpu.memref_slice %arg7[%rem3A_37, %dma_start3A_50] : memref<158x128xi32, #tpu.memory_space<vmem>> -> memref<1x128xi32, #tpu.memory_space<vmem>>
      %dma_start3A_52 = tpu.memref_squeeze %dma_start3A_51 : memref<1x128xi32, #tpu.memory_space<vmem>> -> memref<128xi32, #tpu.memory_space<vmem>>
      %dma_start3A_53 = arith.constant 0 : i32
      %dma_start3A_54 = arith.constant 0 : i32
      %dma_start3A_55 = tpu.memref_slice %arg2[%dma_start3A_53, %dma_start3A_54] : memref<10240x64xf32, #tpu.memory_space<hbm>> -> memref<10240x64xf32, #tpu.memory_space<hbm>>
      tpu.enqueue_indirect_dma source(%dma_start3A_55 : memref<10240x64xf32, #tpu.memory_space<hbm>>) target(%arg9 : memref<128x64xf32, #tpu.memory_space<vmem>>) offsets(%dma_start3A_52 : memref<128xi32, #tpu.memory_space<vmem>>) semaphore(%arg12 : memref<!tpu.dma_semaphore, #tpu.memory_space<semaphore_mem>>)
      %dma_wait3A_56 = arith.constant 0 : i32
      %dma_wait3A_57 = tpu.memref_slice %arg7[%add3A_34, %dma_wait3A_56] : memref<158x128xi32, #tpu.memory_space<vmem>> -> memref<1x128xi32, #tpu.memory_space<vmem>>
      %dma_wait3A_58 = tpu.memref_squeeze %dma_wait3A_57 : memref<1x128xi32, #tpu.memory_space<vmem>> -> memref<128xi32, #tpu.memory_space<vmem>>
      %dma_wait3A_59 = arith.constant 0 : i32
      %dma_wait3A_60 = arith.constant 0 : i32
      %dma_wait3A_61 = tpu.memref_slice %arg2[%dma_wait3A_59, %dma_wait3A_60] : memref<10240x64xf32, #tpu.memory_space<hbm>> -> memref<10240x64xf32, #tpu.memory_space<hbm>>
      tpu.wait_indirect_dma semaphore(%arg13 : memref<!tpu.dma_semaphore, #tpu.memory_space<semaphore_mem>>) src(%dma_wait3A_61 : memref<10240x64xf32, #tpu.memory_space<hbm>>) dst(%arg10 : memref<128x64xf32, #tpu.memory_space<vmem>>)
      "tpu.region"() ({
        %run_scoped3A = tpu.sem_alloc : memref<!tpu.dma_semaphore, #tpu.memory_space<semaphore_mem>>
        %dma_start3A_62 = arith.constant 0 : i32
        %dma_start3A_63 = tpu.memref_slice %arg8[%add3A_34, %dma_start3A_62] : memref<158x128xi32, #tpu.memory_space<vmem>> -> memref<1x128xi32, #tpu.memory_space<vmem>>
        %dma_start3A_64 = tpu.memref_squeeze %dma_start3A_63 : memref<1x128xi32, #tpu.memory_space<vmem>> -> memref<128xi32, #tpu.memory_space<vmem>>
        %dma_start3A_65 = arith.constant 0 : i32
        %dma_start3A_66 = arith.constant 0 : i32
        %dma_start3A_67 = tpu.memref_slice %arg11[%dma_start3A_65, %dma_start3A_66] : memref<10240x64xf32, #tpu.memory_space<vmem_shared>> -> memref<10240x64xf32, #tpu.memory_space<vmem_shared>>
        tpu.enqueue_indirect_dma source(%arg10 : memref<128x64xf32, #tpu.memory_space<vmem>>) target(%dma_start3A_67 : memref<10240x64xf32, #tpu.memory_space<vmem_shared>>) offsets(%dma_start3A_64 : memref<128xi32, #tpu.memory_space<vmem>>) semaphore(%run_scoped3A : memref<!tpu.dma_semaphore, #tpu.memory_space<semaphore_mem>>) {add = true}
        %dma_wait3A_68 = arith.constant 0 : i32
        %dma_wait3A_69 = tpu.memref_slice %arg8[%add3A_34, %dma_wait3A_68] : memref<158x128xi32, #tpu.memory_space<vmem>> -> memref<1x128xi32, #tpu.memory_space<vmem>>
        %dma_wait3A_70 = tpu.memref_squeeze %dma_wait3A_69 : memref<1x128xi32, #tpu.memory_space<vmem>> -> memref<128xi32, #tpu.memory_space<vmem>>
        %dma_wait3A_71 = arith.constant 0 : i32
        %dma_wait3A_72 = arith.constant 0 : i32
        %dma_wait3A_73 = tpu.memref_slice %arg11[%dma_wait3A_71, %dma_wait3A_72] : memref<10240x64xf32, #tpu.memory_space<vmem_shared>> -> memref<10240x64xf32, #tpu.memory_space<vmem_shared>>
        tpu.wait_indirect_dma semaphore(%run_scoped3A : memref<!tpu.dma_semaphore, #tpu.memory_space<semaphore_mem>>) src(%arg10 : memref<128x64xf32, #tpu.memory_space<vmem>>) dst(%dma_wait3A_73 : memref<10240x64xf32, #tpu.memory_space<vmem_shared>>)
        tpu.yield
      }) : () -> ()
    }
    %scan3A_13 = arith.constant 79 : i32
    %dma_wait3A = arith.constant 0 : i32
    %dma_wait3A_14 = arith.constant 0 : i32
    %dma_wait3A_15 = tpu.memref_slice %arg7[%dma_wait3A, %dma_wait3A_14] : memref<158x128xi32, #tpu.memory_space<vmem>> -> memref<1x128xi32, #tpu.memory_space<vmem>>
    %dma_wait3A_16 = tpu.memref_squeeze %dma_wait3A_15 : memref<1x128xi32, #tpu.memory_space<vmem>> -> memref<128xi32, #tpu.memory_space<vmem>>
    %dma_wait3A_17 = arith.constant 0 : i32
    %dma_wait3A_18 = arith.constant 0 : i32
    %dma_wait3A_19 = tpu.memref_slice %arg2[%dma_wait3A_17, %dma_wait3A_18] : memref<10240x64xf32, #tpu.memory_space<hbm>> -> memref<10240x64xf32, #tpu.memory_space<hbm>>
    tpu.wait_indirect_dma semaphore(%arg12 : memref<!tpu.dma_semaphore, #tpu.memory_space<semaphore_mem>>) src(%dma_wait3A_19 : memref<10240x64xf32, #tpu.memory_space<hbm>>) dst(%arg9 : memref<128x64xf32, #tpu.memory_space<vmem>>)
    %barrier3A_20 = arith.constant 0 : index
    tpu.barrier barrier_id(%barrier3A_20)
    %mul3A_21 = arith.constant 640 : i32
    %mul3A_22 = arith.muli %arg1, %mul3A_21 : i32
    %mul3A_23 = arith.constant 10240 : i32
    %mul3A_24 = arith.muli %arg0, %mul3A_23 : i32
    %mul3A_25 = arith.constant 640 : i32
    %mul3A_26 = arith.muli %arg1, %mul3A_25 : i32
    %add3A_27 = arith.addi %mul3A_24, %mul3A_26 : i32
    "tpu.region"() ({
      %run_scoped3A = tpu.sem_alloc : memref<!tpu.dma_semaphore, #tpu.memory_space<semaphore_mem>>
      %dma_start3A_28 = arith.constant 0 : i32
      %dma_start3A_29 = tpu.memref_slice %arg6[%add3A_27, %dma_start3A_28] : memref<20480x64xf32, #tpu.memory_space<hbm>> -> memref<640x64xf32, #tpu.memory_space<hbm>>
      %dma_start3A_30 = arith.constant 0 : i32
      %dma_start3A_31 = tpu.memref_slice %arg11[%mul3A_22, %dma_start3A_30] : memref<10240x64xf32, #tpu.memory_space<vmem_shared>> -> memref<640x64xf32, #tpu.memory_space<vmem_shared>>
      tpu.enqueue_dma source(%dma_start3A_31 : memref<640x64xf32, #tpu.memory_space<vmem_shared>>) target(%dma_start3A_29 : memref<640x64xf32, #tpu.memory_space<hbm>>) target_semaphore(%run_scoped3A : memref<!tpu.dma_semaphore, #tpu.memory_space<semaphore_mem>>)
      %dma_wait3A_32 = arith.constant 0 : i32
      %dma_wait3A_33 = tpu.memref_slice %arg6[%add3A_27, %dma_wait3A_32] : memref<20480x64xf32, #tpu.memory_space<hbm>> -> memref<640x64xf32, #tpu.memory_space<hbm>>
      %dma_wait3A_34 = arith.constant 0 : i32
      %dma_wait3A_35 = tpu.memref_slice %arg11[%mul3A_22, %dma_wait3A_34] : memref<10240x64xf32, #tpu.memory_space<vmem_shared>> -> memref<640x64xf32, #tpu.memory_space<vmem_shared>>
      tpu.wait_dma2 semaphore(%run_scoped3A : memref<!tpu.dma_semaphore, #tpu.memory_space<semaphore_mem>>) src(%dma_wait3A_35 : memref<640x64xf32, #tpu.memory_space<vmem_shared>>) dst(%dma_wait3A_33 : memref<640x64xf32, #tpu.memory_space<hbm>>)
      tpu.yield
    }) : () -> ()
    return
  }
}

#map = affine_map<(d0, d1) -> (0, 0)>
#map1 = affine_map<(d0, d1) -> (0, 0, 0)>
module attributes {stable_mosaic.version = 14 : i64} {
  func.func @sc_messages(%arg0: i32, %arg1: i32, %arg2: memref<10240x64xf32, #tpu.memory_space<hbm>>, %arg3: memref<32x158x128xi32, #tpu.memory_space<hbm>>, %arg4: memref<32x158x128xi32, #tpu.memory_space<hbm>>, %arg5: memref<640x64xf32, #tpu.memory_space<hbm>>, %arg6: memref<20480x64xf32, #tpu.memory_space<hbm>>, %arg7: memref<158x128xi32, #tpu.memory_space<vmem>>, %arg8: memref<158x128xi32, #tpu.memory_space<vmem>>, %arg9: memref<128x64xf32, #tpu.memory_space<vmem>>, %arg10: memref<128x64xf32, #tpu.memory_space<vmem>>, %arg11: memref<10240x64xf32, #tpu.memory_space<vmem_shared>>, %arg12: memref<!tpu.dma_semaphore, #tpu.memory_space<semaphore_mem>>, %arg13: memref<!tpu.dma_semaphore, #tpu.memory_space<semaphore_mem>>) attributes {dimension_semantics = [#tpu.dimension_semantics<core_parallel>, #tpu.dimension_semantics<subcore_parallel>], iteration_bounds = array<i64: 2, 16>, scalar_prefetch = 0 : i64, scratch_operands = 7 : i64, tpu.core_type = #tpu.core_type<sc_vector_subcore>, window_params = [{transform_indices = #map}, {transform_indices = #map1}, {transform_indices = #map1}, {transform_indices = #map}, {transform_indices = #map}]} {
    %mul3A = arith.constant 16 : i32
    %mul3A_0 = arith.muli %arg0, %mul3A : i32
    %add3A = arith.addi %mul3A_0, %arg1 : i32
    %mul3A_1 = arith.constant 640 : i32
    %mul3A_2 = arith.muli %arg1, %mul3A_1 : i32
    "tpu.region"() ({
      %run_scoped3A = tpu.sem_alloc : memref<!tpu.dma_semaphore, #tpu.memory_space<semaphore_mem>>
      %dma_start3A_28 = arith.constant 0 : i32
      %dma_start3A_29 = tpu.memref_slice %arg11[%mul3A_2, %dma_start3A_28] : memref<10240x64xf32, #tpu.memory_space<vmem_shared>> -> memref<640x64xf32, #tpu.memory_space<vmem_shared>>
      tpu.enqueue_dma source(%arg5 : memref<640x64xf32, #tpu.memory_space<hbm>>) target(%dma_start3A_29 : memref<640x64xf32, #tpu.memory_space<vmem_shared>>) target_semaphore(%run_scoped3A : memref<!tpu.dma_semaphore, #tpu.memory_space<semaphore_mem>>)
      %dma_wait3A_30 = arith.constant 0 : i32
      %dma_wait3A_31 = tpu.memref_slice %arg11[%mul3A_2, %dma_wait3A_30] : memref<10240x64xf32, #tpu.memory_space<vmem_shared>> -> memref<640x64xf32, #tpu.memory_space<vmem_shared>>
      tpu.wait_dma2 semaphore(%run_scoped3A : memref<!tpu.dma_semaphore, #tpu.memory_space<semaphore_mem>>) src(%arg5 : memref<640x64xf32, #tpu.memory_space<hbm>>) dst(%dma_wait3A_31 : memref<640x64xf32, #tpu.memory_space<vmem_shared>>)
      tpu.yield
    }) : () -> ()
    "tpu.region"() ({
      %run_scoped3A = tpu.sem_alloc : memref<!tpu.dma_semaphore, #tpu.memory_space<semaphore_mem>>
      %dma_start3A_28 = arith.constant 0 : i32
      %dma_start3A_29 = arith.constant 0 : i32
      %dma_start3A_30 = tpu.memref_slice %arg3[%add3A, %dma_start3A_28, %dma_start3A_29] : memref<32x158x128xi32, #tpu.memory_space<hbm>> -> memref<1x158x128xi32, #tpu.memory_space<hbm>>
      %dma_start3A_31 = tpu.memref_squeeze %dma_start3A_30 : memref<1x158x128xi32, #tpu.memory_space<hbm>> -> memref<158x128xi32, #tpu.memory_space<hbm>>
      %dma_start3A_32 = arith.constant 0 : i32
      %dma_start3A_33 = arith.constant 0 : i32
      %dma_start3A_34 = tpu.memref_slice %arg3[%add3A, %dma_start3A_32, %dma_start3A_33] : memref<32x158x128xi32, #tpu.memory_space<hbm>> -> memref<1x158x128xi32, #tpu.memory_space<hbm>>
      %dma_start3A_35 = tpu.memref_squeeze %dma_start3A_34 : memref<1x158x128xi32, #tpu.memory_space<hbm>> -> memref<158x128xi32, #tpu.memory_space<hbm>>
      tpu.enqueue_dma source(%dma_start3A_35 : memref<158x128xi32, #tpu.memory_space<hbm>>) target(%arg7 : memref<158x128xi32, #tpu.memory_space<vmem>>) target_semaphore(%run_scoped3A : memref<!tpu.dma_semaphore, #tpu.memory_space<semaphore_mem>>)
      %dma_wait3A_36 = arith.constant 0 : i32
      %dma_wait3A_37 = arith.constant 0 : i32
      %dma_wait3A_38 = tpu.memref_slice %arg3[%add3A, %dma_wait3A_36, %dma_wait3A_37] : memref<32x158x128xi32, #tpu.memory_space<hbm>> -> memref<1x158x128xi32, #tpu.memory_space<hbm>>
      %dma_wait3A_39 = tpu.memref_squeeze %dma_wait3A_38 : memref<1x158x128xi32, #tpu.memory_space<hbm>> -> memref<158x128xi32, #tpu.memory_space<hbm>>
      %dma_wait3A_40 = arith.constant 0 : i32
      %dma_wait3A_41 = arith.constant 0 : i32
      %dma_wait3A_42 = tpu.memref_slice %arg3[%add3A, %dma_wait3A_40, %dma_wait3A_41] : memref<32x158x128xi32, #tpu.memory_space<hbm>> -> memref<1x158x128xi32, #tpu.memory_space<hbm>>
      %dma_wait3A_43 = tpu.memref_squeeze %dma_wait3A_42 : memref<1x158x128xi32, #tpu.memory_space<hbm>> -> memref<158x128xi32, #tpu.memory_space<hbm>>
      tpu.wait_dma2 semaphore(%run_scoped3A : memref<!tpu.dma_semaphore, #tpu.memory_space<semaphore_mem>>) src(%dma_wait3A_43 : memref<158x128xi32, #tpu.memory_space<hbm>>) dst(%arg7 : memref<158x128xi32, #tpu.memory_space<vmem>>)
      tpu.yield
    }) : () -> ()
    "tpu.region"() ({
      %run_scoped3A = tpu.sem_alloc : memref<!tpu.dma_semaphore, #tpu.memory_space<semaphore_mem>>
      %dma_start3A_28 = arith.constant 0 : i32
      %dma_start3A_29 = arith.constant 0 : i32
      %dma_start3A_30 = tpu.memref_slice %arg4[%add3A, %dma_start3A_28, %dma_start3A_29] : memref<32x158x128xi32, #tpu.memory_space<hbm>> -> memref<1x158x128xi32, #tpu.memory_space<hbm>>
      %dma_start3A_31 = tpu.memref_squeeze %dma_start3A_30 : memref<1x158x128xi32, #tpu.memory_space<hbm>> -> memref<158x128xi32, #tpu.memory_space<hbm>>
      %dma_start3A_32 = arith.constant 0 : i32
      %dma_start3A_33 = arith.constant 0 : i32
      %dma_start3A_34 = tpu.memref_slice %arg4[%add3A, %dma_start3A_32, %dma_start3A_33] : memref<32x158x128xi32, #tpu.memory_space<hbm>> -> memref<1x158x128xi32, #tpu.memory_space<hbm>>
      %dma_start3A_35 = tpu.memref_squeeze %dma_start3A_34 : memref<1x158x128xi32, #tpu.memory_space<hbm>> -> memref<158x128xi32, #tpu.memory_space<hbm>>
      tpu.enqueue_dma source(%dma_start3A_35 : memref<158x128xi32, #tpu.memory_space<hbm>>) target(%arg8 : memref<158x128xi32, #tpu.memory_space<vmem>>) target_semaphore(%run_scoped3A : memref<!tpu.dma_semaphore, #tpu.memory_space<semaphore_mem>>)
      %dma_wait3A_36 = arith.constant 0 : i32
      %dma_wait3A_37 = arith.constant 0 : i32
      %dma_wait3A_38 = tpu.memref_slice %arg4[%add3A, %dma_wait3A_36, %dma_wait3A_37] : memref<32x158x128xi32, #tpu.memory_space<hbm>> -> memref<1x158x128xi32, #tpu.memory_space<hbm>>
      %dma_wait3A_39 = tpu.memref_squeeze %dma_wait3A_38 : memref<1x158x128xi32, #tpu.memory_space<hbm>> -> memref<158x128xi32, #tpu.memory_space<hbm>>
      %dma_wait3A_40 = arith.constant 0 : i32
      %dma_wait3A_41 = arith.constant 0 : i32
      %dma_wait3A_42 = tpu.memref_slice %arg4[%add3A, %dma_wait3A_40, %dma_wait3A_41] : memref<32x158x128xi32, #tpu.memory_space<hbm>> -> memref<1x158x128xi32, #tpu.memory_space<hbm>>
      %dma_wait3A_43 = tpu.memref_squeeze %dma_wait3A_42 : memref<1x158x128xi32, #tpu.memory_space<hbm>> -> memref<158x128xi32, #tpu.memory_space<hbm>>
      tpu.wait_dma2 semaphore(%run_scoped3A : memref<!tpu.dma_semaphore, #tpu.memory_space<semaphore_mem>>) src(%dma_wait3A_43 : memref<158x128xi32, #tpu.memory_space<hbm>>) dst(%arg8 : memref<158x128xi32, #tpu.memory_space<vmem>>)
      tpu.yield
    }) : () -> ()
    %barrier3A = arith.constant 0 : index
    tpu.barrier barrier_id(%barrier3A)
    %dma_start3A = arith.constant 0 : i32
    %dma_start3A_3 = arith.constant 0 : i32
    %dma_start3A_4 = tpu.memref_slice %arg7[%dma_start3A, %dma_start3A_3] : memref<158x128xi32, #tpu.memory_space<vmem>> -> memref<1x128xi32, #tpu.memory_space<vmem>>
    %dma_start3A_5 = tpu.memref_squeeze %dma_start3A_4 : memref<1x128xi32, #tpu.memory_space<vmem>> -> memref<128xi32, #tpu.memory_space<vmem>>
    %dma_start3A_6 = arith.constant 0 : i32
    %dma_start3A_7 = arith.constant 0 : i32
    %dma_start3A_8 = tpu.memref_slice %arg2[%dma_start3A_6, %dma_start3A_7] : memref<10240x64xf32, #tpu.memory_space<hbm>> -> memref<10240x64xf32, #tpu.memory_space<hbm>>
    tpu.enqueue_indirect_dma source(%dma_start3A_8 : memref<10240x64xf32, #tpu.memory_space<hbm>>) target(%arg9 : memref<128x64xf32, #tpu.memory_space<vmem>>) offsets(%dma_start3A_5 : memref<128xi32, #tpu.memory_space<vmem>>) semaphore(%arg12 : memref<!tpu.dma_semaphore, #tpu.memory_space<semaphore_mem>>)
    %scan3A = arith.constant 0 : i32
    %scan3A_9 = arith.constant 0 : i32
    %scan3A_10 = arith.constant 79 : i32
    %scan3A_11 = arith.addi %scan3A_9, %scan3A_10 : i32
    %scan3A_12 = arith.constant 1 : i32
    scf.for %scan3A_28 = %scan3A_9 to %scan3A_11 step %scan3A_12  : i32 {
      %mul3A_29 = arith.constant 2 : i32
      %mul3A_30 = arith.muli %mul3A_29, %scan3A_28 : i32
      %mul3A_31 = arith.constant 2 : i32
      %mul3A_32 = arith.muli %mul3A_31, %scan3A_28 : i32
      %add3A_33 = arith.constant 1 : i32
      %add3A_34 = arith.addi %mul3A_32, %add3A_33 : i32
      %add3A_35 = arith.constant 1 : i32
      %add3A_36 = arith.addi %add3A_34, %add3A_35 : i32
      %rem3A = arith.constant 158 : i32
      %rem3A_37 = arith.remsi %add3A_36, %rem3A : i32
      %dma_start3A_38 = arith.constant 0 : i32
      %dma_start3A_39 = tpu.memref_slice %arg7[%add3A_34, %dma_start3A_38] : memref<158x128xi32, #tpu.memory_space<vmem>> -> memref<1x128xi32, #tpu.memory_space<vmem>>
      %dma_start3A_40 = tpu.memref_squeeze %dma_start3A_39 : memref<1x128xi32, #tpu.memory_space<vmem>> -> memref<128xi32, #tpu.memory_space<vmem>>
      %dma_start3A_41 = arith.constant 0 : i32
      %dma_start3A_42 = arith.constant 0 : i32
      %dma_start3A_43 = tpu.memref_slice %arg2[%dma_start3A_41, %dma_start3A_42] : memref<10240x64xf32, #tpu.memory_space<hbm>> -> memref<10240x64xf32, #tpu.memory_space<hbm>>
      tpu.enqueue_indirect_dma source(%dma_start3A_43 : memref<10240x64xf32, #tpu.memory_space<hbm>>) target(%arg10 : memref<128x64xf32, #tpu.memory_space<vmem>>) offsets(%dma_start3A_40 : memref<128xi32, #tpu.memory_space<vmem>>) semaphore(%arg13 : memref<!tpu.dma_semaphore, #tpu.memory_space<semaphore_mem>>)
      %dma_wait3A_44 = arith.constant 0 : i32
      %dma_wait3A_45 = tpu.memref_slice %arg7[%mul3A_30, %dma_wait3A_44] : memref<158x128xi32, #tpu.memory_space<vmem>> -> memref<1x128xi32, #tpu.memory_space<vmem>>
      %dma_wait3A_46 = tpu.memref_squeeze %dma_wait3A_45 : memref<1x128xi32, #tpu.memory_space<vmem>> -> memref<128xi32, #tpu.memory_space<vmem>>
      %dma_wait3A_47 = arith.constant 0 : i32
      %dma_wait3A_48 = arith.constant 0 : i32
      %dma_wait3A_49 = tpu.memref_slice %arg2[%dma_wait3A_47, %dma_wait3A_48] : memref<10240x64xf32, #tpu.memory_space<hbm>> -> memref<10240x64xf32, #tpu.memory_space<hbm>>
      tpu.wait_indirect_dma semaphore(%arg12 : memref<!tpu.dma_semaphore, #tpu.memory_space<semaphore_mem>>) src(%dma_wait3A_49 : memref<10240x64xf32, #tpu.memory_space<hbm>>) dst(%arg9 : memref<128x64xf32, #tpu.memory_space<vmem>>)
      "tpu.region"() ({
        %run_scoped3A = tpu.sem_alloc : memref<!tpu.dma_semaphore, #tpu.memory_space<semaphore_mem>>
        %dma_start3A_62 = arith.constant 0 : i32
        %dma_start3A_63 = tpu.memref_slice %arg8[%mul3A_30, %dma_start3A_62] : memref<158x128xi32, #tpu.memory_space<vmem>> -> memref<1x128xi32, #tpu.memory_space<vmem>>
        %dma_start3A_64 = tpu.memref_squeeze %dma_start3A_63 : memref<1x128xi32, #tpu.memory_space<vmem>> -> memref<128xi32, #tpu.memory_space<vmem>>
        %dma_start3A_65 = arith.constant 0 : i32
        %dma_start3A_66 = arith.constant 0 : i32
        %dma_start3A_67 = tpu.memref_slice %arg11[%dma_start3A_65, %dma_start3A_66] : memref<10240x64xf32, #tpu.memory_space<vmem_shared>> -> memref<10240x64xf32, #tpu.memory_space<vmem_shared>>
        tpu.enqueue_indirect_dma source(%arg9 : memref<128x64xf32, #tpu.memory_space<vmem>>) target(%dma_start3A_67 : memref<10240x64xf32, #tpu.memory_space<vmem_shared>>) offsets(%dma_start3A_64 : memref<128xi32, #tpu.memory_space<vmem>>) semaphore(%run_scoped3A : memref<!tpu.dma_semaphore, #tpu.memory_space<semaphore_mem>>) {add = true}
        %dma_wait3A_68 = arith.constant 0 : i32
        %dma_wait3A_69 = tpu.memref_slice %arg8[%mul3A_30, %dma_wait3A_68] : memref<158x128xi32, #tpu.memory_space<vmem>> -> memref<1x128xi32, #tpu.memory_space<vmem>>
        %dma_wait3A_70 = tpu.memref_squeeze %dma_wait3A_69 : memref<1x128xi32, #tpu.memory_space<vmem>> -> memref<128xi32, #tpu.memory_space<vmem>>
        %dma_wait3A_71 = arith.constant 0 : i32
        %dma_wait3A_72 = arith.constant 0 : i32
        %dma_wait3A_73 = tpu.memref_slice %arg11[%dma_wait3A_71, %dma_wait3A_72] : memref<10240x64xf32, #tpu.memory_space<vmem_shared>> -> memref<10240x64xf32, #tpu.memory_space<vmem_shared>>
        tpu.wait_indirect_dma semaphore(%run_scoped3A : memref<!tpu.dma_semaphore, #tpu.memory_space<semaphore_mem>>) src(%arg9 : memref<128x64xf32, #tpu.memory_space<vmem>>) dst(%dma_wait3A_73 : memref<10240x64xf32, #tpu.memory_space<vmem_shared>>)
        tpu.yield
      }) : () -> ()
      %dma_start3A_50 = arith.constant 0 : i32
      %dma_start3A_51 = tpu.memref_slice %arg7[%rem3A_37, %dma_start3A_50] : memref<158x128xi32, #tpu.memory_space<vmem>> -> memref<1x128xi32, #tpu.memory_space<vmem>>
      %dma_start3A_52 = tpu.memref_squeeze %dma_start3A_51 : memref<1x128xi32, #tpu.memory_space<vmem>> -> memref<128xi32, #tpu.memory_space<vmem>>
      %dma_start3A_53 = arith.constant 0 : i32
      %dma_start3A_54 = arith.constant 0 : i32
      %dma_start3A_55 = tpu.memref_slice %arg2[%dma_start3A_53, %dma_start3A_54] : memref<10240x64xf32, #tpu.memory_space<hbm>> -> memref<10240x64xf32, #tpu.memory_space<hbm>>
      tpu.enqueue_indirect_dma source(%dma_start3A_55 : memref<10240x64xf32, #tpu.memory_space<hbm>>) target(%arg9 : memref<128x64xf32, #tpu.memory_space<vmem>>) offsets(%dma_start3A_52 : memref<128xi32, #tpu.memory_space<vmem>>) semaphore(%arg12 : memref<!tpu.dma_semaphore, #tpu.memory_space<semaphore_mem>>)
      %dma_wait3A_56 = arith.constant 0 : i32
      %dma_wait3A_57 = tpu.memref_slice %arg7[%add3A_34, %dma_wait3A_56] : memref<158x128xi32, #tpu.memory_space<vmem>> -> memref<1x128xi32, #tpu.memory_space<vmem>>
      %dma_wait3A_58 = tpu.memref_squeeze %dma_wait3A_57 : memref<1x128xi32, #tpu.memory_space<vmem>> -> memref<128xi32, #tpu.memory_space<vmem>>
      %dma_wait3A_59 = arith.constant 0 : i32
      %dma_wait3A_60 = arith.constant 0 : i32
      %dma_wait3A_61 = tpu.memref_slice %arg2[%dma_wait3A_59, %dma_wait3A_60] : memref<10240x64xf32, #tpu.memory_space<hbm>> -> memref<10240x64xf32, #tpu.memory_space<hbm>>
      tpu.wait_indirect_dma semaphore(%arg13 : memref<!tpu.dma_semaphore, #tpu.memory_space<semaphore_mem>>) src(%dma_wait3A_61 : memref<10240x64xf32, #tpu.memory_space<hbm>>) dst(%arg10 : memref<128x64xf32, #tpu.memory_space<vmem>>)
      "tpu.region"() ({
        %run_scoped3A = tpu.sem_alloc : memref<!tpu.dma_semaphore, #tpu.memory_space<semaphore_mem>>
        %dma_start3A_62 = arith.constant 0 : i32
        %dma_start3A_63 = tpu.memref_slice %arg8[%add3A_34, %dma_start3A_62] : memref<158x128xi32, #tpu.memory_space<vmem>> -> memref<1x128xi32, #tpu.memory_space<vmem>>
        %dma_start3A_64 = tpu.memref_squeeze %dma_start3A_63 : memref<1x128xi32, #tpu.memory_space<vmem>> -> memref<128xi32, #tpu.memory_space<vmem>>
        %dma_start3A_65 = arith.constant 0 : i32
        %dma_start3A_66 = arith.constant 0 : i32
        %dma_start3A_67 = tpu.memref_slice %arg11[%dma_start3A_65, %dma_start3A_66] : memref<10240x64xf32, #tpu.memory_space<vmem_shared>> -> memref<10240x64xf32, #tpu.memory_space<vmem_shared>>
        tpu.enqueue_indirect_dma source(%arg10 : memref<128x64xf32, #tpu.memory_space<vmem>>) target(%dma_start3A_67 : memref<10240x64xf32, #tpu.memory_space<vmem_shared>>) offsets(%dma_start3A_64 : memref<128xi32, #tpu.memory_space<vmem>>) semaphore(%run_scoped3A : memref<!tpu.dma_semaphore, #tpu.memory_space<semaphore_mem>>) {add = true}
        %dma_wait3A_68 = arith.constant 0 : i32
        %dma_wait3A_69 = tpu.memref_slice %arg8[%add3A_34, %dma_wait3A_68] : memref<158x128xi32, #tpu.memory_space<vmem>> -> memref<1x128xi32, #tpu.memory_space<vmem>>
        %dma_wait3A_70 = tpu.memref_squeeze %dma_wait3A_69 : memref<1x128xi32, #tpu.memory_space<vmem>> -> memref<128xi32, #tpu.memory_space<vmem>>
        %dma_wait3A_71 = arith.constant 0 : i32
        %dma_wait3A_72 = arith.constant 0 : i32
        %dma_wait3A_73 = tpu.memref_slice %arg11[%dma_wait3A_71, %dma_wait3A_72] : memref<10240x64xf32, #tpu.memory_space<vmem_shared>> -> memref<10240x64xf32, #tpu.memory_space<vmem_shared>>
        tpu.wait_indirect_dma semaphore(%run_scoped3A : memref<!tpu.dma_semaphore, #tpu.memory_space<semaphore_mem>>) src(%arg10 : memref<128x64xf32, #tpu.memory_space<vmem>>) dst(%dma_wait3A_73 : memref<10240x64xf32, #tpu.memory_space<vmem_shared>>)
        tpu.yield
      }) : () -> ()
    }
    %scan3A_13 = arith.constant 79 : i32
    %dma_wait3A = arith.constant 0 : i32
    %dma_wait3A_14 = arith.constant 0 : i32
    %dma_wait3A_15 = tpu.memref_slice %arg7[%dma_wait3A, %dma_wait3A_14] : memref<158x128xi32, #tpu.memory_space<vmem>> -> memref<1x128xi32, #tpu.memory_space<vmem>>
    %dma_wait3A_16 = tpu.memref_squeeze %dma_wait3A_15 : memref<1x128xi32, #tpu.memory_space<vmem>> -> memref<128xi32, #tpu.memory_space<vmem>>
    %dma_wait3A_17 = arith.constant 0 : i32
    %dma_wait3A_18 = arith.constant 0 : i32
    %dma_wait3A_19 = tpu.memref_slice %arg2[%dma_wait3A_17, %dma_wait3A_18] : memref<10240x64xf32, #tpu.memory_space<hbm>> -> memref<10240x64xf32, #tpu.memory_space<hbm>>
    tpu.wait_indirect_dma semaphore(%arg12 : memref<!tpu.dma_semaphore, #tpu.memory_space<semaphore_mem>>) src(%dma_wait3A_19 : memref<10240x64xf32, #tpu.memory_space<hbm>>) dst(%arg9 : memref<128x64xf32, #tpu.memory_space<vmem>>)
    %barrier3A_20 = arith.constant 0 : index
    tpu.barrier barrier_id(%barrier3A_20)
    %mul3A_21 = arith.constant 640 : i32
    %mul3A_22 = arith.muli %arg1, %mul3A_21 : i32
    %mul3A_23 = arith.constant 10240 : i32
    %mul3A_24 = arith.muli %arg0, %mul3A_23 : i32
    %mul3A_25 = arith.constant 640 : i32
    %mul3A_26 = arith.muli %arg1, %mul3A_25 : i32
    %add3A_27 = arith.addi %mul3A_24, %mul3A_26 : i32
    "tpu.region"() ({
      %run_scoped3A = tpu.sem_alloc : memref<!tpu.dma_semaphore, #tpu.memory_space<semaphore_mem>>
      %dma_start3A_28 = arith.constant 0 : i32
      %dma_start3A_29 = tpu.memref_slice %arg6[%add3A_27, %dma_start3A_28] : memref<20480x64xf32, #tpu.memory_space<hbm>> -> memref<640x64xf32, #tpu.memory_space<hbm>>
      %dma_start3A_30 = arith.constant 0 : i32
      %dma_start3A_31 = tpu.memref_slice %arg11[%mul3A_22, %dma_start3A_30] : memref<10240x64xf32, #tpu.memory_space<vmem_shared>> -> memref<640x64xf32, #tpu.memory_space<vmem_shared>>
      tpu.enqueue_dma source(%dma_start3A_31 : memref<640x64xf32, #tpu.memory_space<vmem_shared>>) target(%dma_start3A_29 : memref<640x64xf32, #tpu.memory_space<hbm>>) target_semaphore(%run_scoped3A : memref<!tpu.dma_semaphore, #tpu.memory_space<semaphore_mem>>)
      %dma_wait3A_32 = arith.constant 0 : i32
      %dma_wait3A_33 = tpu.memref_slice %arg6[%add3A_27, %dma_wait3A_32] : memref<20480x64xf32, #tpu.memory_space<hbm>> -> memref<640x64xf32, #tpu.memory_space<hbm>>
      %dma_wait3A_34 = arith.constant 0 : i32
      %dma_wait3A_35 = tpu.memref_slice %arg11[%mul3A_22, %dma_wait3A_34] : memref<10240x64xf32, #tpu.memory_space<vmem_shared>> -> memref<640x64xf32, #tpu.memory_space<vmem_shared>>
      tpu.wait_dma2 semaphore(%run_scoped3A : memref<!tpu.dma_semaphore, #tpu.memory_space<semaphore_mem>>) src(%dma_wait3A_35 : memref<640x64xf32, #tpu.memory_space<vmem_shared>>) dst(%dma_wait3A_33 : memref<640x64xf32, #tpu.memory_space<hbm>>)
      tpu.yield
    }) : () -> ()
    return
  }
}

#map = affine_map<(d0, d1) -> (0, 0)>
#map1 = affine_map<(d0, d1) -> (0, 0, 0)>
module attributes {stable_mosaic.version = 14 : i64} {
  func.func @sc_messages(%arg0: i32, %arg1: i32, %arg2: memref<10240x64xf32, #tpu.memory_space<hbm>>, %arg3: memref<32x158x128xi32, #tpu.memory_space<hbm>>, %arg4: memref<32x158x128xi32, #tpu.memory_space<hbm>>, %arg5: memref<640x64xf32, #tpu.memory_space<hbm>>, %arg6: memref<20480x64xf32, #tpu.memory_space<hbm>>, %arg7: memref<158x128xi32, #tpu.memory_space<vmem>>, %arg8: memref<158x128xi32, #tpu.memory_space<vmem>>, %arg9: memref<128x64xf32, #tpu.memory_space<vmem>>, %arg10: memref<128x64xf32, #tpu.memory_space<vmem>>, %arg11: memref<10240x64xf32, #tpu.memory_space<vmem_shared>>, %arg12: memref<!tpu.dma_semaphore, #tpu.memory_space<semaphore_mem>>, %arg13: memref<!tpu.dma_semaphore, #tpu.memory_space<semaphore_mem>>) attributes {dimension_semantics = [#tpu.dimension_semantics<core_parallel>, #tpu.dimension_semantics<subcore_parallel>], iteration_bounds = array<i64: 2, 16>, scalar_prefetch = 0 : i64, scratch_operands = 7 : i64, tpu.core_type = #tpu.core_type<sc_vector_subcore>, window_params = [{transform_indices = #map}, {transform_indices = #map1}, {transform_indices = #map1}, {transform_indices = #map}, {transform_indices = #map}]} {
    %mul3A = arith.constant 16 : i32
    %mul3A_0 = arith.muli %arg0, %mul3A : i32
    %add3A = arith.addi %mul3A_0, %arg1 : i32
    %mul3A_1 = arith.constant 640 : i32
    %mul3A_2 = arith.muli %arg1, %mul3A_1 : i32
    "tpu.region"() ({
      %run_scoped3A = tpu.sem_alloc : memref<!tpu.dma_semaphore, #tpu.memory_space<semaphore_mem>>
      %dma_start3A_28 = arith.constant 0 : i32
      %dma_start3A_29 = tpu.memref_slice %arg11[%mul3A_2, %dma_start3A_28] : memref<10240x64xf32, #tpu.memory_space<vmem_shared>> -> memref<640x64xf32, #tpu.memory_space<vmem_shared>>
      tpu.enqueue_dma source(%arg5 : memref<640x64xf32, #tpu.memory_space<hbm>>) target(%dma_start3A_29 : memref<640x64xf32, #tpu.memory_space<vmem_shared>>) target_semaphore(%run_scoped3A : memref<!tpu.dma_semaphore, #tpu.memory_space<semaphore_mem>>)
      %dma_wait3A_30 = arith.constant 0 : i32
      %dma_wait3A_31 = tpu.memref_slice %arg11[%mul3A_2, %dma_wait3A_30] : memref<10240x64xf32, #tpu.memory_space<vmem_shared>> -> memref<640x64xf32, #tpu.memory_space<vmem_shared>>
      tpu.wait_dma2 semaphore(%run_scoped3A : memref<!tpu.dma_semaphore, #tpu.memory_space<semaphore_mem>>) src(%arg5 : memref<640x64xf32, #tpu.memory_space<hbm>>) dst(%dma_wait3A_31 : memref<640x64xf32, #tpu.memory_space<vmem_shared>>)
      tpu.yield
    }) : () -> ()
    "tpu.region"() ({
      %run_scoped3A = tpu.sem_alloc : memref<!tpu.dma_semaphore, #tpu.memory_space<semaphore_mem>>
      %dma_start3A_28 = arith.constant 0 : i32
      %dma_start3A_29 = arith.constant 0 : i32
      %dma_start3A_30 = tpu.memref_slice %arg3[%add3A, %dma_start3A_28, %dma_start3A_29] : memref<32x158x128xi32, #tpu.memory_space<hbm>> -> memref<1x158x128xi32, #tpu.memory_space<hbm>>
      %dma_start3A_31 = tpu.memref_squeeze %dma_start3A_30 : memref<1x158x128xi32, #tpu.memory_space<hbm>> -> memref<158x128xi32, #tpu.memory_space<hbm>>
      %dma_start3A_32 = arith.constant 0 : i32
      %dma_start3A_33 = arith.constant 0 : i32
      %dma_start3A_34 = tpu.memref_slice %arg3[%add3A, %dma_start3A_32, %dma_start3A_33] : memref<32x158x128xi32, #tpu.memory_space<hbm>> -> memref<1x158x128xi32, #tpu.memory_space<hbm>>
      %dma_start3A_35 = tpu.memref_squeeze %dma_start3A_34 : memref<1x158x128xi32, #tpu.memory_space<hbm>> -> memref<158x128xi32, #tpu.memory_space<hbm>>
      tpu.enqueue_dma source(%dma_start3A_35 : memref<158x128xi32, #tpu.memory_space<hbm>>) target(%arg7 : memref<158x128xi32, #tpu.memory_space<vmem>>) target_semaphore(%run_scoped3A : memref<!tpu.dma_semaphore, #tpu.memory_space<semaphore_mem>>)
      %dma_wait3A_36 = arith.constant 0 : i32
      %dma_wait3A_37 = arith.constant 0 : i32
      %dma_wait3A_38 = tpu.memref_slice %arg3[%add3A, %dma_wait3A_36, %dma_wait3A_37] : memref<32x158x128xi32, #tpu.memory_space<hbm>> -> memref<1x158x128xi32, #tpu.memory_space<hbm>>
      %dma_wait3A_39 = tpu.memref_squeeze %dma_wait3A_38 : memref<1x158x128xi32, #tpu.memory_space<hbm>> -> memref<158x128xi32, #tpu.memory_space<hbm>>
      %dma_wait3A_40 = arith.constant 0 : i32
      %dma_wait3A_41 = arith.constant 0 : i32
      %dma_wait3A_42 = tpu.memref_slice %arg3[%add3A, %dma_wait3A_40, %dma_wait3A_41] : memref<32x158x128xi32, #tpu.memory_space<hbm>> -> memref<1x158x128xi32, #tpu.memory_space<hbm>>
      %dma_wait3A_43 = tpu.memref_squeeze %dma_wait3A_42 : memref<1x158x128xi32, #tpu.memory_space<hbm>> -> memref<158x128xi32, #tpu.memory_space<hbm>>
      tpu.wait_dma2 semaphore(%run_scoped3A : memref<!tpu.dma_semaphore, #tpu.memory_space<semaphore_mem>>) src(%dma_wait3A_43 : memref<158x128xi32, #tpu.memory_space<hbm>>) dst(%arg7 : memref<158x128xi32, #tpu.memory_space<vmem>>)
      tpu.yield
    }) : () -> ()
    "tpu.region"() ({
      %run_scoped3A = tpu.sem_alloc : memref<!tpu.dma_semaphore, #tpu.memory_space<semaphore_mem>>
      %dma_start3A_28 = arith.constant 0 : i32
      %dma_start3A_29 = arith.constant 0 : i32
      %dma_start3A_30 = tpu.memref_slice %arg4[%add3A, %dma_start3A_28, %dma_start3A_29] : memref<32x158x128xi32, #tpu.memory_space<hbm>> -> memref<1x158x128xi32, #tpu.memory_space<hbm>>
      %dma_start3A_31 = tpu.memref_squeeze %dma_start3A_30 : memref<1x158x128xi32, #tpu.memory_space<hbm>> -> memref<158x128xi32, #tpu.memory_space<hbm>>
      %dma_start3A_32 = arith.constant 0 : i32
      %dma_start3A_33 = arith.constant 0 : i32
      %dma_start3A_34 = tpu.memref_slice %arg4[%add3A, %dma_start3A_32, %dma_start3A_33] : memref<32x158x128xi32, #tpu.memory_space<hbm>> -> memref<1x158x128xi32, #tpu.memory_space<hbm>>
      %dma_start3A_35 = tpu.memref_squeeze %dma_start3A_34 : memref<1x158x128xi32, #tpu.memory_space<hbm>> -> memref<158x128xi32, #tpu.memory_space<hbm>>
      tpu.enqueue_dma source(%dma_start3A_35 : memref<158x128xi32, #tpu.memory_space<hbm>>) target(%arg8 : memref<158x128xi32, #tpu.memory_space<vmem>>) target_semaphore(%run_scoped3A : memref<!tpu.dma_semaphore, #tpu.memory_space<semaphore_mem>>)
      %dma_wait3A_36 = arith.constant 0 : i32
      %dma_wait3A_37 = arith.constant 0 : i32
      %dma_wait3A_38 = tpu.memref_slice %arg4[%add3A, %dma_wait3A_36, %dma_wait3A_37] : memref<32x158x128xi32, #tpu.memory_space<hbm>> -> memref<1x158x128xi32, #tpu.memory_space<hbm>>
      %dma_wait3A_39 = tpu.memref_squeeze %dma_wait3A_38 : memref<1x158x128xi32, #tpu.memory_space<hbm>> -> memref<158x128xi32, #tpu.memory_space<hbm>>
      %dma_wait3A_40 = arith.constant 0 : i32
      %dma_wait3A_41 = arith.constant 0 : i32
      %dma_wait3A_42 = tpu.memref_slice %arg4[%add3A, %dma_wait3A_40, %dma_wait3A_41] : memref<32x158x128xi32, #tpu.memory_space<hbm>> -> memref<1x158x128xi32, #tpu.memory_space<hbm>>
      %dma_wait3A_43 = tpu.memref_squeeze %dma_wait3A_42 : memref<1x158x128xi32, #tpu.memory_space<hbm>> -> memref<158x128xi32, #tpu.memory_space<hbm>>
      tpu.wait_dma2 semaphore(%run_scoped3A : memref<!tpu.dma_semaphore, #tpu.memory_space<semaphore_mem>>) src(%dma_wait3A_43 : memref<158x128xi32, #tpu.memory_space<hbm>>) dst(%arg8 : memref<158x128xi32, #tpu.memory_space<vmem>>)
      tpu.yield
    }) : () -> ()
    %barrier3A = arith.constant 0 : index
    tpu.barrier barrier_id(%barrier3A)
    %dma_start3A = arith.constant 0 : i32
    %dma_start3A_3 = arith.constant 0 : i32
    %dma_start3A_4 = tpu.memref_slice %arg7[%dma_start3A, %dma_start3A_3] : memref<158x128xi32, #tpu.memory_space<vmem>> -> memref<1x128xi32, #tpu.memory_space<vmem>>
    %dma_start3A_5 = tpu.memref_squeeze %dma_start3A_4 : memref<1x128xi32, #tpu.memory_space<vmem>> -> memref<128xi32, #tpu.memory_space<vmem>>
    %dma_start3A_6 = arith.constant 0 : i32
    %dma_start3A_7 = arith.constant 0 : i32
    %dma_start3A_8 = tpu.memref_slice %arg2[%dma_start3A_6, %dma_start3A_7] : memref<10240x64xf32, #tpu.memory_space<hbm>> -> memref<10240x64xf32, #tpu.memory_space<hbm>>
    tpu.enqueue_indirect_dma source(%dma_start3A_8 : memref<10240x64xf32, #tpu.memory_space<hbm>>) target(%arg9 : memref<128x64xf32, #tpu.memory_space<vmem>>) offsets(%dma_start3A_5 : memref<128xi32, #tpu.memory_space<vmem>>) semaphore(%arg12 : memref<!tpu.dma_semaphore, #tpu.memory_space<semaphore_mem>>)
    %scan3A = arith.constant 0 : i32
    %scan3A_9 = arith.constant 0 : i32
    %scan3A_10 = arith.constant 79 : i32
    %scan3A_11 = arith.addi %scan3A_9, %scan3A_10 : i32
    %scan3A_12 = arith.constant 1 : i32
    scf.for %scan3A_28 = %scan3A_9 to %scan3A_11 step %scan3A_12  : i32 {
      %mul3A_29 = arith.constant 2 : i32
      %mul3A_30 = arith.muli %mul3A_29, %scan3A_28 : i32
      %mul3A_31 = arith.constant 2 : i32
      %mul3A_32 = arith.muli %mul3A_31, %scan3A_28 : i32
      %add3A_33 = arith.constant 1 : i32
      %add3A_34 = arith.addi %mul3A_32, %add3A_33 : i32
      %add3A_35 = arith.constant 1 : i32
      %add3A_36 = arith.addi %add3A_34, %add3A_35 : i32
      %rem3A = arith.constant 158 : i32
      %rem3A_37 = arith.remsi %add3A_36, %rem3A : i32
      %dma_start3A_38 = arith.constant 0 : i32
      %dma_start3A_39 = tpu.memref_slice %arg7[%add3A_34, %dma_start3A_38] : memref<158x128xi32, #tpu.memory_space<vmem>> -> memref<1x128xi32, #tpu.memory_space<vmem>>
      %dma_start3A_40 = tpu.memref_squeeze %dma_start3A_39 : memref<1x128xi32, #tpu.memory_space<vmem>> -> memref<128xi32, #tpu.memory_space<vmem>>
      %dma_start3A_41 = arith.constant 0 : i32
      %dma_start3A_42 = arith.constant 0 : i32
      %dma_start3A_43 = tpu.memref_slice %arg2[%dma_start3A_41, %dma_start3A_42] : memref<10240x64xf32, #tpu.memory_space<hbm>> -> memref<10240x64xf32, #tpu.memory_space<hbm>>
      tpu.enqueue_indirect_dma source(%dma_start3A_43 : memref<10240x64xf32, #tpu.memory_space<hbm>>) target(%arg10 : memref<128x64xf32, #tpu.memory_space<vmem>>) offsets(%dma_start3A_40 : memref<128xi32, #tpu.memory_space<vmem>>) semaphore(%arg13 : memref<!tpu.dma_semaphore, #tpu.memory_space<semaphore_mem>>)
      %dma_wait3A_44 = arith.constant 0 : i32
      %dma_wait3A_45 = tpu.memref_slice %arg7[%mul3A_30, %dma_wait3A_44] : memref<158x128xi32, #tpu.memory_space<vmem>> -> memref<1x128xi32, #tpu.memory_space<vmem>>
      %dma_wait3A_46 = tpu.memref_squeeze %dma_wait3A_45 : memref<1x128xi32, #tpu.memory_space<vmem>> -> memref<128xi32, #tpu.memory_space<vmem>>
      %dma_wait3A_47 = arith.constant 0 : i32
      %dma_wait3A_48 = arith.constant 0 : i32
      %dma_wait3A_49 = tpu.memref_slice %arg2[%dma_wait3A_47, %dma_wait3A_48] : memref<10240x64xf32, #tpu.memory_space<hbm>> -> memref<10240x64xf32, #tpu.memory_space<hbm>>
      tpu.wait_indirect_dma semaphore(%arg12 : memref<!tpu.dma_semaphore, #tpu.memory_space<semaphore_mem>>) src(%dma_wait3A_49 : memref<10240x64xf32, #tpu.memory_space<hbm>>) dst(%arg9 : memref<128x64xf32, #tpu.memory_space<vmem>>)
      "tpu.region"() ({
        %run_scoped3A = tpu.sem_alloc : memref<!tpu.dma_semaphore, #tpu.memory_space<semaphore_mem>>
        %dma_start3A_62 = arith.constant 0 : i32
        %dma_start3A_63 = tpu.memref_slice %arg8[%mul3A_30, %dma_start3A_62] : memref<158x128xi32, #tpu.memory_space<vmem>> -> memref<1x128xi32, #tpu.memory_space<vmem>>
        %dma_start3A_64 = tpu.memref_squeeze %dma_start3A_63 : memref<1x128xi32, #tpu.memory_space<vmem>> -> memref<128xi32, #tpu.memory_space<vmem>>
        %dma_start3A_65 = arith.constant 0 : i32
        %dma_start3A_66 = arith.constant 0 : i32
        %dma_start3A_67 = tpu.memref_slice %arg11[%dma_start3A_65, %dma_start3A_66] : memref<10240x64xf32, #tpu.memory_space<vmem_shared>> -> memref<10240x64xf32, #tpu.memory_space<vmem_shared>>
        tpu.enqueue_indirect_dma source(%arg9 : memref<128x64xf32, #tpu.memory_space<vmem>>) target(%dma_start3A_67 : memref<10240x64xf32, #tpu.memory_space<vmem_shared>>) offsets(%dma_start3A_64 : memref<128xi32, #tpu.memory_space<vmem>>) semaphore(%run_scoped3A : memref<!tpu.dma_semaphore, #tpu.memory_space<semaphore_mem>>) {add = true}
        %dma_wait3A_68 = arith.constant 0 : i32
        %dma_wait3A_69 = tpu.memref_slice %arg8[%mul3A_30, %dma_wait3A_68] : memref<158x128xi32, #tpu.memory_space<vmem>> -> memref<1x128xi32, #tpu.memory_space<vmem>>
        %dma_wait3A_70 = tpu.memref_squeeze %dma_wait3A_69 : memref<1x128xi32, #tpu.memory_space<vmem>> -> memref<128xi32, #tpu.memory_space<vmem>>
        %dma_wait3A_71 = arith.constant 0 : i32
        %dma_wait3A_72 = arith.constant 0 : i32
        %dma_wait3A_73 = tpu.memref_slice %arg11[%dma_wait3A_71, %dma_wait3A_72] : memref<10240x64xf32, #tpu.memory_space<vmem_shared>> -> memref<10240x64xf32, #tpu.memory_space<vmem_shared>>
        tpu.wait_indirect_dma semaphore(%run_scoped3A : memref<!tpu.dma_semaphore, #tpu.memory_space<semaphore_mem>>) src(%arg9 : memref<128x64xf32, #tpu.memory_space<vmem>>) dst(%dma_wait3A_73 : memref<10240x64xf32, #tpu.memory_space<vmem_shared>>)
        tpu.yield
      }) : () -> ()
      %dma_start3A_50 = arith.constant 0 : i32
      %dma_start3A_51 = tpu.memref_slice %arg7[%rem3A_37, %dma_start3A_50] : memref<158x128xi32, #tpu.memory_space<vmem>> -> memref<1x128xi32, #tpu.memory_space<vmem>>
      %dma_start3A_52 = tpu.memref_squeeze %dma_start3A_51 : memref<1x128xi32, #tpu.memory_space<vmem>> -> memref<128xi32, #tpu.memory_space<vmem>>
      %dma_start3A_53 = arith.constant 0 : i32
      %dma_start3A_54 = arith.constant 0 : i32
      %dma_start3A_55 = tpu.memref_slice %arg2[%dma_start3A_53, %dma_start3A_54] : memref<10240x64xf32, #tpu.memory_space<hbm>> -> memref<10240x64xf32, #tpu.memory_space<hbm>>
      tpu.enqueue_indirect_dma source(%dma_start3A_55 : memref<10240x64xf32, #tpu.memory_space<hbm>>) target(%arg9 : memref<128x64xf32, #tpu.memory_space<vmem>>) offsets(%dma_start3A_52 : memref<128xi32, #tpu.memory_space<vmem>>) semaphore(%arg12 : memref<!tpu.dma_semaphore, #tpu.memory_space<semaphore_mem>>)
      %dma_wait3A_56 = arith.constant 0 : i32
      %dma_wait3A_57 = tpu.memref_slice %arg7[%add3A_34, %dma_wait3A_56] : memref<158x128xi32, #tpu.memory_space<vmem>> -> memref<1x128xi32, #tpu.memory_space<vmem>>
      %dma_wait3A_58 = tpu.memref_squeeze %dma_wait3A_57 : memref<1x128xi32, #tpu.memory_space<vmem>> -> memref<128xi32, #tpu.memory_space<vmem>>
      %dma_wait3A_59 = arith.constant 0 : i32
      %dma_wait3A_60 = arith.constant 0 : i32
      %dma_wait3A_61 = tpu.memref_slice %arg2[%dma_wait3A_59, %dma_wait3A_60] : memref<10240x64xf32, #tpu.memory_space<hbm>> -> memref<10240x64xf32, #tpu.memory_space<hbm>>
      tpu.wait_indirect_dma semaphore(%arg13 : memref<!tpu.dma_semaphore, #tpu.memory_space<semaphore_mem>>) src(%dma_wait3A_61 : memref<10240x64xf32, #tpu.memory_space<hbm>>) dst(%arg10 : memref<128x64xf32, #tpu.memory_space<vmem>>)
      "tpu.region"() ({
        %run_scoped3A = tpu.sem_alloc : memref<!tpu.dma_semaphore, #tpu.memory_space<semaphore_mem>>
        %dma_start3A_62 = arith.constant 0 : i32
        %dma_start3A_63 = tpu.memref_slice %arg8[%add3A_34, %dma_start3A_62] : memref<158x128xi32, #tpu.memory_space<vmem>> -> memref<1x128xi32, #tpu.memory_space<vmem>>
        %dma_start3A_64 = tpu.memref_squeeze %dma_start3A_63 : memref<1x128xi32, #tpu.memory_space<vmem>> -> memref<128xi32, #tpu.memory_space<vmem>>
        %dma_start3A_65 = arith.constant 0 : i32
        %dma_start3A_66 = arith.constant 0 : i32
        %dma_start3A_67 = tpu.memref_slice %arg11[%dma_start3A_65, %dma_start3A_66] : memref<10240x64xf32, #tpu.memory_space<vmem_shared>> -> memref<10240x64xf32, #tpu.memory_space<vmem_shared>>
        tpu.enqueue_indirect_dma source(%arg10 : memref<128x64xf32, #tpu.memory_space<vmem>>) target(%dma_start3A_67 : memref<10240x64xf32, #tpu.memory_space<vmem_shared>>) offsets(%dma_start3A_64 : memref<128xi32, #tpu.memory_space<vmem>>) semaphore(%run_scoped3A : memref<!tpu.dma_semaphore, #tpu.memory_space<semaphore_mem>>) {add = true}
        %dma_wait3A_68 = arith.constant 0 : i32
        %dma_wait3A_69 = tpu.memref_slice %arg8[%add3A_34, %dma_wait3A_68] : memref<158x128xi32, #tpu.memory_space<vmem>> -> memref<1x128xi32, #tpu.memory_space<vmem>>
        %dma_wait3A_70 = tpu.memref_squeeze %dma_wait3A_69 : memref<1x128xi32, #tpu.memory_space<vmem>> -> memref<128xi32, #tpu.memory_space<vmem>>
        %dma_wait3A_71 = arith.constant 0 : i32
        %dma_wait3A_72 = arith.constant 0 : i32
        %dma_wait3A_73 = tpu.memref_slice %arg11[%dma_wait3A_71, %dma_wait3A_72] : memref<10240x64xf32, #tpu.memory_space<vmem_shared>> -> memref<10240x64xf32, #tpu.memory_space<vmem_shared>>
        tpu.wait_indirect_dma semaphore(%run_scoped3A : memref<!tpu.dma_semaphore, #tpu.memory_space<semaphore_mem>>) src(%arg10 : memref<128x64xf32, #tpu.memory_space<vmem>>) dst(%dma_wait3A_73 : memref<10240x64xf32, #tpu.memory_space<vmem_shared>>)
        tpu.yield
      }) : () -> ()
    }
    %scan3A_13 = arith.constant 79 : i32
    %dma_wait3A = arith.constant 0 : i32
    %dma_wait3A_14 = arith.constant 0 : i32
    %dma_wait3A_15 = tpu.memref_slice %arg7[%dma_wait3A, %dma_wait3A_14] : memref<158x128xi32, #tpu.memory_space<vmem>> -> memref<1x128xi32, #tpu.memory_space<vmem>>
    %dma_wait3A_16 = tpu.memref_squeeze %dma_wait3A_15 : memref<1x128xi32, #tpu.memory_space<vmem>> -> memref<128xi32, #tpu.memory_space<vmem>>
    %dma_wait3A_17 = arith.constant 0 : i32
    %dma_wait3A_18 = arith.constant 0 : i32
    %dma_wait3A_19 = tpu.memref_slice %arg2[%dma_wait3A_17, %dma_wait3A_18] : memref<10240x64xf32, #tpu.memory_space<hbm>> -> memref<10240x64xf32, #tpu.memory_space<hbm>>
    tpu.wait_indirect_dma semaphore(%arg12 : memref<!tpu.dma_semaphore, #tpu.memory_space<semaphore_mem>>) src(%dma_wait3A_19 : memref<10240x64xf32, #tpu.memory_space<hbm>>) dst(%arg9 : memref<128x64xf32, #tpu.memory_space<vmem>>)
    %barrier3A_20 = arith.constant 0 : index
    tpu.barrier barrier_id(%barrier3A_20)
    %mul3A_21 = arith.constant 640 : i32
    %mul3A_22 = arith.muli %arg1, %mul3A_21 : i32
    %mul3A_23 = arith.constant 10240 : i32
    %mul3A_24 = arith.muli %arg0, %mul3A_23 : i32
    %mul3A_25 = arith.constant 640 : i32
    %mul3A_26 = arith.muli %arg1, %mul3A_25 : i32
    %add3A_27 = arith.addi %mul3A_24, %mul3A_26 : i32
    "tpu.region"() ({
      %run_scoped3A = tpu.sem_alloc : memref<!tpu.dma_semaphore, #tpu.memory_space<semaphore_mem>>
      %dma_start3A_28 = arith.constant 0 : i32
      %dma_start3A_29 = tpu.memref_slice %arg6[%add3A_27, %dma_start3A_28] : memref<20480x64xf32, #tpu.memory_space<hbm>> -> memref<640x64xf32, #tpu.memory_space<hbm>>
      %dma_start3A_30 = arith.constant 0 : i32
      %dma_start3A_31 = tpu.memref_slice %arg11[%mul3A_22, %dma_start3A_30] : memref<10240x64xf32, #tpu.memory_space<vmem_shared>> -> memref<640x64xf32, #tpu.memory_space<vmem_shared>>
      tpu.enqueue_dma source(%dma_start3A_31 : memref<640x64xf32, #tpu.memory_space<vmem_shared>>) target(%dma_start3A_29 : memref<640x64xf32, #tpu.memory_space<hbm>>) target_semaphore(%run_scoped3A : memref<!tpu.dma_semaphore, #tpu.memory_space<semaphore_mem>>)
      %dma_wait3A_32 = arith.constant 0 : i32
      %dma_wait3A_33 = tpu.memref_slice %arg6[%add3A_27, %dma_wait3A_32] : memref<20480x64xf32, #tpu.memory_space<hbm>> -> memref<640x64xf32, #tpu.memory_space<hbm>>
      %dma_wait3A_34 = arith.constant 0 : i32
      %dma_wait3A_35 = tpu.memref_slice %arg11[%mul3A_22, %dma_wait3A_34] : memref<10240x64xf32, #tpu.memory_space<vmem_shared>> -> memref<640x64xf32, #tpu.memory_space<vmem_shared>>
      tpu.wait_dma2 semaphore(%run_scoped3A : memref<!tpu.dma_semaphore, #tpu.memory_space<semaphore_mem>>) src(%dma_wait3A_35 : memref<640x64xf32, #tpu.memory_space<vmem_shared>>) dst(%dma_wait3A_33 : memref<640x64xf32, #tpu.memory_space<hbm>>)
      tpu.yield
    }) : () -> ()
    return
  }
}

#map = affine_map<(d0, d1) -> (0, 0)>
#map1 = affine_map<(d0, d1) -> (0, 0, 0)>
module attributes {stable_mosaic.version = 14 : i64} {
  func.func @sc_messages(%arg0: i32, %arg1: i32, %arg2: memref<10240x64xf32, #tpu.memory_space<hbm>>, %arg3: memref<32x158x128xi32, #tpu.memory_space<hbm>>, %arg4: memref<32x158x128xi32, #tpu.memory_space<hbm>>, %arg5: memref<640x64xf32, #tpu.memory_space<hbm>>, %arg6: memref<20480x64xf32, #tpu.memory_space<hbm>>, %arg7: memref<158x128xi32, #tpu.memory_space<vmem>>, %arg8: memref<158x128xi32, #tpu.memory_space<vmem>>, %arg9: memref<128x64xf32, #tpu.memory_space<vmem>>, %arg10: memref<128x64xf32, #tpu.memory_space<vmem>>, %arg11: memref<10240x64xf32, #tpu.memory_space<vmem_shared>>, %arg12: memref<!tpu.dma_semaphore, #tpu.memory_space<semaphore_mem>>, %arg13: memref<!tpu.dma_semaphore, #tpu.memory_space<semaphore_mem>>) attributes {dimension_semantics = [#tpu.dimension_semantics<core_parallel>, #tpu.dimension_semantics<subcore_parallel>], iteration_bounds = array<i64: 2, 16>, scalar_prefetch = 0 : i64, scratch_operands = 7 : i64, tpu.core_type = #tpu.core_type<sc_vector_subcore>, window_params = [{transform_indices = #map}, {transform_indices = #map1}, {transform_indices = #map1}, {transform_indices = #map}, {transform_indices = #map}]} {
    %mul3A = arith.constant 16 : i32
    %mul3A_0 = arith.muli %arg0, %mul3A : i32
    %add3A = arith.addi %mul3A_0, %arg1 : i32
    %mul3A_1 = arith.constant 640 : i32
    %mul3A_2 = arith.muli %arg1, %mul3A_1 : i32
    "tpu.region"() ({
      %run_scoped3A = tpu.sem_alloc : memref<!tpu.dma_semaphore, #tpu.memory_space<semaphore_mem>>
      %dma_start3A_28 = arith.constant 0 : i32
      %dma_start3A_29 = tpu.memref_slice %arg11[%mul3A_2, %dma_start3A_28] : memref<10240x64xf32, #tpu.memory_space<vmem_shared>> -> memref<640x64xf32, #tpu.memory_space<vmem_shared>>
      tpu.enqueue_dma source(%arg5 : memref<640x64xf32, #tpu.memory_space<hbm>>) target(%dma_start3A_29 : memref<640x64xf32, #tpu.memory_space<vmem_shared>>) target_semaphore(%run_scoped3A : memref<!tpu.dma_semaphore, #tpu.memory_space<semaphore_mem>>)
      %dma_wait3A_30 = arith.constant 0 : i32
      %dma_wait3A_31 = tpu.memref_slice %arg11[%mul3A_2, %dma_wait3A_30] : memref<10240x64xf32, #tpu.memory_space<vmem_shared>> -> memref<640x64xf32, #tpu.memory_space<vmem_shared>>
      tpu.wait_dma2 semaphore(%run_scoped3A : memref<!tpu.dma_semaphore, #tpu.memory_space<semaphore_mem>>) src(%arg5 : memref<640x64xf32, #tpu.memory_space<hbm>>) dst(%dma_wait3A_31 : memref<640x64xf32, #tpu.memory_space<vmem_shared>>)
      tpu.yield
    }) : () -> ()
    "tpu.region"() ({
      %run_scoped3A = tpu.sem_alloc : memref<!tpu.dma_semaphore, #tpu.memory_space<semaphore_mem>>
      %dma_start3A_28 = arith.constant 0 : i32
      %dma_start3A_29 = arith.constant 0 : i32
      %dma_start3A_30 = tpu.memref_slice %arg3[%add3A, %dma_start3A_28, %dma_start3A_29] : memref<32x158x128xi32, #tpu.memory_space<hbm>> -> memref<1x158x128xi32, #tpu.memory_space<hbm>>
      %dma_start3A_31 = tpu.memref_squeeze %dma_start3A_30 : memref<1x158x128xi32, #tpu.memory_space<hbm>> -> memref<158x128xi32, #tpu.memory_space<hbm>>
      %dma_start3A_32 = arith.constant 0 : i32
      %dma_start3A_33 = arith.constant 0 : i32
      %dma_start3A_34 = tpu.memref_slice %arg3[%add3A, %dma_start3A_32, %dma_start3A_33] : memref<32x158x128xi32, #tpu.memory_space<hbm>> -> memref<1x158x128xi32, #tpu.memory_space<hbm>>
      %dma_start3A_35 = tpu.memref_squeeze %dma_start3A_34 : memref<1x158x128xi32, #tpu.memory_space<hbm>> -> memref<158x128xi32, #tpu.memory_space<hbm>>
      tpu.enqueue_dma source(%dma_start3A_35 : memref<158x128xi32, #tpu.memory_space<hbm>>) target(%arg7 : memref<158x128xi32, #tpu.memory_space<vmem>>) target_semaphore(%run_scoped3A : memref<!tpu.dma_semaphore, #tpu.memory_space<semaphore_mem>>)
      %dma_wait3A_36 = arith.constant 0 : i32
      %dma_wait3A_37 = arith.constant 0 : i32
      %dma_wait3A_38 = tpu.memref_slice %arg3[%add3A, %dma_wait3A_36, %dma_wait3A_37] : memref<32x158x128xi32, #tpu.memory_space<hbm>> -> memref<1x158x128xi32, #tpu.memory_space<hbm>>
      %dma_wait3A_39 = tpu.memref_squeeze %dma_wait3A_38 : memref<1x158x128xi32, #tpu.memory_space<hbm>> -> memref<158x128xi32, #tpu.memory_space<hbm>>
      %dma_wait3A_40 = arith.constant 0 : i32
      %dma_wait3A_41 = arith.constant 0 : i32
      %dma_wait3A_42 = tpu.memref_slice %arg3[%add3A, %dma_wait3A_40, %dma_wait3A_41] : memref<32x158x128xi32, #tpu.memory_space<hbm>> -> memref<1x158x128xi32, #tpu.memory_space<hbm>>
      %dma_wait3A_43 = tpu.memref_squeeze %dma_wait3A_42 : memref<1x158x128xi32, #tpu.memory_space<hbm>> -> memref<158x128xi32, #tpu.memory_space<hbm>>
      tpu.wait_dma2 semaphore(%run_scoped3A : memref<!tpu.dma_semaphore, #tpu.memory_space<semaphore_mem>>) src(%dma_wait3A_43 : memref<158x128xi32, #tpu.memory_space<hbm>>) dst(%arg7 : memref<158x128xi32, #tpu.memory_space<vmem>>)
      tpu.yield
    }) : () -> ()
    "tpu.region"() ({
      %run_scoped3A = tpu.sem_alloc : memref<!tpu.dma_semaphore, #tpu.memory_space<semaphore_mem>>
      %dma_start3A_28 = arith.constant 0 : i32
      %dma_start3A_29 = arith.constant 0 : i32
      %dma_start3A_30 = tpu.memref_slice %arg4[%add3A, %dma_start3A_28, %dma_start3A_29] : memref<32x158x128xi32, #tpu.memory_space<hbm>> -> memref<1x158x128xi32, #tpu.memory_space<hbm>>
      %dma_start3A_31 = tpu.memref_squeeze %dma_start3A_30 : memref<1x158x128xi32, #tpu.memory_space<hbm>> -> memref<158x128xi32, #tpu.memory_space<hbm>>
      %dma_start3A_32 = arith.constant 0 : i32
      %dma_start3A_33 = arith.constant 0 : i32
      %dma_start3A_34 = tpu.memref_slice %arg4[%add3A, %dma_start3A_32, %dma_start3A_33] : memref<32x158x128xi32, #tpu.memory_space<hbm>> -> memref<1x158x128xi32, #tpu.memory_space<hbm>>
      %dma_start3A_35 = tpu.memref_squeeze %dma_start3A_34 : memref<1x158x128xi32, #tpu.memory_space<hbm>> -> memref<158x128xi32, #tpu.memory_space<hbm>>
      tpu.enqueue_dma source(%dma_start3A_35 : memref<158x128xi32, #tpu.memory_space<hbm>>) target(%arg8 : memref<158x128xi32, #tpu.memory_space<vmem>>) target_semaphore(%run_scoped3A : memref<!tpu.dma_semaphore, #tpu.memory_space<semaphore_mem>>)
      %dma_wait3A_36 = arith.constant 0 : i32
      %dma_wait3A_37 = arith.constant 0 : i32
      %dma_wait3A_38 = tpu.memref_slice %arg4[%add3A, %dma_wait3A_36, %dma_wait3A_37] : memref<32x158x128xi32, #tpu.memory_space<hbm>> -> memref<1x158x128xi32, #tpu.memory_space<hbm>>
      %dma_wait3A_39 = tpu.memref_squeeze %dma_wait3A_38 : memref<1x158x128xi32, #tpu.memory_space<hbm>> -> memref<158x128xi32, #tpu.memory_space<hbm>>
      %dma_wait3A_40 = arith.constant 0 : i32
      %dma_wait3A_41 = arith.constant 0 : i32
      %dma_wait3A_42 = tpu.memref_slice %arg4[%add3A, %dma_wait3A_40, %dma_wait3A_41] : memref<32x158x128xi32, #tpu.memory_space<hbm>> -> memref<1x158x128xi32, #tpu.memory_space<hbm>>
      %dma_wait3A_43 = tpu.memref_squeeze %dma_wait3A_42 : memref<1x158x128xi32, #tpu.memory_space<hbm>> -> memref<158x128xi32, #tpu.memory_space<hbm>>
      tpu.wait_dma2 semaphore(%run_scoped3A : memref<!tpu.dma_semaphore, #tpu.memory_space<semaphore_mem>>) src(%dma_wait3A_43 : memref<158x128xi32, #tpu.memory_space<hbm>>) dst(%arg8 : memref<158x128xi32, #tpu.memory_space<vmem>>)
      tpu.yield
    }) : () -> ()
    %barrier3A = arith.constant 0 : index
    tpu.barrier barrier_id(%barrier3A)
    %dma_start3A = arith.constant 0 : i32
    %dma_start3A_3 = arith.constant 0 : i32
    %dma_start3A_4 = tpu.memref_slice %arg7[%dma_start3A, %dma_start3A_3] : memref<158x128xi32, #tpu.memory_space<vmem>> -> memref<1x128xi32, #tpu.memory_space<vmem>>
    %dma_start3A_5 = tpu.memref_squeeze %dma_start3A_4 : memref<1x128xi32, #tpu.memory_space<vmem>> -> memref<128xi32, #tpu.memory_space<vmem>>
    %dma_start3A_6 = arith.constant 0 : i32
    %dma_start3A_7 = arith.constant 0 : i32
    %dma_start3A_8 = tpu.memref_slice %arg2[%dma_start3A_6, %dma_start3A_7] : memref<10240x64xf32, #tpu.memory_space<hbm>> -> memref<10240x64xf32, #tpu.memory_space<hbm>>
    tpu.enqueue_indirect_dma source(%dma_start3A_8 : memref<10240x64xf32, #tpu.memory_space<hbm>>) target(%arg9 : memref<128x64xf32, #tpu.memory_space<vmem>>) offsets(%dma_start3A_5 : memref<128xi32, #tpu.memory_space<vmem>>) semaphore(%arg12 : memref<!tpu.dma_semaphore, #tpu.memory_space<semaphore_mem>>)
    %scan3A = arith.constant 0 : i32
    %scan3A_9 = arith.constant 0 : i32
    %scan3A_10 = arith.constant 79 : i32
    %scan3A_11 = arith.addi %scan3A_9, %scan3A_10 : i32
    %scan3A_12 = arith.constant 1 : i32
    scf.for %scan3A_28 = %scan3A_9 to %scan3A_11 step %scan3A_12  : i32 {
      %mul3A_29 = arith.constant 2 : i32
      %mul3A_30 = arith.muli %mul3A_29, %scan3A_28 : i32
      %mul3A_31 = arith.constant 2 : i32
      %mul3A_32 = arith.muli %mul3A_31, %scan3A_28 : i32
      %add3A_33 = arith.constant 1 : i32
      %add3A_34 = arith.addi %mul3A_32, %add3A_33 : i32
      %add3A_35 = arith.constant 1 : i32
      %add3A_36 = arith.addi %add3A_34, %add3A_35 : i32
      %rem3A = arith.constant 158 : i32
      %rem3A_37 = arith.remsi %add3A_36, %rem3A : i32
      %dma_start3A_38 = arith.constant 0 : i32
      %dma_start3A_39 = tpu.memref_slice %arg7[%add3A_34, %dma_start3A_38] : memref<158x128xi32, #tpu.memory_space<vmem>> -> memref<1x128xi32, #tpu.memory_space<vmem>>
      %dma_start3A_40 = tpu.memref_squeeze %dma_start3A_39 : memref<1x128xi32, #tpu.memory_space<vmem>> -> memref<128xi32, #tpu.memory_space<vmem>>
      %dma_start3A_41 = arith.constant 0 : i32
      %dma_start3A_42 = arith.constant 0 : i32
      %dma_start3A_43 = tpu.memref_slice %arg2[%dma_start3A_41, %dma_start3A_42] : memref<10240x64xf32, #tpu.memory_space<hbm>> -> memref<10240x64xf32, #tpu.memory_space<hbm>>
      tpu.enqueue_indirect_dma source(%dma_start3A_43 : memref<10240x64xf32, #tpu.memory_space<hbm>>) target(%arg10 : memref<128x64xf32, #tpu.memory_space<vmem>>) offsets(%dma_start3A_40 : memref<128xi32, #tpu.memory_space<vmem>>) semaphore(%arg13 : memref<!tpu.dma_semaphore, #tpu.memory_space<semaphore_mem>>)
      %dma_wait3A_44 = arith.constant 0 : i32
      %dma_wait3A_45 = tpu.memref_slice %arg7[%mul3A_30, %dma_wait3A_44] : memref<158x128xi32, #tpu.memory_space<vmem>> -> memref<1x128xi32, #tpu.memory_space<vmem>>
      %dma_wait3A_46 = tpu.memref_squeeze %dma_wait3A_45 : memref<1x128xi32, #tpu.memory_space<vmem>> -> memref<128xi32, #tpu.memory_space<vmem>>
      %dma_wait3A_47 = arith.constant 0 : i32
      %dma_wait3A_48 = arith.constant 0 : i32
      %dma_wait3A_49 = tpu.memref_slice %arg2[%dma_wait3A_47, %dma_wait3A_48] : memref<10240x64xf32, #tpu.memory_space<hbm>> -> memref<10240x64xf32, #tpu.memory_space<hbm>>
      tpu.wait_indirect_dma semaphore(%arg12 : memref<!tpu.dma_semaphore, #tpu.memory_space<semaphore_mem>>) src(%dma_wait3A_49 : memref<10240x64xf32, #tpu.memory_space<hbm>>) dst(%arg9 : memref<128x64xf32, #tpu.memory_space<vmem>>)
      "tpu.region"() ({
        %run_scoped3A = tpu.sem_alloc : memref<!tpu.dma_semaphore, #tpu.memory_space<semaphore_mem>>
        %dma_start3A_62 = arith.constant 0 : i32
        %dma_start3A_63 = tpu.memref_slice %arg8[%mul3A_30, %dma_start3A_62] : memref<158x128xi32, #tpu.memory_space<vmem>> -> memref<1x128xi32, #tpu.memory_space<vmem>>
        %dma_start3A_64 = tpu.memref_squeeze %dma_start3A_63 : memref<1x128xi32, #tpu.memory_space<vmem>> -> memref<128xi32, #tpu.memory_space<vmem>>
        %dma_start3A_65 = arith.constant 0 : i32
        %dma_start3A_66 = arith.constant 0 : i32
        %dma_start3A_67 = tpu.memref_slice %arg11[%dma_start3A_65, %dma_start3A_66] : memref<10240x64xf32, #tpu.memory_space<vmem_shared>> -> memref<10240x64xf32, #tpu.memory_space<vmem_shared>>
        tpu.enqueue_indirect_dma source(%arg9 : memref<128x64xf32, #tpu.memory_space<vmem>>) target(%dma_start3A_67 : memref<10240x64xf32, #tpu.memory_space<vmem_shared>>) offsets(%dma_start3A_64 : memref<128xi32, #tpu.memory_space<vmem>>) semaphore(%run_scoped3A : memref<!tpu.dma_semaphore, #tpu.memory_space<semaphore_mem>>) {add = true}
        %dma_wait3A_68 = arith.constant 0 : i32
        %dma_wait3A_69 = tpu.memref_slice %arg8[%mul3A_30, %dma_wait3A_68] : memref<158x128xi32, #tpu.memory_space<vmem>> -> memref<1x128xi32, #tpu.memory_space<vmem>>
        %dma_wait3A_70 = tpu.memref_squeeze %dma_wait3A_69 : memref<1x128xi32, #tpu.memory_space<vmem>> -> memref<128xi32, #tpu.memory_space<vmem>>
        %dma_wait3A_71 = arith.constant 0 : i32
        %dma_wait3A_72 = arith.constant 0 : i32
        %dma_wait3A_73 = tpu.memref_slice %arg11[%dma_wait3A_71, %dma_wait3A_72] : memref<10240x64xf32, #tpu.memory_space<vmem_shared>> -> memref<10240x64xf32, #tpu.memory_space<vmem_shared>>
        tpu.wait_indirect_dma semaphore(%run_scoped3A : memref<!tpu.dma_semaphore, #tpu.memory_space<semaphore_mem>>) src(%arg9 : memref<128x64xf32, #tpu.memory_space<vmem>>) dst(%dma_wait3A_73 : memref<10240x64xf32, #tpu.memory_space<vmem_shared>>)
        tpu.yield
      }) : () -> ()
      %dma_start3A_50 = arith.constant 0 : i32
      %dma_start3A_51 = tpu.memref_slice %arg7[%rem3A_37, %dma_start3A_50] : memref<158x128xi32, #tpu.memory_space<vmem>> -> memref<1x128xi32, #tpu.memory_space<vmem>>
      %dma_start3A_52 = tpu.memref_squeeze %dma_start3A_51 : memref<1x128xi32, #tpu.memory_space<vmem>> -> memref<128xi32, #tpu.memory_space<vmem>>
      %dma_start3A_53 = arith.constant 0 : i32
      %dma_start3A_54 = arith.constant 0 : i32
      %dma_start3A_55 = tpu.memref_slice %arg2[%dma_start3A_53, %dma_start3A_54] : memref<10240x64xf32, #tpu.memory_space<hbm>> -> memref<10240x64xf32, #tpu.memory_space<hbm>>
      tpu.enqueue_indirect_dma source(%dma_start3A_55 : memref<10240x64xf32, #tpu.memory_space<hbm>>) target(%arg9 : memref<128x64xf32, #tpu.memory_space<vmem>>) offsets(%dma_start3A_52 : memref<128xi32, #tpu.memory_space<vmem>>) semaphore(%arg12 : memref<!tpu.dma_semaphore, #tpu.memory_space<semaphore_mem>>)
      %dma_wait3A_56 = arith.constant 0 : i32
      %dma_wait3A_57 = tpu.memref_slice %arg7[%add3A_34, %dma_wait3A_56] : memref<158x128xi32, #tpu.memory_space<vmem>> -> memref<1x128xi32, #tpu.memory_space<vmem>>
      %dma_wait3A_58 = tpu.memref_squeeze %dma_wait3A_57 : memref<1x128xi32, #tpu.memory_space<vmem>> -> memref<128xi32, #tpu.memory_space<vmem>>
      %dma_wait3A_59 = arith.constant 0 : i32
      %dma_wait3A_60 = arith.constant 0 : i32
      %dma_wait3A_61 = tpu.memref_slice %arg2[%dma_wait3A_59, %dma_wait3A_60] : memref<10240x64xf32, #tpu.memory_space<hbm>> -> memref<10240x64xf32, #tpu.memory_space<hbm>>
      tpu.wait_indirect_dma semaphore(%arg13 : memref<!tpu.dma_semaphore, #tpu.memory_space<semaphore_mem>>) src(%dma_wait3A_61 : memref<10240x64xf32, #tpu.memory_space<hbm>>) dst(%arg10 : memref<128x64xf32, #tpu.memory_space<vmem>>)
      "tpu.region"() ({
        %run_scoped3A = tpu.sem_alloc : memref<!tpu.dma_semaphore, #tpu.memory_space<semaphore_mem>>
        %dma_start3A_62 = arith.constant 0 : i32
        %dma_start3A_63 = tpu.memref_slice %arg8[%add3A_34, %dma_start3A_62] : memref<158x128xi32, #tpu.memory_space<vmem>> -> memref<1x128xi32, #tpu.memory_space<vmem>>
        %dma_start3A_64 = tpu.memref_squeeze %dma_start3A_63 : memref<1x128xi32, #tpu.memory_space<vmem>> -> memref<128xi32, #tpu.memory_space<vmem>>
        %dma_start3A_65 = arith.constant 0 : i32
        %dma_start3A_66 = arith.constant 0 : i32
        %dma_start3A_67 = tpu.memref_slice %arg11[%dma_start3A_65, %dma_start3A_66] : memref<10240x64xf32, #tpu.memory_space<vmem_shared>> -> memref<10240x64xf32, #tpu.memory_space<vmem_shared>>
        tpu.enqueue_indirect_dma source(%arg10 : memref<128x64xf32, #tpu.memory_space<vmem>>) target(%dma_start3A_67 : memref<10240x64xf32, #tpu.memory_space<vmem_shared>>) offsets(%dma_start3A_64 : memref<128xi32, #tpu.memory_space<vmem>>) semaphore(%run_scoped3A : memref<!tpu.dma_semaphore, #tpu.memory_space<semaphore_mem>>) {add = true}
        %dma_wait3A_68 = arith.constant 0 : i32
        %dma_wait3A_69 = tpu.memref_slice %arg8[%add3A_34, %dma_wait3A_68] : memref<158x128xi32, #tpu.memory_space<vmem>> -> memref<1x128xi32, #tpu.memory_space<vmem>>
        %dma_wait3A_70 = tpu.memref_squeeze %dma_wait3A_69 : memref<1x128xi32, #tpu.memory_space<vmem>> -> memref<128xi32, #tpu.memory_space<vmem>>
        %dma_wait3A_71 = arith.constant 0 : i32
        %dma_wait3A_72 = arith.constant 0 : i32
        %dma_wait3A_73 = tpu.memref_slice %arg11[%dma_wait3A_71, %dma_wait3A_72] : memref<10240x64xf32, #tpu.memory_space<vmem_shared>> -> memref<10240x64xf32, #tpu.memory_space<vmem_shared>>
        tpu.wait_indirect_dma semaphore(%run_scoped3A : memref<!tpu.dma_semaphore, #tpu.memory_space<semaphore_mem>>) src(%arg10 : memref<128x64xf32, #tpu.memory_space<vmem>>) dst(%dma_wait3A_73 : memref<10240x64xf32, #tpu.memory_space<vmem_shared>>)
        tpu.yield
      }) : () -> ()
    }
    %scan3A_13 = arith.constant 79 : i32
    %dma_wait3A = arith.constant 0 : i32
    %dma_wait3A_14 = arith.constant 0 : i32
    %dma_wait3A_15 = tpu.memref_slice %arg7[%dma_wait3A, %dma_wait3A_14] : memref<158x128xi32, #tpu.memory_space<vmem>> -> memref<1x128xi32, #tpu.memory_space<vmem>>
    %dma_wait3A_16 = tpu.memref_squeeze %dma_wait3A_15 : memref<1x128xi32, #tpu.memory_space<vmem>> -> memref<128xi32, #tpu.memory_space<vmem>>
    %dma_wait3A_17 = arith.constant 0 : i32
    %dma_wait3A_18 = arith.constant 0 : i32
    %dma_wait3A_19 = tpu.memref_slice %arg2[%dma_wait3A_17, %dma_wait3A_18] : memref<10240x64xf32, #tpu.memory_space<hbm>> -> memref<10240x64xf32, #tpu.memory_space<hbm>>
    tpu.wait_indirect_dma semaphore(%arg12 : memref<!tpu.dma_semaphore, #tpu.memory_space<semaphore_mem>>) src(%dma_wait3A_19 : memref<10240x64xf32, #tpu.memory_space<hbm>>) dst(%arg9 : memref<128x64xf32, #tpu.memory_space<vmem>>)
    %barrier3A_20 = arith.constant 0 : index
    tpu.barrier barrier_id(%barrier3A_20)
    %mul3A_21 = arith.constant 640 : i32
    %mul3A_22 = arith.muli %arg1, %mul3A_21 : i32
    %mul3A_23 = arith.constant 10240 : i32
    %mul3A_24 = arith.muli %arg0, %mul3A_23 : i32
    %mul3A_25 = arith.constant 640 : i32
    %mul3A_26 = arith.muli %arg1, %mul3A_25 : i32
    %add3A_27 = arith.addi %mul3A_24, %mul3A_26 : i32
    "tpu.region"() ({
      %run_scoped3A = tpu.sem_alloc : memref<!tpu.dma_semaphore, #tpu.memory_space<semaphore_mem>>
      %dma_start3A_28 = arith.constant 0 : i32
      %dma_start3A_29 = tpu.memref_slice %arg6[%add3A_27, %dma_start3A_28] : memref<20480x64xf32, #tpu.memory_space<hbm>> -> memref<640x64xf32, #tpu.memory_space<hbm>>
      %dma_start3A_30 = arith.constant 0 : i32
      %dma_start3A_31 = tpu.memref_slice %arg11[%mul3A_22, %dma_start3A_30] : memref<10240x64xf32, #tpu.memory_space<vmem_shared>> -> memref<640x64xf32, #tpu.memory_space<vmem_shared>>
      tpu.enqueue_dma source(%dma_start3A_31 : memref<640x64xf32, #tpu.memory_space<vmem_shared>>) target(%dma_start3A_29 : memref<640x64xf32, #tpu.memory_space<hbm>>) target_semaphore(%run_scoped3A : memref<!tpu.dma_semaphore, #tpu.memory_space<semaphore_mem>>)
      %dma_wait3A_32 = arith.constant 0 : i32
      %dma_wait3A_33 = tpu.memref_slice %arg6[%add3A_27, %dma_wait3A_32] : memref<20480x64xf32, #tpu.memory_space<hbm>> -> memref<640x64xf32, #tpu.memory_space<hbm>>
      %dma_wait3A_34 = arith.constant 0 : i32
      %dma_wait3A_35 = tpu.memref_slice %arg11[%mul3A_22, %dma_wait3A_34] : memref<10240x64xf32, #tpu.memory_space<vmem_shared>> -> memref<640x64xf32, #tpu.memory_space<vmem_shared>>
      tpu.wait_dma2 semaphore(%run_scoped3A : memref<!tpu.dma_semaphore, #tpu.memory_space<semaphore_mem>>) src(%dma_wait3A_35 : memref<640x64xf32, #tpu.memory_space<vmem_shared>>) dst(%dma_wait3A_33 : memref<640x64xf32, #tpu.memory_space<hbm>>)
      tpu.yield
    }) : () -> ()
    return
  }
}

#map = affine_map<(d0, d1) -> (0, 0)>
#map1 = affine_map<(d0, d1) -> (0, 0, 0)>
module attributes {stable_mosaic.version = 14 : i64} {
  func.func @sc_edge_gather(%arg0: i32, %arg1: i32, %arg2: memref<10240x64xf32, #tpu.memory_space<hbm>>, %arg3: memref<10240x64xf32, #tpu.memory_space<hbm>>, %arg4: memref<32x80x128xi32, #tpu.memory_space<hbm>>, %arg5: memref<32x80x128xi32, #tpu.memory_space<hbm>>, %arg6: memref<327680x64xf32, #tpu.memory_space<hbm>>, %arg7: memref<327680x64xf32, #tpu.memory_space<hbm>>, %arg8: memref<80x128xi32, #tpu.memory_space<vmem>>, %arg9: memref<80x128xi32, #tpu.memory_space<vmem>>, %arg10: memref<128x64xf32, #tpu.memory_space<vmem>>, %arg11: memref<128x64xf32, #tpu.memory_space<vmem>>, %arg12: memref<128x64xf32, #tpu.memory_space<vmem>>, %arg13: memref<128x64xf32, #tpu.memory_space<vmem>>, %arg14: memref<!tpu.dma_semaphore, #tpu.memory_space<semaphore_mem>>, %arg15: memref<!tpu.dma_semaphore, #tpu.memory_space<semaphore_mem>>, %arg16: memref<!tpu.dma_semaphore, #tpu.memory_space<semaphore_mem>>, %arg17: memref<!tpu.dma_semaphore, #tpu.memory_space<semaphore_mem>>) attributes {dimension_semantics = [#tpu.dimension_semantics<core_parallel>, #tpu.dimension_semantics<subcore_parallel>], iteration_bounds = array<i64: 2, 16>, scalar_prefetch = 0 : i64, scratch_operands = 10 : i64, tpu.core_type = #tpu.core_type<sc_vector_subcore>, window_params = [{transform_indices = #map}, {transform_indices = #map}, {transform_indices = #map1}, {transform_indices = #map1}, {transform_indices = #map}, {transform_indices = #map}]} {
    %mul3A = arith.constant 16 : i32
    %mul3A_0 = arith.muli %arg0, %mul3A : i32
    %add3A = arith.addi %mul3A_0, %arg1 : i32
    %mul3A_1 = arith.constant 10240 : i32
    %mul3A_2 = arith.muli %add3A, %mul3A_1 : i32
    "tpu.region"() ({
      %run_scoped3A = tpu.sem_alloc : memref<!tpu.dma_semaphore, #tpu.memory_space<semaphore_mem>>
      %dma_start3A_34 = arith.constant 0 : i32
      %dma_start3A_35 = arith.constant 0 : i32
      %dma_start3A_36 = tpu.memref_slice %arg4[%add3A, %dma_start3A_34, %dma_start3A_35] : memref<32x80x128xi32, #tpu.memory_space<hbm>> -> memref<1x80x128xi32, #tpu.memory_space<hbm>>
      %dma_start3A_37 = tpu.memref_squeeze %dma_start3A_36 : memref<1x80x128xi32, #tpu.memory_space<hbm>> -> memref<80x128xi32, #tpu.memory_space<hbm>>
      %dma_start3A_38 = arith.constant 0 : i32
      %dma_start3A_39 = arith.constant 0 : i32
      %dma_start3A_40 = tpu.memref_slice %arg4[%add3A, %dma_start3A_38, %dma_start3A_39] : memref<32x80x128xi32, #tpu.memory_space<hbm>> -> memref<1x80x128xi32, #tpu.memory_space<hbm>>
      %dma_start3A_41 = tpu.memref_squeeze %dma_start3A_40 : memref<1x80x128xi32, #tpu.memory_space<hbm>> -> memref<80x128xi32, #tpu.memory_space<hbm>>
      tpu.enqueue_dma source(%dma_start3A_41 : memref<80x128xi32, #tpu.memory_space<hbm>>) target(%arg8 : memref<80x128xi32, #tpu.memory_space<vmem>>) target_semaphore(%run_scoped3A : memref<!tpu.dma_semaphore, #tpu.memory_space<semaphore_mem>>)
      %dma_wait3A_42 = arith.constant 0 : i32
      %dma_wait3A_43 = arith.constant 0 : i32
      %dma_wait3A_44 = tpu.memref_slice %arg4[%add3A, %dma_wait3A_42, %dma_wait3A_43] : memref<32x80x128xi32, #tpu.memory_space<hbm>> -> memref<1x80x128xi32, #tpu.memory_space<hbm>>
      %dma_wait3A_45 = tpu.memref_squeeze %dma_wait3A_44 : memref<1x80x128xi32, #tpu.memory_space<hbm>> -> memref<80x128xi32, #tpu.memory_space<hbm>>
      %dma_wait3A_46 = arith.constant 0 : i32
      %dma_wait3A_47 = arith.constant 0 : i32
      %dma_wait3A_48 = tpu.memref_slice %arg4[%add3A, %dma_wait3A_46, %dma_wait3A_47] : memref<32x80x128xi32, #tpu.memory_space<hbm>> -> memref<1x80x128xi32, #tpu.memory_space<hbm>>
      %dma_wait3A_49 = tpu.memref_squeeze %dma_wait3A_48 : memref<1x80x128xi32, #tpu.memory_space<hbm>> -> memref<80x128xi32, #tpu.memory_space<hbm>>
      tpu.wait_dma2 semaphore(%run_scoped3A : memref<!tpu.dma_semaphore, #tpu.memory_space<semaphore_mem>>) src(%dma_wait3A_49 : memref<80x128xi32, #tpu.memory_space<hbm>>) dst(%arg8 : memref<80x128xi32, #tpu.memory_space<vmem>>)
      tpu.yield
    }) : () -> ()
    "tpu.region"() ({
      %run_scoped3A = tpu.sem_alloc : memref<!tpu.dma_semaphore, #tpu.memory_space<semaphore_mem>>
      %dma_start3A_34 = arith.constant 0 : i32
      %dma_start3A_35 = arith.constant 0 : i32
      %dma_start3A_36 = tpu.memref_slice %arg5[%add3A, %dma_start3A_34, %dma_start3A_35] : memref<32x80x128xi32, #tpu.memory_space<hbm>> -> memref<1x80x128xi32, #tpu.memory_space<hbm>>
      %dma_start3A_37 = tpu.memref_squeeze %dma_start3A_36 : memref<1x80x128xi32, #tpu.memory_space<hbm>> -> memref<80x128xi32, #tpu.memory_space<hbm>>
      %dma_start3A_38 = arith.constant 0 : i32
      %dma_start3A_39 = arith.constant 0 : i32
      %dma_start3A_40 = tpu.memref_slice %arg5[%add3A, %dma_start3A_38, %dma_start3A_39] : memref<32x80x128xi32, #tpu.memory_space<hbm>> -> memref<1x80x128xi32, #tpu.memory_space<hbm>>
      %dma_start3A_41 = tpu.memref_squeeze %dma_start3A_40 : memref<1x80x128xi32, #tpu.memory_space<hbm>> -> memref<80x128xi32, #tpu.memory_space<hbm>>
      tpu.enqueue_dma source(%dma_start3A_41 : memref<80x128xi32, #tpu.memory_space<hbm>>) target(%arg9 : memref<80x128xi32, #tpu.memory_space<vmem>>) target_semaphore(%run_scoped3A : memref<!tpu.dma_semaphore, #tpu.memory_space<semaphore_mem>>)
      %dma_wait3A_42 = arith.constant 0 : i32
      %dma_wait3A_43 = arith.constant 0 : i32
      %dma_wait3A_44 = tpu.memref_slice %arg5[%add3A, %dma_wait3A_42, %dma_wait3A_43] : memref<32x80x128xi32, #tpu.memory_space<hbm>> -> memref<1x80x128xi32, #tpu.memory_space<hbm>>
      %dma_wait3A_45 = tpu.memref_squeeze %dma_wait3A_44 : memref<1x80x128xi32, #tpu.memory_space<hbm>> -> memref<80x128xi32, #tpu.memory_space<hbm>>
      %dma_wait3A_46 = arith.constant 0 : i32
      %dma_wait3A_47 = arith.constant 0 : i32
      %dma_wait3A_48 = tpu.memref_slice %arg5[%add3A, %dma_wait3A_46, %dma_wait3A_47] : memref<32x80x128xi32, #tpu.memory_space<hbm>> -> memref<1x80x128xi32, #tpu.memory_space<hbm>>
      %dma_wait3A_49 = tpu.memref_squeeze %dma_wait3A_48 : memref<1x80x128xi32, #tpu.memory_space<hbm>> -> memref<80x128xi32, #tpu.memory_space<hbm>>
      tpu.wait_dma2 semaphore(%run_scoped3A : memref<!tpu.dma_semaphore, #tpu.memory_space<semaphore_mem>>) src(%dma_wait3A_49 : memref<80x128xi32, #tpu.memory_space<hbm>>) dst(%arg9 : memref<80x128xi32, #tpu.memory_space<vmem>>)
      tpu.yield
    }) : () -> ()
    %dma_start3A = arith.constant 0 : i32
    %dma_start3A_3 = arith.constant 0 : i32
    %dma_start3A_4 = tpu.memref_slice %arg8[%dma_start3A, %dma_start3A_3] : memref<80x128xi32, #tpu.memory_space<vmem>> -> memref<1x128xi32, #tpu.memory_space<vmem>>
    %dma_start3A_5 = tpu.memref_squeeze %dma_start3A_4 : memref<1x128xi32, #tpu.memory_space<vmem>> -> memref<128xi32, #tpu.memory_space<vmem>>
    %dma_start3A_6 = arith.constant 0 : i32
    %dma_start3A_7 = arith.constant 0 : i32
    %dma_start3A_8 = tpu.memref_slice %arg2[%dma_start3A_6, %dma_start3A_7] : memref<10240x64xf32, #tpu.memory_space<hbm>> -> memref<10240x64xf32, #tpu.memory_space<hbm>>
    tpu.enqueue_indirect_dma source(%dma_start3A_8 : memref<10240x64xf32, #tpu.memory_space<hbm>>) target(%arg10 : memref<128x64xf32, #tpu.memory_space<vmem>>) offsets(%dma_start3A_5 : memref<128xi32, #tpu.memory_space<vmem>>) semaphore(%arg14 : memref<!tpu.dma_semaphore, #tpu.memory_space<semaphore_mem>>)
    %dma_start3A_9 = arith.constant 0 : i32
    %dma_start3A_10 = arith.constant 0 : i32
    %dma_start3A_11 = tpu.memref_slice %arg9[%dma_start3A_9, %dma_start3A_10] : memref<80x128xi32, #tpu.memory_space<vmem>> -> memref<1x128xi32, #tpu.memory_space<vmem>>
    %dma_start3A_12 = tpu.memref_squeeze %dma_start3A_11 : memref<1x128xi32, #tpu.memory_space<vmem>> -> memref<128xi32, #tpu.memory_space<vmem>>
    %dma_start3A_13 = arith.constant 0 : i32
    %dma_start3A_14 = arith.constant 0 : i32
    %dma_start3A_15 = tpu.memref_slice %arg3[%dma_start3A_13, %dma_start3A_14] : memref<10240x64xf32, #tpu.memory_space<hbm>> -> memref<10240x64xf32, #tpu.memory_space<hbm>>
    tpu.enqueue_indirect_dma source(%dma_start3A_15 : memref<10240x64xf32, #tpu.memory_space<hbm>>) target(%arg12 : memref<128x64xf32, #tpu.memory_space<vmem>>) offsets(%dma_start3A_12 : memref<128xi32, #tpu.memory_space<vmem>>) semaphore(%arg16 : memref<!tpu.dma_semaphore, #tpu.memory_space<semaphore_mem>>)
    %scan3A = arith.constant 0 : i32
    %scan3A_16 = arith.constant 0 : i32
    %scan3A_17 = arith.constant 40 : i32
    %scan3A_18 = arith.addi %scan3A_16, %scan3A_17 : i32
    %scan3A_19 = arith.constant 1 : i32
    scf.for %scan3A_34 = %scan3A_16 to %scan3A_18 step %scan3A_19  : i32 {
      %mul3A_35 = arith.constant 2 : i32
      %mul3A_36 = arith.muli %mul3A_35, %scan3A_34 : i32
      %mul3A_37 = arith.constant 2 : i32
      %mul3A_38 = arith.muli %mul3A_37, %scan3A_34 : i32
      %add3A_39 = arith.constant 1 : i32
      %add3A_40 = arith.addi %mul3A_38, %add3A_39 : i32
      %add3A_41 = arith.constant 1 : i32
      %add3A_42 = arith.addi %add3A_40, %add3A_41 : i32
      %rem3A = arith.constant 80 : i32
      %rem3A_43 = arith.remsi %add3A_42, %rem3A : i32
      %mul3A_44 = arith.constant 128 : i32
      %mul3A_45 = arith.muli %mul3A_36, %mul3A_44 : i32
      %add3A_46 = arith.addi %mul3A_2, %mul3A_45 : i32
      %mul3A_47 = arith.constant 128 : i32
      %mul3A_48 = arith.muli %add3A_40, %mul3A_47 : i32
      %add3A_49 = arith.addi %mul3A_2, %mul3A_48 : i32
      %dma_start3A_50 = arith.constant 0 : i32
      %dma_start3A_51 = tpu.memref_slice %arg8[%add3A_40, %dma_start3A_50] : memref<80x128xi32, #tpu.memory_space<vmem>> -> memref<1x128xi32, #tpu.memory_space<vmem>>
      %dma_start3A_52 = tpu.memref_squeeze %dma_start3A_51 : memref<1x128xi32, #tpu.memory_space<vmem>> -> memref<128xi32, #tpu.memory_space<vmem>>
      %dma_start3A_53 = arith.constant 0 : i32
      %dma_start3A_54 = arith.constant 0 : i32
      %dma_start3A_55 = tpu.memref_slice %arg2[%dma_start3A_53, %dma_start3A_54] : memref<10240x64xf32, #tpu.memory_space<hbm>> -> memref<10240x64xf32, #tpu.memory_space<hbm>>
      tpu.enqueue_indirect_dma source(%dma_start3A_55 : memref<10240x64xf32, #tpu.memory_space<hbm>>) target(%arg11 : memref<128x64xf32, #tpu.memory_space<vmem>>) offsets(%dma_start3A_52 : memref<128xi32, #tpu.memory_space<vmem>>) semaphore(%arg15 : memref<!tpu.dma_semaphore, #tpu.memory_space<semaphore_mem>>)
      %dma_start3A_56 = arith.constant 0 : i32
      %dma_start3A_57 = tpu.memref_slice %arg9[%add3A_40, %dma_start3A_56] : memref<80x128xi32, #tpu.memory_space<vmem>> -> memref<1x128xi32, #tpu.memory_space<vmem>>
      %dma_start3A_58 = tpu.memref_squeeze %dma_start3A_57 : memref<1x128xi32, #tpu.memory_space<vmem>> -> memref<128xi32, #tpu.memory_space<vmem>>
      %dma_start3A_59 = arith.constant 0 : i32
      %dma_start3A_60 = arith.constant 0 : i32
      %dma_start3A_61 = tpu.memref_slice %arg3[%dma_start3A_59, %dma_start3A_60] : memref<10240x64xf32, #tpu.memory_space<hbm>> -> memref<10240x64xf32, #tpu.memory_space<hbm>>
      tpu.enqueue_indirect_dma source(%dma_start3A_61 : memref<10240x64xf32, #tpu.memory_space<hbm>>) target(%arg13 : memref<128x64xf32, #tpu.memory_space<vmem>>) offsets(%dma_start3A_58 : memref<128xi32, #tpu.memory_space<vmem>>) semaphore(%arg17 : memref<!tpu.dma_semaphore, #tpu.memory_space<semaphore_mem>>)
      %dma_wait3A_62 = arith.constant 0 : i32
      %dma_wait3A_63 = tpu.memref_slice %arg8[%mul3A_36, %dma_wait3A_62] : memref<80x128xi32, #tpu.memory_space<vmem>> -> memref<1x128xi32, #tpu.memory_space<vmem>>
      %dma_wait3A_64 = tpu.memref_squeeze %dma_wait3A_63 : memref<1x128xi32, #tpu.memory_space<vmem>> -> memref<128xi32, #tpu.memory_space<vmem>>
      %dma_wait3A_65 = arith.constant 0 : i32
      %dma_wait3A_66 = arith.constant 0 : i32
      %dma_wait3A_67 = tpu.memref_slice %arg2[%dma_wait3A_65, %dma_wait3A_66] : memref<10240x64xf32, #tpu.memory_space<hbm>> -> memref<10240x64xf32, #tpu.memory_space<hbm>>
      tpu.wait_indirect_dma semaphore(%arg14 : memref<!tpu.dma_semaphore, #tpu.memory_space<semaphore_mem>>) src(%dma_wait3A_67 : memref<10240x64xf32, #tpu.memory_space<hbm>>) dst(%arg10 : memref<128x64xf32, #tpu.memory_space<vmem>>)
      "tpu.region"() ({
        %run_scoped3A = tpu.sem_alloc : memref<!tpu.dma_semaphore, #tpu.memory_space<semaphore_mem>>
        %dma_start3A_98 = arith.constant 0 : i32
        %dma_start3A_99 = tpu.memref_slice %arg6[%add3A_46, %dma_start3A_98] : memref<327680x64xf32, #tpu.memory_space<hbm>> -> memref<128x64xf32, #tpu.memory_space<hbm>>
        %dma_start3A_100 = arith.constant 0 : i32
        %dma_start3A_101 = tpu.memref_slice %arg6[%add3A_46, %dma_start3A_100] : memref<327680x64xf32, #tpu.memory_space<hbm>> -> memref<128x64xf32, #tpu.memory_space<hbm>>
        tpu.enqueue_dma source(%arg10 : memref<128x64xf32, #tpu.memory_space<vmem>>) target(%dma_start3A_101 : memref<128x64xf32, #tpu.memory_space<hbm>>) target_semaphore(%run_scoped3A : memref<!tpu.dma_semaphore, #tpu.memory_space<semaphore_mem>>)
        %dma_wait3A_102 = arith.constant 0 : i32
        %dma_wait3A_103 = tpu.memref_slice %arg6[%add3A_46, %dma_wait3A_102] : memref<327680x64xf32, #tpu.memory_space<hbm>> -> memref<128x64xf32, #tpu.memory_space<hbm>>
        %dma_wait3A_104 = arith.constant 0 : i32
        %dma_wait3A_105 = tpu.memref_slice %arg6[%add3A_46, %dma_wait3A_104] : memref<327680x64xf32, #tpu.memory_space<hbm>> -> memref<128x64xf32, #tpu.memory_space<hbm>>
        tpu.wait_dma2 semaphore(%run_scoped3A : memref<!tpu.dma_semaphore, #tpu.memory_space<semaphore_mem>>) src(%arg10 : memref<128x64xf32, #tpu.memory_space<vmem>>) dst(%dma_wait3A_105 : memref<128x64xf32, #tpu.memory_space<hbm>>)
        tpu.yield
      }) : () -> ()
      %dma_wait3A_68 = arith.constant 0 : i32
      %dma_wait3A_69 = tpu.memref_slice %arg9[%mul3A_36, %dma_wait3A_68] : memref<80x128xi32, #tpu.memory_space<vmem>> -> memref<1x128xi32, #tpu.memory_space<vmem>>
      %dma_wait3A_70 = tpu.memref_squeeze %dma_wait3A_69 : memref<1x128xi32, #tpu.memory_space<vmem>> -> memref<128xi32, #tpu.memory_space<vmem>>
      %dma_wait3A_71 = arith.constant 0 : i32
      %dma_wait3A_72 = arith.constant 0 : i32
      %dma_wait3A_73 = tpu.memref_slice %arg3[%dma_wait3A_71, %dma_wait3A_72] : memref<10240x64xf32, #tpu.memory_space<hbm>> -> memref<10240x64xf32, #tpu.memory_space<hbm>>
      tpu.wait_indirect_dma semaphore(%arg16 : memref<!tpu.dma_semaphore, #tpu.memory_space<semaphore_mem>>) src(%dma_wait3A_73 : memref<10240x64xf32, #tpu.memory_space<hbm>>) dst(%arg12 : memref<128x64xf32, #tpu.memory_space<vmem>>)
      "tpu.region"() ({
        %run_scoped3A = tpu.sem_alloc : memref<!tpu.dma_semaphore, #tpu.memory_space<semaphore_mem>>
        %dma_start3A_98 = arith.constant 0 : i32
        %dma_start3A_99 = tpu.memref_slice %arg7[%add3A_46, %dma_start3A_98] : memref<327680x64xf32, #tpu.memory_space<hbm>> -> memref<128x64xf32, #tpu.memory_space<hbm>>
        %dma_start3A_100 = arith.constant 0 : i32
        %dma_start3A_101 = tpu.memref_slice %arg7[%add3A_46, %dma_start3A_100] : memref<327680x64xf32, #tpu.memory_space<hbm>> -> memref<128x64xf32, #tpu.memory_space<hbm>>
        tpu.enqueue_dma source(%arg12 : memref<128x64xf32, #tpu.memory_space<vmem>>) target(%dma_start3A_101 : memref<128x64xf32, #tpu.memory_space<hbm>>) target_semaphore(%run_scoped3A : memref<!tpu.dma_semaphore, #tpu.memory_space<semaphore_mem>>)
        %dma_wait3A_102 = arith.constant 0 : i32
        %dma_wait3A_103 = tpu.memref_slice %arg7[%add3A_46, %dma_wait3A_102] : memref<327680x64xf32, #tpu.memory_space<hbm>> -> memref<128x64xf32, #tpu.memory_space<hbm>>
        %dma_wait3A_104 = arith.constant 0 : i32
        %dma_wait3A_105 = tpu.memref_slice %arg7[%add3A_46, %dma_wait3A_104] : memref<327680x64xf32, #tpu.memory_space<hbm>> -> memref<128x64xf32, #tpu.memory_space<hbm>>
        tpu.wait_dma2 semaphore(%run_scoped3A : memref<!tpu.dma_semaphore, #tpu.memory_space<semaphore_mem>>) src(%arg12 : memref<128x64xf32, #tpu.memory_space<vmem>>) dst(%dma_wait3A_105 : memref<128x64xf32, #tpu.memory_space<hbm>>)
        tpu.yield
      }) : () -> ()
      %dma_start3A_74 = arith.constant 0 : i32
      %dma_start3A_75 = tpu.memref_slice %arg8[%rem3A_43, %dma_start3A_74] : memref<80x128xi32, #tpu.memory_space<vmem>> -> memref<1x128xi32, #tpu.memory_space<vmem>>
      %dma_start3A_76 = tpu.memref_squeeze %dma_start3A_75 : memref<1x128xi32, #tpu.memory_space<vmem>> -> memref<128xi32, #tpu.memory_space<vmem>>
      %dma_start3A_77 = arith.constant 0 : i32
      %dma_start3A_78 = arith.constant 0 : i32
      %dma_start3A_79 = tpu.memref_slice %arg2[%dma_start3A_77, %dma_start3A_78] : memref<10240x64xf32, #tpu.memory_space<hbm>> -> memref<10240x64xf32, #tpu.memory_space<hbm>>
      tpu.enqueue_indirect_dma source(%dma_start3A_79 : memref<10240x64xf32, #tpu.memory_space<hbm>>) target(%arg10 : memref<128x64xf32, #tpu.memory_space<vmem>>) offsets(%dma_start3A_76 : memref<128xi32, #tpu.memory_space<vmem>>) semaphore(%arg14 : memref<!tpu.dma_semaphore, #tpu.memory_space<semaphore_mem>>)
      %dma_start3A_80 = arith.constant 0 : i32
      %dma_start3A_81 = tpu.memref_slice %arg9[%rem3A_43, %dma_start3A_80] : memref<80x128xi32, #tpu.memory_space<vmem>> -> memref<1x128xi32, #tpu.memory_space<vmem>>
      %dma_start3A_82 = tpu.memref_squeeze %dma_start3A_81 : memref<1x128xi32, #tpu.memory_space<vmem>> -> memref<128xi32, #tpu.memory_space<vmem>>
      %dma_start3A_83 = arith.constant 0 : i32
      %dma_start3A_84 = arith.constant 0 : i32
      %dma_start3A_85 = tpu.memref_slice %arg3[%dma_start3A_83, %dma_start3A_84] : memref<10240x64xf32, #tpu.memory_space<hbm>> -> memref<10240x64xf32, #tpu.memory_space<hbm>>
      tpu.enqueue_indirect_dma source(%dma_start3A_85 : memref<10240x64xf32, #tpu.memory_space<hbm>>) target(%arg12 : memref<128x64xf32, #tpu.memory_space<vmem>>) offsets(%dma_start3A_82 : memref<128xi32, #tpu.memory_space<vmem>>) semaphore(%arg16 : memref<!tpu.dma_semaphore, #tpu.memory_space<semaphore_mem>>)
      %dma_wait3A_86 = arith.constant 0 : i32
      %dma_wait3A_87 = tpu.memref_slice %arg8[%add3A_40, %dma_wait3A_86] : memref<80x128xi32, #tpu.memory_space<vmem>> -> memref<1x128xi32, #tpu.memory_space<vmem>>
      %dma_wait3A_88 = tpu.memref_squeeze %dma_wait3A_87 : memref<1x128xi32, #tpu.memory_space<vmem>> -> memref<128xi32, #tpu.memory_space<vmem>>
      %dma_wait3A_89 = arith.constant 0 : i32
      %dma_wait3A_90 = arith.constant 0 : i32
      %dma_wait3A_91 = tpu.memref_slice %arg2[%dma_wait3A_89, %dma_wait3A_90] : memref<10240x64xf32, #tpu.memory_space<hbm>> -> memref<10240x64xf32, #tpu.memory_space<hbm>>
      tpu.wait_indirect_dma semaphore(%arg15 : memref<!tpu.dma_semaphore, #tpu.memory_space<semaphore_mem>>) src(%dma_wait3A_91 : memref<10240x64xf32, #tpu.memory_space<hbm>>) dst(%arg11 : memref<128x64xf32, #tpu.memory_space<vmem>>)
      "tpu.region"() ({
        %run_scoped3A = tpu.sem_alloc : memref<!tpu.dma_semaphore, #tpu.memory_space<semaphore_mem>>
        %dma_start3A_98 = arith.constant 0 : i32
        %dma_start3A_99 = tpu.memref_slice %arg6[%add3A_49, %dma_start3A_98] : memref<327680x64xf32, #tpu.memory_space<hbm>> -> memref<128x64xf32, #tpu.memory_space<hbm>>
        %dma_start3A_100 = arith.constant 0 : i32
        %dma_start3A_101 = tpu.memref_slice %arg6[%add3A_49, %dma_start3A_100] : memref<327680x64xf32, #tpu.memory_space<hbm>> -> memref<128x64xf32, #tpu.memory_space<hbm>>
        tpu.enqueue_dma source(%arg11 : memref<128x64xf32, #tpu.memory_space<vmem>>) target(%dma_start3A_101 : memref<128x64xf32, #tpu.memory_space<hbm>>) target_semaphore(%run_scoped3A : memref<!tpu.dma_semaphore, #tpu.memory_space<semaphore_mem>>)
        %dma_wait3A_102 = arith.constant 0 : i32
        %dma_wait3A_103 = tpu.memref_slice %arg6[%add3A_49, %dma_wait3A_102] : memref<327680x64xf32, #tpu.memory_space<hbm>> -> memref<128x64xf32, #tpu.memory_space<hbm>>
        %dma_wait3A_104 = arith.constant 0 : i32
        %dma_wait3A_105 = tpu.memref_slice %arg6[%add3A_49, %dma_wait3A_104] : memref<327680x64xf32, #tpu.memory_space<hbm>> -> memref<128x64xf32, #tpu.memory_space<hbm>>
        tpu.wait_dma2 semaphore(%run_scoped3A : memref<!tpu.dma_semaphore, #tpu.memory_space<semaphore_mem>>) src(%arg11 : memref<128x64xf32, #tpu.memory_space<vmem>>) dst(%dma_wait3A_105 : memref<128x64xf32, #tpu.memory_space<hbm>>)
        tpu.yield
      }) : () -> ()
      %dma_wait3A_92 = arith.constant 0 : i32
      %dma_wait3A_93 = tpu.memref_slice %arg9[%add3A_40, %dma_wait3A_92] : memref<80x128xi32, #tpu.memory_space<vmem>> -> memref<1x128xi32, #tpu.memory_space<vmem>>
      %dma_wait3A_94 = tpu.memref_squeeze %dma_wait3A_93 : memref<1x128xi32, #tpu.memory_space<vmem>> -> memref<128xi32, #tpu.memory_space<vmem>>
      %dma_wait3A_95 = arith.constant 0 : i32
      %dma_wait3A_96 = arith.constant 0 : i32
      %dma_wait3A_97 = tpu.memref_slice %arg3[%dma_wait3A_95, %dma_wait3A_96] : memref<10240x64xf32, #tpu.memory_space<hbm>> -> memref<10240x64xf32, #tpu.memory_space<hbm>>
      tpu.wait_indirect_dma semaphore(%arg17 : memref<!tpu.dma_semaphore, #tpu.memory_space<semaphore_mem>>) src(%dma_wait3A_97 : memref<10240x64xf32, #tpu.memory_space<hbm>>) dst(%arg13 : memref<128x64xf32, #tpu.memory_space<vmem>>)
      "tpu.region"() ({
        %run_scoped3A = tpu.sem_alloc : memref<!tpu.dma_semaphore, #tpu.memory_space<semaphore_mem>>
        %dma_start3A_98 = arith.constant 0 : i32
        %dma_start3A_99 = tpu.memref_slice %arg7[%add3A_49, %dma_start3A_98] : memref<327680x64xf32, #tpu.memory_space<hbm>> -> memref<128x64xf32, #tpu.memory_space<hbm>>
        %dma_start3A_100 = arith.constant 0 : i32
        %dma_start3A_101 = tpu.memref_slice %arg7[%add3A_49, %dma_start3A_100] : memref<327680x64xf32, #tpu.memory_space<hbm>> -> memref<128x64xf32, #tpu.memory_space<hbm>>
        tpu.enqueue_dma source(%arg13 : memref<128x64xf32, #tpu.memory_space<vmem>>) target(%dma_start3A_101 : memref<128x64xf32, #tpu.memory_space<hbm>>) target_semaphore(%run_scoped3A : memref<!tpu.dma_semaphore, #tpu.memory_space<semaphore_mem>>)
        %dma_wait3A_102 = arith.constant 0 : i32
        %dma_wait3A_103 = tpu.memref_slice %arg7[%add3A_49, %dma_wait3A_102] : memref<327680x64xf32, #tpu.memory_space<hbm>> -> memref<128x64xf32, #tpu.memory_space<hbm>>
        %dma_wait3A_104 = arith.constant 0 : i32
        %dma_wait3A_105 = tpu.memref_slice %arg7[%add3A_49, %dma_wait3A_104] : memref<327680x64xf32, #tpu.memory_space<hbm>> -> memref<128x64xf32, #tpu.memory_space<hbm>>
        tpu.wait_dma2 semaphore(%run_scoped3A : memref<!tpu.dma_semaphore, #tpu.memory_space<semaphore_mem>>) src(%arg13 : memref<128x64xf32, #tpu.memory_space<vmem>>) dst(%dma_wait3A_105 : memref<128x64xf32, #tpu.memory_space<hbm>>)
        tpu.yield
      }) : () -> ()
    }
    %scan3A_20 = arith.constant 40 : i32
    %dma_wait3A = arith.constant 0 : i32
    %dma_wait3A_21 = arith.constant 0 : i32
    %dma_wait3A_22 = tpu.memref_slice %arg8[%dma_wait3A, %dma_wait3A_21] : memref<80x128xi32, #tpu.memory_space<vmem>> -> memref<1x128xi32, #tpu.memory_space<vmem>>
    %dma_wait3A_23 = tpu.memref_squeeze %dma_wait3A_22 : memref<1x128xi32, #tpu.memory_space<vmem>> -> memref<128xi32, #tpu.memory_space<vmem>>
    %dma_wait3A_24 = arith.constant 0 : i32
    %dma_wait3A_25 = arith.constant 0 : i32
    %dma_wait3A_26 = tpu.memref_slice %arg2[%dma_wait3A_24, %dma_wait3A_25] : memref<10240x64xf32, #tpu.memory_space<hbm>> -> memref<10240x64xf32, #tpu.memory_space<hbm>>
    tpu.wait_indirect_dma semaphore(%arg14 : memref<!tpu.dma_semaphore, #tpu.memory_space<semaphore_mem>>) src(%dma_wait3A_26 : memref<10240x64xf32, #tpu.memory_space<hbm>>) dst(%arg10 : memref<128x64xf32, #tpu.memory_space<vmem>>)
    %dma_wait3A_27 = arith.constant 0 : i32
    %dma_wait3A_28 = arith.constant 0 : i32
    %dma_wait3A_29 = tpu.memref_slice %arg9[%dma_wait3A_27, %dma_wait3A_28] : memref<80x128xi32, #tpu.memory_space<vmem>> -> memref<1x128xi32, #tpu.memory_space<vmem>>
    %dma_wait3A_30 = tpu.memref_squeeze %dma_wait3A_29 : memref<1x128xi32, #tpu.memory_space<vmem>> -> memref<128xi32, #tpu.memory_space<vmem>>
    %dma_wait3A_31 = arith.constant 0 : i32
    %dma_wait3A_32 = arith.constant 0 : i32
    %dma_wait3A_33 = tpu.memref_slice %arg3[%dma_wait3A_31, %dma_wait3A_32] : memref<10240x64xf32, #tpu.memory_space<hbm>> -> memref<10240x64xf32, #tpu.memory_space<hbm>>
    tpu.wait_indirect_dma semaphore(%arg16 : memref<!tpu.dma_semaphore, #tpu.memory_space<semaphore_mem>>) src(%dma_wait3A_33 : memref<10240x64xf32, #tpu.memory_space<hbm>>) dst(%arg12 : memref<128x64xf32, #tpu.memory_space<vmem>>)
    return
  }
}

module attributes {stable_mosaic.version = 14 : i64} {
  func.func @_enc_body(%arg0: i32, %arg1: memref<256x128xf32, #tpu.memory_space<vmem>>, %arg2: memref<128x64xf32, #tpu.memory_space<vmem>>, %arg3: memref<1x64xf32, #tpu.memory_space<vmem>>, %arg4: memref<1x64xf32, #tpu.memory_space<vmem>>, %arg5: memref<1x64xf32, #tpu.memory_space<vmem>>, %arg6: memref<64x64xf32, #tpu.memory_space<vmem>>, %arg7: memref<1x64xf32, #tpu.memory_space<vmem>>, %arg8: memref<1x64xf32, #tpu.memory_space<vmem>>, %arg9: memref<1x64xf32, #tpu.memory_space<vmem>>, %arg10: memref<64x64xf32, #tpu.memory_space<vmem>>, %arg11: memref<1x64xf32, #tpu.memory_space<vmem>>, %arg12: memref<1x64xf32, #tpu.memory_space<vmem>>, %arg13: memref<1x64xf32, #tpu.memory_space<vmem>>, %arg14: memref<256x64xf32, #tpu.memory_space<vmem>>) attributes {dimension_semantics = [#tpu.dimension_semantics<arbitrary>], iteration_bounds = array<i64: 40>, scalar_prefetch = 0 : i64, scratch_operands = 0 : i64, tpu.core_type = #tpu.core_type<tc>, window_params = [{transform_indices = @transform_0, window_bounds = array<i64: 256, 128>}, {pipeline_mode = #tpu.pipeline_mode<synchronous>, transform_indices = @transform_1, window_bounds = array<i64: 128, 64>}, {pipeline_mode = #tpu.pipeline_mode<synchronous>, transform_indices = @transform_2, window_bounds = array<i64: 1, 64>}, {pipeline_mode = #tpu.pipeline_mode<synchronous>, transform_indices = @transform_3, window_bounds = array<i64: 1, 64>}, {pipeline_mode = #tpu.pipeline_mode<synchronous>, transform_indices = @transform_4, window_bounds = array<i64: 1, 64>}, {pipeline_mode = #tpu.pipeline_mode<synchronous>, transform_indices = @transform_5, window_bounds = array<i64: 64, 64>}, {pipeline_mode = #tpu.pipeline_mode<synchronous>, transform_indices = @transform_6, window_bounds = array<i64: 1, 64>}, {pipeline_mode = #tpu.pipeline_mode<synchronous>, transform_indices = @transform_7, window_bounds = array<i64: 1, 64>}, {pipeline_mode = #tpu.pipeline_mode<synchronous>, transform_indices = @transform_8, window_bounds = array<i64: 1, 64>}, {pipeline_mode = #tpu.pipeline_mode<synchronous>, transform_indices = @transform_9, window_bounds = array<i64: 64, 64>}, {pipeline_mode = #tpu.pipeline_mode<synchronous>, transform_indices = @transform_10, window_bounds = array<i64: 1, 64>}, {pipeline_mode = #tpu.pipeline_mode<synchronous>, transform_indices = @transform_11, window_bounds = array<i64: 1, 64>}, {pipeline_mode = #tpu.pipeline_mode<synchronous>, transform_indices = @transform_12, window_bounds = array<i64: 1, 64>}, {transform_indices = @transform_13, window_bounds = array<i64: 256, 64>}]} {
    %get3A = arith.constant 0 : index
    %get3A_0 = arith.constant 0 : index
    %get3A_1 = vector.load %arg1[%get3A, %get3A_0] : memref<256x128xf32, #tpu.memory_space<vmem>>, vector<256x128xf32>
    %get3A_2 = arith.constant 0 : index
    %get3A_3 = arith.constant 0 : index
    %get3A_4 = vector.load %arg2[%get3A_2, %get3A_3] : memref<128x64xf32, #tpu.memory_space<vmem>>, vector<128x64xf32>
    %convert_element_type3A = arith.truncf %get3A_1 : vector<256x128xf32> to vector<256x128xbf16>
    %convert_element_type3A_5 = arith.truncf %get3A_4 : vector<128x64xf32> to vector<128x64xbf16>
    %dot_general3A = arith.constant dense<0.000000e+00> : vector<256x64xf32>
    %dot_general3A_6 = tpu.matmul %convert_element_type3A, %convert_element_type3A_5, %dot_general3A {dimension_numbers = #tpu.dot_dimension_numbers<[1], [0], [0], [1], [0, 0, 1, 1], [], []>, transpose_lhs_hint = false} : vector<256x128xbf16>, vector<128x64xbf16>, vector<256x64xf32> -> vector<256x64xf32>
    %get3A_7 = arith.constant 0 : index
    %get3A_8 = arith.constant 0 : index
    %get3A_9 = vector.load %arg3[%get3A_7, %get3A_8] : memref<1x64xf32, #tpu.memory_space<vmem>>, vector<1x64xf32>
    %add3A = vector.broadcast %get3A_9 : vector<1x64xf32> to vector<256x64xf32>
    %add3A_10 = arith.addf %dot_general3A_6, %add3A : vector<256x64xf32>
    %get3A_11 = arith.constant 0 : index
    %get3A_12 = arith.constant 0 : index
    %get3A_13 = vector.load %arg4[%get3A_11, %get3A_12] : memref<1x64xf32, #tpu.memory_space<vmem>>, vector<1x64xf32>
    %get3A_14 = arith.constant 0 : index
    %get3A_15 = arith.constant 0 : index
    %get3A_16 = vector.load %arg5[%get3A_14, %get3A_15] : memref<1x64xf32, #tpu.memory_space<vmem>>, vector<1x64xf32>
    %reduce_sum3A = arith.constant dense<0.000000e+00> : vector<256xf32>
    %reduce_sum3A_17 = vector.multi_reduction <add>, %add3A_10, %reduce_sum3A [1] : vector<256x64xf32> to vector<256xf32>
    %broadcast_in_dim3A = vector.shape_cast %reduce_sum3A_17 : vector<256xf32> to vector<256x1xf32>
    %div3A = arith.constant 6.400000e+01 : f32
    %div3A_18 = vector.broadcast %div3A : f32 to vector<256x1xf32>
    %div3A_19 = arith.divf %broadcast_in_dim3A, %div3A_18 : vector<256x1xf32>
    %sub3A = vector.broadcast %div3A_19 : vector<256x1xf32> to vector<256x64xf32>
    %sub3A_20 = arith.subf %add3A_10, %sub3A : vector<256x64xf32>
    %integer_pow3A = arith.mulf %sub3A_20, %sub3A_20 : vector<256x64xf32>
    %reduce_sum3A_21 = arith.constant dense<0.000000e+00> : vector<256xf32>
    %reduce_sum3A_22 = vector.multi_reduction <add>, %integer_pow3A, %reduce_sum3A_21 [1] : vector<256x64xf32> to vector<256xf32>
    %broadcast_in_dim3A_23 = vector.shape_cast %reduce_sum3A_22 : vector<256xf32> to vector<256x1xf32>
    %div3A_24 = arith.constant 6.400000e+01 : f32
    %div3A_25 = vector.broadcast %div3A_24 : f32 to vector<256x1xf32>
    %div3A_26 = arith.divf %broadcast_in_dim3A_23, %div3A_25 : vector<256x1xf32>
    %sub3A_27 = vector.broadcast %div3A_19 : vector<256x1xf32> to vector<256x64xf32>
    %sub3A_28 = arith.subf %add3A_10, %sub3A_27 : vector<256x64xf32>
    %add3A_29 = arith.constant 9.99999974E-6 : f32
    %add3A_30 = vector.broadcast %add3A_29 : f32 to vector<256x1xf32>
    %add3A_31 = arith.addf %div3A_26, %add3A_30 : vector<256x1xf32>
    %rsqrt3A = math.rsqrt %add3A_31 : vector<256x1xf32>
    %mul3A = vector.broadcast %rsqrt3A : vector<256x1xf32> to vector<256x64xf32>
    %mul3A_32 = arith.mulf %sub3A_28, %mul3A : vector<256x64xf32>
    %mul3A_33 = vector.broadcast %get3A_13 : vector<1x64xf32> to vector<256x64xf32>
    %mul3A_34 = arith.mulf %mul3A_32, %mul3A_33 : vector<256x64xf32>
    %add3A_35 = vector.broadcast %get3A_16 : vector<1x64xf32> to vector<256x64xf32>
    %add3A_36 = arith.addf %mul3A_34, %add3A_35 : vector<256x64xf32>
    %max3A = arith.constant 0.000000e+00 : f32
    %max3A_37 = vector.broadcast %max3A : f32 to vector<256x64xf32>
    %max3A_38 = arith.maximumf %add3A_36, %max3A_37 : vector<256x64xf32>
    %get3A_39 = arith.constant 0 : index
    %get3A_40 = arith.constant 0 : index
    %get3A_41 = vector.load %arg6[%get3A_39, %get3A_40] : memref<64x64xf32, #tpu.memory_space<vmem>>, vector<64x64xf32>
    %convert_element_type3A_42 = arith.truncf %max3A_38 : vector<256x64xf32> to vector<256x64xbf16>
    %convert_element_type3A_43 = arith.truncf %get3A_41 : vector<64x64xf32> to vector<64x64xbf16>
    %dot_general3A_44 = arith.constant dense<0.000000e+00> : vector<256x64xf32>
    %dot_general3A_45 = tpu.matmul %convert_element_type3A_42, %convert_element_type3A_43, %dot_general3A_44 {dimension_numbers = #tpu.dot_dimension_numbers<[1], [0], [0], [1], [0, 0, 1, 1], [], []>, transpose_lhs_hint = false} : vector<256x64xbf16>, vector<64x64xbf16>, vector<256x64xf32> -> vector<256x64xf32>
    %get3A_46 = arith.constant 0 : index
    %get3A_47 = arith.constant 0 : index
    %get3A_48 = vector.load %arg7[%get3A_46, %get3A_47] : memref<1x64xf32, #tpu.memory_space<vmem>>, vector<1x64xf32>
    %add3A_49 = vector.broadcast %get3A_48 : vector<1x64xf32> to vector<256x64xf32>
    %add3A_50 = arith.addf %dot_general3A_45, %add3A_49 : vector<256x64xf32>
    %get3A_51 = arith.constant 0 : index
    %get3A_52 = arith.constant 0 : index
    %get3A_53 = vector.load %arg8[%get3A_51, %get3A_52] : memref<1x64xf32, #tpu.memory_space<vmem>>, vector<1x64xf32>
    %get3A_54 = arith.constant 0 : index
    %get3A_55 = arith.constant 0 : index
    %get3A_56 = vector.load %arg9[%get3A_54, %get3A_55] : memref<1x64xf32, #tpu.memory_space<vmem>>, vector<1x64xf32>
    %reduce_sum3A_57 = arith.constant dense<0.000000e+00> : vector<256xf32>
    %reduce_sum3A_58 = vector.multi_reduction <add>, %add3A_50, %reduce_sum3A_57 [1] : vector<256x64xf32> to vector<256xf32>
    %broadcast_in_dim3A_59 = vector.shape_cast %reduce_sum3A_58 : vector<256xf32> to vector<256x1xf32>
    %div3A_60 = arith.constant 6.400000e+01 : f32
    %div3A_61 = vector.broadcast %div3A_60 : f32 to vector<256x1xf32>
    %div3A_62 = arith.divf %broadcast_in_dim3A_59, %div3A_61 : vector<256x1xf32>
    %sub3A_63 = vector.broadcast %div3A_62 : vector<256x1xf32> to vector<256x64xf32>
    %sub3A_64 = arith.subf %add3A_50, %sub3A_63 : vector<256x64xf32>
    %integer_pow3A_65 = arith.mulf %sub3A_64, %sub3A_64 : vector<256x64xf32>
    %reduce_sum3A_66 = arith.constant dense<0.000000e+00> : vector<256xf32>
    %reduce_sum3A_67 = vector.multi_reduction <add>, %integer_pow3A_65, %reduce_sum3A_66 [1] : vector<256x64xf32> to vector<256xf32>
    %broadcast_in_dim3A_68 = vector.shape_cast %reduce_sum3A_67 : vector<256xf32> to vector<256x1xf32>
    %div3A_69 = arith.constant 6.400000e+01 : f32
    %div3A_70 = vector.broadcast %div3A_69 : f32 to vector<256x1xf32>
    %div3A_71 = arith.divf %broadcast_in_dim3A_68, %div3A_70 : vector<256x1xf32>
    %sub3A_72 = vector.broadcast %div3A_62 : vector<256x1xf32> to vector<256x64xf32>
    %sub3A_73 = arith.subf %add3A_50, %sub3A_72 : vector<256x64xf32>
    %add3A_74 = arith.constant 9.99999974E-6 : f32
    %add3A_75 = vector.broadcast %add3A_74 : f32 to vector<256x1xf32>
    %add3A_76 = arith.addf %div3A_71, %add3A_75 : vector<256x1xf32>
    %rsqrt3A_77 = math.rsqrt %add3A_76 : vector<256x1xf32>
    %mul3A_78 = vector.broadcast %rsqrt3A_77 : vector<256x1xf32> to vector<256x64xf32>
    %mul3A_79 = arith.mulf %sub3A_73, %mul3A_78 : vector<256x64xf32>
    %mul3A_80 = vector.broadcast %get3A_53 : vector<1x64xf32> to vector<256x64xf32>
    %mul3A_81 = arith.mulf %mul3A_79, %mul3A_80 : vector<256x64xf32>
    %add3A_82 = vector.broadcast %get3A_56 : vector<1x64xf32> to vector<256x64xf32>
    %add3A_83 = arith.addf %mul3A_81, %add3A_82 : vector<256x64xf32>
    %max3A_84 = arith.constant 0.000000e+00 : f32
    %max3A_85 = vector.broadcast %max3A_84 : f32 to vector<256x64xf32>
    %max3A_86 = arith.maximumf %add3A_83, %max3A_85 : vector<256x64xf32>
    %get3A_87 = arith.constant 0 : index
    %get3A_88 = arith.constant 0 : index
    %get3A_89 = vector.load %arg10[%get3A_87, %get3A_88] : memref<64x64xf32, #tpu.memory_space<vmem>>, vector<64x64xf32>
    %convert_element_type3A_90 = arith.truncf %max3A_86 : vector<256x64xf32> to vector<256x64xbf16>
    %convert_element_type3A_91 = arith.truncf %get3A_89 : vector<64x64xf32> to vector<64x64xbf16>
    %dot_general3A_92 = arith.constant dense<0.000000e+00> : vector<256x64xf32>
    %dot_general3A_93 = tpu.matmul %convert_element_type3A_90, %convert_element_type3A_91, %dot_general3A_92 {dimension_numbers = #tpu.dot_dimension_numbers<[1], [0], [0], [1], [0, 0, 1, 1], [], []>, transpose_lhs_hint = false} : vector<256x64xbf16>, vector<64x64xbf16>, vector<256x64xf32> -> vector<256x64xf32>
    %get3A_94 = arith.constant 0 : index
    %get3A_95 = arith.constant 0 : index
    %get3A_96 = vector.load %arg11[%get3A_94, %get3A_95] : memref<1x64xf32, #tpu.memory_space<vmem>>, vector<1x64xf32>
    %add3A_97 = vector.broadcast %get3A_96 : vector<1x64xf32> to vector<256x64xf32>
    %add3A_98 = arith.addf %dot_general3A_93, %add3A_97 : vector<256x64xf32>
    %get3A_99 = arith.constant 0 : index
    %get3A_100 = arith.constant 0 : index
    %get3A_101 = vector.load %arg12[%get3A_99, %get3A_100] : memref<1x64xf32, #tpu.memory_space<vmem>>, vector<1x64xf32>
    %get3A_102 = arith.constant 0 : index
    %get3A_103 = arith.constant 0 : index
    %get3A_104 = vector.load %arg13[%get3A_102, %get3A_103] : memref<1x64xf32, #tpu.memory_space<vmem>>, vector<1x64xf32>
    %reduce_sum3A_105 = arith.constant dense<0.000000e+00> : vector<256xf32>
    %reduce_sum3A_106 = vector.multi_reduction <add>, %add3A_98, %reduce_sum3A_105 [1] : vector<256x64xf32> to vector<256xf32>
    %broadcast_in_dim3A_107 = vector.shape_cast %reduce_sum3A_106 : vector<256xf32> to vector<256x1xf32>
    %div3A_108 = arith.constant 6.400000e+01 : f32
    %div3A_109 = vector.broadcast %div3A_108 : f32 to vector<256x1xf32>
    %div3A_110 = arith.divf %broadcast_in_dim3A_107, %div3A_109 : vector<256x1xf32>
    %sub3A_111 = vector.broadcast %div3A_110 : vector<256x1xf32> to vector<256x64xf32>
    %sub3A_112 = arith.subf %add3A_98, %sub3A_111 : vector<256x64xf32>
    %integer_pow3A_113 = arith.mulf %sub3A_112, %sub3A_112 : vector<256x64xf32>
    %reduce_sum3A_114 = arith.constant dense<0.000000e+00> : vector<256xf32>
    %reduce_sum3A_115 = vector.multi_reduction <add>, %integer_pow3A_113, %reduce_sum3A_114 [1] : vector<256x64xf32> to vector<256xf32>
    %broadcast_in_dim3A_116 = vector.shape_cast %reduce_sum3A_115 : vector<256xf32> to vector<256x1xf32>
    %div3A_117 = arith.constant 6.400000e+01 : f32
    %div3A_118 = vector.broadcast %div3A_117 : f32 to vector<256x1xf32>
    %div3A_119 = arith.divf %broadcast_in_dim3A_116, %div3A_118 : vector<256x1xf32>
    %sub3A_120 = vector.broadcast %div3A_110 : vector<256x1xf32> to vector<256x64xf32>
    %sub3A_121 = arith.subf %add3A_98, %sub3A_120 : vector<256x64xf32>
    %add3A_122 = arith.constant 9.99999974E-6 : f32
    %add3A_123 = vector.broadcast %add3A_122 : f32 to vector<256x1xf32>
    %add3A_124 = arith.addf %div3A_119, %add3A_123 : vector<256x1xf32>
    %rsqrt3A_125 = math.rsqrt %add3A_124 : vector<256x1xf32>
    %mul3A_126 = vector.broadcast %rsqrt3A_125 : vector<256x1xf32> to vector<256x64xf32>
    %mul3A_127 = arith.mulf %sub3A_121, %mul3A_126 : vector<256x64xf32>
    %mul3A_128 = vector.broadcast %get3A_101 : vector<1x64xf32> to vector<256x64xf32>
    %mul3A_129 = arith.mulf %mul3A_127, %mul3A_128 : vector<256x64xf32>
    %add3A_130 = vector.broadcast %get3A_104 : vector<1x64xf32> to vector<256x64xf32>
    %add3A_131 = arith.addf %mul3A_129, %add3A_130 : vector<256x64xf32>
    %max3A_132 = arith.constant 0.000000e+00 : f32
    %max3A_133 = vector.broadcast %max3A_132 : f32 to vector<256x64xf32>
    %max3A_134 = arith.maximumf %add3A_131, %max3A_133 : vector<256x64xf32>
    %swap3A = arith.constant 0 : index
    %swap3A_135 = arith.constant 0 : index
    %swap3A_136 = vector.load %arg14[%swap3A, %swap3A_135] : memref<256x64xf32, #tpu.memory_space<vmem>>, vector<256x64xf32>
    tpu.vector_store %arg14[%swap3A, %swap3A_135], %max3A_134 {strides = array<i32>} : memref<256x64xf32, #tpu.memory_space<vmem>>, vector<256x64xf32>,
    return
  }
  func.func @transform_0(%arg0: i32) -> (i32, i32) {
    %c0_i32 = arith.constant 0 : i32
    %c0_i32_0 = arith.constant 0 : i32
    return %arg0, %c0_i32 : i32, i32
  }
  func.func @transform_1(%arg0: i32) -> (i32, i32) {
    %c0_i32 = arith.constant 0 : i32
    %c0_i32_0 = arith.constant 0 : i32
    %c0_i32_1 = arith.constant 0 : i32
    return %c0_i32, %c0_i32_0 : i32, i32
  }
  func.func @transform_2(%arg0: i32) -> (i32, i32) {
    %c0_i32 = arith.constant 0 : i32
    %c0_i32_0 = arith.constant 0 : i32
    %c0_i32_1 = arith.constant 0 : i32
    return %c0_i32, %c0_i32_0 : i32, i32
  }
  func.func @transform_3(%arg0: i32) -> (i32, i32) {
    %c0_i32 = arith.constant 0 : i32
    %c0_i32_0 = arith.constant 0 : i32
    %c0_i32_1 = arith.constant 0 : i32
    return %c0_i32, %c0_i32_0 : i32, i32
  }
  func.func @transform_4(%arg0: i32) -> (i32, i32) {
    %c0_i32 = arith.constant 0 : i32
    %c0_i32_0 = arith.constant 0 : i32
    %c0_i32_1 = arith.constant 0 : i32
    return %c0_i32, %c0_i32_0 : i32, i32
  }
  func.func @transform_5(%arg0: i32) -> (i32, i32) {
    %c0_i32 = arith.constant 0 : i32
    %c0_i32_0 = arith.constant 0 : i32
    %c0_i32_1 = arith.constant 0 : i32
    return %c0_i32, %c0_i32_0 : i32, i32
  }
  func.func @transform_6(%arg0: i32) -> (i32, i32) {
    %c0_i32 = arith.constant 0 : i32
    %c0_i32_0 = arith.constant 0 : i32
    %c0_i32_1 = arith.constant 0 : i32
    return %c0_i32, %c0_i32_0 : i32, i32
  }
  func.func @transform_7(%arg0: i32) -> (i32, i32) {
    %c0_i32 = arith.constant 0 : i32
    %c0_i32_0 = arith.constant 0 : i32
    %c0_i32_1 = arith.constant 0 : i32
    return %c0_i32, %c0_i32_0 : i32, i32
  }
  func.func @transform_8(%arg0: i32) -> (i32, i32) {
    %c0_i32 = arith.constant 0 : i32
    %c0_i32_0 = arith.constant 0 : i32
    %c0_i32_1 = arith.constant 0 : i32
    return %c0_i32, %c0_i32_0 : i32, i32
  }
  func.func @transform_9(%arg0: i32) -> (i32, i32) {
    %c0_i32 = arith.constant 0 : i32
    %c0_i32_0 = arith.constant 0 : i32
    %c0_i32_1 = arith.constant 0 : i32
    return %c0_i32, %c0_i32_0 : i32, i32
  }
  func.func @transform_10(%arg0: i32) -> (i32, i32) {
    %c0_i32 = arith.constant 0 : i32
    %c0_i32_0 = arith.constant 0 : i32
    %c0_i32_1 = arith.constant 0 : i32
    return %c0_i32, %c0_i32_0 : i32, i32
  }
  func.func @transform_11(%arg0: i32) -> (i32, i32) {
    %c0_i32 = arith.constant 0 : i32
    %c0_i32_0 = arith.constant 0 : i32
    %c0_i32_1 = arith.constant 0 : i32
    return %c0_i32, %c0_i32_0 : i32, i32
  }
  func.func @transform_12(%arg0: i32) -> (i32, i32) {
    %c0_i32 = arith.constant 0 : i32
    %c0_i32_0 = arith.constant 0 : i32
    %c0_i32_1 = arith.constant 0 : i32
    return %c0_i32, %c0_i32_0 : i32, i32
  }
  func.func @transform_13(%arg0: i32) -> (i32, i32) {
    %c0_i32 = arith.constant 0 : i32
    %c0_i32_0 = arith.constant 0 : i32
    return %arg0, %c0_i32 : i32, i32
  }
}

module attributes {stable_mosaic.version = 14 : i64} {
  func.func @_node_body(%arg0: i32, %arg1: memref<256x64xf32, #tpu.memory_space<vmem>>, %arg2: memref<256x64xf32, #tpu.memory_space<vmem>>, %arg3: memref<256x64xf32, #tpu.memory_space<vmem>>, %arg4: memref<128x64xf32, #tpu.memory_space<vmem>>, %arg5: memref<1x64xf32, #tpu.memory_space<vmem>>, %arg6: memref<1x64xf32, #tpu.memory_space<vmem>>, %arg7: memref<1x64xf32, #tpu.memory_space<vmem>>, %arg8: memref<64x64xf32, #tpu.memory_space<vmem>>, %arg9: memref<1x64xf32, #tpu.memory_space<vmem>>, %arg10: memref<1x64xf32, #tpu.memory_space<vmem>>, %arg11: memref<1x64xf32, #tpu.memory_space<vmem>>, %arg12: memref<64x64xf32, #tpu.memory_space<vmem>>, %arg13: memref<1x64xf32, #tpu.memory_space<vmem>>, %arg14: memref<1x64xf32, #tpu.memory_space<vmem>>, %arg15: memref<1x64xf32, #tpu.memory_space<vmem>>, %arg16: memref<256x64xf32, #tpu.memory_space<vmem>>) attributes {dimension_semantics = [#tpu.dimension_semantics<arbitrary>], iteration_bounds = array<i64: 40>, scalar_prefetch = 0 : i64, scratch_operands = 0 : i64, tpu.core_type = #tpu.core_type<tc>, window_params = [{transform_indices = @transform_0, window_bounds = array<i64: 256, 64>}, {transform_indices = @transform_1, window_bounds = array<i64: 256, 64>}, {transform_indices = @transform_2, window_bounds = array<i64: 256, 64>}, {pipeline_mode = #tpu.pipeline_mode<synchronous>, transform_indices = @transform_3, window_bounds = array<i64: 128, 64>}, {pipeline_mode = #tpu.pipeline_mode<synchronous>, transform_indices = @transform_4, window_bounds = array<i64: 1, 64>}, {pipeline_mode = #tpu.pipeline_mode<synchronous>, transform_indices = @transform_5, window_bounds = array<i64: 1, 64>}, {pipeline_mode = #tpu.pipeline_mode<synchronous>, transform_indices = @transform_6, window_bounds = array<i64: 1, 64>}, {pipeline_mode = #tpu.pipeline_mode<synchronous>, transform_indices = @transform_7, window_bounds = array<i64: 64, 64>}, {pipeline_mode = #tpu.pipeline_mode<synchronous>, transform_indices = @transform_8, window_bounds = array<i64: 1, 64>}, {pipeline_mode = #tpu.pipeline_mode<synchronous>, transform_indices = @transform_9, window_bounds = array<i64: 1, 64>}, {pipeline_mode = #tpu.pipeline_mode<synchronous>, transform_indices = @transform_10, window_bounds = array<i64: 1, 64>}, {pipeline_mode = #tpu.pipeline_mode<synchronous>, transform_indices = @transform_11, window_bounds = array<i64: 64, 64>}, {pipeline_mode = #tpu.pipeline_mode<synchronous>, transform_indices = @transform_12, window_bounds = array<i64: 1, 64>}, {pipeline_mode = #tpu.pipeline_mode<synchronous>, transform_indices = @transform_13, window_bounds = array<i64: 1, 64>}, {pipeline_mode = #tpu.pipeline_mode<synchronous>, transform_indices = @transform_14, window_bounds = array<i64: 1, 64>}, {transform_indices = @transform_15, window_bounds = array<i64: 256, 64>}]} {
    %get3A = arith.constant 0 : index
    %get3A_0 = arith.constant 0 : index
    %get3A_1 = vector.load %arg2[%get3A, %get3A_0] : memref<256x64xf32, #tpu.memory_space<vmem>>, vector<256x64xf32>
    %get3A_2 = arith.constant 0 : index
    %get3A_3 = arith.constant 0 : index
    %get3A_4 = vector.load %arg3[%get3A_2, %get3A_3] : memref<256x64xf32, #tpu.memory_space<vmem>>, vector<256x64xf32>
    %add3A = arith.addf %get3A_1, %get3A_4 : vector<256x64xf32>
    %get3A_5 = arith.constant 0 : index
    %get3A_6 = arith.constant 0 : index
    %get3A_7 = vector.load %arg1[%get3A_5, %get3A_6] : memref<256x64xf32, #tpu.memory_space<vmem>>, vector<256x64xf32>
    %concatenate3A = tpu.concatenate %get3A_7, %add3A in 1 : vector<256x64xf32>, vector<256x64xf32> -> vector<256x128xf32>
    %get3A_8 = arith.constant 0 : index
    %get3A_9 = arith.constant 0 : index
    %get3A_10 = vector.load %arg4[%get3A_8, %get3A_9] : memref<128x64xf32, #tpu.memory_space<vmem>>, vector<128x64xf32>
    %convert_element_type3A = arith.truncf %concatenate3A : vector<256x128xf32> to vector<256x128xbf16>
    %convert_element_type3A_11 = arith.truncf %get3A_10 : vector<128x64xf32> to vector<128x64xbf16>
    %dot_general3A = arith.constant dense<0.000000e+00> : vector<256x64xf32>
    %dot_general3A_12 = tpu.matmul %convert_element_type3A, %convert_element_type3A_11, %dot_general3A {dimension_numbers = #tpu.dot_dimension_numbers<[1], [0], [0], [1], [0, 0, 1, 1], [], []>, transpose_lhs_hint = false} : vector<256x128xbf16>, vector<128x64xbf16>, vector<256x64xf32> -> vector<256x64xf32>
    %get3A_13 = arith.constant 0 : index
    %get3A_14 = arith.constant 0 : index
    %get3A_15 = vector.load %arg5[%get3A_13, %get3A_14] : memref<1x64xf32, #tpu.memory_space<vmem>>, vector<1x64xf32>
    %add3A_16 = vector.broadcast %get3A_15 : vector<1x64xf32> to vector<256x64xf32>
    %add3A_17 = arith.addf %dot_general3A_12, %add3A_16 : vector<256x64xf32>
    %get3A_18 = arith.constant 0 : index
    %get3A_19 = arith.constant 0 : index
    %get3A_20 = vector.load %arg6[%get3A_18, %get3A_19] : memref<1x64xf32, #tpu.memory_space<vmem>>, vector<1x64xf32>
    %get3A_21 = arith.constant 0 : index
    %get3A_22 = arith.constant 0 : index
    %get3A_23 = vector.load %arg7[%get3A_21, %get3A_22] : memref<1x64xf32, #tpu.memory_space<vmem>>, vector<1x64xf32>
    %reduce_sum3A = arith.constant dense<0.000000e+00> : vector<256xf32>
    %reduce_sum3A_24 = vector.multi_reduction <add>, %add3A_17, %reduce_sum3A [1] : vector<256x64xf32> to vector<256xf32>
    %broadcast_in_dim3A = vector.shape_cast %reduce_sum3A_24 : vector<256xf32> to vector<256x1xf32>
    %div3A = arith.constant 6.400000e+01 : f32
    %div3A_25 = vector.broadcast %div3A : f32 to vector<256x1xf32>
    %div3A_26 = arith.divf %broadcast_in_dim3A, %div3A_25 : vector<256x1xf32>
    %sub3A = vector.broadcast %div3A_26 : vector<256x1xf32> to vector<256x64xf32>
    %sub3A_27 = arith.subf %add3A_17, %sub3A : vector<256x64xf32>
    %integer_pow3A = arith.mulf %sub3A_27, %sub3A_27 : vector<256x64xf32>
    %reduce_sum3A_28 = arith.constant dense<0.000000e+00> : vector<256xf32>
    %reduce_sum3A_29 = vector.multi_reduction <add>, %integer_pow3A, %reduce_sum3A_28 [1] : vector<256x64xf32> to vector<256xf32>
    %broadcast_in_dim3A_30 = vector.shape_cast %reduce_sum3A_29 : vector<256xf32> to vector<256x1xf32>
    %div3A_31 = arith.constant 6.400000e+01 : f32
    %div3A_32 = vector.broadcast %div3A_31 : f32 to vector<256x1xf32>
    %div3A_33 = arith.divf %broadcast_in_dim3A_30, %div3A_32 : vector<256x1xf32>
    %sub3A_34 = vector.broadcast %div3A_26 : vector<256x1xf32> to vector<256x64xf32>
    %sub3A_35 = arith.subf %add3A_17, %sub3A_34 : vector<256x64xf32>
    %add3A_36 = arith.constant 9.99999974E-6 : f32
    %add3A_37 = vector.broadcast %add3A_36 : f32 to vector<256x1xf32>
    %add3A_38 = arith.addf %div3A_33, %add3A_37 : vector<256x1xf32>
    %rsqrt3A = math.rsqrt %add3A_38 : vector<256x1xf32>
    %mul3A = vector.broadcast %rsqrt3A : vector<256x1xf32> to vector<256x64xf32>
    %mul3A_39 = arith.mulf %sub3A_35, %mul3A : vector<256x64xf32>
    %mul3A_40 = vector.broadcast %get3A_20 : vector<1x64xf32> to vector<256x64xf32>
    %mul3A_41 = arith.mulf %mul3A_39, %mul3A_40 : vector<256x64xf32>
    %add3A_42 = vector.broadcast %get3A_23 : vector<1x64xf32> to vector<256x64xf32>
    %add3A_43 = arith.addf %mul3A_41, %add3A_42 : vector<256x64xf32>
    %max3A = arith.constant 0.000000e+00 : f32
    %max3A_44 = vector.broadcast %max3A : f32 to vector<256x64xf32>
    %max3A_45 = arith.maximumf %add3A_43, %max3A_44 : vector<256x64xf32>
    %get3A_46 = arith.constant 0 : index
    %get3A_47 = arith.constant 0 : index
    %get3A_48 = vector.load %arg8[%get3A_46, %get3A_47] : memref<64x64xf32, #tpu.memory_space<vmem>>, vector<64x64xf32>
    %convert_element_type3A_49 = arith.truncf %max3A_45 : vector<256x64xf32> to vector<256x64xbf16>
    %convert_element_type3A_50 = arith.truncf %get3A_48 : vector<64x64xf32> to vector<64x64xbf16>
    %dot_general3A_51 = arith.constant dense<0.000000e+00> : vector<256x64xf32>
    %dot_general3A_52 = tpu.matmul %convert_element_type3A_49, %convert_element_type3A_50, %dot_general3A_51 {dimension_numbers = #tpu.dot_dimension_numbers<[1], [0], [0], [1], [0, 0, 1, 1], [], []>, transpose_lhs_hint = false} : vector<256x64xbf16>, vector<64x64xbf16>, vector<256x64xf32> -> vector<256x64xf32>
    %get3A_53 = arith.constant 0 : index
    %get3A_54 = arith.constant 0 : index
    %get3A_55 = vector.load %arg9[%get3A_53, %get3A_54] : memref<1x64xf32, #tpu.memory_space<vmem>>, vector<1x64xf32>
    %add3A_56 = vector.broadcast %get3A_55 : vector<1x64xf32> to vector<256x64xf32>
    %add3A_57 = arith.addf %dot_general3A_52, %add3A_56 : vector<256x64xf32>
    %get3A_58 = arith.constant 0 : index
    %get3A_59 = arith.constant 0 : index
    %get3A_60 = vector.load %arg10[%get3A_58, %get3A_59] : memref<1x64xf32, #tpu.memory_space<vmem>>, vector<1x64xf32>
    %get3A_61 = arith.constant 0 : index
    %get3A_62 = arith.constant 0 : index
    %get3A_63 = vector.load %arg11[%get3A_61, %get3A_62] : memref<1x64xf32, #tpu.memory_space<vmem>>, vector<1x64xf32>
    %reduce_sum3A_64 = arith.constant dense<0.000000e+00> : vector<256xf32>
    %reduce_sum3A_65 = vector.multi_reduction <add>, %add3A_57, %reduce_sum3A_64 [1] : vector<256x64xf32> to vector<256xf32>
    %broadcast_in_dim3A_66 = vector.shape_cast %reduce_sum3A_65 : vector<256xf32> to vector<256x1xf32>
    %div3A_67 = arith.constant 6.400000e+01 : f32
    %div3A_68 = vector.broadcast %div3A_67 : f32 to vector<256x1xf32>
    %div3A_69 = arith.divf %broadcast_in_dim3A_66, %div3A_68 : vector<256x1xf32>
    %sub3A_70 = vector.broadcast %div3A_69 : vector<256x1xf32> to vector<256x64xf32>
    %sub3A_71 = arith.subf %add3A_57, %sub3A_70 : vector<256x64xf32>
    %integer_pow3A_72 = arith.mulf %sub3A_71, %sub3A_71 : vector<256x64xf32>
    %reduce_sum3A_73 = arith.constant dense<0.000000e+00> : vector<256xf32>
    %reduce_sum3A_74 = vector.multi_reduction <add>, %integer_pow3A_72, %reduce_sum3A_73 [1] : vector<256x64xf32> to vector<256xf32>
    %broadcast_in_dim3A_75 = vector.shape_cast %reduce_sum3A_74 : vector<256xf32> to vector<256x1xf32>
    %div3A_76 = arith.constant 6.400000e+01 : f32
    %div3A_77 = vector.broadcast %div3A_76 : f32 to vector<256x1xf32>
    %div3A_78 = arith.divf %broadcast_in_dim3A_75, %div3A_77 : vector<256x1xf32>
    %sub3A_79 = vector.broadcast %div3A_69 : vector<256x1xf32> to vector<256x64xf32>
    %sub3A_80 = arith.subf %add3A_57, %sub3A_79 : vector<256x64xf32>
    %add3A_81 = arith.constant 9.99999974E-6 : f32
    %add3A_82 = vector.broadcast %add3A_81 : f32 to vector<256x1xf32>
    %add3A_83 = arith.addf %div3A_78, %add3A_82 : vector<256x1xf32>
    %rsqrt3A_84 = math.rsqrt %add3A_83 : vector<256x1xf32>
    %mul3A_85 = vector.broadcast %rsqrt3A_84 : vector<256x1xf32> to vector<256x64xf32>
    %mul3A_86 = arith.mulf %sub3A_80, %mul3A_85 : vector<256x64xf32>
    %mul3A_87 = vector.broadcast %get3A_60 : vector<1x64xf32> to vector<256x64xf32>
    %mul3A_88 = arith.mulf %mul3A_86, %mul3A_87 : vector<256x64xf32>
    %add3A_89 = vector.broadcast %get3A_63 : vector<1x64xf32> to vector<256x64xf32>
    %add3A_90 = arith.addf %mul3A_88, %add3A_89 : vector<256x64xf32>
    %max3A_91 = arith.constant 0.000000e+00 : f32
    %max3A_92 = vector.broadcast %max3A_91 : f32 to vector<256x64xf32>
    %max3A_93 = arith.maximumf %add3A_90, %max3A_92 : vector<256x64xf32>
    %get3A_94 = arith.constant 0 : index
    %get3A_95 = arith.constant 0 : index
    %get3A_96 = vector.load %arg12[%get3A_94, %get3A_95] : memref<64x64xf32, #tpu.memory_space<vmem>>, vector<64x64xf32>
    %convert_element_type3A_97 = arith.truncf %max3A_93 : vector<256x64xf32> to vector<256x64xbf16>
    %convert_element_type3A_98 = arith.truncf %get3A_96 : vector<64x64xf32> to vector<64x64xbf16>
    %dot_general3A_99 = arith.constant dense<0.000000e+00> : vector<256x64xf32>
    %dot_general3A_100 = tpu.matmul %convert_element_type3A_97, %convert_element_type3A_98, %dot_general3A_99 {dimension_numbers = #tpu.dot_dimension_numbers<[1], [0], [0], [1], [0, 0, 1, 1], [], []>, transpose_lhs_hint = false} : vector<256x64xbf16>, vector<64x64xbf16>, vector<256x64xf32> -> vector<256x64xf32>
    %get3A_101 = arith.constant 0 : index
    %get3A_102 = arith.constant 0 : index
    %get3A_103 = vector.load %arg13[%get3A_101, %get3A_102] : memref<1x64xf32, #tpu.memory_space<vmem>>, vector<1x64xf32>
    %add3A_104 = vector.broadcast %get3A_103 : vector<1x64xf32> to vector<256x64xf32>
    %add3A_105 = arith.addf %dot_general3A_100, %add3A_104 : vector<256x64xf32>
    %get3A_106 = arith.constant 0 : index
    %get3A_107 = arith.constant 0 : index
    %get3A_108 = vector.load %arg14[%get3A_106, %get3A_107] : memref<1x64xf32, #tpu.memory_space<vmem>>, vector<1x64xf32>
    %get3A_109 = arith.constant 0 : index
    %get3A_110 = arith.constant 0 : index
    %get3A_111 = vector.load %arg15[%get3A_109, %get3A_110] : memref<1x64xf32, #tpu.memory_space<vmem>>, vector<1x64xf32>
    %reduce_sum3A_112 = arith.constant dense<0.000000e+00> : vector<256xf32>
    %reduce_sum3A_113 = vector.multi_reduction <add>, %add3A_105, %reduce_sum3A_112 [1] : vector<256x64xf32> to vector<256xf32>
    %broadcast_in_dim3A_114 = vector.shape_cast %reduce_sum3A_113 : vector<256xf32> to vector<256x1xf32>
    %div3A_115 = arith.constant 6.400000e+01 : f32
    %div3A_116 = vector.broadcast %div3A_115 : f32 to vector<256x1xf32>
    %div3A_117 = arith.divf %broadcast_in_dim3A_114, %div3A_116 : vector<256x1xf32>
    %sub3A_118 = vector.broadcast %div3A_117 : vector<256x1xf32> to vector<256x64xf32>
    %sub3A_119 = arith.subf %add3A_105, %sub3A_118 : vector<256x64xf32>
    %integer_pow3A_120 = arith.mulf %sub3A_119, %sub3A_119 : vector<256x64xf32>
    %reduce_sum3A_121 = arith.constant dense<0.000000e+00> : vector<256xf32>
    %reduce_sum3A_122 = vector.multi_reduction <add>, %integer_pow3A_120, %reduce_sum3A_121 [1] : vector<256x64xf32> to vector<256xf32>
    %broadcast_in_dim3A_123 = vector.shape_cast %reduce_sum3A_122 : vector<256xf32> to vector<256x1xf32>
    %div3A_124 = arith.constant 6.400000e+01 : f32
    %div3A_125 = vector.broadcast %div3A_124 : f32 to vector<256x1xf32>
    %div3A_126 = arith.divf %broadcast_in_dim3A_123, %div3A_125 : vector<256x1xf32>
    %sub3A_127 = vector.broadcast %div3A_117 : vector<256x1xf32> to vector<256x64xf32>
    %sub3A_128 = arith.subf %add3A_105, %sub3A_127 : vector<256x64xf32>
    %add3A_129 = arith.constant 9.99999974E-6 : f32
    %add3A_130 = vector.broadcast %add3A_129 : f32 to vector<256x1xf32>
    %add3A_131 = arith.addf %div3A_126, %add3A_130 : vector<256x1xf32>
    %rsqrt3A_132 = math.rsqrt %add3A_131 : vector<256x1xf32>
    %mul3A_133 = vector.broadcast %rsqrt3A_132 : vector<256x1xf32> to vector<256x64xf32>
    %mul3A_134 = arith.mulf %sub3A_128, %mul3A_133 : vector<256x64xf32>
    %mul3A_135 = vector.broadcast %get3A_108 : vector<1x64xf32> to vector<256x64xf32>
    %mul3A_136 = arith.mulf %mul3A_134, %mul3A_135 : vector<256x64xf32>
    %add3A_137 = vector.broadcast %get3A_111 : vector<1x64xf32> to vector<256x64xf32>
    %add3A_138 = arith.addf %mul3A_136, %add3A_137 : vector<256x64xf32>
    %max3A_139 = arith.constant 0.000000e+00 : f32
    %max3A_140 = vector.broadcast %max3A_139 : f32 to vector<256x64xf32>
    %max3A_141 = arith.maximumf %add3A_138, %max3A_140 : vector<256x64xf32>
    %swap3A = arith.constant 0 : index
    %swap3A_142 = arith.constant 0 : index
    %swap3A_143 = vector.load %arg16[%swap3A, %swap3A_142] : memref<256x64xf32, #tpu.memory_space<vmem>>, vector<256x64xf32>
    tpu.vector_store %arg16[%swap3A, %swap3A_142], %max3A_141 {strides = array<i32>} : memref<256x64xf32, #tpu.memory_space<vmem>>, vector<256x64xf32>,
    return
  }
  func.func @transform_0(%arg0: i32) -> (i32, i32) {
    %c0_i32 = arith.constant 0 : i32
    %c0_i32_0 = arith.constant 0 : i32
    return %arg0, %c0_i32 : i32, i32
  }
  func.func @transform_1(%arg0: i32) -> (i32, i32) {
    %c0_i32 = arith.constant 0 : i32
    %c0_i32_0 = arith.constant 0 : i32
    return %arg0, %c0_i32 : i32, i32
  }
  func.func @transform_2(%arg0: i32) -> (i32, i32) {
    %c0_i32 = arith.constant 0 : i32
    %c0_i32_0 = arith.constant 0 : i32
    return %arg0, %c0_i32 : i32, i32
  }
  func.func @transform_3(%arg0: i32) -> (i32, i32) {
    %c0_i32 = arith.constant 0 : i32
    %c0_i32_0 = arith.constant 0 : i32
    %c0_i32_1 = arith.constant 0 : i32
    return %c0_i32, %c0_i32_0 : i32, i32
  }
  func.func @transform_4(%arg0: i32) -> (i32, i32) {
    %c0_i32 = arith.constant 0 : i32
    %c0_i32_0 = arith.constant 0 : i32
    %c0_i32_1 = arith.constant 0 : i32
    return %c0_i32, %c0_i32_0 : i32, i32
  }
  func.func @transform_5(%arg0: i32) -> (i32, i32) {
    %c0_i32 = arith.constant 0 : i32
    %c0_i32_0 = arith.constant 0 : i32
    %c0_i32_1 = arith.constant 0 : i32
    return %c0_i32, %c0_i32_0 : i32, i32
  }
  func.func @transform_6(%arg0: i32) -> (i32, i32) {
    %c0_i32 = arith.constant 0 : i32
    %c0_i32_0 = arith.constant 0 : i32
    %c0_i32_1 = arith.constant 0 : i32
    return %c0_i32, %c0_i32_0 : i32, i32
  }
  func.func @transform_7(%arg0: i32) -> (i32, i32) {
    %c0_i32 = arith.constant 0 : i32
    %c0_i32_0 = arith.constant 0 : i32
    %c0_i32_1 = arith.constant 0 : i32
    return %c0_i32, %c0_i32_0 : i32, i32
  }
  func.func @transform_8(%arg0: i32) -> (i32, i32) {
    %c0_i32 = arith.constant 0 : i32
    %c0_i32_0 = arith.constant 0 : i32
    %c0_i32_1 = arith.constant 0 : i32
    return %c0_i32, %c0_i32_0 : i32, i32
  }
  func.func @transform_9(%arg0: i32) -> (i32, i32) {
    %c0_i32 = arith.constant 0 : i32
    %c0_i32_0 = arith.constant 0 : i32
    %c0_i32_1 = arith.constant 0 : i32
    return %c0_i32, %c0_i32_0 : i32, i32
  }
  func.func @transform_10(%arg0: i32) -> (i32, i32) {
    %c0_i32 = arith.constant 0 : i32
    %c0_i32_0 = arith.constant 0 : i32
    %c0_i32_1 = arith.constant 0 : i32
    return %c0_i32, %c0_i32_0 : i32, i32
  }
  func.func @transform_11(%arg0: i32) -> (i32, i32) {
    %c0_i32 = arith.constant 0 : i32
    %c0_i32_0 = arith.constant 0 : i32
    %c0_i32_1 = arith.constant 0 : i32
    return %c0_i32, %c0_i32_0 : i32, i32
  }
  func.func @transform_12(%arg0: i32) -> (i32, i32) {
    %c0_i32 = arith.constant 0 : i32
    %c0_i32_0 = arith.constant 0 : i32
    %c0_i32_1 = arith.constant 0 : i32
    return %c0_i32, %c0_i32_0 : i32, i32
  }
  func.func @transform_13(%arg0: i32) -> (i32, i32) {
    %c0_i32 = arith.constant 0 : i32
    %c0_i32_0 = arith.constant 0 : i32
    %c0_i32_1 = arith.constant 0 : i32
    return %c0_i32, %c0_i32_0 : i32, i32
  }
  func.func @transform_14(%arg0: i32) -> (i32, i32) {
    %c0_i32 = arith.constant 0 : i32
    %c0_i32_0 = arith.constant 0 : i32
    %c0_i32_1 = arith.constant 0 : i32
    return %c0_i32, %c0_i32_0 : i32, i32
  }
  func.func @transform_15(%arg0: i32) -> (i32, i32) {
    %c0_i32 = arith.constant 0 : i32
    %c0_i32_0 = arith.constant 0 : i32
    return %arg0, %c0_i32 : i32, i32
  }
}

module attributes {stable_mosaic.version = 14 : i64} {
  func.func @_ab_body(%arg0: i32, %arg1: memref<256x64xf32, #tpu.memory_space<vmem>>, %arg2: memref<64x64xf32, #tpu.memory_space<vmem>>, %arg3: memref<64x64xf32, #tpu.memory_space<vmem>>, %arg4: memref<256x64xf32, #tpu.memory_space<vmem>>, %arg5: memref<256x64xf32, #tpu.memory_space<vmem>>) attributes {dimension_semantics = [#tpu.dimension_semantics<arbitrary>], iteration_bounds = array<i64: 40>, scalar_prefetch = 0 : i64, scratch_operands = 0 : i64, tpu.core_type = #tpu.core_type<tc>, window_params = [{transform_indices = @transform_0, window_bounds = array<i64: 256, 64>}, {pipeline_mode = #tpu.pipeline_mode<synchronous>, transform_indices = @transform_1, window_bounds = array<i64: 64, 64>}, {pipeline_mode = #tpu.pipeline_mode<synchronous>, transform_indices = @transform_2, window_bounds = array<i64: 64, 64>}, {transform_indices = @transform_3, window_bounds = array<i64: 256, 64>}, {transform_indices = @transform_4, window_bounds = array<i64: 256, 64>}]} {
    %get3A = arith.constant 0 : index
    %get3A_0 = arith.constant 0 : index
    %get3A_1 = vector.load %arg1[%get3A, %get3A_0] : memref<256x64xf32, #tpu.memory_space<vmem>>, vector<256x64xf32>
    %get3A_2 = arith.constant 0 : index
    %get3A_3 = arith.constant 0 : index
    %get3A_4 = vector.load %arg2[%get3A_2, %get3A_3] : memref<64x64xf32, #tpu.memory_space<vmem>>, vector<64x64xf32>
    %convert_element_type3A = arith.truncf %get3A_1 : vector<256x64xf32> to vector<256x64xbf16>
    %convert_element_type3A_5 = arith.truncf %get3A_4 : vector<64x64xf32> to vector<64x64xbf16>
    %dot_general3A = arith.constant dense<0.000000e+00> : vector<256x64xf32>
    %dot_general3A_6 = tpu.matmul %convert_element_type3A, %convert_element_type3A_5, %dot_general3A {dimension_numbers = #tpu.dot_dimension_numbers<[1], [0], [0], [1], [0, 0, 1, 1], [], []>, transpose_lhs_hint = false} : vector<256x64xbf16>, vector<64x64xbf16>, vector<256x64xf32> -> vector<256x64xf32>
    %swap3A = arith.constant 0 : index
    %swap3A_7 = arith.constant 0 : index
    %swap3A_8 = vector.load %arg4[%swap3A, %swap3A_7] : memref<256x64xf32, #tpu.memory_space<vmem>>, vector<256x64xf32>
    tpu.vector_store %arg4[%swap3A, %swap3A_7], %dot_general3A_6 {strides = array<i32>} : memref<256x64xf32, #tpu.memory_space<vmem>>, vector<256x64xf32>,
    %get3A_9 = arith.constant 0 : index
    %get3A_10 = arith.constant 0 : index
    %get3A_11 = vector.load %arg1[%get3A_9, %get3A_10] : memref<256x64xf32, #tpu.memory_space<vmem>>, vector<256x64xf32>
    %get3A_12 = arith.constant 0 : index
    %get3A_13 = arith.constant 0 : index
    %get3A_14 = vector.load %arg3[%get3A_12, %get3A_13] : memref<64x64xf32, #tpu.memory_space<vmem>>, vector<64x64xf32>
    %convert_element_type3A_15 = arith.truncf %get3A_11 : vector<256x64xf32> to vector<256x64xbf16>
    %convert_element_type3A_16 = arith.truncf %get3A_14 : vector<64x64xf32> to vector<64x64xbf16>
    %dot_general3A_17 = arith.constant dense<0.000000e+00> : vector<256x64xf32>
    %dot_general3A_18 = tpu.matmul %convert_element_type3A_15, %convert_element_type3A_16, %dot_general3A_17 {dimension_numbers = #tpu.dot_dimension_numbers<[1], [0], [0], [1], [0, 0, 1, 1], [], []>, transpose_lhs_hint = false} : vector<256x64xbf16>, vector<64x64xbf16>, vector<256x64xf32> -> vector<256x64xf32>
    %swap3A_19 = arith.constant 0 : index
    %swap3A_20 = arith.constant 0 : index
    %swap3A_21 = vector.load %arg5[%swap3A_19, %swap3A_20] : memref<256x64xf32, #tpu.memory_space<vmem>>, vector<256x64xf32>
    tpu.vector_store %arg5[%swap3A_19, %swap3A_20], %dot_general3A_18 {strides = array<i32>} : memref<256x64xf32, #tpu.memory_space<vmem>>, vector<256x64xf32>,
    return
  }
  func.func @transform_0(%arg0: i32) -> (i32, i32) {
    %c0_i32 = arith.constant 0 : i32
    %c0_i32_0 = arith.constant 0 : i32
    return %arg0, %c0_i32 : i32, i32
  }
  func.func @transform_1(%arg0: i32) -> (i32, i32) {
    %c0_i32 = arith.constant 0 : i32
    %c0_i32_0 = arith.constant 0 : i32
    %c0_i32_1 = arith.constant 0 : i32
    return %c0_i32, %c0_i32_0 : i32, i32
  }
  func.func @transform_2(%arg0: i32) -> (i32, i32) {
    %c0_i32 = arith.constant 0 : i32
    %c0_i32_0 = arith.constant 0 : i32
    %c0_i32_1 = arith.constant 0 : i32
    return %c0_i32, %c0_i32_0 : i32, i32
  }
  func.func @transform_3(%arg0: i32) -> (i32, i32) {
    %c0_i32 = arith.constant 0 : i32
    %c0_i32_0 = arith.constant 0 : i32
    return %arg0, %c0_i32 : i32, i32
  }
  func.func @transform_4(%arg0: i32) -> (i32, i32) {
    %c0_i32 = arith.constant 0 : i32
    %c0_i32_0 = arith.constant 0 : i32
    return %arg0, %c0_i32 : i32, i32
  }
}

module attributes {stable_mosaic.version = 14 : i64} {
  func.func @_edge_body(%arg0: i32, %arg1: memref<512x64xf32, #tpu.memory_space<vmem>>, %arg2: memref<512x64xf32, #tpu.memory_space<vmem>>, %arg3: memref<1x64xf32, #tpu.memory_space<vmem>>, %arg4: memref<1x64xf32, #tpu.memory_space<vmem>>, %arg5: memref<1x64xf32, #tpu.memory_space<vmem>>, %arg6: memref<64x64xf32, #tpu.memory_space<vmem>>, %arg7: memref<1x64xf32, #tpu.memory_space<vmem>>, %arg8: memref<1x64xf32, #tpu.memory_space<vmem>>, %arg9: memref<1x64xf32, #tpu.memory_space<vmem>>, %arg10: memref<64x64xf32, #tpu.memory_space<vmem>>, %arg11: memref<1x64xf32, #tpu.memory_space<vmem>>, %arg12: memref<1x64xf32, #tpu.memory_space<vmem>>, %arg13: memref<1x64xf32, #tpu.memory_space<vmem>>, %arg14: memref<64x1xf32, #tpu.memory_space<vmem>>, %arg15: memref<1x1xf32, #tpu.memory_space<vmem>>, %arg16: memref<512x1xf32, #tpu.memory_space<vmem>>) attributes {dimension_semantics = [#tpu.dimension_semantics<arbitrary>], iteration_bounds = array<i64: 640>, scalar_prefetch = 0 : i64, scratch_operands = 0 : i64, tpu.core_type = #tpu.core_type<tc>, window_params = [{transform_indices = @transform_0, window_bounds = array<i64: 512, 64>}, {transform_indices = @transform_1, window_bounds = array<i64: 512, 64>}, {pipeline_mode = #tpu.pipeline_mode<synchronous>, transform_indices = @transform_2, window_bounds = array<i64: 1, 64>}, {pipeline_mode = #tpu.pipeline_mode<synchronous>, transform_indices = @transform_3, window_bounds = array<i64: 1, 64>}, {pipeline_mode = #tpu.pipeline_mode<synchronous>, transform_indices = @transform_4, window_bounds = array<i64: 1, 64>}, {pipeline_mode = #tpu.pipeline_mode<synchronous>, transform_indices = @transform_5, window_bounds = array<i64: 64, 64>}, {pipeline_mode = #tpu.pipeline_mode<synchronous>, transform_indices = @transform_6, window_bounds = array<i64: 1, 64>}, {pipeline_mode = #tpu.pipeline_mode<synchronous>, transform_indices = @transform_7, window_bounds = array<i64: 1, 64>}, {pipeline_mode = #tpu.pipeline_mode<synchronous>, transform_indices = @transform_8, window_bounds = array<i64: 1, 64>}, {pipeline_mode = #tpu.pipeline_mode<synchronous>, transform_indices = @transform_9, window_bounds = array<i64: 64, 64>}, {pipeline_mode = #tpu.pipeline_mode<synchronous>, transform_indices = @transform_10, window_bounds = array<i64: 1, 64>}, {pipeline_mode = #tpu.pipeline_mode<synchronous>, transform_indices = @transform_11, window_bounds = array<i64: 1, 64>}, {pipeline_mode = #tpu.pipeline_mode<synchronous>, transform_indices = @transform_12, window_bounds = array<i64: 1, 64>}, {pipeline_mode = #tpu.pipeline_mode<synchronous>, transform_indices = @transform_13, window_bounds = array<i64: 64, 1>}, {pipeline_mode = #tpu.pipeline_mode<synchronous>, transform_indices = @transform_14, window_bounds = array<i64: 1, 1>}, {transform_indices = @transform_15, window_bounds = array<i64: 512, 1>}]} {
    %get3A = arith.constant 0 : index
    %get3A_0 = arith.constant 0 : index
    %get3A_1 = vector.load %arg1[%get3A, %get3A_0] : memref<512x64xf32, #tpu.memory_space<vmem>>, vector<512x64xf32>
    %get3A_2 = arith.constant 0 : index
    %get3A_3 = arith.constant 0 : index
    %get3A_4 = vector.load %arg2[%get3A_2, %get3A_3] : memref<512x64xf32, #tpu.memory_space<vmem>>, vector<512x64xf32>
    %add3A = arith.addf %get3A_1, %get3A_4 : vector<512x64xf32>
    %get3A_5 = arith.constant 0 : index
    %get3A_6 = arith.constant 0 : index
    %get3A_7 = vector.load %arg3[%get3A_5, %get3A_6] : memref<1x64xf32, #tpu.memory_space<vmem>>, vector<1x64xf32>
    %add3A_8 = vector.broadcast %get3A_7 : vector<1x64xf32> to vector<512x64xf32>
    %add3A_9 = arith.addf %add3A, %add3A_8 : vector<512x64xf32>
    %get3A_10 = arith.constant 0 : index
    %get3A_11 = arith.constant 0 : index
    %get3A_12 = vector.load %arg4[%get3A_10, %get3A_11] : memref<1x64xf32, #tpu.memory_space<vmem>>, vector<1x64xf32>
    %get3A_13 = arith.constant 0 : index
    %get3A_14 = arith.constant 0 : index
    %get3A_15 = vector.load %arg5[%get3A_13, %get3A_14] : memref<1x64xf32, #tpu.memory_space<vmem>>, vector<1x64xf32>
    %reduce_sum3A = arith.constant dense<0.000000e+00> : vector<512xf32>
    %reduce_sum3A_16 = vector.multi_reduction <add>, %add3A_9, %reduce_sum3A [1] : vector<512x64xf32> to vector<512xf32>
    %broadcast_in_dim3A = vector.shape_cast %reduce_sum3A_16 : vector<512xf32> to vector<512x1xf32>
    %div3A = arith.constant 6.400000e+01 : f32
    %div3A_17 = vector.broadcast %div3A : f32 to vector<512x1xf32>
    %div3A_18 = arith.divf %broadcast_in_dim3A, %div3A_17 : vector<512x1xf32>
    %sub3A = vector.broadcast %div3A_18 : vector<512x1xf32> to vector<512x64xf32>
    %sub3A_19 = arith.subf %add3A_9, %sub3A : vector<512x64xf32>
    %integer_pow3A = arith.mulf %sub3A_19, %sub3A_19 : vector<512x64xf32>
    %reduce_sum3A_20 = arith.constant dense<0.000000e+00> : vector<512xf32>
    %reduce_sum3A_21 = vector.multi_reduction <add>, %integer_pow3A, %reduce_sum3A_20 [1] : vector<512x64xf32> to vector<512xf32>
    %broadcast_in_dim3A_22 = vector.shape_cast %reduce_sum3A_21 : vector<512xf32> to vector<512x1xf32>
    %div3A_23 = arith.constant 6.400000e+01 : f32
    %div3A_24 = vector.broadcast %div3A_23 : f32 to vector<512x1xf32>
    %div3A_25 = arith.divf %broadcast_in_dim3A_22, %div3A_24 : vector<512x1xf32>
    %sub3A_26 = vector.broadcast %div3A_18 : vector<512x1xf32> to vector<512x64xf32>
    %sub3A_27 = arith.subf %add3A_9, %sub3A_26 : vector<512x64xf32>
    %add3A_28 = arith.constant 9.99999974E-6 : f32
    %add3A_29 = vector.broadcast %add3A_28 : f32 to vector<512x1xf32>
    %add3A_30 = arith.addf %div3A_25, %add3A_29 : vector<512x1xf32>
    %rsqrt3A = math.rsqrt %add3A_30 : vector<512x1xf32>
    %mul3A = vector.broadcast %rsqrt3A : vector<512x1xf32> to vector<512x64xf32>
    %mul3A_31 = arith.mulf %sub3A_27, %mul3A : vector<512x64xf32>
    %mul3A_32 = vector.broadcast %get3A_12 : vector<1x64xf32> to vector<512x64xf32>
    %mul3A_33 = arith.mulf %mul3A_31, %mul3A_32 : vector<512x64xf32>
    %add3A_34 = vector.broadcast %get3A_15 : vector<1x64xf32> to vector<512x64xf32>
    %add3A_35 = arith.addf %mul3A_33, %add3A_34 : vector<512x64xf32>
    %max3A = arith.constant 0.000000e+00 : f32
    %max3A_36 = vector.broadcast %max3A : f32 to vector<512x64xf32>
    %max3A_37 = arith.maximumf %add3A_35, %max3A_36 : vector<512x64xf32>
    %get3A_38 = arith.constant 0 : index
    %get3A_39 = arith.constant 0 : index
    %get3A_40 = vector.load %arg6[%get3A_38, %get3A_39] : memref<64x64xf32, #tpu.memory_space<vmem>>, vector<64x64xf32>
    %convert_element_type3A = arith.truncf %max3A_37 : vector<512x64xf32> to vector<512x64xbf16>
    %convert_element_type3A_41 = arith.truncf %get3A_40 : vector<64x64xf32> to vector<64x64xbf16>
    %dot_general3A = arith.constant dense<0.000000e+00> : vector<512x64xf32>
    %dot_general3A_42 = tpu.matmul %convert_element_type3A, %convert_element_type3A_41, %dot_general3A {dimension_numbers = #tpu.dot_dimension_numbers<[1], [0], [0], [1], [0, 0, 1, 1], [], []>, transpose_lhs_hint = false} : vector<512x64xbf16>, vector<64x64xbf16>, vector<512x64xf32> -> vector<512x64xf32>
    %get3A_43 = arith.constant 0 : index
    %get3A_44 = arith.constant 0 : index
    %get3A_45 = vector.load %arg7[%get3A_43, %get3A_44] : memref<1x64xf32, #tpu.memory_space<vmem>>, vector<1x64xf32>
    %add3A_46 = vector.broadcast %get3A_45 : vector<1x64xf32> to vector<512x64xf32>
    %add3A_47 = arith.addf %dot_general3A_42, %add3A_46 : vector<512x64xf32>
    %get3A_48 = arith.constant 0 : index
    %get3A_49 = arith.constant 0 : index
    %get3A_50 = vector.load %arg8[%get3A_48, %get3A_49] : memref<1x64xf32, #tpu.memory_space<vmem>>, vector<1x64xf32>
    %get3A_51 = arith.constant 0 : index
    %get3A_52 = arith.constant 0 : index
    %get3A_53 = vector.load %arg9[%get3A_51, %get3A_52] : memref<1x64xf32, #tpu.memory_space<vmem>>, vector<1x64xf32>
    %reduce_sum3A_54 = arith.constant dense<0.000000e+00> : vector<512xf32>
    %reduce_sum3A_55 = vector.multi_reduction <add>, %add3A_47, %reduce_sum3A_54 [1] : vector<512x64xf32> to vector<512xf32>
    %broadcast_in_dim3A_56 = vector.shape_cast %reduce_sum3A_55 : vector<512xf32> to vector<512x1xf32>
    %div3A_57 = arith.constant 6.400000e+01 : f32
    %div3A_58 = vector.broadcast %div3A_57 : f32 to vector<512x1xf32>
    %div3A_59 = arith.divf %broadcast_in_dim3A_56, %div3A_58 : vector<512x1xf32>
    %sub3A_60 = vector.broadcast %div3A_59 : vector<512x1xf32> to vector<512x64xf32>
    %sub3A_61 = arith.subf %add3A_47, %sub3A_60 : vector<512x64xf32>
    %integer_pow3A_62 = arith.mulf %sub3A_61, %sub3A_61 : vector<512x64xf32>
    %reduce_sum3A_63 = arith.constant dense<0.000000e+00> : vector<512xf32>
    %reduce_sum3A_64 = vector.multi_reduction <add>, %integer_pow3A_62, %reduce_sum3A_63 [1] : vector<512x64xf32> to vector<512xf32>
    %broadcast_in_dim3A_65 = vector.shape_cast %reduce_sum3A_64 : vector<512xf32> to vector<512x1xf32>
    %div3A_66 = arith.constant 6.400000e+01 : f32
    %div3A_67 = vector.broadcast %div3A_66 : f32 to vector<512x1xf32>
    %div3A_68 = arith.divf %broadcast_in_dim3A_65, %div3A_67 : vector<512x1xf32>
    %sub3A_69 = vector.broadcast %div3A_59 : vector<512x1xf32> to vector<512x64xf32>
    %sub3A_70 = arith.subf %add3A_47, %sub3A_69 : vector<512x64xf32>
    %add3A_71 = arith.constant 9.99999974E-6 : f32
    %add3A_72 = vector.broadcast %add3A_71 : f32 to vector<512x1xf32>
    %add3A_73 = arith.addf %div3A_68, %add3A_72 : vector<512x1xf32>
    %rsqrt3A_74 = math.rsqrt %add3A_73 : vector<512x1xf32>
    %mul3A_75 = vector.broadcast %rsqrt3A_74 : vector<512x1xf32> to vector<512x64xf32>
    %mul3A_76 = arith.mulf %sub3A_70, %mul3A_75 : vector<512x64xf32>
    %mul3A_77 = vector.broadcast %get3A_50 : vector<1x64xf32> to vector<512x64xf32>
    %mul3A_78 = arith.mulf %mul3A_76, %mul3A_77 : vector<512x64xf32>
    %add3A_79 = vector.broadcast %get3A_53 : vector<1x64xf32> to vector<512x64xf32>
    %add3A_80 = arith.addf %mul3A_78, %add3A_79 : vector<512x64xf32>
    %max3A_81 = arith.constant 0.000000e+00 : f32
    %max3A_82 = vector.broadcast %max3A_81 : f32 to vector<512x64xf32>
    %max3A_83 = arith.maximumf %add3A_80, %max3A_82 : vector<512x64xf32>
    %get3A_84 = arith.constant 0 : index
    %get3A_85 = arith.constant 0 : index
    %get3A_86 = vector.load %arg10[%get3A_84, %get3A_85] : memref<64x64xf32, #tpu.memory_space<vmem>>, vector<64x64xf32>
    %convert_element_type3A_87 = arith.truncf %max3A_83 : vector<512x64xf32> to vector<512x64xbf16>
    %convert_element_type3A_88 = arith.truncf %get3A_86 : vector<64x64xf32> to vector<64x64xbf16>
    %dot_general3A_89 = arith.constant dense<0.000000e+00> : vector<512x64xf32>
    %dot_general3A_90 = tpu.matmul %convert_element_type3A_87, %convert_element_type3A_88, %dot_general3A_89 {dimension_numbers = #tpu.dot_dimension_numbers<[1], [0], [0], [1], [0, 0, 1, 1], [], []>, transpose_lhs_hint = false} : vector<512x64xbf16>, vector<64x64xbf16>, vector<512x64xf32> -> vector<512x64xf32>
    %get3A_91 = arith.constant 0 : index
    %get3A_92 = arith.constant 0 : index
    %get3A_93 = vector.load %arg11[%get3A_91, %get3A_92] : memref<1x64xf32, #tpu.memory_space<vmem>>, vector<1x64xf32>
    %add3A_94 = vector.broadcast %get3A_93 : vector<1x64xf32> to vector<512x64xf32>
    %add3A_95 = arith.addf %dot_general3A_90, %add3A_94 : vector<512x64xf32>
    %get3A_96 = arith.constant 0 : index
    %get3A_97 = arith.constant 0 : index
    %get3A_98 = vector.load %arg12[%get3A_96, %get3A_97] : memref<1x64xf32, #tpu.memory_space<vmem>>, vector<1x64xf32>
    %get3A_99 = arith.constant 0 : index
    %get3A_100 = arith.constant 0 : index
    %get3A_101 = vector.load %arg13[%get3A_99, %get3A_100] : memref<1x64xf32, #tpu.memory_space<vmem>>, vector<1x64xf32>
    %reduce_sum3A_102 = arith.constant dense<0.000000e+00> : vector<512xf32>
    %reduce_sum3A_103 = vector.multi_reduction <add>, %add3A_95, %reduce_sum3A_102 [1] : vector<512x64xf32> to vector<512xf32>
    %broadcast_in_dim3A_104 = vector.shape_cast %reduce_sum3A_103 : vector<512xf32> to vector<512x1xf32>
    %div3A_105 = arith.constant 6.400000e+01 : f32
    %div3A_106 = vector.broadcast %div3A_105 : f32 to vector<512x1xf32>
    %div3A_107 = arith.divf %broadcast_in_dim3A_104, %div3A_106 : vector<512x1xf32>
    %sub3A_108 = vector.broadcast %div3A_107 : vector<512x1xf32> to vector<512x64xf32>
    %sub3A_109 = arith.subf %add3A_95, %sub3A_108 : vector<512x64xf32>
    %integer_pow3A_110 = arith.mulf %sub3A_109, %sub3A_109 : vector<512x64xf32>
    %reduce_sum3A_111 = arith.constant dense<0.000000e+00> : vector<512xf32>
    %reduce_sum3A_112 = vector.multi_reduction <add>, %integer_pow3A_110, %reduce_sum3A_111 [1] : vector<512x64xf32> to vector<512xf32>
    %broadcast_in_dim3A_113 = vector.shape_cast %reduce_sum3A_112 : vector<512xf32> to vector<512x1xf32>
    %div3A_114 = arith.constant 6.400000e+01 : f32
    %div3A_115 = vector.broadcast %div3A_114 : f32 to vector<512x1xf32>
    %div3A_116 = arith.divf %broadcast_in_dim3A_113, %div3A_115 : vector<512x1xf32>
    %sub3A_117 = vector.broadcast %div3A_107 : vector<512x1xf32> to vector<512x64xf32>
    %sub3A_118 = arith.subf %add3A_95, %sub3A_117 : vector<512x64xf32>
    %add3A_119 = arith.constant 9.99999974E-6 : f32
    %add3A_120 = vector.broadcast %add3A_119 : f32 to vector<512x1xf32>
    %add3A_121 = arith.addf %div3A_116, %add3A_120 : vector<512x1xf32>
    %rsqrt3A_122 = math.rsqrt %add3A_121 : vector<512x1xf32>
    %mul3A_123 = vector.broadcast %rsqrt3A_122 : vector<512x1xf32> to vector<512x64xf32>
    %mul3A_124 = arith.mulf %sub3A_118, %mul3A_123 : vector<512x64xf32>
    %mul3A_125 = vector.broadcast %get3A_98 : vector<1x64xf32> to vector<512x64xf32>
    %mul3A_126 = arith.mulf %mul3A_124, %mul3A_125 : vector<512x64xf32>
    %add3A_127 = vector.broadcast %get3A_101 : vector<1x64xf32> to vector<512x64xf32>
    %add3A_128 = arith.addf %mul3A_126, %add3A_127 : vector<512x64xf32>
    %max3A_129 = arith.constant 0.000000e+00 : f32
    %max3A_130 = vector.broadcast %max3A_129 : f32 to vector<512x64xf32>
    %max3A_131 = arith.maximumf %add3A_128, %max3A_130 : vector<512x64xf32>
    %get3A_132 = arith.constant 0 : index
    %get3A_133 = arith.constant 0 : index
    %get3A_134 = vector.load %arg14[%get3A_132, %get3A_133] : memref<64x1xf32, #tpu.memory_space<vmem>>, vector<64x1xf32>
    %convert_element_type3A_135 = arith.truncf %max3A_131 : vector<512x64xf32> to vector<512x64xbf16>
    %convert_element_type3A_136 = arith.truncf %get3A_134 : vector<64x1xf32> to vector<64x1xbf16>
    %dot_general3A_137 = arith.constant dense<0.000000e+00> : vector<512x1xf32>
    %dot_general3A_138 = tpu.matmul %convert_element_type3A_135, %convert_element_type3A_136, %dot_general3A_137 {dimension_numbers = #tpu.dot_dimension_numbers<[1], [0], [0], [1], [0, 0, 1, 1], [], []>, transpose_lhs_hint = false} : vector<512x64xbf16>, vector<64x1xbf16>, vector<512x1xf32> -> vector<512x1xf32>
    %get3A_139 = arith.constant 0 : index
    %get3A_140 = arith.constant 0 : index
    %get3A_141 = vector.load %arg15[%get3A_139, %get3A_140] : memref<1x1xf32, #tpu.memory_space<vmem>>, vector<1x1xf32>
    %add3A_142 = vector.broadcast %get3A_141 : vector<1x1xf32> to vector<512x1xf32>
    %add3A_143 = arith.addf %dot_general3A_138, %add3A_142 : vector<512x1xf32>
    %swap3A = arith.constant 0 : index
    %swap3A_144 = arith.constant 0 : index
    %swap3A_145 = vector.load %arg16[%swap3A, %swap3A_144] : memref<512x1xf32, #tpu.memory_space<vmem>>, vector<512x1xf32>
    tpu.vector_store %arg16[%swap3A, %swap3A_144], %add3A_143 {strides = array<i32>} : memref<512x1xf32, #tpu.memory_space<vmem>>, vector<512x1xf32>,
    return
  }
  func.func @transform_0(%arg0: i32) -> (i32, i32) {
    %c0_i32 = arith.constant 0 : i32
    %c0_i32_0 = arith.constant 0 : i32
    return %arg0, %c0_i32 : i32, i32
  }
  func.func @transform_1(%arg0: i32) -> (i32, i32) {
    %c0_i32 = arith.constant 0 : i32
    %c0_i32_0 = arith.constant 0 : i32
    return %arg0, %c0_i32 : i32, i32
  }
  func.func @transform_2(%arg0: i32) -> (i32, i32) {
    %c0_i32 = arith.constant 0 : i32
    %c0_i32_0 = arith.constant 0 : i32
    %c0_i32_1 = arith.constant 0 : i32
    return %c0_i32, %c0_i32_0 : i32, i32
  }
  func.func @transform_3(%arg0: i32) -> (i32, i32) {
    %c0_i32 = arith.constant 0 : i32
    %c0_i32_0 = arith.constant 0 : i32
    %c0_i32_1 = arith.constant 0 : i32
    return %c0_i32, %c0_i32_0 : i32, i32
  }
  func.func @transform_4(%arg0: i32) -> (i32, i32) {
    %c0_i32 = arith.constant 0 : i32
    %c0_i32_0 = arith.constant 0 : i32
    %c0_i32_1 = arith.constant 0 : i32
    return %c0_i32, %c0_i32_0 : i32, i32
  }
  func.func @transform_5(%arg0: i32) -> (i32, i32) {
    %c0_i32 = arith.constant 0 : i32
    %c0_i32_0 = arith.constant 0 : i32
    %c0_i32_1 = arith.constant 0 : i32
    return %c0_i32, %c0_i32_0 : i32, i32
  }
  func.func @transform_6(%arg0: i32) -> (i32, i32) {
    %c0_i32 = arith.constant 0 : i32
    %c0_i32_0 = arith.constant 0 : i32
    %c0_i32_1 = arith.constant 0 : i32
    return %c0_i32, %c0_i32_0 : i32, i32
  }
  func.func @transform_7(%arg0: i32) -> (i32, i32) {
    %c0_i32 = arith.constant 0 : i32
    %c0_i32_0 = arith.constant 0 : i32
    %c0_i32_1 = arith.constant 0 : i32
    return %c0_i32, %c0_i32_0 : i32, i32
  }
  func.func @transform_8(%arg0: i32) -> (i32, i32) {
    %c0_i32 = arith.constant 0 : i32
    %c0_i32_0 = arith.constant 0 : i32
    %c0_i32_1 = arith.constant 0 : i32
    return %c0_i32, %c0_i32_0 : i32, i32
  }
  func.func @transform_9(%arg0: i32) -> (i32, i32) {
    %c0_i32 = arith.constant 0 : i32
    %c0_i32_0 = arith.constant 0 : i32
    %c0_i32_1 = arith.constant 0 : i32
    return %c0_i32, %c0_i32_0 : i32, i32
  }
  func.func @transform_10(%arg0: i32) -> (i32, i32) {
    %c0_i32 = arith.constant 0 : i32
    %c0_i32_0 = arith.constant 0 : i32
    %c0_i32_1 = arith.constant 0 : i32
    return %c0_i32, %c0_i32_0 : i32, i32
  }
  func.func @transform_11(%arg0: i32) -> (i32, i32) {
    %c0_i32 = arith.constant 0 : i32
    %c0_i32_0 = arith.constant 0 : i32
    %c0_i32_1 = arith.constant 0 : i32
    return %c0_i32, %c0_i32_0 : i32, i32
  }
  func.func @transform_12(%arg0: i32) -> (i32, i32) {
    %c0_i32 = arith.constant 0 : i32
    %c0_i32_0 = arith.constant 0 : i32
    %c0_i32_1 = arith.constant 0 : i32
    return %c0_i32, %c0_i32_0 : i32, i32
  }
  func.func @transform_13(%arg0: i32) -> (i32, i32) {
    %c0_i32 = arith.constant 0 : i32
    %c0_i32_0 = arith.constant 0 : i32
    %c0_i32_1 = arith.constant 0 : i32
    return %c0_i32, %c0_i32_0 : i32, i32
  }
  func.func @transform_14(%arg0: i32) -> (i32, i32) {
    %c0_i32 = arith.constant 0 : i32
    %c0_i32_0 = arith.constant 0 : i32
    %c0_i32_1 = arith.constant 0 : i32
    return %c0_i32, %c0_i32_0 : i32, i32
  }
  func.func @transform_15(%arg0: i32) -> (i32, i32) {
    %c0_i32 = arith.constant 0 : i32
    %c0_i32_0 = arith.constant 0 : i32
    return %arg0, %c0_i32 : i32, i32
  }
}

</mosaic_0001>

<sc_bundles>
// kernel: kernel.22.cloned.1.call-start
scs
__scs_entry_jumppad:
0x0: {  	(pc) =	sbr.rel $0x88, $3  }
0x1: {  	(tag) =	ssettag $0x0;
	lr =	simm.s32 $0x1  }
0x2: {  	[smem:$0x3F79] =	sst lr;
	_ =	strace $0xD0000000  }
0x3: {  	_ = 	snop  }
0x4: {  	_ = 	snop  }
0x5: {  	_ = 	snop  }
0x6: {  	_ = 	snop  }
0x7: {  	_ = 	snop  }
__scs_overlays_trampoline_lowered:
0x8: {  	[smem:$0x3F88] =	sst s0  }
0x9: {  	[smem:$0x3F89] =	sst s1  }
0xa: {  	[smem:$0x3F8A] =	sst s2  }
0xb: {  	[smem:$0x3F8B] =	sst s3  }
0xc: {  	[smem:$0x3F8C] =	sst s4  }
0xd: {  	[smem:$0x3F8D] =	sst s5  }
0xe: {  	[smem:$0x3F8E] =	sst s6  }
0xf: {  	[smem:$0x3F8F] =	sst s7  }
0x10: {  	[smem:$0x3F90] =	sst s8  }
0x11: {  	[smem:$0x3F91] =	sst s9;
	s0 =	simm.s32 @!p0 $0x0  }
0x12: {  	s1 =	sld [smem:$0x3F77];
	s0 =	simm.s32 @p0 $0x1  }
0x13: {  	[smem:$0x3F92] =	sst s0;
	s0 =	simm.s32 @!p1 $0x0  }
0x14: {  	s2 =	sld [smem:$0x3F76];
	s0 =	simm.s32 @p1 $0x1  }
0x15: {  	[smem:$0x3F93] =	sst s0;
	s0 =	simm.s32 @!p2 $0x0  }
0x16: {  	s3 =	sld [smem:$0x3FDB];
	s0 =	simm.s32 @p2 $0x1  }
0x17: {  	s4 =	simm.s32 $0x1BF5;
	[smem:$0x3F95] =	sst s0  }
0x18: {  	s0 =	sld [smem:$0x3F78];
	_ =	swait.ge [sflag:s4], $0x0  }
0x19: {  	s7 =	sld [smem:$0x3F79]  }
0x1a: {  	s8 =	sadd.s32 $0xFFFFE003, lr  }
0x1b: {  	s9 =	sadd.s32 $0xFFFFFEF7, lr;
	s5 =	simm.s32 $0xFFFFFFFF;
	p2 =	slt.u32 s8, $0xFFFFF086  }
0x1c: {  	p1 =	slt.u32 s9, $0xF7A;
	s5 =	simm.s32 @!p2 $0x0  }
0x1d: {  	s5 =	simm.s32 @p1 $0x1;
	p0 =	seq.s32 s7, s2  }
0x1e: {  	s7 =	smul.u32 @!p0 $0xF7A, s2;
	p2 =	seq.s32 @!p0 s5, $0x0  }
0x1f: {  	s9 =	smul.u32 $0xF7A, s1;
	s8 =	simm.s32 @!p0 $0x1BF5;
	p2 =	por !p2, p0  }
0x20: {  	[sflag:s8] =	ssyncset.s32 @!p0 $0xFFFFF086;
	s6 =	sadd.s32 @!p0 s3, s7;
	s7 =	simm.s32 @!p0 $0x108  }
0x21: {  	s3 =	sadd.s32 s3, s9;
	s6 =	sadd.s32 @!p0 $0x88, s6;
	s7 =	simm.s32 @p2 $0x1082  }
0x22: {  	[simem:s7], [sflag:s8] =	dma.local @!p0 [hbm:s6], $0xF7A  }
0x23: {  	s9 =	sor.u32 $0xD0000000, s2;
	s6 =	simm.s32 $0x108;
	_ =	swait.ge @!p0 [sflag:s8], $0x0  }
0x24: {  	s3 =	sadd.s32 $0x88, s3;
	s6 =	simm.s32 @!p1 $0x1082;
	[sflag:s4] =	ssyncset.s32 $0xFFFFF086  }
0x25: {  	[simem:s6], [sflag:s4] =	dma.local [hbm:s3], $0xF7A  }
0x26: {  	[smem:$0x3F79] =	sst s1;
	(tag) =	ssettag s2;
	_ =	strace s9  }
0x27: {  	s1 =	sld [smem:$0x3F89]  }
0x28: {  	s2 =	sld [smem:$0x3F8A]  }
0x29: {  	s4 =	sld [smem:$0x3F8C]  }
0x2a: {  	p0 =	seq.s32 s5, $0x0;
	s5 =	sld [smem:$0x3F8D]  }
0x2b: {  	s6 =	sld [smem:$0x3F8E]  }
0x2c: {  	s7 =	sld [smem:$0x3F8F]  }
0x2d: {  	s3 =	simm.s32 $0x108;
	s8 =	sld [smem:$0x3F90]  }
0x2e: {  	s3 =	simm.s32 @!p0 $0x1082;
	s9 =	sld [smem:$0x3F91]  }
0x2f: {  	lr =	sadd.s32 s0, s3;
	s0 =	sld [smem:$0x3F88]  }
0x30: {  	s3 =	sld [smem:$0x3F8B]  }
0x31: {  	[smem:$0x3F94] =	sst s10  }
0x32: {  	s10 =	sld [smem:$0x3F92];
	_ =	sdelay $0x3  }
0x33: {  	p0 =	seq.s32 s10, $0x1;
	s10 =	sld [smem:$0x3F94];
	_ =	sdelay $0x3  }
0x34: {  	[smem:$0x3F94] =	sst s10  }
0x35: {  	s10 =	sld [smem:$0x3F93];
	_ =	sdelay $0x3  }
0x36: {  	p1 =	seq.s32 s10, $0x1;
	s10 =	sld [smem:$0x3F94];
	_ =	sdelay $0x3  }
0x37: {  	[smem:$0x3F94] =	sst s10  }
0x38: {  	s10 =	sld [smem:$0x3F95]  }
0x39: {  	_ = 	snop;
	(pc) =	sbr.ind lr, $3  }
0x3a: {  	_ = 	snop  }
0x3b: {  	_ = 	snop  }
0x3c: {  	p2 =	seq.s32 s10, $0x1;
	s10 =	sld [smem:$0x3F94]  }
0x3d: {  	_ =	shalt  }
0x3e: {  	_ =	shalt  }
0x3f: {  	_ =	shalt  }
0x40: {  	_ =	shalt  }
0x41: {  	_ =	shalt  }
0x42: {  	_ =	shalt  }
0x43: {  	_ =	shalt  }
0x44: {  	_ =	shalt  }
0x45: {  	_ =	shalt  }
0x46: {  	_ =	shalt  }
0x47: {  	_ =	shalt  }
0x48: {  	_ =	shalt  }
0x49: {  	_ =	shalt  }
0x4a: {  	_ =	shalt  }
0x4b: {  	_ =	shalt  }
0x4c: {  	_ =	shalt  }
0x4d: {  	_ =	shalt  }
0x4e: {  	_ =	shalt  }
0x4f: {  	_ =	shalt  }
0x50: {  	_ =	shalt  }
0x51: {  	_ =	shalt  }
0x52: {  	_ =	shalt  }
0x53: {  	_ =	shalt  }
0x54: {  	_ =	shalt  }
0x55: {  	_ =	shalt  }
0x56: {  	_ =	shalt  }
0x57: {  	_ =	shalt  }
0x58: {  	_ =	shalt  }
0x59: {  	_ =	shalt  }
0x5a: {  	_ =	shalt  }
0x5b: {  	_ =	shalt  }
0x5c: {  	_ =	shalt  }
0x5d: {  	_ =	shalt  }
0x5e: {  	_ =	shalt  }
0x5f: {  	_ =	shalt  }
0x60: {  	_ =	shalt  }
0x61: {  	_ =	shalt  }
0x62: {  	_ =	shalt  }
0x63: {  	_ =	shalt  }
0x64: {  	_ =	shalt  }
0x65: {  	_ =	shalt  }
0x66: {  	_ =	shalt  }
0x67: {  	_ =	shalt  }
0x68: {  	_ =	shalt  }
0x69: {  	_ =	shalt  }
0x6a: {  	_ =	shalt  }
0x6b: {  	_ =	shalt  }
0x6c: {  	_ =	shalt  }
0x6d: {  	_ =	shalt  }
0x6e: {  	_ =	shalt  }
0x6f: {  	_ =	shalt  }
0x70: {  	_ =	shalt  }
0x71: {  	_ =	shalt  }
0x72: {  	_ =	shalt  }
0x73: {  	_ =	shalt  }
0x74: {  	_ =	shalt  }
0x75: {  	_ =	shalt  }
0x76: {  	_ =	shalt  }
0x77: {  	_ =	shalt  }
0x78: {  	_ =	shalt  }
0x79: {  	_ =	shalt  }
0x7a: {  	_ =	shalt  }
0x7b: {  	_ =	shalt  }
0x7c: {  	_ =	shalt  }
0x7d: {  	_ =	shalt  }
0x7e: {  	_ =	shalt  }
0x7f: {  	_ =	shalt  }
0x80: {  	_ =	shalt  }
0x81: {  	_ =	shalt  }
0x82: {  	_ =	shalt  }
0x83: {  	_ =	shalt  }
0x84: {  	_ =	shalt  }
0x85: {  	_ =	shalt  }
0x86: {  	_ =	shalt  }
0x87: {  	_ =	shalt  }
.Lfunc_end0:
.L_simem_size_0:
called_computation_lowered:
.L_overlay_start_0:
0x88: {  	s2 =	sld [smem:$0x3FD9]  }
0x89: {  	s3 =	sld [smem:$0x3FFE];
	_ =	sdelay $0x1  }
0x8a: {  	s1 =	srdreg.scid  }
0x8b: {  	s0 =	sand.u32 $0x1, s1  }
0x8c: {  	s17 =	sshll.u32 s0, $0xA;
	s2 =	sadd.s32 s3, s2  }
0x8d: {  	s2 =	sadd.s32 s2, s17  }
0x8e: {  	[smem:$0x3FA0] =	sst s2  }
0x8f: {  	_ = 	snop  }
0x90: {  	s2 =	sld [smem:$0x3FD0];
	(tm) =	ssettm $0x1  }
0x91: {  	s18 =	sld [smem:$0x3FFB];
	_ =	sdelay $0x3  }
0x92: {  	_ =	strace s18  }
0x93: {  	s3 =	sld [smem:$0x3FFC];
	_ =	sdelay $0x3  }
0x94: {  	_ =	strace s3  }
0x95: {  	s3 =	sld [smem:$0x3FFD];
	_ =	sdelay $0x3  }
0x96: {  	_ =	strace s3  }
0x97: {  	_ =	strace $0x8FFFFFFF  }
0x98: {  	s19 =	sld [smem:$0x3FDB];
	_ =	sdelay $0x1  }
0x99: {  	s4 =	simm.s32 $_scs_section_size  }
0x9a: {  	s5 =	simm.s32 $_size__tile_overlayer_lowered;
	s6 =	simm.s32 $_tile_overlayer_lowered  }
0x9b: {  	s22 =	simm.s32 $0x1BFF;
	s21 =	sshll.u32 s6, $0x1;
	s3 =	sadd.s32 s4, s19  }
0x9c: {  	s7 =	simm.s32 $0x0;
	s20 =	sshll.u32 s5, $0x1;
	s5 =	sadd.s32 s21, s3  }
0x9d: {  	[timem:s7], [sflag:s22] =	dma.local [hbm:s5], s20  }
0x9e: {  	_ =	swait.ge [sflag:s22], s20  }
0x9f: {  	s4 =	ssub.s32 $0x0, s20;
	[sflag:s22] =	ssyncset.done $0x0  }
0xa0: {  	[sflag:s22] =	ssyncadd.s32 s4;
	_ =	sdelay $0x1  }
0xa1: {  	s23 =	simm.s32 $0x1B8B  }
0xa2: {  	_ =	swait.ge [sflag:s23], $0x1  }
0xa3: {  	[sflag:s23] =	ssyncset.done $0x0  }
0xa4: {  	s25 =	simm.s32 $0x1B8E;
	s24 =	sld [smem:$0x3FFE];
	[sflag:s23] =	ssyncadd.s32 $0xFFFFFFFF  }
0xa5: {  	s26 =	simm.s32 $execute0_lowered;
	[smem:$0x3FD2] =	sst s25  }
0xa6: {  	s5 =	sshll.u32 s26, $0x1;
	_ =	strace $0x80000046;
	[dreg:$0x1] =	wrdreg $0xFFFFFFFF  }
0xa7: {  	s28 =	simm.s32 $_size_execute0_lowered;
	s3 =	sadd.s32 s3, s5;
	[dreg:$0x0] =	wrdreg $0x0  }
0xa8: {  	s5 =	sshll.u32 s28, $0x1;
	[dreg:$0x2] =	wrdreg s3  }
0xa9: {  	[dreg:$0x3] =	wrdreg s5  }
0xaa: {  	[dreg:$0x4] =	wrdreg $0xC0  }
0xab: {  	_ =	task [dreg:s7], $0x5FFFF  }
0xac: {  	[dreg:$0x1] =	wrdreg $0xFFFFFFFF  }
0xad: {  	[dreg:$0x0] =	wrdreg $0x60  }
0xae: {  	[dreg:$0x2] =	wrdreg s24  }
0xaf: {  	[dreg:$0x3] =	wrdreg s2  }
0xb0: {  	[dreg:$0x4] =	wrdreg $0xDE000  }
0xb1: {  	[dreg:$0x5] =	wrdreg $0x9  }
0xb2: {  	_ =	task.clear_ibuf [dreg:s7], $0x6FFFF;
	_ =	strace $0x90000046  }
0xb3: {  	s29 =	simm.s32 $0x9;
	_ =	strace $0x80000048  }
0xb4: {  	_ =	swait.ge [sflag:s29], $0x1  }
0xb5: {  	[sflag:s29] =	ssyncadd.s32 $0xFFFFFFFF  }
0xb6: {  	_ =	strace $0x90000048  }
0xb7: {  	_ =	sfence  }
0xb8: {  	s30 =	sld [smem:$0x0];
	_ =	sdelay $0x2  }
0xb9: {  	s31 =	sshll.u32 s1, $0xD;
	s1 =	sshrl.u32 s1, $0x2  }
0xba: {  	s3 =	sand.u32 $0x4000, s31;
	s1 =	sadd.s32 s1, s30  }
0xbb: {  	s0 =	sor.u32 s3, s0;
	s1 =	sshll.u32 s1, $0x11  }
0xbc: {  	s0 =	sor.u32 s1, s0  }
0xbd: {  	s0 =	sadd.s32 $0x8F2B, s0  }
0xbe: {  	[sflag:s0] =	ssyncadd.remote.s32 $0x1  }
0xbf: {  	_ =	sfence.sel $0xFFFF  }
0xc0: {  	[dreg:$0x0] =	wrdreg $0xFFFFFFFF;
	(pc) =	sbr.abs _section_cstart, $3  }
0xc1: {  	[dreg:$0x1] =	wrdreg $0xFFFFFFFF  }
0xc2: {  	_ =	task.clear_ibuf [dreg:s7], $0x2FFFF;
	_ =	strace $0x9FFFFFFF  }
0xc3: {  	(tm) =	ssettm $0x7FFFFFFF  }
tec
execute0_lowered:
.L_overlay_start_1:
0x0: {  	(tag) =	ssettag $0x1  }
0x1: {  	s6 =	rddreg [dreg:$0x0]  }
0x2: {  	s2 =	rddreg [dreg:$0x1]  }
0x3: {  	s3 =	rddreg [dreg:$0x2];
	s4 =	srdreg.scid  }
0x4: {  	s0 =	rddreg [dreg:$0x3];
	s1 =	stileid.u32;
	s14 =	simm.s32 $0x80  }
0x5: {  	s15 =	simm.s32 $0x9E00;
	s16 =	simm.s32 $0xBE00;
	s17 =	simm.s32 $0x1  }
0x6: {  	s18 =	simm.s32 $0x2;
	s19 =	simm.s32 $0x4E80;
	s20 =	simm.s32 $0x9D00  }
0x7: {  	s21 =	simm.s32 $0x9D80;
	s22 =	simm.s32 $0x0;
	s8 =	smul.u32 $0x1400, s1  }
0x8: {  	s7 =	sand.u32 $0x1, s4;
	s4 =	simm.s32 $0x0;
	s28 =	smul.u32 $0x28000, s1  }
0x9: {  	s31 =	sshll.u32 s1, $0x6;
	s5 =	sshll.u32 s7, $0x4;
	[smem:$0x7FF] =	sst s4  }
0xa: {  	s10 =	smul.u32 $0x14000, s7;
	s7 =	ssub.s32 $0x2, s7;
	s9 =	sor.u32 s1, s5  }
0xb: {  	_ =	strace $0x80000047;
	s5 =	sadd.s32 $0x44200, s6;
	s29 =	sshrl.u32 s7, $0x1  }
0xc: {  	s30 =	sshrl.u32 s28, $0x2;
	s9 =	smul.u32 $0x9E0, s9;
	s8 =	sadd.s32 s8, s10  }
0xd: {  	s12 =	ssub.s32 s7, s29;
	s13 =	sadd.s32 s30, s3;
	s11 =	sadd.s32 s8, s6  }
0xe: {  	s10 =	smax.u32 s12, $0x1;
	s12 =	simm.s32 $0x3;
	s9 =	sadd.s32 s9, s6  }
0xf: {  	s6 =	sor.u32 $0x1C03, s31;
	s7 =	sadd.s32 $0x30600, s9;
	s8 =	sadd.s32 $0x1CA00, s9  }
0x10: {  	s9 =	sadd.s32 $0x58200, s11;
	s11 =	sshrl.u32 s13, $0x3;
	s13 =	simm.s32 $0x4F00  }
.LBB2_1:
0x11: {  	[spmem:s11], [sflag:s6] =	dma.local [hbm:s2], $0x1400  }
0x12: {  	_ =	swait.ge [sflag:s12], $0x1400  }
0x13: {  	[sflag:s12] =	ssyncset.done $0x0  }
0x14: {  	[sflag:s12] =	ssyncadd.s32 $0xFFFFEC00  }
0x15: {  	[tilespmem:s4], [sflag:$0x3] =	stream.linear.gather [hbm4b:s7+s4], $0x4F00, $0x38;
	[tilespmem:$0x17E00] =	vst v63  }
0x16: {  	_ =	swait.ge [sflag:s12], $0x4F00  }
0x17: {  	[sflag:s12] =	ssyncset.done $0x0  }
0x18: {  	[sflag:s12] =	ssyncadd.s32 $0xFFFFB100  }
0x19: {  	[tilespmem:s13], [sflag:$0x3] =	stream.linear.gather [hbm4b:s8+s4], $0x4F00, $0x38;
	[tilespmem:$0x17E00] =	vst v63  }
0x1a: {  	_ =	swait.ge [sflag:s12], $0x4F00  }
0x1b: {  	[sflag:s12] =	ssyncset.done $0x0  }
0x1c: {  	[sflag:s12] =	ssyncadd.s32 $0xFFFFB100  }
0x1d: {  	[bflag:$0x0] =	sbarrier.arrive $0xFFFF  }
0x1e: {  	[tilespmem:s15], [sflag:$0x1] =	stream.indirect.gather [hbm4b:s5+s14], $0x40, s4, s14, $0xb8;
	[tilespmem:$0x17E00] =	vst v63  }
0x1f: {  	s23 =	simm.s32 $0x80  }
0x20: {  	[tilespmem:s16], [sflag:$0x2] =	stream.indirect.gather [hbm4b:s5+s14], $0x40, s23, s14, $0xb8;
	[tilespmem:$0x17E00] =	vst v63  }
0x21: {  	_ =	swait.ge [sflag:s17], $0x2000  }
0x22: {  	[sflag:s17] =	ssyncset.done $0x0  }
0x23: {  	s29 =	simm.s32 $0x4F00;
	[sflag:s17] =	ssyncadd.s32 $0xFFFFE000  }
0x24: {  	[spmem:s3] =	stream.indirect.scatter.add.f32 [tilespmem:s15], [sflag:$0x3], $0x40, s29, s14, $0xb8;
	[tilespmem:$0x17E00] =	vst v63  }
0x25: {  	_ =	swait.ge [sflag:s12], $0x2000  }
0x26: {  	[sflag:s12] =	ssyncset.done $0x0  }
0x27: {  	s30 =	simm.s32 $0x100;
	[sflag:s12] =	ssyncadd.s32 $0xFFFFE000  }
0x28: {  	[tilespmem:s15], [sflag:$0x1] =	stream.indirect.gather [hbm4b:s5+s14], $0x40, s30, s14, $0xb8;
	[tilespmem:$0x17E00] =	vst v63  }
0x29: {  	_ =	swait.ge [sflag:s18], $0x2000  }
0x2a: {  	[sflag:s18] =	ssyncset.done $0x0  }
0x2b: {  	s31 =	simm.s32 $0x4F80;
	[sflag:s18] =	ssyncadd.s32 $0xFFFFE000  }
0x2c: {  	[spmem:s3] =	stream.indirect.scatter.add.f32 [tilespmem:s16], [sflag:$0x3], $0x40, s31, s14, $0xb8;
	[tilespmem:$0x17E00] =	vst v63  }
0x2d: {  	_ =	swait.ge [sflag:s12], $0x2000  }
0x2e: {  	s24 =	simm.s32 $0x800;
	s23 =	simm.s32 $0x100;
	[sflag:s12] =	ssyncset.done $0x0  }
.LBB2_2:
0x2f: {  	s25 =	sadd.s32 $0x80, s23  }
0x30: {  	[sflag:s12] =	ssyncadd.s32 $0xFFFFE000;
	s26 =	smov.u32 s24;
	s28 =	sadd.s32 $0x400, s24  }
0x31: {  	[tilespmem:s16], [sflag:$0x2] =	stream.indirect.gather [hbm4b:s5+s14], $0x40, s25, s14, $0xb8;
	[tilespmem:$0x17E00] =	vst v63  }
0x32: {  	p0 =	sne.s32 s24, $0x13400;
	_ =	swait.ge [sflag:s17], $0x2000  }
0x33: {  	[sflag:s17] =	ssyncset.done $0x0  }
0x34: {  	s24 =	sadd.s32 $0x4F00, s23;
	[sflag:s17] =	ssyncadd.s32 $0xFFFFE000  }
0x35: {  	[spmem:s3] =	stream.indirect.scatter.add.f32 [tilespmem:s15], [sflag:$0x3], $0x40, s24, s14, $0xb8;
	[tilespmem:$0x17E00] =	vst v63  }
0x36: {  	_ =	swait.ge [sflag:s12], $0x2000  }
0x37: {  	[sflag:s12] =	ssyncset.done $0x0  }
0x38: {  	s24 =	sadd.s32 $0x100, s23;
	[sflag:s12] =	ssyncadd.s32 $0xFFFFE000  }
0x39: {  	[tilespmem:s15], [sflag:$0x1] =	stream.indirect.gather [hbm4b:s5+s14], $0x40, s24, s14, $0xb8;
	[tilespmem:$0x17E00] =	vst v63  }
0x3a: {  	_ =	swait.ge [sflag:s18], $0x2000  }
.Ltmp0:
0x3b: {  	[sflag:s18] =	ssyncset.done $0x0;
	(pc) =	sbr.rel @p0 .LBB2_2-.Ltmp0, $4  }
0x3c: {  	s23 =	sadd.s32 $0x4F80, s23;
	[sflag:s18] =	ssyncadd.s32 $0xFFFFE000  }
0x3d: {  	[spmem:s3] =	stream.indirect.scatter.add.f32 [tilespmem:s16], [sflag:$0x3], $0x40, s23, s14, $0xb8;
	[tilespmem:$0x17E00] =	vst v63  }
0x3e: {  	_ =	swait.ge [sflag:s12], $0x2000  }
0x3f: {  	s24 =	smov.u32 s28;
	s23 =	sshra.s32 s26, $0x2;
	[sflag:s12] =	ssyncset.done $0x0  }
0x40: {  	s24 =	sadd.s32 $0x80, s23;
	[sflag:s12] =	ssyncadd.s32 $0xFFFFE000  }
0x41: {  	[tilespmem:s16], [sflag:$0x2] =	stream.indirect.gather [hbm4b:s5+s14], $0x40, s24, s14, $0xb8;
	[tilespmem:$0x17E00] =	vst v63  }
0x42: {  	_ =	swait.ge [sflag:s17], $0x2000  }
0x43: {  	[sflag:s17] =	ssyncset.done $0x0  }
0x44: {  	s29 =	sadd.s32 $0x4F00, s23;
	[sflag:s17] =	ssyncadd.s32 $0xFFFFE000  }
0x45: {  	[spmem:s3] =	stream.indirect.scatter.add.f32 [tilespmem:s15], [sflag:$0x3], $0x40, s29, s14, $0xb8;
	[tilespmem:$0x17E00] =	vst v63  }
0x46: {  	_ =	swait.ge [sflag:s12], $0x2000  }
0x47: {  	[sflag:s12] =	ssyncset.done $0x0  }
0x48: {  	s30 =	sadd.s32 $0x100, s23;
	[sflag:s12] =	ssyncadd.s32 $0xFFFFE000  }
0x49: {  	[tilespmem:s15], [sflag:$0x1] =	stream.indirect.gather [hbm4b:s5+s14], $0x40, s30, s14, $0xb8;
	[tilespmem:$0x17E00] =	vst v63  }
0x4a: {  	_ =	swait.ge [sflag:s18], $0x2000  }
0x4b: {  	[sflag:s18] =	ssyncset.done $0x0  }
0x4c: {  	s31 =	sadd.s32 $0x4F80, s23;
	[sflag:s18] =	ssyncadd.s32 $0xFFFFE000  }
0x4d: {  	[spmem:s3] =	stream.indirect.scatter.add.f32 [tilespmem:s16], [sflag:$0x3], $0x40, s31, s14, $0xb8;
	[tilespmem:$0x17E00] =	vst v63  }
0x4e: {  	_ =	swait.ge [sflag:s12], $0x2000  }
0x4f: {  	[sflag:s12] =	ssyncset.done $0x0  }
0x50: {  	[sflag:s12] =	ssyncadd.s32 $0xFFFFE000  }
0x51: {  	[tilespmem:s16], [sflag:$0x2] =	stream.indirect.gather [hbm4b:s5+s14], $0x40, s19, s14, $0xb8;
	[tilespmem:$0x17E00] =	vst v63  }
0x52: {  	_ =	swait.ge [sflag:s17], $0x2000  }
0x53: {  	[sflag:s17] =	ssyncset.done $0x0  }
0x54: {  	[sflag:s17] =	ssyncadd.s32 $0xFFFFE000  }
0x55: {  	[spmem:s3] =	stream.indirect.scatter.add.f32 [tilespmem:s15], [sflag:$0x3], $0x40, s20, s14, $0xb8;
	[tilespmem:$0x17E00] =	vst v63  }
0x56: {  	_ =	swait.ge [sflag:s12], $0x2000  }
0x57: {  	[sflag:s12] =	ssyncset.done $0x0  }
0x58: {  	[sflag:s12] =	ssyncadd.s32 $0xFFFFE000  }
0x59: {  	[tilespmem:s15], [sflag:$0x1] =	stream.indirect.gather [hbm4b:s5+s14], $0x40, s4, s14, $0xb8;
	[tilespmem:$0x17E00] =	vst v63  }
0x5a: {  	_ =	swait.ge [sflag:s18], $0x2000  }
0x5b: {  	[sflag:s18] =	ssyncset.done $0x0  }
0x5c: {  	[sflag:s18] =	ssyncadd.s32 $0xFFFFE000  }
0x5d: {  	[spmem:s3] =	stream.indirect.scatter.add.f32 [tilespmem:s16], [sflag:$0x3], $0x40, s21, s14, $0xb8;
	[tilespmem:$0x17E00] =	vst v63  }
0x5e: {  	_ =	swait.ge [sflag:s12], $0x2000  }
0x5f: {  	[sflag:s12] =	ssyncset.done $0x0  }
0x60: {  	[sflag:s12] =	ssyncadd.s32 $0xFFFFE000  }
0x61: {  	_ =	swait.ge [sflag:s17], $0x2000  }
0x62: {  	s22 =	sadd.s32 $0x1, s22;
	[sflag:s17] =	ssyncset.done $0x0  }
0x63: {  	p0 =	sne.s32 s22, s10;
	[sflag:s17] =	ssyncadd.s32 $0xFFFFE000  }
.Ltmp1:
0x64: {  	[bflag:$0x0] =	sbarrier.arrive $0xFFFF;
	(pc) =	sbr.rel @p0 .LBB2_1-.Ltmp1, $4  }
0x65: {  	[hbm:s9], [sflag:s6] =	dma.local [spmem:s11], $0x1400  }
0x66: {  	_ =	swait.ge [sflag:s12], $0x1400  }
0x67: {  	[sflag:s12] =	ssyncset.done $0x0  }
0x68: {  	[sflag:s12] =	ssyncadd.s32 $0xFFFFEC00  }
0x69: {  	_ =	sfence.sel $0x180000  }
0x6a: {  	[bflag:$0x0] =	sbarrier.arrive $0xFFFF  }
0x6b: {  	p0 =	sne.s32 s1, $0x0;
	_ =	strace $0x90000047  }
0x6c: {  	s0 =	sadd.s32 @!p0 $0x100000, s0;
	[bflag:$0x2] =	sbarrier.arrive $0xFFFF  }
0x6d: {  	[sflag:s0] =	ssyncadd.tile.s32 @!p0 $0x1;
	_ =	shalt  }
.Lfunc_end2:
_tile_overlayer_lowered:
.L_overlay_start_2:
0x6e: {  	(tag) =	ssettag $0x2  }
0x6f: {  	s0 =	rddreg [dreg:$0x0];
	s2 =	stileid.u32  }
0x70: {  	s1 =	rddreg [dreg:$0x1];
	p0 =	sne.s32 s2, $0x0  }
0x71: {  	s3 =	rddreg [dreg:$0x2];
	[bflag:$0x3] =	sbarrier.arrive $0xFFFF;
	s2 =	simm.s32 @!p0 $0x1C03  }
0x72: {  	[timem:s3], [sflag:s2] =	dma.local @!p0 [hbm:s0], s1  }
0x73: {  	s0 =	simm.s32 @!p0 $0x3  }
0x74: {  	_ =	swait.ge @!p0 [sflag:s0], s1  }
0x75: {  	s1 =	ssub.s32 @!p0 $0x0, s1;
	[sflag:s0] =	ssyncset.done @!p0 $0x0  }
0x76: {  	[sflag:s0] =	ssyncadd.s32 @!p0 s1  }
0x77: {  	[bflag:$0x3] =	sbarrier.arrive $0xFFFF  }
0x78: {  	_ =	shalt  }

// kernel: kernel.25.cloned.1.call-start
scs
__scs_entry_jumppad:
0x0: {  	(pc) =	sbr.rel $0x88, $3  }
0x1: {  	(tag) =	ssettag $0x0;
	lr =	simm.s32 $0x1  }
0x2: {  	[smem:$0x3F79] =	sst lr;
	_ =	strace $0xD0000000  }
0x3: {  	_ = 	snop  }
0x4: {  	_ = 	snop  }
0x5: {  	_ = 	snop  }
0x6: {  	_ = 	snop  }
0x7: {  	_ = 	snop  }
__scs_overlays_trampoline_lowered:
0x8: {  	[smem:$0x3F88] =	sst s0  }
0x9: {  	[smem:$0x3F89] =	sst s1  }
0xa: {  	[smem:$0x3F8A] =	sst s2  }
0xb: {  	[smem:$0x3F8B] =	sst s3  }
0xc: {  	[smem:$0x3F8C] =	sst s4  }
0xd: {  	[smem:$0x3F8D] =	sst s5  }
0xe: {  	[smem:$0x3F8E] =	sst s6  }
0xf: {  	[smem:$0x3F8F] =	sst s7  }
0x10: {  	[smem:$0x3F90] =	sst s8  }
0x11: {  	[smem:$0x3F91] =	sst s9;
	s0 =	simm.s32 @!p0 $0x0  }
0x12: {  	s1 =	sld [smem:$0x3F77];
	s0 =	simm.s32 @p0 $0x1  }
0x13: {  	[smem:$0x3F92] =	sst s0;
	s0 =	simm.s32 @!p1 $0x0  }
0x14: {  	s2 =	sld [smem:$0x3F76];
	s0 =	simm.s32 @p1 $0x1  }
0x15: {  	[smem:$0x3F93] =	sst s0;
	s0 =	simm.s32 @!p2 $0x0  }
0x16: {  	s3 =	sld [smem:$0x3FDB];
	s0 =	simm.s32 @p2 $0x1  }
0x17: {  	s4 =	simm.s32 $0x1BF5;
	[smem:$0x3F95] =	sst s0  }
0x18: {  	s0 =	sld [smem:$0x3F78];
	_ =	swait.ge [sflag:s4], $0x0  }
0x19: {  	s7 =	sld [smem:$0x3F79]  }
0x1a: {  	s8 =	sadd.s32 $0xFFFFE003, lr  }
0x1b: {  	s9 =	sadd.s32 $0xFFFFFEF7, lr;
	s5 =	simm.s32 $0xFFFFFFFF;
	p2 =	slt.u32 s8, $0xFFFFF086  }
0x1c: {  	p1 =	slt.u32 s9, $0xF7A;
	s5 =	simm.s32 @!p2 $0x0  }
0x1d: {  	s5 =	simm.s32 @p1 $0x1;
	p0 =	seq.s32 s7, s2  }
0x1e: {  	s7 =	smul.u32 @!p0 $0xF7A, s2;
	p2 =	seq.s32 @!p0 s5, $0x0  }
0x1f: {  	s9 =	smul.u32 $0xF7A, s1;
	s8 =	simm.s32 @!p0 $0x1BF5;
	p2 =	por !p2, p0  }
0x20: {  	[sflag:s8] =	ssyncset.s32 @!p0 $0xFFFFF086;
	s6 =	sadd.s32 @!p0 s3, s7;
	s7 =	simm.s32 @!p0 $0x108  }
0x21: {  	s3 =	sadd.s32 s3, s9;
	s6 =	sadd.s32 @!p0 $0x88, s6;
	s7 =	simm.s32 @p2 $0x1082  }
0x22: {  	[simem:s7], [sflag:s8] =	dma.local @!p0 [hbm:s6], $0xF7A  }
0x23: {  	s9 =	sor.u32 $0xD0000000, s2;
	s6 =	simm.s32 $0x108;
	_ =	swait.ge @!p0 [sflag:s8], $0x0  }
0x24: {  	s3 =	sadd.s32 $0x88, s3;
	s6 =	simm.s32 @!p1 $0x1082;
	[sflag:s4] =	ssyncset.s32 $0xFFFFF086  }
0x25: {  	[simem:s6], [sflag:s4] =	dma.local [hbm:s3], $0xF7A  }
0x26: {  	[smem:$0x3F79] =	sst s1;
	(tag) =	ssettag s2;
	_ =	strace s9  }
0x27: {  	s1 =	sld [smem:$0x3F89]  }
0x28: {  	s2 =	sld [smem:$0x3F8A]  }
0x29: {  	s4 =	sld [smem:$0x3F8C]  }
0x2a: {  	p0 =	seq.s32 s5, $0x0;
	s5 =	sld [smem:$0x3F8D]  }
0x2b: {  	s6 =	sld [smem:$0x3F8E]  }
0x2c: {  	s7 =	sld [smem:$0x3F8F]  }
0x2d: {  	s3 =	simm.s32 $0x108;
	s8 =	sld [smem:$0x3F90]  }
0x2e: {  	s3 =	simm.s32 @!p0 $0x1082;
	s9 =	sld [smem:$0x3F91]  }
0x2f: {  	lr =	sadd.s32 s0, s3;
	s0 =	sld [smem:$0x3F88]  }
0x30: {  	s3 =	sld [smem:$0x3F8B]  }
0x31: {  	[smem:$0x3F94] =	sst s10  }
0x32: {  	s10 =	sld [smem:$0x3F92];
	_ =	sdelay $0x3  }
0x33: {  	p0 =	seq.s32 s10, $0x1;
	s10 =	sld [smem:$0x3F94];
	_ =	sdelay $0x3  }
0x34: {  	[smem:$0x3F94] =	sst s10  }
0x35: {  	s10 =	sld [smem:$0x3F93];
	_ =	sdelay $0x3  }
0x36: {  	p1 =	seq.s32 s10, $0x1;
	s10 =	sld [smem:$0x3F94];
	_ =	sdelay $0x3  }
0x37: {  	[smem:$0x3F94] =	sst s10  }
0x38: {  	s10 =	sld [smem:$0x3F95]  }
0x39: {  	_ = 	snop;
	(pc) =	sbr.ind lr, $3  }
0x3a: {  	_ = 	snop  }
0x3b: {  	_ = 	snop  }
0x3c: {  	p2 =	seq.s32 s10, $0x1;
	s10 =	sld [smem:$0x3F94]  }
0x3d: {  	_ =	shalt  }
0x3e: {  	_ =	shalt  }
0x3f: {  	_ =	shalt  }
0x40: {  	_ =	shalt  }
0x41: {  	_ =	shalt  }
0x42: {  	_ =	shalt  }
0x43: {  	_ =	shalt  }
0x44: {  	_ =	shalt  }
0x45: {  	_ =	shalt  }
0x46: {  	_ =	shalt  }
0x47: {  	_ =	shalt  }
0x48: {  	_ =	shalt  }
0x49: {  	_ =	shalt  }
0x4a: {  	_ =	shalt  }
0x4b: {  	_ =	shalt  }
0x4c: {  	_ =	shalt  }
0x4d: {  	_ =	shalt  }
0x4e: {  	_ =	shalt  }
0x4f: {  	_ =	shalt  }
0x50: {  	_ =	shalt  }
0x51: {  	_ =	shalt  }
0x52: {  	_ =	shalt  }
0x53: {  	_ =	shalt  }
0x54: {  	_ =	shalt  }
0x55: {  	_ =	shalt  }
0x56: {  	_ =	shalt  }
0x57: {  	_ =	shalt  }
0x58: {  	_ =	shalt  }
0x59: {  	_ =	shalt  }
0x5a: {  	_ =	shalt  }
0x5b: {  	_ =	shalt  }
0x5c: {  	_ =	shalt  }
0x5d: {  	_ =	shalt  }
0x5e: {  	_ =	shalt  }
0x5f: {  	_ =	shalt  }
0x60: {  	_ =	shalt  }
0x61: {  	_ =	shalt  }
0x62: {  	_ =	shalt  }
0x63: {  	_ =	shalt  }
0x64: {  	_ =	shalt  }
0x65: {  	_ =	shalt  }
0x66: {  	_ =	shalt  }
0x67: {  	_ =	shalt  }
0x68: {  	_ =	shalt  }
0x69: {  	_ =	shalt  }
0x6a: {  	_ =	shalt  }
0x6b: {  	_ =	shalt  }
0x6c: {  	_ =	shalt  }
0x6d: {  	_ =	shalt  }
0x6e: {  	_ =	shalt  }
0x6f: {  	_ =	shalt  }
0x70: {  	_ =	shalt  }
0x71: {  	_ =	shalt  }
0x72: {  	_ =	shalt  }
0x73: {  	_ =	shalt  }
0x74: {  	_ =	shalt  }
0x75: {  	_ =	shalt  }
0x76: {  	_ =	shalt  }
0x77: {  	_ =	shalt  }
0x78: {  	_ =	shalt  }
0x79: {  	_ =	shalt  }
0x7a: {  	_ =	shalt  }
0x7b: {  	_ =	shalt  }
0x7c: {  	_ =	shalt  }
0x7d: {  	_ =	shalt  }
0x7e: {  	_ =	shalt  }
0x7f: {  	_ =	shalt  }
0x80: {  	_ =	shalt  }
0x81: {  	_ =	shalt  }
0x82: {  	_ =	shalt  }
0x83: {  	_ =	shalt  }
0x84: {  	_ =	shalt  }
0x85: {  	_ =	shalt  }
0x86: {  	_ =	shalt  }
0x87: {  	_ =	shalt  }
.Lfunc_end0:
.L_simem_size_0:
called_computation.1_lowered:
.L_overlay_start_0:
0x88: {  	s2 =	sld [smem:$0x3FD9]  }
0x89: {  	s3 =	sld [smem:$0x3FFE];
	_ =	sdelay $0x1  }
0x8a: {  	s1 =	srdreg.scid  }
0x8b: {  	s0 =	sand.u32 $0x1, s1  }
0x8c: {  	s17 =	sshll.u32 s0, $0xA;
	s2 =	sadd.s32 s3, s2  }
0x8d: {  	s2 =	sadd.s32 s2, s17  }
0x8e: {  	[smem:$0x3FA0] =	sst s2  }
0x8f: {  	_ = 	snop  }
0x90: {  	s2 =	sld [smem:$0x3FD0];
	(tm) =	ssettm $0x1  }
0x91: {  	s18 =	sld [smem:$0x3FFB];
	_ =	sdelay $0x3  }
0x92: {  	_ =	strace s18  }
0x93: {  	s3 =	sld [smem:$0x3FFC];
	_ =	sdelay $0x3  }
0x94: {  	_ =	strace s3  }
0x95: {  	s3 =	sld [smem:$0x3FFD];
	_ =	sdelay $0x3  }
0x96: {  	_ =	strace s3  }
0x97: {  	_ =	strace $0x8FFFFFFF  }
0x98: {  	s19 =	sld [smem:$0x3FDB];
	_ =	sdelay $0x1  }
0x99: {  	s4 =	simm.s32 $_scs_section_size  }
0x9a: {  	s5 =	simm.s32 $_size__tile_overlayer_lowered;
	s6 =	simm.s32 $_tile_overlayer_lowered  }
0x9b: {  	s22 =	simm.s32 $0x1BFF;
	s21 =	sshll.u32 s6, $0x1;
	s3 =	sadd.s32 s4, s19  }
0x9c: {  	s7 =	simm.s32 $0x0;
	s20 =	sshll.u32 s5, $0x1;
	s5 =	sadd.s32 s21, s3  }
0x9d: {  	[timem:s7], [sflag:s22] =	dma.local [hbm:s5], s20  }
0x9e: {  	_ =	swait.ge [sflag:s22], s20  }
0x9f: {  	s4 =	ssub.s32 $0x0, s20;
	[sflag:s22] =	ssyncset.done $0x0  }
0xa0: {  	[sflag:s22] =	ssyncadd.s32 s4;
	_ =	sdelay $0x1  }
0xa1: {  	s23 =	simm.s32 $0x1B8B  }
0xa2: {  	_ =	swait.ge [sflag:s23], $0x1  }
0xa3: {  	[sflag:s23] =	ssyncset.done $0x0  }
0xa4: {  	s25 =	simm.s32 $0x1B8E;
	s24 =	sld [smem:$0x3FFE];
	[sflag:s23] =	ssyncadd.s32 $0xFFFFFFFF  }
0xa5: {  	s26 =	simm.s32 $execute0_lowered;
	[smem:$0x3FD2] =	sst s25  }
0xa6: {  	s5 =	sshll.u32 s26, $0x1;
	_ =	strace $0x80000049;
	[dreg:$0x1] =	wrdreg $0xFFFFFFFF  }
0xa7: {  	s28 =	simm.s32 $_size_execute0_lowered;
	s3 =	sadd.s32 s3, s5;
	[dreg:$0x0] =	wrdreg $0x0  }
0xa8: {  	s5 =	sshll.u32 s28, $0x1;
	[dreg:$0x2] =	wrdreg s3  }
0xa9: {  	[dreg:$0x3] =	wrdreg s5  }
0xaa: {  	[dreg:$0x4] =	wrdreg $0xC0  }
0xab: {  	_ =	task [dreg:s7], $0x5FFFF  }
0xac: {  	[dreg:$0x1] =	wrdreg $0xFFFFFFFF  }
0xad: {  	[dreg:$0x0] =	wrdreg $0x60  }
0xae: {  	[dreg:$0x2] =	wrdreg s24  }
0xaf: {  	[dreg:$0x3] =	wrdreg s2  }
0xb0: {  	[dreg:$0x4] =	wrdreg $0xDE000  }
0xb1: {  	[dreg:$0x5] =	wrdreg $0x9  }
0xb2: {  	_ =	task.clear_ibuf [dreg:s7], $0x6FFFF;
	_ =	strace $0x90000049  }
0xb3: {  	s29 =	simm.s32 $0x9;
	_ =	strace $0x8000004B  }
0xb4: {  	_ =	swait.ge [sflag:s29], $0x1  }
0xb5: {  	[sflag:s29] =	ssyncadd.s32 $0xFFFFFFFF  }
0xb6: {  	_ =	strace $0x9000004B  }
0xb7: {  	_ =	sfence  }
0xb8: {  	s30 =	sld [smem:$0x0];
	_ =	sdelay $0x2  }
0xb9: {  	s31 =	sshll.u32 s1, $0xD;
	s1 =	sshrl.u32 s1, $0x2  }
0xba: {  	s3 =	sand.u32 $0x4000, s31;
	s1 =	sadd.s32 s1, s30  }
0xbb: {  	s0 =	sor.u32 s3, s0;
	s1 =	sshll.u32 s1, $0x11  }
0xbc: {  	s0 =	sor.u32 s1, s0  }
0xbd: {  	s0 =	sadd.s32 $0x8F2B, s0  }
0xbe: {  	[sflag:s0] =	ssyncadd.remote.s32 $0x1  }
0xbf: {  	_ =	sfence.sel $0xFFFF  }
0xc0: {  	[dreg:$0x0] =	wrdreg $0xFFFFFFFF;
	(pc) =	sbr.abs _section_cstart, $3  }
0xc1: {  	[dreg:$0x1] =	wrdreg $0xFFFFFFFF  }
0xc2: {  	_ =	task.clear_ibuf [dreg:s7], $0x2FFFF;
	_ =	strace $0x9FFFFFFF  }
0xc3: {  	(tm) =	ssettm $0x7FFFFFFF  }
tec
execute0_lowered:
.L_overlay_start_1:
0x0: {  	(tag) =	ssettag $0x1  }
0x1: {  	s6 =	rddreg [dreg:$0x0]  }
0x2: {  	s2 =	rddreg [dreg:$0x1]  }
0x3: {  	s3 =	rddreg [dreg:$0x2];
	s4 =	srdreg.scid  }
0x4: {  	s0 =	rddreg [dreg:$0x3];
	s1 =	stileid.u32;
	s14 =	simm.s32 $0x80  }
0x5: {  	s15 =	simm.s32 $0x9E00;
	s16 =	simm.s32 $0xBE00;
	s17 =	simm.s32 $0x1  }
0x6: {  	s18 =	simm.s32 $0x2;
	s19 =	simm.s32 $0x4E80;
	s20 =	simm.s32 $0x9D00  }
0x7: {  	s21 =	simm.s32 $0x9D80;
	s22 =	simm.s32 $0x0;
	s8 =	smul.u32 $0x1400, s1  }
0x8: {  	s7 =	sand.u32 $0x1, s4;
	s4 =	simm.s32 $0x0;
	s28 =	smul.u32 $0x28000, s1  }
0x9: {  	s31 =	sshll.u32 s1, $0x6;
	s5 =	sshll.u32 s7, $0x4;
	[smem:$0x7FF] =	sst s4  }
0xa: {  	s10 =	smul.u32 $0x14000, s7;
	s7 =	ssub.s32 $0x2, s7;
	s9 =	sor.u32 s1, s5  }
0xb: {  	_ =	strace $0x8000004A;
	s5 =	sadd.s32 $0x44200, s6;
	s29 =	sshrl.u32 s7, $0x1  }
0xc: {  	s30 =	sshrl.u32 s28, $0x2;
	s9 =	smul.u32 $0x9E0, s9;
	s8 =	sadd.s32 s8, s10  }
0xd: {  	s12 =	ssub.s32 s7, s29;
	s13 =	sadd.s32 s30, s3;
	s11 =	sadd.s32 s8, s6  }
0xe: {  	s10 =	smax.u32 s12, $0x1;
	s12 =	simm.s32 $0x3;
	s9 =	sadd.s32 s9, s6  }
0xf: {  	s6 =	sor.u32 $0x1C03, s31;
	s7 =	sadd.s32 $0x30600, s9;
	s8 =	sadd.s32 $0x1CA00, s9  }
0x10: {  	s9 =	sadd.s32 $0x58200, s11;
	s11 =	sshrl.u32 s13, $0x3;
	s13 =	simm.s32 $0x4F00  }
.LBB2_1:
0x11: {  	[spmem:s11], [sflag:s6] =	dma.local [hbm:s2], $0x1400  }
0x12: {  	_ =	swait.ge [sflag:s12], $0x1400  }
0x13: {  	[sflag:s12] =	ssyncset.done $0x0  }
0x14: {  	[sflag:s12] =	ssyncadd.s32 $0xFFFFEC00  }
0x15: {  	[tilespmem:s4], [sflag:$0x3] =	stream.linear.gather [hbm4b:s7+s4], $0x4F00, $0x38;
	[tilespmem:$0x17E00] =	vst v63  }
0x16: {  	_ =	swait.ge [sflag:s12], $0x4F00  }
0x17: {  	[sflag:s12] =	ssyncset.done $0x0  }
0x18: {  	[sflag:s12] =	ssyncadd.s32 $0xFFFFB100  }
0x19: {  	[tilespmem:s13], [sflag:$0x3] =	stream.linear.gather [hbm4b:s8+s4], $0x4F00, $0x38;
	[tilespmem:$0x17E00] =	vst v63  }
0x1a: {  	_ =	swait.ge [sflag:s12], $0x4F00  }
0x1b: {  	[sflag:s12] =	ssyncset.done $0x0  }
0x1c: {  	[sflag:s12] =	ssyncadd.s32 $0xFFFFB100  }
0x1d: {  	[bflag:$0x0] =	sbarrier.arrive $0xFFFF  }
0x1e: {  	[tilespmem:s15], [sflag:$0x1] =	stream.indirect.gather [hbm4b:s5+s14], $0x40, s4, s14, $0xb8;
	[tilespmem:$0x17E00] =	vst v63  }
0x1f: {  	s23 =	simm.s32 $0x80  }
0x20: {  	[tilespmem:s16], [sflag:$0x2] =	stream.indirect.gather [hbm4b:s5+s14], $0x40, s23, s14, $0xb8;
	[tilespmem:$0x17E00] =	vst v63  }
0x21: {  	_ =	swait.ge [sflag:s17], $0x2000  }
0x22: {  	[sflag:s17] =	ssyncset.done $0x0  }
0x23: {  	s29 =	simm.s32 $0x4F00;
	[sflag:s17] =	ssyncadd.s32 $0xFFFFE000  }
0x24: {  	[spmem:s3] =	stream.indirect.scatter.add.f32 [tilespmem:s15], [sflag:$0x3], $0x40, s29, s14, $0xb8;
	[tilespmem:$0x17E00] =	vst v63  }
0x25: {  	_ =	swait.ge [sflag:s12], $0x2000  }
0x26: {  	[sflag:s12] =	ssyncset.done $0x0  }
0x27: {  	s30 =	simm.s32 $0x100;
	[sflag:s12] =	ssyncadd.s32 $0xFFFFE000  }
0x28: {  	[tilespmem:s15], [sflag:$0x1] =	stream.indirect.gather [hbm4b:s5+s14], $0x40, s30, s14, $0xb8;
	[tilespmem:$0x17E00] =	vst v63  }
0x29: {  	_ =	swait.ge [sflag:s18], $0x2000  }
0x2a: {  	[sflag:s18] =	ssyncset.done $0x0  }
0x2b: {  	s31 =	simm.s32 $0x4F80;
	[sflag:s18] =	ssyncadd.s32 $0xFFFFE000  }
0x2c: {  	[spmem:s3] =	stream.indirect.scatter.add.f32 [tilespmem:s16], [sflag:$0x3], $0x40, s31, s14, $0xb8;
	[tilespmem:$0x17E00] =	vst v63  }
0x2d: {  	_ =	swait.ge [sflag:s12], $0x2000  }
0x2e: {  	s24 =	simm.s32 $0x800;
	s23 =	simm.s32 $0x100;
	[sflag:s12] =	ssyncset.done $0x0  }
.LBB2_2:
0x2f: {  	s25 =	sadd.s32 $0x80, s23  }
0x30: {  	[sflag:s12] =	ssyncadd.s32 $0xFFFFE000;
	s26 =	smov.u32 s24;
	s28 =	sadd.s32 $0x400, s24  }
0x31: {  	[tilespmem:s16], [sflag:$0x2] =	stream.indirect.gather [hbm4b:s5+s14], $0x40, s25, s14, $0xb8;
	[tilespmem:$0x17E00] =	vst v63  }
0x32: {  	p0 =	sne.s32 s24, $0x13400;
	_ =	swait.ge [sflag:s17], $0x2000  }
0x33: {  	[sflag:s17] =	ssyncset.done $0x0  }
0x34: {  	s24 =	sadd.s32 $0x4F00, s23;
	[sflag:s17] =	ssyncadd.s32 $0xFFFFE000  }
0x35: {  	[spmem:s3] =	stream.indirect.scatter.add.f32 [tilespmem:s15], [sflag:$0x3], $0x40, s24, s14, $0xb8;
	[tilespmem:$0x17E00] =	vst v63  }
0x36: {  	_ =	swait.ge [sflag:s12], $0x2000  }
0x37: {  	[sflag:s12] =	ssyncset.done $0x0  }
0x38: {  	s24 =	sadd.s32 $0x100, s23;
	[sflag:s12] =	ssyncadd.s32 $0xFFFFE000  }
0x39: {  	[tilespmem:s15], [sflag:$0x1] =	stream.indirect.gather [hbm4b:s5+s14], $0x40, s24, s14, $0xb8;
	[tilespmem:$0x17E00] =	vst v63  }
0x3a: {  	_ =	swait.ge [sflag:s18], $0x2000  }
.Ltmp0:
0x3b: {  	[sflag:s18] =	ssyncset.done $0x0;
	(pc) =	sbr.rel @p0 .LBB2_2-.Ltmp0, $4  }
0x3c: {  	s23 =	sadd.s32 $0x4F80, s23;
	[sflag:s18] =	ssyncadd.s32 $0xFFFFE000  }
0x3d: {  	[spmem:s3] =	stream.indirect.scatter.add.f32 [tilespmem:s16], [sflag:$0x3], $0x40, s23, s14, $0xb8;
	[tilespmem:$0x17E00] =	vst v63  }
0x3e: {  	_ =	swait.ge [sflag:s12], $0x2000  }
0x3f: {  	s24 =	smov.u32 s28;
	s23 =	sshra.s32 s26, $0x2;
	[sflag:s12] =	ssyncset.done $0x0  }
0x40: {  	s24 =	sadd.s32 $0x80, s23;
	[sflag:s12] =	ssyncadd.s32 $0xFFFFE000  }
0x41: {  	[tilespmem:s16], [sflag:$0x2] =	stream.indirect.gather [hbm4b:s5+s14], $0x40, s24, s14, $0xb8;
	[tilespmem:$0x17E00] =	vst v63  }
0x42: {  	_ =	swait.ge [sflag:s17], $0x2000  }
0x43: {  	[sflag:s17] =	ssyncset.done $0x0  }
0x44: {  	s29 =	sadd.s32 $0x4F00, s23;
	[sflag:s17] =	ssyncadd.s32 $0xFFFFE000  }
0x45: {  	[spmem:s3] =	stream.indirect.scatter.add.f32 [tilespmem:s15], [sflag:$0x3], $0x40, s29, s14, $0xb8;
	[tilespmem:$0x17E00] =	vst v63  }
0x46: {  	_ =	swait.ge [sflag:s12], $0x2000  }
0x47: {  	[sflag:s12] =	ssyncset.done $0x0  }
0x48: {  	s30 =	sadd.s32 $0x100, s23;
	[sflag:s12] =	ssyncadd.s32 $0xFFFFE000  }
0x49: {  	[tilespmem:s15], [sflag:$0x1] =	stream.indirect.gather [hbm4b:s5+s14], $0x40, s30, s14, $0xb8;
	[tilespmem:$0x17E00] =	vst v63  }
0x4a: {  	_ =	swait.ge [sflag:s18], $0x2000  }
0x4b: {  	[sflag:s18] =	ssyncset.done $0x0  }
0x4c: {  	s31 =	sadd.s32 $0x4F80, s23;
	[sflag:s18] =	ssyncadd.s32 $0xFFFFE000  }
0x4d: {  	[spmem:s3] =	stream.indirect.scatter.add.f32 [tilespmem:s16], [sflag:$0x3], $0x40, s31, s14, $0xb8;
	[tilespmem:$0x17E00] =	vst v63  }
0x4e: {  	_ =	swait.ge [sflag:s12], $0x2000  }
0x4f: {  	[sflag:s12] =	ssyncset.done $0x0  }
0x50: {  	[sflag:s12] =	ssyncadd.s32 $0xFFFFE000  }
0x51: {  	[tilespmem:s16], [sflag:$0x2] =	stream.indirect.gather [hbm4b:s5+s14], $0x40, s19, s14, $0xb8;
	[tilespmem:$0x17E00] =	vst v63  }
0x52: {  	_ =	swait.ge [sflag:s17], $0x2000  }
0x53: {  	[sflag:s17] =	ssyncset.done $0x0  }
0x54: {  	[sflag:s17] =	ssyncadd.s32 $0xFFFFE000  }
0x55: {  	[spmem:s3] =	stream.indirect.scatter.add.f32 [tilespmem:s15], [sflag:$0x3], $0x40, s20, s14, $0xb8;
	[tilespmem:$0x17E00] =	vst v63  }
0x56: {  	_ =	swait.ge [sflag:s12], $0x2000  }
0x57: {  	[sflag:s12] =	ssyncset.done $0x0  }
0x58: {  	[sflag:s12] =	ssyncadd.s32 $0xFFFFE000  }
0x59: {  	[tilespmem:s15], [sflag:$0x1] =	stream.indirect.gather [hbm4b:s5+s14], $0x40, s4, s14, $0xb8;
	[tilespmem:$0x17E00] =	vst v63  }
0x5a: {  	_ =	swait.ge [sflag:s18], $0x2000  }
0x5b: {  	[sflag:s18] =	ssyncset.done $0x0  }
0x5c: {  	[sflag:s18] =	ssyncadd.s32 $0xFFFFE000  }
0x5d: {  	[spmem:s3] =	stream.indirect.scatter.add.f32 [tilespmem:s16], [sflag:$0x3], $0x40, s21, s14, $0xb8;
	[tilespmem:$0x17E00] =	vst v63  }
0x5e: {  	_ =	swait.ge [sflag:s12], $0x2000  }
0x5f: {  	[sflag:s12] =	ssyncset.done $0x0  }
0x60: {  	[sflag:s12] =	ssyncadd.s32 $0xFFFFE000  }
0x61: {  	_ =	swait.ge [sflag:s17], $0x2000  }
0x62: {  	s22 =	sadd.s32 $0x1, s22;
	[sflag:s17] =	ssyncset.done $0x0  }
0x63: {  	p0 =	sne.s32 s22, s10;
	[sflag:s17] =	ssyncadd.s32 $0xFFFFE000  }
.Ltmp1:
0x64: {  	[bflag:$0x0] =	sbarrier.arrive $0xFFFF;
	(pc) =	sbr.rel @p0 .LBB2_1-.Ltmp1, $4  }
0x65: {  	[hbm:s9], [sflag:s6] =	dma.local [spmem:s11], $0x1400  }
0x66: {  	_ =	swait.ge [sflag:s12], $0x1400  }
0x67: {  	[sflag:s12] =	ssyncset.done $0x0  }
0x68: {  	[sflag:s12] =	ssyncadd.s32 $0xFFFFEC00  }
0x69: {  	_ =	sfence.sel $0x180000  }
0x6a: {  	[bflag:$0x0] =	sbarrier.arrive $0xFFFF  }
0x6b: {  	p0 =	sne.s32 s1, $0x0;
	_ =	strace $0x9000004A  }
0x6c: {  	s0 =	sadd.s32 @!p0 $0x100000, s0;
	[bflag:$0x2] =	sbarrier.arrive $0xFFFF  }
0x6d: {  	[sflag:s0] =	ssyncadd.tile.s32 @!p0 $0x1;
	_ =	shalt  }
.Lfunc_end2:
_tile_overlayer_lowered:
.L_overlay_start_2:
0x6e: {  	(tag) =	ssettag $0x2  }
0x6f: {  	s0 =	rddreg [dreg:$0x0];
	s2 =	stileid.u32  }
0x70: {  	s1 =	rddreg [dreg:$0x1];
	p0 =	sne.s32 s2, $0x0  }
0x71: {  	s3 =	rddreg [dreg:$0x2];
	[bflag:$0x3] =	sbarrier.arrive $0xFFFF;
	s2 =	simm.s32 @!p0 $0x1C03  }
0x72: {  	[timem:s3], [sflag:s2] =	dma.local @!p0 [hbm:s0], s1  }
0x73: {  	s0 =	simm.s32 @!p0 $0x3  }
0x74: {  	_ =	swait.ge @!p0 [sflag:s0], s1  }
0x75: {  	s1 =	ssub.s32 @!p0 $0x0, s1;
	[sflag:s0] =	ssyncset.done @!p0 $0x0  }
0x76: {  	[sflag:s0] =	ssyncadd.s32 @!p0 s1  }
0x77: {  	[bflag:$0x3] =	sbarrier.arrive $0xFFFF  }
0x78: {  	_ =	shalt  }

// kernel: kernel.28.cloned.1.call-start
scs
__scs_entry_jumppad:
0x0: {  	(pc) =	sbr.rel $0x88, $3  }
0x1: {  	(tag) =	ssettag $0x0;
	lr =	simm.s32 $0x1  }
0x2: {  	[smem:$0x3F79] =	sst lr;
	_ =	strace $0xD0000000  }
0x3: {  	_ = 	snop  }
0x4: {  	_ = 	snop  }
0x5: {  	_ = 	snop  }
0x6: {  	_ = 	snop  }
0x7: {  	_ = 	snop  }
__scs_overlays_trampoline_lowered:
0x8: {  	[smem:$0x3F88] =	sst s0  }
0x9: {  	[smem:$0x3F89] =	sst s1  }
0xa: {  	[smem:$0x3F8A] =	sst s2  }
0xb: {  	[smem:$0x3F8B] =	sst s3  }
0xc: {  	[smem:$0x3F8C] =	sst s4  }
0xd: {  	[smem:$0x3F8D] =	sst s5  }
0xe: {  	[smem:$0x3F8E] =	sst s6  }
0xf: {  	[smem:$0x3F8F] =	sst s7  }
0x10: {  	[smem:$0x3F90] =	sst s8  }
0x11: {  	[smem:$0x3F91] =	sst s9;
	s0 =	simm.s32 @!p0 $0x0  }
0x12: {  	s1 =	sld [smem:$0x3F77];
	s0 =	simm.s32 @p0 $0x1  }
0x13: {  	[smem:$0x3F92] =	sst s0;
	s0 =	simm.s32 @!p1 $0x0  }
0x14: {  	s2 =	sld [smem:$0x3F76];
	s0 =	simm.s32 @p1 $0x1  }
0x15: {  	[smem:$0x3F93] =	sst s0;
	s0 =	simm.s32 @!p2 $0x0  }
0x16: {  	s3 =	sld [smem:$0x3FDB];
	s0 =	simm.s32 @p2 $0x1  }
0x17: {  	s4 =	simm.s32 $0x1BF5;
	[smem:$0x3F95] =	sst s0  }
0x18: {  	s0 =	sld [smem:$0x3F78];
	_ =	swait.ge [sflag:s4], $0x0  }
0x19: {  	s7 =	sld [smem:$0x3F79]  }
0x1a: {  	s8 =	sadd.s32 $0xFFFFE003, lr  }
0x1b: {  	s9 =	sadd.s32 $0xFFFFFEF7, lr;
	s5 =	simm.s32 $0xFFFFFFFF;
	p2 =	slt.u32 s8, $0xFFFFF086  }
0x1c: {  	p1 =	slt.u32 s9, $0xF7A;
	s5 =	simm.s32 @!p2 $0x0  }
0x1d: {  	s5 =	simm.s32 @p1 $0x1;
	p0 =	seq.s32 s7, s2  }
0x1e: {  	s7 =	smul.u32 @!p0 $0xF7A, s2;
	p2 =	seq.s32 @!p0 s5, $0x0  }
0x1f: {  	s9 =	smul.u32 $0xF7A, s1;
	s8 =	simm.s32 @!p0 $0x1BF5;
	p2 =	por !p2, p0  }
0x20: {  	[sflag:s8] =	ssyncset.s32 @!p0 $0xFFFFF086;
	s6 =	sadd.s32 @!p0 s3, s7;
	s7 =	simm.s32 @!p0 $0x108  }
0x21: {  	s3 =	sadd.s32 s3, s9;
	s6 =	sadd.s32 @!p0 $0x88, s6;
	s7 =	simm.s32 @p2 $0x1082  }
0x22: {  	[simem:s7], [sflag:s8] =	dma.local @!p0 [hbm:s6], $0xF7A  }
0x23: {  	s9 =	sor.u32 $0xD0000000, s2;
	s6 =	simm.s32 $0x108;
	_ =	swait.ge @!p0 [sflag:s8], $0x0  }
0x24: {  	s3 =	sadd.s32 $0x88, s3;
	s6 =	simm.s32 @!p1 $0x1082;
	[sflag:s4] =	ssyncset.s32 $0xFFFFF086  }
0x25: {  	[simem:s6], [sflag:s4] =	dma.local [hbm:s3], $0xF7A  }
0x26: {  	[smem:$0x3F79] =	sst s1;
	(tag) =	ssettag s2;
	_ =	strace s9  }
0x27: {  	s1 =	sld [smem:$0x3F89]  }
0x28: {  	s2 =	sld [smem:$0x3F8A]  }
0x29: {  	s4 =	sld [smem:$0x3F8C]  }
0x2a: {  	p0 =	seq.s32 s5, $0x0;
	s5 =	sld [smem:$0x3F8D]  }
0x2b: {  	s6 =	sld [smem:$0x3F8E]  }
0x2c: {  	s7 =	sld [smem:$0x3F8F]  }
0x2d: {  	s3 =	simm.s32 $0x108;
	s8 =	sld [smem:$0x3F90]  }
0x2e: {  	s3 =	simm.s32 @!p0 $0x1082;
	s9 =	sld [smem:$0x3F91]  }
0x2f: {  	lr =	sadd.s32 s0, s3;
	s0 =	sld [smem:$0x3F88]  }
0x30: {  	s3 =	sld [smem:$0x3F8B]  }
0x31: {  	[smem:$0x3F94] =	sst s10  }
0x32: {  	s10 =	sld [smem:$0x3F92];
	_ =	sdelay $0x3  }
0x33: {  	p0 =	seq.s32 s10, $0x1;
	s10 =	sld [smem:$0x3F94];
	_ =	sdelay $0x3  }
0x34: {  	[smem:$0x3F94] =	sst s10  }
0x35: {  	s10 =	sld [smem:$0x3F93];
	_ =	sdelay $0x3  }
0x36: {  	p1 =	seq.s32 s10, $0x1;
	s10 =	sld [smem:$0x3F94];
	_ =	sdelay $0x3  }
0x37: {  	[smem:$0x3F94] =	sst s10  }
0x38: {  	s10 =	sld [smem:$0x3F95]  }
0x39: {  	_ = 	snop;
	(pc) =	sbr.ind lr, $3  }
0x3a: {  	_ = 	snop  }
0x3b: {  	_ = 	snop  }
0x3c: {  	p2 =	seq.s32 s10, $0x1;
	s10 =	sld [smem:$0x3F94]  }
0x3d: {  	_ =	shalt  }
0x3e: {  	_ =	shalt  }
0x3f: {  	_ =	shalt  }
0x40: {  	_ =	shalt  }
0x41: {  	_ =	shalt  }
0x42: {  	_ =	shalt  }
0x43: {  	_ =	shalt  }
0x44: {  	_ =	shalt  }
0x45: {  	_ =	shalt  }
0x46: {  	_ =	shalt  }
0x47: {  	_ =	shalt  }
0x48: {  	_ =	shalt  }
0x49: {  	_ =	shalt  }
0x4a: {  	_ =	shalt  }
0x4b: {  	_ =	shalt  }
0x4c: {  	_ =	shalt  }
0x4d: {  	_ =	shalt  }
0x4e: {  	_ =	shalt  }
0x4f: {  	_ =	shalt  }
0x50: {  	_ =	shalt  }
0x51: {  	_ =	shalt  }
0x52: {  	_ =	shalt  }
0x53: {  	_ =	shalt  }
0x54: {  	_ =	shalt  }
0x55: {  	_ =	shalt  }
0x56: {  	_ =	shalt  }
0x57: {  	_ =	shalt  }
0x58: {  	_ =	shalt  }
0x59: {  	_ =	shalt  }
0x5a: {  	_ =	shalt  }
0x5b: {  	_ =	shalt  }
0x5c: {  	_ =	shalt  }
0x5d: {  	_ =	shalt  }
0x5e: {  	_ =	shalt  }
0x5f: {  	_ =	shalt  }
0x60: {  	_ =	shalt  }
0x61: {  	_ =	shalt  }
0x62: {  	_ =	shalt  }
0x63: {  	_ =	shalt  }
0x64: {  	_ =	shalt  }
0x65: {  	_ =	shalt  }
0x66: {  	_ =	shalt  }
0x67: {  	_ =	shalt  }
0x68: {  	_ =	shalt  }
0x69: {  	_ =	shalt  }
0x6a: {  	_ =	shalt  }
0x6b: {  	_ =	shalt  }
0x6c: {  	_ =	shalt  }
0x6d: {  	_ =	shalt  }
0x6e: {  	_ =	shalt  }
0x6f: {  	_ =	shalt  }
0x70: {  	_ =	shalt  }
0x71: {  	_ =	shalt  }
0x72: {  	_ =	shalt  }
0x73: {  	_ =	shalt  }
0x74: {  	_ =	shalt  }
0x75: {  	_ =	shalt  }
0x76: {  	_ =	shalt  }
0x77: {  	_ =	shalt  }
0x78: {  	_ =	shalt  }
0x79: {  	_ =	shalt  }
0x7a: {  	_ =	shalt  }
0x7b: {  	_ =	shalt  }
0x7c: {  	_ =	shalt  }
0x7d: {  	_ =	shalt  }
0x7e: {  	_ =	shalt  }
0x7f: {  	_ =	shalt  }
0x80: {  	_ =	shalt  }
0x81: {  	_ =	shalt  }
0x82: {  	_ =	shalt  }
0x83: {  	_ =	shalt  }
0x84: {  	_ =	shalt  }
0x85: {  	_ =	shalt  }
0x86: {  	_ =	shalt  }
0x87: {  	_ =	shalt  }
.Lfunc_end0:
.L_simem_size_0:
called_computation.2_lowered:
.L_overlay_start_0:
0x88: {  	s2 =	sld [smem:$0x3FD9]  }
0x89: {  	s3 =	sld [smem:$0x3FFE];
	_ =	sdelay $0x1  }
0x8a: {  	s1 =	srdreg.scid  }
0x8b: {  	s0 =	sand.u32 $0x1, s1  }
0x8c: {  	s17 =	sshll.u32 s0, $0xA;
	s2 =	sadd.s32 s3, s2  }
0x8d: {  	s2 =	sadd.s32 s2, s17  }
0x8e: {  	[smem:$0x3FA0] =	sst s2  }
0x8f: {  	_ = 	snop  }
0x90: {  	s2 =	sld [smem:$0x3FD0];
	(tm) =	ssettm $0x1  }
0x91: {  	s18 =	sld [smem:$0x3FFB];
	_ =	sdelay $0x3  }
0x92: {  	_ =	strace s18  }
0x93: {  	s3 =	sld [smem:$0x3FFC];
	_ =	sdelay $0x3  }
0x94: {  	_ =	strace s3  }
0x95: {  	s3 =	sld [smem:$0x3FFD];
	_ =	sdelay $0x3  }
0x96: {  	_ =	strace s3  }
0x97: {  	_ =	strace $0x8FFFFFFF  }
0x98: {  	s19 =	sld [smem:$0x3FDB];
	_ =	sdelay $0x1  }
0x99: {  	s4 =	simm.s32 $_scs_section_size  }
0x9a: {  	s5 =	simm.s32 $_size__tile_overlayer_lowered;
	s6 =	simm.s32 $_tile_overlayer_lowered  }
0x9b: {  	s22 =	simm.s32 $0x1BFF;
	s21 =	sshll.u32 s6, $0x1;
	s3 =	sadd.s32 s4, s19  }
0x9c: {  	s7 =	simm.s32 $0x0;
	s20 =	sshll.u32 s5, $0x1;
	s5 =	sadd.s32 s21, s3  }
0x9d: {  	[timem:s7], [sflag:s22] =	dma.local [hbm:s5], s20  }
0x9e: {  	_ =	swait.ge [sflag:s22], s20  }
0x9f: {  	s4 =	ssub.s32 $0x0, s20;
	[sflag:s22] =	ssyncset.done $0x0  }
0xa0: {  	[sflag:s22] =	ssyncadd.s32 s4;
	_ =	sdelay $0x1  }
0xa1: {  	s23 =	simm.s32 $0x1B8B  }
0xa2: {  	_ =	swait.ge [sflag:s23], $0x1  }
0xa3: {  	[sflag:s23] =	ssyncset.done $0x0  }
0xa4: {  	s25 =	simm.s32 $0x1B8E;
	s24 =	sld [smem:$0x3FFE];
	[sflag:s23] =	ssyncadd.s32 $0xFFFFFFFF  }
0xa5: {  	s26 =	simm.s32 $execute0_lowered;
	[smem:$0x3FD2] =	sst s25  }
0xa6: {  	s5 =	sshll.u32 s26, $0x1;
	_ =	strace $0x8000004C;
	[dreg:$0x1] =	wrdreg $0xFFFFFFFF  }
0xa7: {  	s28 =	simm.s32 $_size_execute0_lowered;
	s3 =	sadd.s32 s3, s5;
	[dreg:$0x0] =	wrdreg $0x0  }
0xa8: {  	s5 =	sshll.u32 s28, $0x1;
	[dreg:$0x2] =	wrdreg s3  }
0xa9: {  	[dreg:$0x3] =	wrdreg s5  }
0xaa: {  	[dreg:$0x4] =	wrdreg $0xC0  }
0xab: {  	_ =	task [dreg:s7], $0x5FFFF  }
0xac: {  	[dreg:$0x1] =	wrdreg $0xFFFFFFFF  }
0xad: {  	[dreg:$0x0] =	wrdreg $0x60  }
0xae: {  	[dreg:$0x2] =	wrdreg s24  }
0xaf: {  	[dreg:$0x3] =	wrdreg s2  }
0xb0: {  	[dreg:$0x4] =	wrdreg $0xDE000  }
0xb1: {  	[dreg:$0x5] =	wrdreg $0x9  }
0xb2: {  	_ =	task.clear_ibuf [dreg:s7], $0x6FFFF;
	_ =	strace $0x9000004C  }
0xb3: {  	s29 =	simm.s32 $0x9;
	_ =	strace $0x8000004E  }
0xb4: {  	_ =	swait.ge [sflag:s29], $0x1  }
0xb5: {  	[sflag:s29] =	ssyncadd.s32 $0xFFFFFFFF  }
0xb6: {  	_ =	strace $0x9000004E  }
0xb7: {  	_ =	sfence  }
0xb8: {  	s30 =	sld [smem:$0x0];
	_ =	sdelay $0x2  }
0xb9: {  	s31 =	sshll.u32 s1, $0xD;
	s1 =	sshrl.u32 s1, $0x2  }
0xba: {  	s3 =	sand.u32 $0x4000, s31;
	s1 =	sadd.s32 s1, s30  }
0xbb: {  	s0 =	sor.u32 s3, s0;
	s1 =	sshll.u32 s1, $0x11  }
0xbc: {  	s0 =	sor.u32 s1, s0  }
0xbd: {  	s0 =	sadd.s32 $0x8F2B, s0  }
0xbe: {  	[sflag:s0] =	ssyncadd.remote.s32 $0x1  }
0xbf: {  	_ =	sfence.sel $0xFFFF  }
0xc0: {  	[dreg:$0x0] =	wrdreg $0xFFFFFFFF;
	(pc) =	sbr.abs _section_cstart, $3  }
0xc1: {  	[dreg:$0x1] =	wrdreg $0xFFFFFFFF  }
0xc2: {  	_ =	task.clear_ibuf [dreg:s7], $0x2FFFF;
	_ =	strace $0x9FFFFFFF  }
0xc3: {  	(tm) =	ssettm $0x7FFFFFFF  }
tec
execute0_lowered:
.L_overlay_start_1:
0x0: {  	(tag) =	ssettag $0x1  }
0x1: {  	s6 =	rddreg [dreg:$0x0]  }
0x2: {  	s2 =	rddreg [dreg:$0x1]  }
0x3: {  	s3 =	rddreg [dreg:$0x2];
	s4 =	srdreg.scid  }
0x4: {  	s0 =	rddreg [dreg:$0x3];
	s1 =	stileid.u32;
	s14 =	simm.s32 $0x80  }
0x5: {  	s15 =	simm.s32 $0x9E00;
	s16 =	simm.s32 $0xBE00;
	s17 =	simm.s32 $0x1  }
0x6: {  	s18 =	simm.s32 $0x2;
	s19 =	simm.s32 $0x4E80;
	s20 =	simm.s32 $0x9D00  }
0x7: {  	s21 =	simm.s32 $0x9D80;
	s22 =	simm.s32 $0x0;
	s8 =	smul.u32 $0x1400, s1  }
0x8: {  	s7 =	sand.u32 $0x1, s4;
	s4 =	simm.s32 $0x0;
	s28 =	smul.u32 $0x28000, s1  }
0x9: {  	s31 =	sshll.u32 s1, $0x6;
	s5 =	sshll.u32 s7, $0x4;
	[smem:$0x7FF] =	sst s4  }
0xa: {  	s10 =	smul.u32 $0x14000, s7;
	s7 =	ssub.s32 $0x2, s7;
	s9 =	sor.u32 s1, s5  }
0xb: {  	_ =	strace $0x8000004D;
	s5 =	sadd.s32 $0x44200, s6;
	s29 =	sshrl.u32 s7, $0x1  }
0xc: {  	s30 =	sshrl.u32 s28, $0x2;
	s9 =	smul.u32 $0x9E0, s9;
	s8 =	sadd.s32 s8, s10  }
0xd: {  	s12 =	ssub.s32 s7, s29;
	s13 =	sadd.s32 s30, s3;
	s11 =	sadd.s32 s8, s6  }
0xe: {  	s10 =	smax.u32 s12, $0x1;
	s12 =	simm.s32 $0x3;
	s9 =	sadd.s32 s9, s6  }
0xf: {  	s6 =	sor.u32 $0x1C03, s31;
	s7 =	sadd.s32 $0x30600, s9;
	s8 =	sadd.s32 $0x1CA00, s9  }
0x10: {  	s9 =	sadd.s32 $0x58200, s11;
	s11 =	sshrl.u32 s13, $0x3;
	s13 =	simm.s32 $0x4F00  }
.LBB2_1:
0x11: {  	[spmem:s11], [sflag:s6] =	dma.local [hbm:s2], $0x1400  }
0x12: {  	_ =	swait.ge [sflag:s12], $0x1400  }
0x13: {  	[sflag:s12] =	ssyncset.done $0x0  }
0x14: {  	[sflag:s12] =	ssyncadd.s32 $0xFFFFEC00  }
0x15: {  	[tilespmem:s4], [sflag:$0x3] =	stream.linear.gather [hbm4b:s7+s4], $0x4F00, $0x38;
	[tilespmem:$0x17E00] =	vst v63  }
0x16: {  	_ =	swait.ge [sflag:s12], $0x4F00  }
0x17: {  	[sflag:s12] =	ssyncset.done $0x0  }
0x18: {  	[sflag:s12] =	ssyncadd.s32 $0xFFFFB100  }
0x19: {  	[tilespmem:s13], [sflag:$0x3] =	stream.linear.gather [hbm4b:s8+s4], $0x4F00, $0x38;
	[tilespmem:$0x17E00] =	vst v63  }
0x1a: {  	_ =	swait.ge [sflag:s12], $0x4F00  }
0x1b: {  	[sflag:s12] =	ssyncset.done $0x0  }
0x1c: {  	[sflag:s12] =	ssyncadd.s32 $0xFFFFB100  }
0x1d: {  	[bflag:$0x0] =	sbarrier.arrive $0xFFFF  }
0x1e: {  	[tilespmem:s15], [sflag:$0x1] =	stream.indirect.gather [hbm4b:s5+s14], $0x40, s4, s14, $0xb8;
	[tilespmem:$0x17E00] =	vst v63  }
0x1f: {  	s23 =	simm.s32 $0x80  }
0x20: {  	[tilespmem:s16], [sflag:$0x2] =	stream.indirect.gather [hbm4b:s5+s14], $0x40, s23, s14, $0xb8;
	[tilespmem:$0x17E00] =	vst v63  }
0x21: {  	_ =	swait.ge [sflag:s17], $0x2000  }
0x22: {  	[sflag:s17] =	ssyncset.done $0x0  }
0x23: {  	s29 =	simm.s32 $0x4F00;
	[sflag:s17] =	ssyncadd.s32 $0xFFFFE000  }
0x24: {  	[spmem:s3] =	stream.indirect.scatter.add.f32 [tilespmem:s15], [sflag:$0x3], $0x40, s29, s14, $0xb8;
	[tilespmem:$0x17E00] =	vst v63  }
0x25: {  	_ =	swait.ge [sflag:s12], $0x2000  }
0x26: {  	[sflag:s12] =	ssyncset.done $0x0  }
0x27: {  	s30 =	simm.s32 $0x100;
	[sflag:s12] =	ssyncadd.s32 $0xFFFFE000  }
0x28: {  	[tilespmem:s15], [sflag:$0x1] =	stream.indirect.gather [hbm4b:s5+s14], $0x40, s30, s14, $0xb8;
	[tilespmem:$0x17E00] =	vst v63  }
0x29: {  	_ =	swait.ge [sflag:s18], $0x2000  }
0x2a: {  	[sflag:s18] =	ssyncset.done $0x0  }
0x2b: {  	s31 =	simm.s32 $0x4F80;
	[sflag:s18] =	ssyncadd.s32 $0xFFFFE000  }
0x2c: {  	[spmem:s3] =	stream.indirect.scatter.add.f32 [tilespmem:s16], [sflag:$0x3], $0x40, s31, s14, $0xb8;
	[tilespmem:$0x17E00] =	vst v63  }
0x2d: {  	_ =	swait.ge [sflag:s12], $0x2000  }
0x2e: {  	s24 =	simm.s32 $0x800;
	s23 =	simm.s32 $0x100;
	[sflag:s12] =	ssyncset.done $0x0  }
.LBB2_2:
0x2f: {  	s25 =	sadd.s32 $0x80, s23  }
0x30: {  	[sflag:s12] =	ssyncadd.s32 $0xFFFFE000;
	s26 =	smov.u32 s24;
	s28 =	sadd.s32 $0x400, s24  }
0x31: {  	[tilespmem:s16], [sflag:$0x2] =	stream.indirect.gather [hbm4b:s5+s14], $0x40, s25, s14, $0xb8;
	[tilespmem:$0x17E00] =	vst v63  }
0x32: {  	p0 =	sne.s32 s24, $0x13400;
	_ =	swait.ge [sflag:s17], $0x2000  }
0x33: {  	[sflag:s17] =	ssyncset.done $0x0  }
0x34: {  	s24 =	sadd.s32 $0x4F00, s23;
	[sflag:s17] =	ssyncadd.s32 $0xFFFFE000  }
0x35: {  	[spmem:s3] =	stream.indirect.scatter.add.f32 [tilespmem:s15], [sflag:$0x3], $0x40, s24, s14, $0xb8;
	[tilespmem:$0x17E00] =	vst v63  }
0x36: {  	_ =	swait.ge [sflag:s12], $0x2000  }
0x37: {  	[sflag:s12] =	ssyncset.done $0x0  }
0x38: {  	s24 =	sadd.s32 $0x100, s23;
	[sflag:s12] =	ssyncadd.s32 $0xFFFFE000  }
0x39: {  	[tilespmem:s15], [sflag:$0x1] =	stream.indirect.gather [hbm4b:s5+s14], $0x40, s24, s14, $0xb8;
	[tilespmem:$0x17E00] =	vst v63  }
0x3a: {  	_ =	swait.ge [sflag:s18], $0x2000  }
.Ltmp0:
0x3b: {  	[sflag:s18] =	ssyncset.done $0x0;
	(pc) =	sbr.rel @p0 .LBB2_2-.Ltmp0, $4  }
0x3c: {  	s23 =	sadd.s32 $0x4F80, s23;
	[sflag:s18] =	ssyncadd.s32 $0xFFFFE000  }
0x3d: {  	[spmem:s3] =	stream.indirect.scatter.add.f32 [tilespmem:s16], [sflag:$0x3], $0x40, s23, s14, $0xb8;
	[tilespmem:$0x17E00] =	vst v63  }
0x3e: {  	_ =	swait.ge [sflag:s12], $0x2000  }
0x3f: {  	s24 =	smov.u32 s28;
	s23 =	sshra.s32 s26, $0x2;
	[sflag:s12] =	ssyncset.done $0x0  }
0x40: {  	s24 =	sadd.s32 $0x80, s23;
	[sflag:s12] =	ssyncadd.s32 $0xFFFFE000  }
0x41: {  	[tilespmem:s16], [sflag:$0x2] =	stream.indirect.gather [hbm4b:s5+s14], $0x40, s24, s14, $0xb8;
	[tilespmem:$0x17E00] =	vst v63  }
0x42: {  	_ =	swait.ge [sflag:s17], $0x2000  }
0x43: {  	[sflag:s17] =	ssyncset.done $0x0  }
0x44: {  	s29 =	sadd.s32 $0x4F00, s23;
	[sflag:s17] =	ssyncadd.s32 $0xFFFFE000  }
0x45: {  	[spmem:s3] =	stream.indirect.scatter.add.f32 [tilespmem:s15], [sflag:$0x3], $0x40, s29, s14, $0xb8;
	[tilespmem:$0x17E00] =	vst v63  }
0x46: {  	_ =	swait.ge [sflag:s12], $0x2000  }
0x47: {  	[sflag:s12] =	ssyncset.done $0x0  }
0x48: {  	s30 =	sadd.s32 $0x100, s23;
	[sflag:s12] =	ssyncadd.s32 $0xFFFFE000  }
0x49: {  	[tilespmem:s15], [sflag:$0x1] =	stream.indirect.gather [hbm4b:s5+s14], $0x40, s30, s14, $0xb8;
	[tilespmem:$0x17E00] =	vst v63  }
0x4a: {  	_ =	swait.ge [sflag:s18], $0x2000  }
0x4b: {  	[sflag:s18] =	ssyncset.done $0x0  }
0x4c: {  	s31 =	sadd.s32 $0x4F80, s23;
	[sflag:s18] =	ssyncadd.s32 $0xFFFFE000  }
0x4d: {  	[spmem:s3] =	stream.indirect.scatter.add.f32 [tilespmem:s16], [sflag:$0x3], $0x40, s31, s14, $0xb8;
	[tilespmem:$0x17E00] =	vst v63  }
0x4e: {  	_ =	swait.ge [sflag:s12], $0x2000  }
0x4f: {  	[sflag:s12] =	ssyncset.done $0x0  }
0x50: {  	[sflag:s12] =	ssyncadd.s32 $0xFFFFE000  }
0x51: {  	[tilespmem:s16], [sflag:$0x2] =	stream.indirect.gather [hbm4b:s5+s14], $0x40, s19, s14, $0xb8;
	[tilespmem:$0x17E00] =	vst v63  }
0x52: {  	_ =	swait.ge [sflag:s17], $0x2000  }
0x53: {  	[sflag:s17] =	ssyncset.done $0x0  }
0x54: {  	[sflag:s17] =	ssyncadd.s32 $0xFFFFE000  }
0x55: {  	[spmem:s3] =	stream.indirect.scatter.add.f32 [tilespmem:s15], [sflag:$0x3], $0x40, s20, s14, $0xb8;
	[tilespmem:$0x17E00] =	vst v63  }
0x56: {  	_ =	swait.ge [sflag:s12], $0x2000  }
0x57: {  	[sflag:s12] =	ssyncset.done $0x0  }
0x58: {  	[sflag:s12] =	ssyncadd.s32 $0xFFFFE000  }
0x59: {  	[tilespmem:s15], [sflag:$0x1] =	stream.indirect.gather [hbm4b:s5+s14], $0x40, s4, s14, $0xb8;
	[tilespmem:$0x17E00] =	vst v63  }
0x5a: {  	_ =	swait.ge [sflag:s18], $0x2000  }
0x5b: {  	[sflag:s18] =	ssyncset.done $0x0  }
0x5c: {  	[sflag:s18] =	ssyncadd.s32 $0xFFFFE000  }
0x5d: {  	[spmem:s3] =	stream.indirect.scatter.add.f32 [tilespmem:s16], [sflag:$0x3], $0x40, s21, s14, $0xb8;
	[tilespmem:$0x17E00] =	vst v63  }
0x5e: {  	_ =	swait.ge [sflag:s12], $0x2000  }
0x5f: {  	[sflag:s12] =	ssyncset.done $0x0  }
0x60: {  	[sflag:s12] =	ssyncadd.s32 $0xFFFFE000  }
0x61: {  	_ =	swait.ge [sflag:s17], $0x2000  }
0x62: {  	s22 =	sadd.s32 $0x1, s22;
	[sflag:s17] =	ssyncset.done $0x0  }
0x63: {  	p0 =	sne.s32 s22, s10;
	[sflag:s17] =	ssyncadd.s32 $0xFFFFE000  }
.Ltmp1:
0x64: {  	[bflag:$0x0] =	sbarrier.arrive $0xFFFF;
	(pc) =	sbr.rel @p0 .LBB2_1-.Ltmp1, $4  }
0x65: {  	[hbm:s9], [sflag:s6] =	dma.local [spmem:s11], $0x1400  }
0x66: {  	_ =	swait.ge [sflag:s12], $0x1400  }
0x67: {  	[sflag:s12] =	ssyncset.done $0x0  }
0x68: {  	[sflag:s12] =	ssyncadd.s32 $0xFFFFEC00  }
0x69: {  	_ =	sfence.sel $0x180000  }
0x6a: {  	[bflag:$0x0] =	sbarrier.arrive $0xFFFF  }
0x6b: {  	p0 =	sne.s32 s1, $0x0;
	_ =	strace $0x9000004D  }
0x6c: {  	s0 =	sadd.s32 @!p0 $0x100000, s0;
	[bflag:$0x2] =	sbarrier.arrive $0xFFFF  }
0x6d: {  	[sflag:s0] =	ssyncadd.tile.s32 @!p0 $0x1;
	_ =	shalt  }
.Lfunc_end2:
_tile_overlayer_lowered:
.L_overlay_start_2:
0x6e: {  	(tag) =	ssettag $0x2  }
0x6f: {  	s0 =	rddreg [dreg:$0x0];
	s2 =	stileid.u32  }
0x70: {  	s1 =	rddreg [dreg:$0x1];
	p0 =	sne.s32 s2, $0x0  }
0x71: {  	s3 =	rddreg [dreg:$0x2];
	[bflag:$0x3] =	sbarrier.arrive $0xFFFF;
	s2 =	simm.s32 @!p0 $0x1C03  }
0x72: {  	[timem:s3], [sflag:s2] =	dma.local @!p0 [hbm:s0], s1  }
0x73: {  	s0 =	simm.s32 @!p0 $0x3  }
0x74: {  	_ =	swait.ge @!p0 [sflag:s0], s1  }
0x75: {  	s1 =	ssub.s32 @!p0 $0x0, s1;
	[sflag:s0] =	ssyncset.done @!p0 $0x0  }
0x76: {  	[sflag:s0] =	ssyncadd.s32 @!p0 s1  }
0x77: {  	[bflag:$0x3] =	sbarrier.arrive $0xFFFF  }
0x78: {  	_ =	shalt  }

// kernel: kernel.31.cloned.1.call-start
scs
__scs_entry_jumppad:
0x0: {  	(pc) =	sbr.rel $0x88, $3  }
0x1: {  	(tag) =	ssettag $0x0;
	lr =	simm.s32 $0x1  }
0x2: {  	[smem:$0x3F79] =	sst lr;
	_ =	strace $0xD0000000  }
0x3: {  	_ = 	snop  }
0x4: {  	_ = 	snop  }
0x5: {  	_ = 	snop  }
0x6: {  	_ = 	snop  }
0x7: {  	_ = 	snop  }
__scs_overlays_trampoline_lowered:
0x8: {  	[smem:$0x3F88] =	sst s0  }
0x9: {  	[smem:$0x3F89] =	sst s1  }
0xa: {  	[smem:$0x3F8A] =	sst s2  }
0xb: {  	[smem:$0x3F8B] =	sst s3  }
0xc: {  	[smem:$0x3F8C] =	sst s4  }
0xd: {  	[smem:$0x3F8D] =	sst s5  }
0xe: {  	[smem:$0x3F8E] =	sst s6  }
0xf: {  	[smem:$0x3F8F] =	sst s7  }
0x10: {  	[smem:$0x3F90] =	sst s8  }
0x11: {  	[smem:$0x3F91] =	sst s9;
	s0 =	simm.s32 @!p0 $0x0  }
0x12: {  	s1 =	sld [smem:$0x3F77];
	s0 =	simm.s32 @p0 $0x1  }
0x13: {  	[smem:$0x3F92] =	sst s0;
	s0 =	simm.s32 @!p1 $0x0  }
0x14: {  	s2 =	sld [smem:$0x3F76];
	s0 =	simm.s32 @p1 $0x1  }
0x15: {  	[smem:$0x3F93] =	sst s0;
	s0 =	simm.s32 @!p2 $0x0  }
0x16: {  	s3 =	sld [smem:$0x3FDB];
	s0 =	simm.s32 @p2 $0x1  }
0x17: {  	s4 =	simm.s32 $0x1BF5;
	[smem:$0x3F95] =	sst s0  }
0x18: {  	s0 =	sld [smem:$0x3F78];
	_ =	swait.ge [sflag:s4], $0x0  }
0x19: {  	s7 =	sld [smem:$0x3F79]  }
0x1a: {  	s8 =	sadd.s32 $0xFFFFE003, lr  }
0x1b: {  	s9 =	sadd.s32 $0xFFFFFEF7, lr;
	s5 =	simm.s32 $0xFFFFFFFF;
	p2 =	slt.u32 s8, $0xFFFFF086  }
0x1c: {  	p1 =	slt.u32 s9, $0xF7A;
	s5 =	simm.s32 @!p2 $0x0  }
0x1d: {  	s5 =	simm.s32 @p1 $0x1;
	p0 =	seq.s32 s7, s2  }
0x1e: {  	s7 =	smul.u32 @!p0 $0xF7A, s2;
	p2 =	seq.s32 @!p0 s5, $0x0  }
0x1f: {  	s9 =	smul.u32 $0xF7A, s1;
	s8 =	simm.s32 @!p0 $0x1BF5;
	p2 =	por !p2, p0  }
0x20: {  	[sflag:s8] =	ssyncset.s32 @!p0 $0xFFFFF086;
	s6 =	sadd.s32 @!p0 s3, s7;
	s7 =	simm.s32 @!p0 $0x108  }
0x21: {  	s3 =	sadd.s32 s3, s9;
	s6 =	sadd.s32 @!p0 $0x88, s6;
	s7 =	simm.s32 @p2 $0x1082  }
0x22: {  	[simem:s7], [sflag:s8] =	dma.local @!p0 [hbm:s6], $0xF7A  }
0x23: {  	s9 =	sor.u32 $0xD0000000, s2;
	s6 =	simm.s32 $0x108;
	_ =	swait.ge @!p0 [sflag:s8], $0x0  }
0x24: {  	s3 =	sadd.s32 $0x88, s3;
	s6 =	simm.s32 @!p1 $0x1082;
	[sflag:s4] =	ssyncset.s32 $0xFFFFF086  }
0x25: {  	[simem:s6], [sflag:s4] =	dma.local [hbm:s3], $0xF7A  }
0x26: {  	[smem:$0x3F79] =	sst s1;
	(tag) =	ssettag s2;
	_ =	strace s9  }
0x27: {  	s1 =	sld [smem:$0x3F89]  }
0x28: {  	s2 =	sld [smem:$0x3F8A]  }
0x29: {  	s4 =	sld [smem:$0x3F8C]  }
0x2a: {  	p0 =	seq.s32 s5, $0x0;
	s5 =	sld [smem:$0x3F8D]  }
0x2b: {  	s6 =	sld [smem:$0x3F8E]  }
0x2c: {  	s7 =	sld [smem:$0x3F8F]  }
0x2d: {  	s3 =	simm.s32 $0x108;
	s8 =	sld [smem:$0x3F90]  }
0x2e: {  	s3 =	simm.s32 @!p0 $0x1082;
	s9 =	sld [smem:$0x3F91]  }
0x2f: {  	lr =	sadd.s32 s0, s3;
	s0 =	sld [smem:$0x3F88]  }
0x30: {  	s3 =	sld [smem:$0x3F8B]  }
0x31: {  	[smem:$0x3F94] =	sst s10  }
0x32: {  	s10 =	sld [smem:$0x3F92];
	_ =	sdelay $0x3  }
0x33: {  	p0 =	seq.s32 s10, $0x1;
	s10 =	sld [smem:$0x3F94];
	_ =	sdelay $0x3  }
0x34: {  	[smem:$0x3F94] =	sst s10  }
0x35: {  	s10 =	sld [smem:$0x3F93];
	_ =	sdelay $0x3  }
0x36: {  	p1 =	seq.s32 s10, $0x1;
	s10 =	sld [smem:$0x3F94];
	_ =	sdelay $0x3  }
0x37: {  	[smem:$0x3F94] =	sst s10  }
0x38: {  	s10 =	sld [smem:$0x3F95]  }
0x39: {  	_ = 	snop;
	(pc) =	sbr.ind lr, $3  }
0x3a: {  	_ = 	snop  }
0x3b: {  	_ = 	snop  }
0x3c: {  	p2 =	seq.s32 s10, $0x1;
	s10 =	sld [smem:$0x3F94]  }
0x3d: {  	_ =	shalt  }
0x3e: {  	_ =	shalt  }
0x3f: {  	_ =	shalt  }
0x40: {  	_ =	shalt  }
0x41: {  	_ =	shalt  }
0x42: {  	_ =	shalt  }
0x43: {  	_ =	shalt  }
0x44: {  	_ =	shalt  }
0x45: {  	_ =	shalt  }
0x46: {  	_ =	shalt  }
0x47: {  	_ =	shalt  }
0x48: {  	_ =	shalt  }
0x49: {  	_ =	shalt  }
0x4a: {  	_ =	shalt  }
0x4b: {  	_ =	shalt  }
0x4c: {  	_ =	shalt  }
0x4d: {  	_ =	shalt  }
0x4e: {  	_ =	shalt  }
0x4f: {  	_ =	shalt  }
0x50: {  	_ =	shalt  }
0x51: {  	_ =	shalt  }
0x52: {  	_ =	shalt  }
0x53: {  	_ =	shalt  }
0x54: {  	_ =	shalt  }
0x55: {  	_ =	shalt  }
0x56: {  	_ =	shalt  }
0x57: {  	_ =	shalt  }
0x58: {  	_ =	shalt  }
0x59: {  	_ =	shalt  }
0x5a: {  	_ =	shalt  }
0x5b: {  	_ =	shalt  }
0x5c: {  	_ =	shalt  }
0x5d: {  	_ =	shalt  }
0x5e: {  	_ =	shalt  }
0x5f: {  	_ =	shalt  }
0x60: {  	_ =	shalt  }
0x61: {  	_ =	shalt  }
0x62: {  	_ =	shalt  }
0x63: {  	_ =	shalt  }
0x64: {  	_ =	shalt  }
0x65: {  	_ =	shalt  }
0x66: {  	_ =	shalt  }
0x67: {  	_ =	shalt  }
0x68: {  	_ =	shalt  }
0x69: {  	_ =	shalt  }
0x6a: {  	_ =	shalt  }
0x6b: {  	_ =	shalt  }
0x6c: {  	_ =	shalt  }
0x6d: {  	_ =	shalt  }
0x6e: {  	_ =	shalt  }
0x6f: {  	_ =	shalt  }
0x70: {  	_ =	shalt  }
0x71: {  	_ =	shalt  }
0x72: {  	_ =	shalt  }
0x73: {  	_ =	shalt  }
0x74: {  	_ =	shalt  }
0x75: {  	_ =	shalt  }
0x76: {  	_ =	shalt  }
0x77: {  	_ =	shalt  }
0x78: {  	_ =	shalt  }
0x79: {  	_ =	shalt  }
0x7a: {  	_ =	shalt  }
0x7b: {  	_ =	shalt  }
0x7c: {  	_ =	shalt  }
0x7d: {  	_ =	shalt  }
0x7e: {  	_ =	shalt  }
0x7f: {  	_ =	shalt  }
0x80: {  	_ =	shalt  }
0x81: {  	_ =	shalt  }
0x82: {  	_ =	shalt  }
0x83: {  	_ =	shalt  }
0x84: {  	_ =	shalt  }
0x85: {  	_ =	shalt  }
0x86: {  	_ =	shalt  }
0x87: {  	_ =	shalt  }
.Lfunc_end0:
.L_simem_size_0:
called_computation.3_lowered:
.L_overlay_start_0:
0x88: {  	s2 =	sld [smem:$0x3FD9]  }
0x89: {  	s3 =	sld [smem:$0x3FFE];
	_ =	sdelay $0x1  }
0x8a: {  	s1 =	srdreg.scid  }
0x8b: {  	s0 =	sand.u32 $0x1, s1  }
0x8c: {  	s17 =	sshll.u32 s0, $0xA;
	s2 =	sadd.s32 s3, s2  }
0x8d: {  	s2 =	sadd.s32 s2, s17  }
0x8e: {  	[smem:$0x3FA0] =	sst s2  }
0x8f: {  	_ = 	snop  }
0x90: {  	s2 =	sld [smem:$0x3FD0];
	(tm) =	ssettm $0x1  }
0x91: {  	s18 =	sld [smem:$0x3FFB];
	_ =	sdelay $0x3  }
0x92: {  	_ =	strace s18  }
0x93: {  	s3 =	sld [smem:$0x3FFC];
	_ =	sdelay $0x3  }
0x94: {  	_ =	strace s3  }
0x95: {  	s3 =	sld [smem:$0x3FFD];
	_ =	sdelay $0x3  }
0x96: {  	_ =	strace s3  }
0x97: {  	_ =	strace $0x8FFFFFFF  }
0x98: {  	s19 =	sld [smem:$0x3FDB];
	_ =	sdelay $0x1  }
0x99: {  	s4 =	simm.s32 $_scs_section_size  }
0x9a: {  	s5 =	simm.s32 $_size__tile_overlayer_lowered;
	s6 =	simm.s32 $_tile_overlayer_lowered  }
0x9b: {  	s22 =	simm.s32 $0x1BFF;
	s21 =	sshll.u32 s6, $0x1;
	s3 =	sadd.s32 s4, s19  }
0x9c: {  	s7 =	simm.s32 $0x0;
	s20 =	sshll.u32 s5, $0x1;
	s5 =	sadd.s32 s21, s3  }
0x9d: {  	[timem:s7], [sflag:s22] =	dma.local [hbm:s5], s20  }
0x9e: {  	_ =	swait.ge [sflag:s22], s20  }
0x9f: {  	s4 =	ssub.s32 $0x0, s20;
	[sflag:s22] =	ssyncset.done $0x0  }
0xa0: {  	[sflag:s22] =	ssyncadd.s32 s4;
	_ =	sdelay $0x1  }
0xa1: {  	s23 =	simm.s32 $0x1B8B  }
0xa2: {  	_ =	swait.ge [sflag:s23], $0x1  }
0xa3: {  	[sflag:s23] =	ssyncset.done $0x0  }
0xa4: {  	s25 =	simm.s32 $0x1B8E;
	s24 =	sld [smem:$0x3FFE];
	[sflag:s23] =	ssyncadd.s32 $0xFFFFFFFF  }
0xa5: {  	s26 =	simm.s32 $execute0_lowered;
	[smem:$0x3FD2] =	sst s25  }
0xa6: {  	s5 =	sshll.u32 s26, $0x1;
	_ =	strace $0x8000004F;
	[dreg:$0x1] =	wrdreg $0xFFFFFFFF  }
0xa7: {  	s28 =	simm.s32 $_size_execute0_lowered;
	s3 =	sadd.s32 s3, s5;
	[dreg:$0x0] =	wrdreg $0x0  }
0xa8: {  	s5 =	sshll.u32 s28, $0x1;
	[dreg:$0x2] =	wrdreg s3  }
0xa9: {  	[dreg:$0x3] =	wrdreg s5  }
0xaa: {  	[dreg:$0x4] =	wrdreg $0xC0  }
0xab: {  	_ =	task [dreg:s7], $0x5FFFF  }
0xac: {  	[dreg:$0x1] =	wrdreg $0xFFFFFFFF  }
0xad: {  	[dreg:$0x0] =	wrdreg $0x60  }
0xae: {  	[dreg:$0x2] =	wrdreg s24  }
0xaf: {  	[dreg:$0x3] =	wrdreg s2  }
0xb0: {  	[dreg:$0x4] =	wrdreg $0xDE000  }
0xb1: {  	[dreg:$0x5] =	wrdreg $0x9  }
0xb2: {  	_ =	task.clear_ibuf [dreg:s7], $0x6FFFF;
	_ =	strace $0x9000004F  }
0xb3: {  	s29 =	simm.s32 $0x9;
	_ =	strace $0x80000051  }
0xb4: {  	_ =	swait.ge [sflag:s29], $0x1  }
0xb5: {  	[sflag:s29] =	ssyncadd.s32 $0xFFFFFFFF  }
0xb6: {  	_ =	strace $0x90000051  }
0xb7: {  	_ =	sfence  }
0xb8: {  	s30 =	sld [smem:$0x0];
	_ =	sdelay $0x2  }
0xb9: {  	s31 =	sshll.u32 s1, $0xD;
	s1 =	sshrl.u32 s1, $0x2  }
0xba: {  	s3 =	sand.u32 $0x4000, s31;
	s1 =	sadd.s32 s1, s30  }
0xbb: {  	s0 =	sor.u32 s3, s0;
	s1 =	sshll.u32 s1, $0x11  }
0xbc: {  	s0 =	sor.u32 s1, s0  }
0xbd: {  	s0 =	sadd.s32 $0x8F2B, s0  }
0xbe: {  	[sflag:s0] =	ssyncadd.remote.s32 $0x1  }
0xbf: {  	_ =	sfence.sel $0xFFFF  }
0xc0: {  	[dreg:$0x0] =	wrdreg $0xFFFFFFFF;
	(pc) =	sbr.abs _section_cstart, $3  }
0xc1: {  	[dreg:$0x1] =	wrdreg $0xFFFFFFFF  }
0xc2: {  	_ =	task.clear_ibuf [dreg:s7], $0x2FFFF;
	_ =	strace $0x9FFFFFFF  }
0xc3: {  	(tm) =	ssettm $0x7FFFFFFF  }
tec
execute0_lowered:
.L_overlay_start_1:
0x0: {  	(tag) =	ssettag $0x1  }
0x1: {  	s6 =	rddreg [dreg:$0x0]  }
0x2: {  	s2 =	rddreg [dreg:$0x1]  }
0x3: {  	s3 =	rddreg [dreg:$0x2];
	s4 =	srdreg.scid  }
0x4: {  	s0 =	rddreg [dreg:$0x3];
	s1 =	stileid.u32;
	s14 =	simm.s32 $0x80  }
0x5: {  	s15 =	simm.s32 $0x9E00;
	s16 =	simm.s32 $0xBE00;
	s17 =	simm.s32 $0x1  }
0x6: {  	s18 =	simm.s32 $0x2;
	s19 =	simm.s32 $0x4E80;
	s20 =	simm.s32 $0x9D00  }
0x7: {  	s21 =	simm.s32 $0x9D80;
	s22 =	simm.s32 $0x0;
	s8 =	smul.u32 $0x1400, s1  }
0x8: {  	s7 =	sand.u32 $0x1, s4;
	s4 =	simm.s32 $0x0;
	s28 =	smul.u32 $0x28000, s1  }
0x9: {  	s31 =	sshll.u32 s1, $0x6;
	s5 =	sshll.u32 s7, $0x4;
	[smem:$0x7FF] =	sst s4  }
0xa: {  	s10 =	smul.u32 $0x14000, s7;
	s7 =	ssub.s32 $0x2, s7;
	s9 =	sor.u32 s1, s5  }
0xb: {  	_ =	strace $0x80000050;
	s5 =	sadd.s32 $0x44200, s6;
	s29 =	sshrl.u32 s7, $0x1  }
0xc: {  	s30 =	sshrl.u32 s28, $0x2;
	s9 =	smul.u32 $0x9E0, s9;
	s8 =	sadd.s32 s8, s10  }
0xd: {  	s12 =	ssub.s32 s7, s29;
	s13 =	sadd.s32 s30, s3;
	s11 =	sadd.s32 s8, s6  }
0xe: {  	s10 =	smax.u32 s12, $0x1;
	s12 =	simm.s32 $0x3;
	s9 =	sadd.s32 s9, s6  }
0xf: {  	s6 =	sor.u32 $0x1C03, s31;
	s7 =	sadd.s32 $0x30600, s9;
	s8 =	sadd.s32 $0x1CA00, s9  }
0x10: {  	s9 =	sadd.s32 $0x58200, s11;
	s11 =	sshrl.u32 s13, $0x3;
	s13 =	simm.s32 $0x4F00  }
.LBB2_1:
0x11: {  	[spmem:s11], [sflag:s6] =	dma.local [hbm:s2], $0x1400  }
0x12: {  	_ =	swait.ge [sflag:s12], $0x1400  }
0x13: {  	[sflag:s12] =	ssyncset.done $0x0  }
0x14: {  	[sflag:s12] =	ssyncadd.s32 $0xFFFFEC00  }
0x15: {  	[tilespmem:s4], [sflag:$0x3] =	stream.linear.gather [hbm4b:s7+s4], $0x4F00, $0x38;
	[tilespmem:$0x17E00] =	vst v63  }
0x16: {  	_ =	swait.ge [sflag:s12], $0x4F00  }
0x17: {  	[sflag:s12] =	ssyncset.done $0x0  }
0x18: {  	[sflag:s12] =	ssyncadd.s32 $0xFFFFB100  }
0x19: {  	[tilespmem:s13], [sflag:$0x3] =	stream.linear.gather [hbm4b:s8+s4], $0x4F00, $0x38;
	[tilespmem:$0x17E00] =	vst v63  }
0x1a: {  	_ =	swait.ge [sflag:s12], $0x4F00  }
0x1b: {  	[sflag:s12] =	ssyncset.done $0x0  }
0x1c: {  	[sflag:s12] =	ssyncadd.s32 $0xFFFFB100  }
0x1d: {  	[bflag:$0x0] =	sbarrier.arrive $0xFFFF  }
0x1e: {  	[tilespmem:s15], [sflag:$0x1] =	stream.indirect.gather [hbm4b:s5+s14], $0x40, s4, s14, $0xb8;
	[tilespmem:$0x17E00] =	vst v63  }
0x1f: {  	s23 =	simm.s32 $0x80  }
0x20: {  	[tilespmem:s16], [sflag:$0x2] =	stream.indirect.gather [hbm4b:s5+s14], $0x40, s23, s14, $0xb8;
	[tilespmem:$0x17E00] =	vst v63  }
0x21: {  	_ =	swait.ge [sflag:s17], $0x2000  }
0x22: {  	[sflag:s17] =	ssyncset.done $0x0  }
0x23: {  	s29 =	simm.s32 $0x4F00;
	[sflag:s17] =	ssyncadd.s32 $0xFFFFE000  }
0x24: {  	[spmem:s3] =	stream.indirect.scatter.add.f32 [tilespmem:s15], [sflag:$0x3], $0x40, s29, s14, $0xb8;
	[tilespmem:$0x17E00] =	vst v63  }
0x25: {  	_ =	swait.ge [sflag:s12], $0x2000  }
0x26: {  	[sflag:s12] =	ssyncset.done $0x0  }
0x27: {  	s30 =	simm.s32 $0x100;
	[sflag:s12] =	ssyncadd.s32 $0xFFFFE000  }
0x28: {  	[tilespmem:s15], [sflag:$0x1] =	stream.indirect.gather [hbm4b:s5+s14], $0x40, s30, s14, $0xb8;
	[tilespmem:$0x17E00] =	vst v63  }
0x29: {  	_ =	swait.ge [sflag:s18], $0x2000  }
0x2a: {  	[sflag:s18] =	ssyncset.done $0x0  }
0x2b: {  	s31 =	simm.s32 $0x4F80;
	[sflag:s18] =	ssyncadd.s32 $0xFFFFE000  }
0x2c: {  	[spmem:s3] =	stream.indirect.scatter.add.f32 [tilespmem:s16], [sflag:$0x3], $0x40, s31, s14, $0xb8;
	[tilespmem:$0x17E00] =	vst v63  }
0x2d: {  	_ =	swait.ge [sflag:s12], $0x2000  }
0x2e: {  	s24 =	simm.s32 $0x800;
	s23 =	simm.s32 $0x100;
	[sflag:s12] =	ssyncset.done $0x0  }
.LBB2_2:
0x2f: {  	s25 =	sadd.s32 $0x80, s23  }
0x30: {  	[sflag:s12] =	ssyncadd.s32 $0xFFFFE000;
	s26 =	smov.u32 s24;
	s28 =	sadd.s32 $0x400, s24  }
0x31: {  	[tilespmem:s16], [sflag:$0x2] =	stream.indirect.gather [hbm4b:s5+s14], $0x40, s25, s14, $0xb8;
	[tilespmem:$0x17E00] =	vst v63  }
0x32: {  	p0 =	sne.s32 s24, $0x13400;
	_ =	swait.ge [sflag:s17], $0x2000  }
0x33: {  	[sflag:s17] =	ssyncset.done $0x0  }
0x34: {  	s24 =	sadd.s32 $0x4F00, s23;
	[sflag:s17] =	ssyncadd.s32 $0xFFFFE000  }
0x35: {  	[spmem:s3] =	stream.indirect.scatter.add.f32 [tilespmem:s15], [sflag:$0x3], $0x40, s24, s14, $0xb8;
	[tilespmem:$0x17E00] =	vst v63  }
0x36: {  	_ =	swait.ge [sflag:s12], $0x2000  }
0x37: {  	[sflag:s12] =	ssyncset.done $0x0  }
0x38: {  	s24 =	sadd.s32 $0x100, s23;
	[sflag:s12] =	ssyncadd.s32 $0xFFFFE000  }
0x39: {  	[tilespmem:s15], [sflag:$0x1] =	stream.indirect.gather [hbm4b:s5+s14], $0x40, s24, s14, $0xb8;
	[tilespmem:$0x17E00] =	vst v63  }
0x3a: {  	_ =	swait.ge [sflag:s18], $0x2000  }
.Ltmp0:
0x3b: {  	[sflag:s18] =	ssyncset.done $0x0;
	(pc) =	sbr.rel @p0 .LBB2_2-.Ltmp0, $4  }
0x3c: {  	s23 =	sadd.s32 $0x4F80, s23;
	[sflag:s18] =	ssyncadd.s32 $0xFFFFE000  }
0x3d: {  	[spmem:s3] =	stream.indirect.scatter.add.f32 [tilespmem:s16], [sflag:$0x3], $0x40, s23, s14, $0xb8;
	[tilespmem:$0x17E00] =	vst v63  }
0x3e: {  	_ =	swait.ge [sflag:s12], $0x2000  }
0x3f: {  	s24 =	smov.u32 s28;
	s23 =	sshra.s32 s26, $0x2;
	[sflag:s12] =	ssyncset.done $0x0  }
0x40: {  	s24 =	sadd.s32 $0x80, s23;
	[sflag:s12] =	ssyncadd.s32 $0xFFFFE000  }
0x41: {  	[tilespmem:s16], [sflag:$0x2] =	stream.indirect.gather [hbm4b:s5+s14], $0x40, s24, s14, $0xb8;
	[tilespmem:$0x17E00] =	vst v63  }
0x42: {  	_ =	swait.ge [sflag:s17], $0x2000  }
0x43: {  	[sflag:s17] =	ssyncset.done $0x0  }
0x44: {  	s29 =	sadd.s32 $0x4F00, s23;
	[sflag:s17] =	ssyncadd.s32 $0xFFFFE000  }
0x45: {  	[spmem:s3] =	stream.indirect.scatter.add.f32 [tilespmem:s15], [sflag:$0x3], $0x40, s29, s14, $0xb8;
	[tilespmem:$0x17E00] =	vst v63  }
0x46: {  	_ =	swait.ge [sflag:s12], $0x2000  }
0x47: {  	[sflag:s12] =	ssyncset.done $0x0  }
0x48: {  	s30 =	sadd.s32 $0x100, s23;
	[sflag:s12] =	ssyncadd.s32 $0xFFFFE000  }
0x49: {  	[tilespmem:s15], [sflag:$0x1] =	stream.indirect.gather [hbm4b:s5+s14], $0x40, s30, s14, $0xb8;
	[tilespmem:$0x17E00] =	vst v63  }
0x4a: {  	_ =	swait.ge [sflag:s18], $0x2000  }
0x4b: {  	[sflag:s18] =	ssyncset.done $0x0  }
0x4c: {  	s31 =	sadd.s32 $0x4F80, s23;
	[sflag:s18] =	ssyncadd.s32 $0xFFFFE000  }
0x4d: {  	[spmem:s3] =	stream.indirect.scatter.add.f32 [tilespmem:s16], [sflag:$0x3], $0x40, s31, s14, $0xb8;
	[tilespmem:$0x17E00] =	vst v63  }
0x4e: {  	_ =	swait.ge [sflag:s12], $0x2000  }
0x4f: {  	[sflag:s12] =	ssyncset.done $0x0  }
0x50: {  	[sflag:s12] =	ssyncadd.s32 $0xFFFFE000  }
0x51: {  	[tilespmem:s16], [sflag:$0x2] =	stream.indirect.gather [hbm4b:s5+s14], $0x40, s19, s14, $0xb8;
	[tilespmem:$0x17E00] =	vst v63  }
0x52: {  	_ =	swait.ge [sflag:s17], $0x2000  }
0x53: {  	[sflag:s17] =	ssyncset.done $0x0  }
0x54: {  	[sflag:s17] =	ssyncadd.s32 $0xFFFFE000  }
0x55: {  	[spmem:s3] =	stream.indirect.scatter.add.f32 [tilespmem:s15], [sflag:$0x3], $0x40, s20, s14, $0xb8;
	[tilespmem:$0x17E00] =	vst v63  }
0x56: {  	_ =	swait.ge [sflag:s12], $0x2000  }
0x57: {  	[sflag:s12] =	ssyncset.done $0x0  }
0x58: {  	[sflag:s12] =	ssyncadd.s32 $0xFFFFE000  }
0x59: {  	[tilespmem:s15], [sflag:$0x1] =	stream.indirect.gather [hbm4b:s5+s14], $0x40, s4, s14, $0xb8;
	[tilespmem:$0x17E00] =	vst v63  }
0x5a: {  	_ =	swait.ge [sflag:s18], $0x2000  }
0x5b: {  	[sflag:s18] =	ssyncset.done $0x0  }
0x5c: {  	[sflag:s18] =	ssyncadd.s32 $0xFFFFE000  }
0x5d: {  	[spmem:s3] =	stream.indirect.scatter.add.f32 [tilespmem:s16], [sflag:$0x3], $0x40, s21, s14, $0xb8;
	[tilespmem:$0x17E00] =	vst v63  }
0x5e: {  	_ =	swait.ge [sflag:s12], $0x2000  }
0x5f: {  	[sflag:s12] =	ssyncset.done $0x0  }
0x60: {  	[sflag:s12] =	ssyncadd.s32 $0xFFFFE000  }
0x61: {  	_ =	swait.ge [sflag:s17], $0x2000  }
0x62: {  	s22 =	sadd.s32 $0x1, s22;
	[sflag:s17] =	ssyncset.done $0x0  }
0x63: {  	p0 =	sne.s32 s22, s10;
	[sflag:s17] =	ssyncadd.s32 $0xFFFFE000  }
.Ltmp1:
0x64: {  	[bflag:$0x0] =	sbarrier.arrive $0xFFFF;
	(pc) =	sbr.rel @p0 .LBB2_1-.Ltmp1, $4  }
0x65: {  	[hbm:s9], [sflag:s6] =	dma.local [spmem:s11], $0x1400  }
0x66: {  	_ =	swait.ge [sflag:s12], $0x1400  }
0x67: {  	[sflag:s12] =	ssyncset.done $0x0  }
0x68: {  	[sflag:s12] =	ssyncadd.s32 $0xFFFFEC00  }
0x69: {  	_ =	sfence.sel $0x180000  }
0x6a: {  	[bflag:$0x0] =	sbarrier.arrive $0xFFFF  }
0x6b: {  	p0 =	sne.s32 s1, $0x0;
	_ =	strace $0x90000050  }
0x6c: {  	s0 =	sadd.s32 @!p0 $0x100000, s0;
	[bflag:$0x2] =	sbarrier.arrive $0xFFFF  }
0x6d: {  	[sflag:s0] =	ssyncadd.tile.s32 @!p0 $0x1;
	_ =	shalt  }
.Lfunc_end2:
_tile_overlayer_lowered:
.L_overlay_start_2:
0x6e: {  	(tag) =	ssettag $0x2  }
0x6f: {  	s0 =	rddreg [dreg:$0x0];
	s2 =	stileid.u32  }
0x70: {  	s1 =	rddreg [dreg:$0x1];
	p0 =	sne.s32 s2, $0x0  }
0x71: {  	s3 =	rddreg [dreg:$0x2];
	[bflag:$0x3] =	sbarrier.arrive $0xFFFF;
	s2 =	simm.s32 @!p0 $0x1C03  }
0x72: {  	[timem:s3], [sflag:s2] =	dma.local @!p0 [hbm:s0], s1  }
0x73: {  	s0 =	simm.s32 @!p0 $0x3  }
0x74: {  	_ =	swait.ge @!p0 [sflag:s0], s1  }
0x75: {  	s1 =	ssub.s32 @!p0 $0x0, s1;
	[sflag:s0] =	ssyncset.done @!p0 $0x0  }
0x76: {  	[sflag:s0] =	ssyncadd.s32 @!p0 s1  }
0x77: {  	[bflag:$0x3] =	sbarrier.arrive $0xFFFF  }
0x78: {  	_ =	shalt  }

// kernel: kernel.34.cloned.1.call-start
scs
__scs_entry_jumppad:
0x0: {  	(pc) =	sbr.rel $0x88, $3  }
0x1: {  	(tag) =	ssettag $0x0;
	lr =	simm.s32 $0x1  }
0x2: {  	[smem:$0x3F79] =	sst lr;
	_ =	strace $0xD0000000  }
0x3: {  	_ = 	snop  }
0x4: {  	_ = 	snop  }
0x5: {  	_ = 	snop  }
0x6: {  	_ = 	snop  }
0x7: {  	_ = 	snop  }
__scs_overlays_trampoline_lowered:
0x8: {  	[smem:$0x3F88] =	sst s0  }
0x9: {  	[smem:$0x3F89] =	sst s1  }
0xa: {  	[smem:$0x3F8A] =	sst s2  }
0xb: {  	[smem:$0x3F8B] =	sst s3  }
0xc: {  	[smem:$0x3F8C] =	sst s4  }
0xd: {  	[smem:$0x3F8D] =	sst s5  }
0xe: {  	[smem:$0x3F8E] =	sst s6  }
0xf: {  	[smem:$0x3F8F] =	sst s7  }
0x10: {  	[smem:$0x3F90] =	sst s8  }
0x11: {  	[smem:$0x3F91] =	sst s9;
	s0 =	simm.s32 @!p0 $0x0  }
0x12: {  	s1 =	sld [smem:$0x3F77];
	s0 =	simm.s32 @p0 $0x1  }
0x13: {  	[smem:$0x3F92] =	sst s0;
	s0 =	simm.s32 @!p1 $0x0  }
0x14: {  	s2 =	sld [smem:$0x3F76];
	s0 =	simm.s32 @p1 $0x1  }
0x15: {  	[smem:$0x3F93] =	sst s0;
	s0 =	simm.s32 @!p2 $0x0  }
0x16: {  	s3 =	sld [smem:$0x3FDB];
	s0 =	simm.s32 @p2 $0x1  }
0x17: {  	s4 =	simm.s32 $0x1BF5;
	[smem:$0x3F95] =	sst s0  }
0x18: {  	s0 =	sld [smem:$0x3F78];
	_ =	swait.ge [sflag:s4], $0x0  }
0x19: {  	s7 =	sld [smem:$0x3F79]  }
0x1a: {  	s8 =	sadd.s32 $0xFFFFE003, lr  }
0x1b: {  	s9 =	sadd.s32 $0xFFFFFEF7, lr;
	s5 =	simm.s32 $0xFFFFFFFF;
	p2 =	slt.u32 s8, $0xFFFFF086  }
0x1c: {  	p1 =	slt.u32 s9, $0xF7A;
	s5 =	simm.s32 @!p2 $0x0  }
0x1d: {  	s5 =	simm.s32 @p1 $0x1;
	p0 =	seq.s32 s7, s2  }
0x1e: {  	s7 =	smul.u32 @!p0 $0xF7A, s2;
	p2 =	seq.s32 @!p0 s5, $0x0  }
0x1f: {  	s9 =	smul.u32 $0xF7A, s1;
	s8 =	simm.s32 @!p0 $0x1BF5;
	p2 =	por !p2, p0  }
0x20: {  	[sflag:s8] =	ssyncset.s32 @!p0 $0xFFFFF086;
	s6 =	sadd.s32 @!p0 s3, s7;
	s7 =	simm.s32 @!p0 $0x108  }
0x21: {  	s3 =	sadd.s32 s3, s9;
	s6 =	sadd.s32 @!p0 $0x88, s6;
	s7 =	simm.s32 @p2 $0x1082  }
0x22: {  	[simem:s7], [sflag:s8] =	dma.local @!p0 [hbm:s6], $0xF7A  }
0x23: {  	s9 =	sor.u32 $0xD0000000, s2;
	s6 =	simm.s32 $0x108;
	_ =	swait.ge @!p0 [sflag:s8], $0x0  }
0x24: {  	s3 =	sadd.s32 $0x88, s3;
	s6 =	simm.s32 @!p1 $0x1082;
	[sflag:s4] =	ssyncset.s32 $0xFFFFF086  }
0x25: {  	[simem:s6], [sflag:s4] =	dma.local [hbm:s3], $0xF7A  }
0x26: {  	[smem:$0x3F79] =	sst s1;
	(tag) =	ssettag s2;
	_ =	strace s9  }
0x27: {  	s1 =	sld [smem:$0x3F89]  }
0x28: {  	s2 =	sld [smem:$0x3F8A]  }
0x29: {  	s4 =	sld [smem:$0x3F8C]  }
0x2a: {  	p0 =	seq.s32 s5, $0x0;
	s5 =	sld [smem:$0x3F8D]  }
0x2b: {  	s6 =	sld [smem:$0x3F8E]  }
0x2c: {  	s7 =	sld [smem:$0x3F8F]  }
0x2d: {  	s3 =	simm.s32 $0x108;
	s8 =	sld [smem:$0x3F90]  }
0x2e: {  	s3 =	simm.s32 @!p0 $0x1082;
	s9 =	sld [smem:$0x3F91]  }
0x2f: {  	lr =	sadd.s32 s0, s3;
	s0 =	sld [smem:$0x3F88]  }
0x30: {  	s3 =	sld [smem:$0x3F8B]  }
0x31: {  	[smem:$0x3F94] =	sst s10  }
0x32: {  	s10 =	sld [smem:$0x3F92];
	_ =	sdelay $0x3  }
0x33: {  	p0 =	seq.s32 s10, $0x1;
	s10 =	sld [smem:$0x3F94];
	_ =	sdelay $0x3  }
0x34: {  	[smem:$0x3F94] =	sst s10  }
0x35: {  	s10 =	sld [smem:$0x3F93];
	_ =	sdelay $0x3  }
0x36: {  	p1 =	seq.s32 s10, $0x1;
	s10 =	sld [smem:$0x3F94];
	_ =	sdelay $0x3  }
0x37: {  	[smem:$0x3F94] =	sst s10  }
0x38: {  	s10 =	sld [smem:$0x3F95]  }
0x39: {  	_ = 	snop;
	(pc) =	sbr.ind lr, $3  }
0x3a: {  	_ = 	snop  }
0x3b: {  	_ = 	snop  }
0x3c: {  	p2 =	seq.s32 s10, $0x1;
	s10 =	sld [smem:$0x3F94]  }
0x3d: {  	_ =	shalt  }
0x3e: {  	_ =	shalt  }
0x3f: {  	_ =	shalt  }
0x40: {  	_ =	shalt  }
0x41: {  	_ =	shalt  }
0x42: {  	_ =	shalt  }
0x43: {  	_ =	shalt  }
0x44: {  	_ =	shalt  }
0x45: {  	_ =	shalt  }
0x46: {  	_ =	shalt  }
0x47: {  	_ =	shalt  }
0x48: {  	_ =	shalt  }
0x49: {  	_ =	shalt  }
0x4a: {  	_ =	shalt  }
0x4b: {  	_ =	shalt  }
0x4c: {  	_ =	shalt  }
0x4d: {  	_ =	shalt  }
0x4e: {  	_ =	shalt  }
0x4f: {  	_ =	shalt  }
0x50: {  	_ =	shalt  }
0x51: {  	_ =	shalt  }
0x52: {  	_ =	shalt  }
0x53: {  	_ =	shalt  }
0x54: {  	_ =	shalt  }
0x55: {  	_ =	shalt  }
0x56: {  	_ =	shalt  }
0x57: {  	_ =	shalt  }
0x58: {  	_ =	shalt  }
0x59: {  	_ =	shalt  }
0x5a: {  	_ =	shalt  }
0x5b: {  	_ =	shalt  }
0x5c: {  	_ =	shalt  }
0x5d: {  	_ =	shalt  }
0x5e: {  	_ =	shalt  }
0x5f: {  	_ =	shalt  }
0x60: {  	_ =	shalt  }
0x61: {  	_ =	shalt  }
0x62: {  	_ =	shalt  }
0x63: {  	_ =	shalt  }
0x64: {  	_ =	shalt  }
0x65: {  	_ =	shalt  }
0x66: {  	_ =	shalt  }
0x67: {  	_ =	shalt  }
0x68: {  	_ =	shalt  }
0x69: {  	_ =	shalt  }
0x6a: {  	_ =	shalt  }
0x6b: {  	_ =	shalt  }
0x6c: {  	_ =	shalt  }
0x6d: {  	_ =	shalt  }
0x6e: {  	_ =	shalt  }
0x6f: {  	_ =	shalt  }
0x70: {  	_ =	shalt  }
0x71: {  	_ =	shalt  }
0x72: {  	_ =	shalt  }
0x73: {  	_ =	shalt  }
0x74: {  	_ =	shalt  }
0x75: {  	_ =	shalt  }
0x76: {  	_ =	shalt  }
0x77: {  	_ =	shalt  }
0x78: {  	_ =	shalt  }
0x79: {  	_ =	shalt  }
0x7a: {  	_ =	shalt  }
0x7b: {  	_ =	shalt  }
0x7c: {  	_ =	shalt  }
0x7d: {  	_ =	shalt  }
0x7e: {  	_ =	shalt  }
0x7f: {  	_ =	shalt  }
0x80: {  	_ =	shalt  }
0x81: {  	_ =	shalt  }
0x82: {  	_ =	shalt  }
0x83: {  	_ =	shalt  }
0x84: {  	_ =	shalt  }
0x85: {  	_ =	shalt  }
0x86: {  	_ =	shalt  }
0x87: {  	_ =	shalt  }
.Lfunc_end0:
.L_simem_size_0:
called_computation.4_lowered:
.L_overlay_start_0:
0x88: {  	s2 =	sld [smem:$0x3FD9]  }
0x89: {  	s3 =	sld [smem:$0x3FFE];
	_ =	sdelay $0x1  }
0x8a: {  	s1 =	srdreg.scid  }
0x8b: {  	s0 =	sand.u32 $0x1, s1  }
0x8c: {  	s17 =	sshll.u32 s0, $0xA;
	s2 =	sadd.s32 s3, s2  }
0x8d: {  	s2 =	sadd.s32 s2, s17  }
0x8e: {  	[smem:$0x3FA0] =	sst s2  }
0x8f: {  	_ = 	snop  }
0x90: {  	s2 =	sld [smem:$0x3FD0];
	(tm) =	ssettm $0x1  }
0x91: {  	s18 =	sld [smem:$0x3FFB];
	_ =	sdelay $0x3  }
0x92: {  	_ =	strace s18  }
0x93: {  	s3 =	sld [smem:$0x3FFC];
	_ =	sdelay $0x3  }
0x94: {  	_ =	strace s3  }
0x95: {  	s3 =	sld [smem:$0x3FFD];
	_ =	sdelay $0x3  }
0x96: {  	_ =	strace s3  }
0x97: {  	_ =	strace $0x8FFFFFFF  }
0x98: {  	s19 =	sld [smem:$0x3FDB];
	_ =	sdelay $0x1  }
0x99: {  	s4 =	simm.s32 $_scs_section_size  }
0x9a: {  	s5 =	simm.s32 $_size__tile_overlayer_lowered;
	s6 =	simm.s32 $_tile_overlayer_lowered  }
0x9b: {  	s22 =	simm.s32 $0x1BFF;
	s21 =	sshll.u32 s6, $0x1;
	s3 =	sadd.s32 s4, s19  }
0x9c: {  	s7 =	simm.s32 $0x0;
	s20 =	sshll.u32 s5, $0x1;
	s5 =	sadd.s32 s21, s3  }
0x9d: {  	[timem:s7], [sflag:s22] =	dma.local [hbm:s5], s20  }
0x9e: {  	_ =	swait.ge [sflag:s22], s20  }
0x9f: {  	s4 =	ssub.s32 $0x0, s20;
	[sflag:s22] =	ssyncset.done $0x0  }
0xa0: {  	[sflag:s22] =	ssyncadd.s32 s4;
	_ =	sdelay $0x1  }
0xa1: {  	s23 =	simm.s32 $0x1B8B  }
0xa2: {  	_ =	swait.ge [sflag:s23], $0x1  }
0xa3: {  	[sflag:s23] =	ssyncset.done $0x0  }
0xa4: {  	s25 =	simm.s32 $0x1B8E;
	s24 =	sld [smem:$0x3FFE];
	[sflag:s23] =	ssyncadd.s32 $0xFFFFFFFF  }
0xa5: {  	s26 =	simm.s32 $execute0_lowered;
	[smem:$0x3FD2] =	sst s25  }
0xa6: {  	s5 =	sshll.u32 s26, $0x1;
	_ =	strace $0x80000052;
	[dreg:$0x1] =	wrdreg $0xFFFFFFFF  }
0xa7: {  	s28 =	simm.s32 $_size_execute0_lowered;
	s3 =	sadd.s32 s3, s5;
	[dreg:$0x0] =	wrdreg $0x0  }
0xa8: {  	s5 =	sshll.u32 s28, $0x1;
	[dreg:$0x2] =	wrdreg s3  }
0xa9: {  	[dreg:$0x3] =	wrdreg s5  }
0xaa: {  	[dreg:$0x4] =	wrdreg $0xC0  }
0xab: {  	_ =	task [dreg:s7], $0x5FFFF  }
0xac: {  	[dreg:$0x1] =	wrdreg $0xFFFFFFFF  }
0xad: {  	[dreg:$0x0] =	wrdreg $0x60  }
0xae: {  	[dreg:$0x2] =	wrdreg s24  }
0xaf: {  	[dreg:$0x3] =	wrdreg s2  }
0xb0: {  	[dreg:$0x4] =	wrdreg $0xDE000  }
0xb1: {  	[dreg:$0x5] =	wrdreg $0x9  }
0xb2: {  	_ =	task.clear_ibuf [dreg:s7], $0x6FFFF;
	_ =	strace $0x90000052  }
0xb3: {  	s29 =	simm.s32 $0x9;
	_ =	strace $0x80000054  }
0xb4: {  	_ =	swait.ge [sflag:s29], $0x1  }
0xb5: {  	[sflag:s29] =	ssyncadd.s32 $0xFFFFFFFF  }
0xb6: {  	_ =	strace $0x90000054  }
0xb7: {  	_ =	sfence  }
0xb8: {  	s30 =	sld [smem:$0x0];
	_ =	sdelay $0x2  }
0xb9: {  	s31 =	sshll.u32 s1, $0xD;
	s1 =	sshrl.u32 s1, $0x2  }
0xba: {  	s3 =	sand.u32 $0x4000, s31;
	s1 =	sadd.s32 s1, s30  }
0xbb: {  	s0 =	sor.u32 s3, s0;
	s1 =	sshll.u32 s1, $0x11  }
0xbc: {  	s0 =	sor.u32 s1, s0  }
0xbd: {  	s0 =	sadd.s32 $0x8F2B, s0  }
0xbe: {  	[sflag:s0] =	ssyncadd.remote.s32 $0x1  }
0xbf: {  	_ =	sfence.sel $0xFFFF  }
0xc0: {  	[dreg:$0x0] =	wrdreg $0xFFFFFFFF;
	(pc) =	sbr.abs _section_cstart, $3  }
0xc1: {  	[dreg:$0x1] =	wrdreg $0xFFFFFFFF  }
0xc2: {  	_ =	task.clear_ibuf [dreg:s7], $0x2FFFF;
	_ =	strace $0x9FFFFFFF  }
0xc3: {  	(tm) =	ssettm $0x7FFFFFFF  }
tec
execute0_lowered:
.L_overlay_start_1:
0x0: {  	(tag) =	ssettag $0x1  }
0x1: {  	s6 =	rddreg [dreg:$0x0]  }
0x2: {  	s2 =	rddreg [dreg:$0x1]  }
0x3: {  	s3 =	rddreg [dreg:$0x2];
	s4 =	srdreg.scid  }
0x4: {  	s0 =	rddreg [dreg:$0x3];
	s1 =	stileid.u32;
	s14 =	simm.s32 $0x80  }
0x5: {  	s15 =	simm.s32 $0x9E00;
	s16 =	simm.s32 $0xBE00;
	s17 =	simm.s32 $0x1  }
0x6: {  	s18 =	simm.s32 $0x2;
	s19 =	simm.s32 $0x4E80;
	s20 =	simm.s32 $0x9D00  }
0x7: {  	s21 =	simm.s32 $0x9D80;
	s22 =	simm.s32 $0x0;
	s8 =	smul.u32 $0x1400, s1  }
0x8: {  	s7 =	sand.u32 $0x1, s4;
	s4 =	simm.s32 $0x0;
	s28 =	smul.u32 $0x28000, s1  }
0x9: {  	s31 =	sshll.u32 s1, $0x6;
	s5 =	sshll.u32 s7, $0x4;
	[smem:$0x7FF] =	sst s4  }
0xa: {  	s10 =	smul.u32 $0x14000, s7;
	s7 =	ssub.s32 $0x2, s7;
	s9 =	sor.u32 s1, s5  }
0xb: {  	_ =	strace $0x80000053;
	s5 =	sadd.s32 $0x44200, s6;
	s29 =	sshrl.u32 s7, $0x1  }
0xc: {  	s30 =	sshrl.u32 s28, $0x2;
	s9 =	smul.u32 $0x9E0, s9;
	s8 =	sadd.s32 s8, s10  }
0xd: {  	s12 =	ssub.s32 s7, s29;
	s13 =	sadd.s32 s30, s3;
	s11 =	sadd.s32 s8, s6  }
0xe: {  	s10 =	smax.u32 s12, $0x1;
	s12 =	simm.s32 $0x3;
	s9 =	sadd.s32 s9, s6  }
0xf: {  	s6 =	sor.u32 $0x1C03, s31;
	s7 =	sadd.s32 $0x30600, s9;
	s8 =	sadd.s32 $0x1CA00, s9  }
0x10: {  	s9 =	sadd.s32 $0x58200, s11;
	s11 =	sshrl.u32 s13, $0x3;
	s13 =	simm.s32 $0x4F00  }
.LBB2_1:
0x11: {  	[spmem:s11], [sflag:s6] =	dma.local [hbm:s2], $0x1400  }
0x12: {  	_ =	swait.ge [sflag:s12], $0x1400  }
0x13: {  	[sflag:s12] =	ssyncset.done $0x0  }
0x14: {  	[sflag:s12] =	ssyncadd.s32 $0xFFFFEC00  }
0x15: {  	[tilespmem:s4], [sflag:$0x3] =	stream.linear.gather [hbm4b:s7+s4], $0x4F00, $0x38;
	[tilespmem:$0x17E00] =	vst v63  }
0x16: {  	_ =	swait.ge [sflag:s12], $0x4F00  }
0x17: {  	[sflag:s12] =	ssyncset.done $0x0  }
0x18: {  	[sflag:s12] =	ssyncadd.s32 $0xFFFFB100  }
0x19: {  	[tilespmem:s13], [sflag:$0x3] =	stream.linear.gather [hbm4b:s8+s4], $0x4F00, $0x38;
	[tilespmem:$0x17E00] =	vst v63  }
0x1a: {  	_ =	swait.ge [sflag:s12], $0x4F00  }
0x1b: {  	[sflag:s12] =	ssyncset.done $0x0  }
0x1c: {  	[sflag:s12] =	ssyncadd.s32 $0xFFFFB100  }
0x1d: {  	[bflag:$0x0] =	sbarrier.arrive $0xFFFF  }
0x1e: {  	[tilespmem:s15], [sflag:$0x1] =	stream.indirect.gather [hbm4b:s5+s14], $0x40, s4, s14, $0xb8;
	[tilespmem:$0x17E00] =	vst v63  }
0x1f: {  	s23 =	simm.s32 $0x80  }
0x20: {  	[tilespmem:s16], [sflag:$0x2] =	stream.indirect.gather [hbm4b:s5+s14], $0x40, s23, s14, $0xb8;
	[tilespmem:$0x17E00] =	vst v63  }
0x21: {  	_ =	swait.ge [sflag:s17], $0x2000  }
0x22: {  	[sflag:s17] =	ssyncset.done $0x0  }
0x23: {  	s29 =	simm.s32 $0x4F00;
	[sflag:s17] =	ssyncadd.s32 $0xFFFFE000  }
0x24: {  	[spmem:s3] =	stream.indirect.scatter.add.f32 [tilespmem:s15], [sflag:$0x3], $0x40, s29, s14, $0xb8;
	[tilespmem:$0x17E00] =	vst v63  }
0x25: {  	_ =	swait.ge [sflag:s12], $0x2000  }
0x26: {  	[sflag:s12] =	ssyncset.done $0x0  }
0x27: {  	s30 =	simm.s32 $0x100;
	[sflag:s12] =	ssyncadd.s32 $0xFFFFE000  }
0x28: {  	[tilespmem:s15], [sflag:$0x1] =	stream.indirect.gather [hbm4b:s5+s14], $0x40, s30, s14, $0xb8;
	[tilespmem:$0x17E00] =	vst v63  }
0x29: {  	_ =	swait.ge [sflag:s18], $0x2000  }
0x2a: {  	[sflag:s18] =	ssyncset.done $0x0  }
0x2b: {  	s31 =	simm.s32 $0x4F80;
	[sflag:s18] =	ssyncadd.s32 $0xFFFFE000  }
0x2c: {  	[spmem:s3] =	stream.indirect.scatter.add.f32 [tilespmem:s16], [sflag:$0x3], $0x40, s31, s14, $0xb8;
	[tilespmem:$0x17E00] =	vst v63  }
0x2d: {  	_ =	swait.ge [sflag:s12], $0x2000  }
0x2e: {  	s24 =	simm.s32 $0x800;
	s23 =	simm.s32 $0x100;
	[sflag:s12] =	ssyncset.done $0x0  }
.LBB2_2:
0x2f: {  	s25 =	sadd.s32 $0x80, s23  }
0x30: {  	[sflag:s12] =	ssyncadd.s32 $0xFFFFE000;
	s26 =	smov.u32 s24;
	s28 =	sadd.s32 $0x400, s24  }
0x31: {  	[tilespmem:s16], [sflag:$0x2] =	stream.indirect.gather [hbm4b:s5+s14], $0x40, s25, s14, $0xb8;
	[tilespmem:$0x17E00] =	vst v63  }
0x32: {  	p0 =	sne.s32 s24, $0x13400;
	_ =	swait.ge [sflag:s17], $0x2000  }
0x33: {  	[sflag:s17] =	ssyncset.done $0x0  }
0x34: {  	s24 =	sadd.s32 $0x4F00, s23;
	[sflag:s17] =	ssyncadd.s32 $0xFFFFE000  }
0x35: {  	[spmem:s3] =	stream.indirect.scatter.add.f32 [tilespmem:s15], [sflag:$0x3], $0x40, s24, s14, $0xb8;
	[tilespmem:$0x17E00] =	vst v63  }
0x36: {  	_ =	swait.ge [sflag:s12], $0x2000  }
0x37: {  	[sflag:s12] =	ssyncset.done $0x0  }
0x38: {  	s24 =	sadd.s32 $0x100, s23;
	[sflag:s12] =	ssyncadd.s32 $0xFFFFE000  }
0x39: {  	[tilespmem:s15], [sflag:$0x1] =	stream.indirect.gather [hbm4b:s5+s14], $0x40, s24, s14, $0xb8;
	[tilespmem:$0x17E00] =	vst v63  }
0x3a: {  	_ =	swait.ge [sflag:s18], $0x2000  }
.Ltmp0:
0x3b: {  	[sflag:s18] =	ssyncset.done $0x0;
	(pc) =	sbr.rel @p0 .LBB2_2-.Ltmp0, $4  }
0x3c: {  	s23 =	sadd.s32 $0x4F80, s23;
	[sflag:s18] =	ssyncadd.s32 $0xFFFFE000  }
0x3d: {  	[spmem:s3] =	stream.indirect.scatter.add.f32 [tilespmem:s16], [sflag:$0x3], $0x40, s23, s14, $0xb8;
	[tilespmem:$0x17E00] =	vst v63  }
0x3e: {  	_ =	swait.ge [sflag:s12], $0x2000  }
0x3f: {  	s24 =	smov.u32 s28;
	s23 =	sshra.s32 s26, $0x2;
	[sflag:s12] =	ssyncset.done $0x0  }
0x40: {  	s24 =	sadd.s32 $0x80, s23;
	[sflag:s12] =	ssyncadd.s32 $0xFFFFE000  }
0x41: {  	[tilespmem:s16], [sflag:$0x2] =	stream.indirect.gather [hbm4b:s5+s14], $0x40, s24, s14, $0xb8;
	[tilespmem:$0x17E00] =	vst v63  }
0x42: {  	_ =	swait.ge [sflag:s17], $0x2000  }
0x43: {  	[sflag:s17] =	ssyncset.done $0x0  }
0x44: {  	s29 =	sadd.s32 $0x4F00, s23;
	[sflag:s17] =	ssyncadd.s32 $0xFFFFE000  }
0x45: {  	[spmem:s3] =	stream.indirect.scatter.add.f32 [tilespmem:s15], [sflag:$0x3], $0x40, s29, s14, $0xb8;
	[tilespmem:$0x17E00] =	vst v63  }
0x46: {  	_ =	swait.ge [sflag:s12], $0x2000  }
0x47: {  	[sflag:s12] =	ssyncset.done $0x0  }
0x48: {  	s30 =	sadd.s32 $0x100, s23;
	[sflag:s12] =	ssyncadd.s32 $0xFFFFE000  }
0x49: {  	[tilespmem:s15], [sflag:$0x1] =	stream.indirect.gather [hbm4b:s5+s14], $0x40, s30, s14, $0xb8;
	[tilespmem:$0x17E00] =	vst v63  }
0x4a: {  	_ =	swait.ge [sflag:s18], $0x2000  }
0x4b: {  	[sflag:s18] =	ssyncset.done $0x0  }
0x4c: {  	s31 =	sadd.s32 $0x4F80, s23;
	[sflag:s18] =	ssyncadd.s32 $0xFFFFE000  }
0x4d: {  	[spmem:s3] =	stream.indirect.scatter.add.f32 [tilespmem:s16], [sflag:$0x3], $0x40, s31, s14, $0xb8;
	[tilespmem:$0x17E00] =	vst v63  }
0x4e: {  	_ =	swait.ge [sflag:s12], $0x2000  }
0x4f: {  	[sflag:s12] =	ssyncset.done $0x0  }
0x50: {  	[sflag:s12] =	ssyncadd.s32 $0xFFFFE000  }
0x51: {  	[tilespmem:s16], [sflag:$0x2] =	stream.indirect.gather [hbm4b:s5+s14], $0x40, s19, s14, $0xb8;
	[tilespmem:$0x17E00] =	vst v63  }
0x52: {  	_ =	swait.ge [sflag:s17], $0x2000  }
0x53: {  	[sflag:s17] =	ssyncset.done $0x0  }
0x54: {  	[sflag:s17] =	ssyncadd.s32 $0xFFFFE000  }
0x55: {  	[spmem:s3] =	stream.indirect.scatter.add.f32 [tilespmem:s15], [sflag:$0x3], $0x40, s20, s14, $0xb8;
	[tilespmem:$0x17E00] =	vst v63  }
0x56: {  	_ =	swait.ge [sflag:s12], $0x2000  }
0x57: {  	[sflag:s12] =	ssyncset.done $0x0  }
0x58: {  	[sflag:s12] =	ssyncadd.s32 $0xFFFFE000  }
0x59: {  	[tilespmem:s15], [sflag:$0x1] =	stream.indirect.gather [hbm4b:s5+s14], $0x40, s4, s14, $0xb8;
	[tilespmem:$0x17E00] =	vst v63  }
0x5a: {  	_ =	swait.ge [sflag:s18], $0x2000  }
0x5b: {  	[sflag:s18] =	ssyncset.done $0x0  }
0x5c: {  	[sflag:s18] =	ssyncadd.s32 $0xFFFFE000  }
0x5d: {  	[spmem:s3] =	stream.indirect.scatter.add.f32 [tilespmem:s16], [sflag:$0x3], $0x40, s21, s14, $0xb8;
	[tilespmem:$0x17E00] =	vst v63  }
0x5e: {  	_ =	swait.ge [sflag:s12], $0x2000  }
0x5f: {  	[sflag:s12] =	ssyncset.done $0x0  }
0x60: {  	[sflag:s12] =	ssyncadd.s32 $0xFFFFE000  }
0x61: {  	_ =	swait.ge [sflag:s17], $0x2000  }
0x62: {  	s22 =	sadd.s32 $0x1, s22;
	[sflag:s17] =	ssyncset.done $0x0  }
0x63: {  	p0 =	sne.s32 s22, s10;
	[sflag:s17] =	ssyncadd.s32 $0xFFFFE000  }
.Ltmp1:
0x64: {  	[bflag:$0x0] =	sbarrier.arrive $0xFFFF;
	(pc) =	sbr.rel @p0 .LBB2_1-.Ltmp1, $4  }
0x65: {  	[hbm:s9], [sflag:s6] =	dma.local [spmem:s11], $0x1400  }
0x66: {  	_ =	swait.ge [sflag:s12], $0x1400  }
0x67: {  	[sflag:s12] =	ssyncset.done $0x0  }
0x68: {  	[sflag:s12] =	ssyncadd.s32 $0xFFFFEC00  }
0x69: {  	_ =	sfence.sel $0x180000  }
0x6a: {  	[bflag:$0x0] =	sbarrier.arrive $0xFFFF  }
0x6b: {  	p0 =	sne.s32 s1, $0x0;
	_ =	strace $0x90000053  }
0x6c: {  	s0 =	sadd.s32 @!p0 $0x100000, s0;
	[bflag:$0x2] =	sbarrier.arrive $0xFFFF  }
0x6d: {  	[sflag:s0] =	ssyncadd.tile.s32 @!p0 $0x1;
	_ =	shalt  }
.Lfunc_end2:
_tile_overlayer_lowered:
.L_overlay_start_2:
0x6e: {  	(tag) =	ssettag $0x2  }
0x6f: {  	s0 =	rddreg [dreg:$0x0];
	s2 =	stileid.u32  }
0x70: {  	s1 =	rddreg [dreg:$0x1];
	p0 =	sne.s32 s2, $0x0  }
0x71: {  	s3 =	rddreg [dreg:$0x2];
	[bflag:$0x3] =	sbarrier.arrive $0xFFFF;
	s2 =	simm.s32 @!p0 $0x1C03  }
0x72: {  	[timem:s3], [sflag:s2] =	dma.local @!p0 [hbm:s0], s1  }
0x73: {  	s0 =	simm.s32 @!p0 $0x3  }
0x74: {  	_ =	swait.ge @!p0 [sflag:s0], s1  }
0x75: {  	s1 =	ssub.s32 @!p0 $0x0, s1;
	[sflag:s0] =	ssyncset.done @!p0 $0x0  }
0x76: {  	[sflag:s0] =	ssyncadd.s32 @!p0 s1  }
0x77: {  	[bflag:$0x3] =	sbarrier.arrive $0xFFFF  }
0x78: {  	_ =	shalt  }

// kernel: kernel.37.cloned.1.call-start
scs
__scs_entry_jumppad:
0x0: {  	(pc) =	sbr.rel $0x88, $3  }
0x1: {  	(tag) =	ssettag $0x0;
	lr =	simm.s32 $0x1  }
0x2: {  	[smem:$0x3F79] =	sst lr;
	_ =	strace $0xD0000000  }
0x3: {  	_ = 	snop  }
0x4: {  	_ = 	snop  }
0x5: {  	_ = 	snop  }
0x6: {  	_ = 	snop  }
0x7: {  	_ = 	snop  }
__scs_overlays_trampoline_lowered:
0x8: {  	[smem:$0x3F88] =	sst s0  }
0x9: {  	[smem:$0x3F89] =	sst s1  }
0xa: {  	[smem:$0x3F8A] =	sst s2  }
0xb: {  	[smem:$0x3F8B] =	sst s3  }
0xc: {  	[smem:$0x3F8C] =	sst s4  }
0xd: {  	[smem:$0x3F8D] =	sst s5  }
0xe: {  	[smem:$0x3F8E] =	sst s6  }
0xf: {  	[smem:$0x3F8F] =	sst s7  }
0x10: {  	[smem:$0x3F90] =	sst s8  }
0x11: {  	[smem:$0x3F91] =	sst s9;
	s0 =	simm.s32 @!p0 $0x0  }
0x12: {  	s1 =	sld [smem:$0x3F77];
	s0 =	simm.s32 @p0 $0x1  }
0x13: {  	[smem:$0x3F92] =	sst s0;
	s0 =	simm.s32 @!p1 $0x0  }
0x14: {  	s2 =	sld [smem:$0x3F76];
	s0 =	simm.s32 @p1 $0x1  }
0x15: {  	[smem:$0x3F93] =	sst s0;
	s0 =	simm.s32 @!p2 $0x0  }
0x16: {  	s3 =	sld [smem:$0x3FDB];
	s0 =	simm.s32 @p2 $0x1  }
0x17: {  	s4 =	simm.s32 $0x1BF5;
	[smem:$0x3F95] =	sst s0  }
0x18: {  	s0 =	sld [smem:$0x3F78];
	_ =	swait.ge [sflag:s4], $0x0  }
0x19: {  	s7 =	sld [smem:$0x3F79]  }
0x1a: {  	s8 =	sadd.s32 $0xFFFFE003, lr  }
0x1b: {  	s9 =	sadd.s32 $0xFFFFFEF7, lr;
	s5 =	simm.s32 $0xFFFFFFFF;
	p2 =	slt.u32 s8, $0xFFFFF086  }
0x1c: {  	p1 =	slt.u32 s9, $0xF7A;
	s5 =	simm.s32 @!p2 $0x0  }
0x1d: {  	s5 =	simm.s32 @p1 $0x1;
	p0 =	seq.s32 s7, s2  }
0x1e: {  	s7 =	smul.u32 @!p0 $0xF7A, s2;
	p2 =	seq.s32 @!p0 s5, $0x0  }
0x1f: {  	s9 =	smul.u32 $0xF7A, s1;
	s8 =	simm.s32 @!p0 $0x1BF5;
	p2 =	por !p2, p0  }
0x20: {  	[sflag:s8] =	ssyncset.s32 @!p0 $0xFFFFF086;
	s6 =	sadd.s32 @!p0 s3, s7;
	s7 =	simm.s32 @!p0 $0x108  }
0x21: {  	s3 =	sadd.s32 s3, s9;
	s6 =	sadd.s32 @!p0 $0x88, s6;
	s7 =	simm.s32 @p2 $0x1082  }
0x22: {  	[simem:s7], [sflag:s8] =	dma.local @!p0 [hbm:s6], $0xF7A  }
0x23: {  	s9 =	sor.u32 $0xD0000000, s2;
	s6 =	simm.s32 $0x108;
	_ =	swait.ge @!p0 [sflag:s8], $0x0  }
0x24: {  	s3 =	sadd.s32 $0x88, s3;
	s6 =	simm.s32 @!p1 $0x1082;
	[sflag:s4] =	ssyncset.s32 $0xFFFFF086  }
0x25: {  	[simem:s6], [sflag:s4] =	dma.local [hbm:s3], $0xF7A  }
0x26: {  	[smem:$0x3F79] =	sst s1;
	(tag) =	ssettag s2;
	_ =	strace s9  }
0x27: {  	s1 =	sld [smem:$0x3F89]  }
0x28: {  	s2 =	sld [smem:$0x3F8A]  }
0x29: {  	s4 =	sld [smem:$0x3F8C]  }
0x2a: {  	p0 =	seq.s32 s5, $0x0;
	s5 =	sld [smem:$0x3F8D]  }
0x2b: {  	s6 =	sld [smem:$0x3F8E]  }
0x2c: {  	s7 =	sld [smem:$0x3F8F]  }
0x2d: {  	s3 =	simm.s32 $0x108;
	s8 =	sld [smem:$0x3F90]  }
0x2e: {  	s3 =	simm.s32 @!p0 $0x1082;
	s9 =	sld [smem:$0x3F91]  }
0x2f: {  	lr =	sadd.s32 s0, s3;
	s0 =	sld [smem:$0x3F88]  }
0x30: {  	s3 =	sld [smem:$0x3F8B]  }
0x31: {  	[smem:$0x3F94] =	sst s10  }
0x32: {  	s10 =	sld [smem:$0x3F92];
	_ =	sdelay $0x3  }
0x33: {  	p0 =	seq.s32 s10, $0x1;
	s10 =	sld [smem:$0x3F94];
	_ =	sdelay $0x3  }
0x34: {  	[smem:$0x3F94] =	sst s10  }
0x35: {  	s10 =	sld [smem:$0x3F93];
	_ =	sdelay $0x3  }
0x36: {  	p1 =	seq.s32 s10, $0x1;
	s10 =	sld [smem:$0x3F94];
	_ =	sdelay $0x3  }
0x37: {  	[smem:$0x3F94] =	sst s10  }
0x38: {  	s10 =	sld [smem:$0x3F95]  }
0x39: {  	_ = 	snop;
	(pc) =	sbr.ind lr, $3  }
0x3a: {  	_ = 	snop  }
0x3b: {  	_ = 	snop  }
0x3c: {  	p2 =	seq.s32 s10, $0x1;
	s10 =	sld [smem:$0x3F94]  }
0x3d: {  	_ =	shalt  }
0x3e: {  	_ =	shalt  }
0x3f: {  	_ =	shalt  }
0x40: {  	_ =	shalt  }
0x41: {  	_ =	shalt  }
0x42: {  	_ =	shalt  }
0x43: {  	_ =	shalt  }
0x44: {  	_ =	shalt  }
0x45: {  	_ =	shalt  }
0x46: {  	_ =	shalt  }
0x47: {  	_ =	shalt  }
0x48: {  	_ =	shalt  }
0x49: {  	_ =	shalt  }
0x4a: {  	_ =	shalt  }
0x4b: {  	_ =	shalt  }
0x4c: {  	_ =	shalt  }
0x4d: {  	_ =	shalt  }
0x4e: {  	_ =	shalt  }
0x4f: {  	_ =	shalt  }
0x50: {  	_ =	shalt  }
0x51: {  	_ =	shalt  }
0x52: {  	_ =	shalt  }
0x53: {  	_ =	shalt  }
0x54: {  	_ =	shalt  }
0x55: {  	_ =	shalt  }
0x56: {  	_ =	shalt  }
0x57: {  	_ =	shalt  }
0x58: {  	_ =	shalt  }
0x59: {  	_ =	shalt  }
0x5a: {  	_ =	shalt  }
0x5b: {  	_ =	shalt  }
0x5c: {  	_ =	shalt  }
0x5d: {  	_ =	shalt  }
0x5e: {  	_ =	shalt  }
0x5f: {  	_ =	shalt  }
0x60: {  	_ =	shalt  }
0x61: {  	_ =	shalt  }
0x62: {  	_ =	shalt  }
0x63: {  	_ =	shalt  }
0x64: {  	_ =	shalt  }
0x65: {  	_ =	shalt  }
0x66: {  	_ =	shalt  }
0x67: {  	_ =	shalt  }
0x68: {  	_ =	shalt  }
0x69: {  	_ =	shalt  }
0x6a: {  	_ =	shalt  }
0x6b: {  	_ =	shalt  }
0x6c: {  	_ =	shalt  }
0x6d: {  	_ =	shalt  }
0x6e: {  	_ =	shalt  }
0x6f: {  	_ =	shalt  }
0x70: {  	_ =	shalt  }
0x71: {  	_ =	shalt  }
0x72: {  	_ =	shalt  }
0x73: {  	_ =	shalt  }
0x74: {  	_ =	shalt  }
0x75: {  	_ =	shalt  }
0x76: {  	_ =	shalt  }
0x77: {  	_ =	shalt  }
0x78: {  	_ =	shalt  }
0x79: {  	_ =	shalt  }
0x7a: {  	_ =	shalt  }
0x7b: {  	_ =	shalt  }
0x7c: {  	_ =	shalt  }
0x7d: {  	_ =	shalt  }
0x7e: {  	_ =	shalt  }
0x7f: {  	_ =	shalt  }
0x80: {  	_ =	shalt  }
0x81: {  	_ =	shalt  }
0x82: {  	_ =	shalt  }
0x83: {  	_ =	shalt  }
0x84: {  	_ =	shalt  }
0x85: {  	_ =	shalt  }
0x86: {  	_ =	shalt  }
0x87: {  	_ =	shalt  }
.Lfunc_end0:
.L_simem_size_0:
called_computation.5_lowered:
.L_overlay_start_0:
0x88: {  	s2 =	sld [smem:$0x3FD9]  }
0x89: {  	s3 =	sld [smem:$0x3FFE];
	_ =	sdelay $0x1  }
0x8a: {  	s1 =	srdreg.scid  }
0x8b: {  	s0 =	sand.u32 $0x1, s1  }
0x8c: {  	s17 =	sshll.u32 s0, $0xA;
	s2 =	sadd.s32 s3, s2  }
0x8d: {  	s2 =	sadd.s32 s2, s17  }
0x8e: {  	[smem:$0x3FA0] =	sst s2  }
0x8f: {  	_ = 	snop  }
0x90: {  	s2 =	sld [smem:$0x3FD0];
	(tm) =	ssettm $0x1  }
0x91: {  	s18 =	sld [smem:$0x3FFB];
	_ =	sdelay $0x3  }
0x92: {  	_ =	strace s18  }
0x93: {  	s3 =	sld [smem:$0x3FFC];
	_ =	sdelay $0x3  }
0x94: {  	_ =	strace s3  }
0x95: {  	s3 =	sld [smem:$0x3FFD];
	_ =	sdelay $0x3  }
0x96: {  	_ =	strace s3  }
0x97: {  	_ =	strace $0x8FFFFFFF  }
0x98: {  	s19 =	sld [smem:$0x3FDB];
	_ =	sdelay $0x1  }
0x99: {  	s4 =	simm.s32 $_scs_section_size  }
0x9a: {  	s5 =	simm.s32 $_size__tile_overlayer_lowered;
	s6 =	simm.s32 $_tile_overlayer_lowered  }
0x9b: {  	s22 =	simm.s32 $0x1BFF;
	s21 =	sshll.u32 s6, $0x1;
	s3 =	sadd.s32 s4, s19  }
0x9c: {  	s7 =	simm.s32 $0x0;
	s20 =	sshll.u32 s5, $0x1;
	s5 =	sadd.s32 s21, s3  }
0x9d: {  	[timem:s7], [sflag:s22] =	dma.local [hbm:s5], s20  }
0x9e: {  	_ =	swait.ge [sflag:s22], s20  }
0x9f: {  	s4 =	ssub.s32 $0x0, s20;
	[sflag:s22] =	ssyncset.done $0x0  }
0xa0: {  	[sflag:s22] =	ssyncadd.s32 s4;
	_ =	sdelay $0x1  }
0xa1: {  	s23 =	simm.s32 $0x1B8B  }
0xa2: {  	_ =	swait.ge [sflag:s23], $0x1  }
0xa3: {  	[sflag:s23] =	ssyncset.done $0x0  }
0xa4: {  	s25 =	simm.s32 $0x1B8E;
	s24 =	sld [smem:$0x3FFE];
	[sflag:s23] =	ssyncadd.s32 $0xFFFFFFFF  }
0xa5: {  	s26 =	simm.s32 $execute0_lowered;
	[smem:$0x3FD2] =	sst s25  }
0xa6: {  	s5 =	sshll.u32 s26, $0x1;
	_ =	strace $0x80000055;
	[dreg:$0x1] =	wrdreg $0xFFFFFFFF  }
0xa7: {  	s28 =	simm.s32 $_size_execute0_lowered;
	s3 =	sadd.s32 s3, s5;
	[dreg:$0x0] =	wrdreg $0x0  }
0xa8: {  	s5 =	sshll.u32 s28, $0x1;
	[dreg:$0x2] =	wrdreg s3  }
0xa9: {  	[dreg:$0x3] =	wrdreg s5  }
0xaa: {  	[dreg:$0x4] =	wrdreg $0xC0  }
0xab: {  	_ =	task [dreg:s7], $0x5FFFF  }
0xac: {  	[dreg:$0x1] =	wrdreg $0xFFFFFFFF  }
0xad: {  	[dreg:$0x0] =	wrdreg $0x60  }
0xae: {  	[dreg:$0x2] =	wrdreg s24  }
0xaf: {  	[dreg:$0x3] =	wrdreg s2  }
0xb0: {  	[dreg:$0x4] =	wrdreg $0xDE000  }
0xb1: {  	[dreg:$0x5] =	wrdreg $0x9  }
0xb2: {  	_ =	task.clear_ibuf [dreg:s7], $0x6FFFF;
	_ =	strace $0x90000055  }
0xb3: {  	s29 =	simm.s32 $0x9;
	_ =	strace $0x80000057  }
0xb4: {  	_ =	swait.ge [sflag:s29], $0x1  }
0xb5: {  	[sflag:s29] =	ssyncadd.s32 $0xFFFFFFFF  }
0xb6: {  	_ =	strace $0x90000057  }
0xb7: {  	_ =	sfence  }
0xb8: {  	s30 =	sld [smem:$0x0];
	_ =	sdelay $0x2  }
0xb9: {  	s31 =	sshll.u32 s1, $0xD;
	s1 =	sshrl.u32 s1, $0x2  }
0xba: {  	s3 =	sand.u32 $0x4000, s31;
	s1 =	sadd.s32 s1, s30  }
0xbb: {  	s0 =	sor.u32 s3, s0;
	s1 =	sshll.u32 s1, $0x11  }
0xbc: {  	s0 =	sor.u32 s1, s0  }
0xbd: {  	s0 =	sadd.s32 $0x8F2B, s0  }
0xbe: {  	[sflag:s0] =	ssyncadd.remote.s32 $0x1  }
0xbf: {  	_ =	sfence.sel $0xFFFF  }
0xc0: {  	[dreg:$0x0] =	wrdreg $0xFFFFFFFF;
	(pc) =	sbr.abs _section_cstart, $3  }
0xc1: {  	[dreg:$0x1] =	wrdreg $0xFFFFFFFF  }
0xc2: {  	_ =	task.clear_ibuf [dreg:s7], $0x2FFFF;
	_ =	strace $0x9FFFFFFF  }
0xc3: {  	(tm) =	ssettm $0x7FFFFFFF  }
tec
execute0_lowered:
.L_overlay_start_1:
0x0: {  	(tag) =	ssettag $0x1  }
0x1: {  	s6 =	rddreg [dreg:$0x0]  }
0x2: {  	s2 =	rddreg [dreg:$0x1]  }
0x3: {  	s3 =	rddreg [dreg:$0x2];
	s4 =	srdreg.scid  }
0x4: {  	s0 =	rddreg [dreg:$0x3];
	s1 =	stileid.u32;
	s14 =	simm.s32 $0x80  }
0x5: {  	s15 =	simm.s32 $0x9E00;
	s16 =	simm.s32 $0xBE00;
	s17 =	simm.s32 $0x1  }
0x6: {  	s18 =	simm.s32 $0x2;
	s19 =	simm.s32 $0x4E80;
	s20 =	simm.s32 $0x9D00  }
0x7: {  	s21 =	simm.s32 $0x9D80;
	s22 =	simm.s32 $0x0;
	s8 =	smul.u32 $0x1400, s1  }
0x8: {  	s7 =	sand.u32 $0x1, s4;
	s4 =	simm.s32 $0x0;
	s28 =	smul.u32 $0x28000, s1  }
0x9: {  	s31 =	sshll.u32 s1, $0x6;
	s5 =	sshll.u32 s7, $0x4;
	[smem:$0x7FF] =	sst s4  }
0xa: {  	s10 =	smul.u32 $0x14000, s7;
	s7 =	ssub.s32 $0x2, s7;
	s9 =	sor.u32 s1, s5  }
0xb: {  	_ =	strace $0x80000056;
	s5 =	sadd.s32 $0x44200, s6;
	s29 =	sshrl.u32 s7, $0x1  }
0xc: {  	s30 =	sshrl.u32 s28, $0x2;
	s9 =	smul.u32 $0x9E0, s9;
	s8 =	sadd.s32 s8, s10  }
0xd: {  	s12 =	ssub.s32 s7, s29;
	s13 =	sadd.s32 s30, s3;
	s11 =	sadd.s32 s8, s6  }
0xe: {  	s10 =	smax.u32 s12, $0x1;
	s12 =	simm.s32 $0x3;
	s9 =	sadd.s32 s9, s6  }
0xf: {  	s6 =	sor.u32 $0x1C03, s31;
	s7 =	sadd.s32 $0x30600, s9;
	s8 =	sadd.s32 $0x1CA00, s9  }
0x10: {  	s9 =	sadd.s32 $0x58200, s11;
	s11 =	sshrl.u32 s13, $0x3;
	s13 =	simm.s32 $0x4F00  }
.LBB2_1:
0x11: {  	[spmem:s11], [sflag:s6] =	dma.local [hbm:s2], $0x1400  }
0x12: {  	_ =	swait.ge [sflag:s12], $0x1400  }
0x13: {  	[sflag:s12] =	ssyncset.done $0x0  }
0x14: {  	[sflag:s12] =	ssyncadd.s32 $0xFFFFEC00  }
0x15: {  	[tilespmem:s4], [sflag:$0x3] =	stream.linear.gather [hbm4b:s7+s4], $0x4F00, $0x38;
	[tilespmem:$0x17E00] =	vst v63  }
0x16: {  	_ =	swait.ge [sflag:s12], $0x4F00  }
0x17: {  	[sflag:s12] =	ssyncset.done $0x0  }
0x18: {  	[sflag:s12] =	ssyncadd.s32 $0xFFFFB100  }
0x19: {  	[tilespmem:s13], [sflag:$0x3] =	stream.linear.gather [hbm4b:s8+s4], $0x4F00, $0x38;
	[tilespmem:$0x17E00] =	vst v63  }
0x1a: {  	_ =	swait.ge [sflag:s12], $0x4F00  }
0x1b: {  	[sflag:s12] =	ssyncset.done $0x0  }
0x1c: {  	[sflag:s12] =	ssyncadd.s32 $0xFFFFB100  }
0x1d: {  	[bflag:$0x0] =	sbarrier.arrive $0xFFFF  }
0x1e: {  	[tilespmem:s15], [sflag:$0x1] =	stream.indirect.gather [hbm4b:s5+s14], $0x40, s4, s14, $0xb8;
	[tilespmem:$0x17E00] =	vst v63  }
0x1f: {  	s23 =	simm.s32 $0x80  }
0x20: {  	[tilespmem:s16], [sflag:$0x2] =	stream.indirect.gather [hbm4b:s5+s14], $0x40, s23, s14, $0xb8;
	[tilespmem:$0x17E00] =	vst v63  }
0x21: {  	_ =	swait.ge [sflag:s17], $0x2000  }
0x22: {  	[sflag:s17] =	ssyncset.done $0x0  }
0x23: {  	s29 =	simm.s32 $0x4F00;
	[sflag:s17] =	ssyncadd.s32 $0xFFFFE000  }
0x24: {  	[spmem:s3] =	stream.indirect.scatter.add.f32 [tilespmem:s15], [sflag:$0x3], $0x40, s29, s14, $0xb8;
	[tilespmem:$0x17E00] =	vst v63  }
0x25: {  	_ =	swait.ge [sflag:s12], $0x2000  }
0x26: {  	[sflag:s12] =	ssyncset.done $0x0  }
0x27: {  	s30 =	simm.s32 $0x100;
	[sflag:s12] =	ssyncadd.s32 $0xFFFFE000  }
0x28: {  	[tilespmem:s15], [sflag:$0x1] =	stream.indirect.gather [hbm4b:s5+s14], $0x40, s30, s14, $0xb8;
	[tilespmem:$0x17E00] =	vst v63  }
0x29: {  	_ =	swait.ge [sflag:s18], $0x2000  }
0x2a: {  	[sflag:s18] =	ssyncset.done $0x0  }
0x2b: {  	s31 =	simm.s32 $0x4F80;
	[sflag:s18] =	ssyncadd.s32 $0xFFFFE000  }
0x2c: {  	[spmem:s3] =	stream.indirect.scatter.add.f32 [tilespmem:s16], [sflag:$0x3], $0x40, s31, s14, $0xb8;
	[tilespmem:$0x17E00] =	vst v63  }
0x2d: {  	_ =	swait.ge [sflag:s12], $0x2000  }
0x2e: {  	s24 =	simm.s32 $0x800;
	s23 =	simm.s32 $0x100;
	[sflag:s12] =	ssyncset.done $0x0  }
.LBB2_2:
0x2f: {  	s25 =	sadd.s32 $0x80, s23  }
0x30: {  	[sflag:s12] =	ssyncadd.s32 $0xFFFFE000;
	s26 =	smov.u32 s24;
	s28 =	sadd.s32 $0x400, s24  }
0x31: {  	[tilespmem:s16], [sflag:$0x2] =	stream.indirect.gather [hbm4b:s5+s14], $0x40, s25, s14, $0xb8;
	[tilespmem:$0x17E00] =	vst v63  }
0x32: {  	p0 =	sne.s32 s24, $0x13400;
	_ =	swait.ge [sflag:s17], $0x2000  }
0x33: {  	[sflag:s17] =	ssyncset.done $0x0  }
0x34: {  	s24 =	sadd.s32 $0x4F00, s23;
	[sflag:s17] =	ssyncadd.s32 $0xFFFFE000  }
0x35: {  	[spmem:s3] =	stream.indirect.scatter.add.f32 [tilespmem:s15], [sflag:$0x3], $0x40, s24, s14, $0xb8;
	[tilespmem:$0x17E00] =	vst v63  }
0x36: {  	_ =	swait.ge [sflag:s12], $0x2000  }
0x37: {  	[sflag:s12] =	ssyncset.done $0x0  }
0x38: {  	s24 =	sadd.s32 $0x100, s23;
	[sflag:s12] =	ssyncadd.s32 $0xFFFFE000  }
0x39: {  	[tilespmem:s15], [sflag:$0x1] =	stream.indirect.gather [hbm4b:s5+s14], $0x40, s24, s14, $0xb8;
	[tilespmem:$0x17E00] =	vst v63  }
0x3a: {  	_ =	swait.ge [sflag:s18], $0x2000  }
.Ltmp0:
0x3b: {  	[sflag:s18] =	ssyncset.done $0x0;
	(pc) =	sbr.rel @p0 .LBB2_2-.Ltmp0, $4  }
0x3c: {  	s23 =	sadd.s32 $0x4F80, s23;
	[sflag:s18] =	ssyncadd.s32 $0xFFFFE000  }
0x3d: {  	[spmem:s3] =	stream.indirect.scatter.add.f32 [tilespmem:s16], [sflag:$0x3], $0x40, s23, s14, $0xb8;
	[tilespmem:$0x17E00] =	vst v63  }
0x3e: {  	_ =	swait.ge [sflag:s12], $0x2000  }
0x3f: {  	s24 =	smov.u32 s28;
	s23 =	sshra.s32 s26, $0x2;
	[sflag:s12] =	ssyncset.done $0x0  }
0x40: {  	s24 =	sadd.s32 $0x80, s23;
	[sflag:s12] =	ssyncadd.s32 $0xFFFFE000  }
0x41: {  	[tilespmem:s16], [sflag:$0x2] =	stream.indirect.gather [hbm4b:s5+s14], $0x40, s24, s14, $0xb8;
	[tilespmem:$0x17E00] =	vst v63  }
0x42: {  	_ =	swait.ge [sflag:s17], $0x2000  }
0x43: {  	[sflag:s17] =	ssyncset.done $0x0  }
0x44: {  	s29 =	sadd.s32 $0x4F00, s23;
	[sflag:s17] =	ssyncadd.s32 $0xFFFFE000  }
0x45: {  	[spmem:s3] =	stream.indirect.scatter.add.f32 [tilespmem:s15], [sflag:$0x3], $0x40, s29, s14, $0xb8;
	[tilespmem:$0x17E00] =	vst v63  }
0x46: {  	_ =	swait.ge [sflag:s12], $0x2000  }
0x47: {  	[sflag:s12] =	ssyncset.done $0x0  }
0x48: {  	s30 =	sadd.s32 $0x100, s23;
	[sflag:s12] =	ssyncadd.s32 $0xFFFFE000  }
0x49: {  	[tilespmem:s15], [sflag:$0x1] =	stream.indirect.gather [hbm4b:s5+s14], $0x40, s30, s14, $0xb8;
	[tilespmem:$0x17E00] =	vst v63  }
0x4a: {  	_ =	swait.ge [sflag:s18], $0x2000  }
0x4b: {  	[sflag:s18] =	ssyncset.done $0x0  }
0x4c: {  	s31 =	sadd.s32 $0x4F80, s23;
	[sflag:s18] =	ssyncadd.s32 $0xFFFFE000  }
0x4d: {  	[spmem:s3] =	stream.indirect.scatter.add.f32 [tilespmem:s16], [sflag:$0x3], $0x40, s31, s14, $0xb8;
	[tilespmem:$0x17E00] =	vst v63  }
0x4e: {  	_ =	swait.ge [sflag:s12], $0x2000  }
0x4f: {  	[sflag:s12] =	ssyncset.done $0x0  }
0x50: {  	[sflag:s12] =	ssyncadd.s32 $0xFFFFE000  }
0x51: {  	[tilespmem:s16], [sflag:$0x2] =	stream.indirect.gather [hbm4b:s5+s14], $0x40, s19, s14, $0xb8;
	[tilespmem:$0x17E00] =	vst v63  }
0x52: {  	_ =	swait.ge [sflag:s17], $0x2000  }
0x53: {  	[sflag:s17] =	ssyncset.done $0x0  }
0x54: {  	[sflag:s17] =	ssyncadd.s32 $0xFFFFE000  }
0x55: {  	[spmem:s3] =	stream.indirect.scatter.add.f32 [tilespmem:s15], [sflag:$0x3], $0x40, s20, s14, $0xb8;
	[tilespmem:$0x17E00] =	vst v63  }
0x56: {  	_ =	swait.ge [sflag:s12], $0x2000  }
0x57: {  	[sflag:s12] =	ssyncset.done $0x0  }
0x58: {  	[sflag:s12] =	ssyncadd.s32 $0xFFFFE000  }
0x59: {  	[tilespmem:s15], [sflag:$0x1] =	stream.indirect.gather [hbm4b:s5+s14], $0x40, s4, s14, $0xb8;
	[tilespmem:$0x17E00] =	vst v63  }
0x5a: {  	_ =	swait.ge [sflag:s18], $0x2000  }
0x5b: {  	[sflag:s18] =	ssyncset.done $0x0  }
0x5c: {  	[sflag:s18] =	ssyncadd.s32 $0xFFFFE000  }
0x5d: {  	[spmem:s3] =	stream.indirect.scatter.add.f32 [tilespmem:s16], [sflag:$0x3], $0x40, s21, s14, $0xb8;
	[tilespmem:$0x17E00] =	vst v63  }
0x5e: {  	_ =	swait.ge [sflag:s12], $0x2000  }
0x5f: {  	[sflag:s12] =	ssyncset.done $0x0  }
0x60: {  	[sflag:s12] =	ssyncadd.s32 $0xFFFFE000  }
0x61: {  	_ =	swait.ge [sflag:s17], $0x2000  }
0x62: {  	s22 =	sadd.s32 $0x1, s22;
	[sflag:s17] =	ssyncset.done $0x0  }
0x63: {  	p0 =	sne.s32 s22, s10;
	[sflag:s17] =	ssyncadd.s32 $0xFFFFE000  }
.Ltmp1:
0x64: {  	[bflag:$0x0] =	sbarrier.arrive $0xFFFF;
	(pc) =	sbr.rel @p0 .LBB2_1-.Ltmp1, $4  }
0x65: {  	[hbm:s9], [sflag:s6] =	dma.local [spmem:s11], $0x1400  }
0x66: {  	_ =	swait.ge [sflag:s12], $0x1400  }
0x67: {  	[sflag:s12] =	ssyncset.done $0x0  }
0x68: {  	[sflag:s12] =	ssyncadd.s32 $0xFFFFEC00  }
0x69: {  	_ =	sfence.sel $0x180000  }
0x6a: {  	[bflag:$0x0] =	sbarrier.arrive $0xFFFF  }
0x6b: {  	p0 =	sne.s32 s1, $0x0;
	_ =	strace $0x90000056  }
0x6c: {  	s0 =	sadd.s32 @!p0 $0x100000, s0;
	[bflag:$0x2] =	sbarrier.arrive $0xFFFF  }
0x6d: {  	[sflag:s0] =	ssyncadd.tile.s32 @!p0 $0x1;
	_ =	shalt  }
.Lfunc_end2:
_tile_overlayer_lowered:
.L_overlay_start_2:
0x6e: {  	(tag) =	ssettag $0x2  }
0x6f: {  	s0 =	rddreg [dreg:$0x0];
	s2 =	stileid.u32  }
0x70: {  	s1 =	rddreg [dreg:$0x1];
	p0 =	sne.s32 s2, $0x0  }
0x71: {  	s3 =	rddreg [dreg:$0x2];
	[bflag:$0x3] =	sbarrier.arrive $0xFFFF;
	s2 =	simm.s32 @!p0 $0x1C03  }
0x72: {  	[timem:s3], [sflag:s2] =	dma.local @!p0 [hbm:s0], s1  }
0x73: {  	s0 =	simm.s32 @!p0 $0x3  }
0x74: {  	_ =	swait.ge @!p0 [sflag:s0], s1  }
0x75: {  	s1 =	ssub.s32 @!p0 $0x0, s1;
	[sflag:s0] =	ssyncset.done @!p0 $0x0  }
0x76: {  	[sflag:s0] =	ssyncadd.s32 @!p0 s1  }
0x77: {  	[bflag:$0x3] =	sbarrier.arrive $0xFFFF  }
0x78: {  	_ =	shalt  }

// kernel: kernel.40.cloned.1.call-start
scs
__scs_entry_jumppad:
0x0: {  	(pc) =	sbr.rel $0x88, $3  }
0x1: {  	(tag) =	ssettag $0x0;
	lr =	simm.s32 $0x1  }
0x2: {  	[smem:$0x3F79] =	sst lr;
	_ =	strace $0xD0000000  }
0x3: {  	_ = 	snop  }
0x4: {  	_ = 	snop  }
0x5: {  	_ = 	snop  }
0x6: {  	_ = 	snop  }
0x7: {  	_ = 	snop  }
__scs_overlays_trampoline_lowered:
0x8: {  	[smem:$0x3F88] =	sst s0  }
0x9: {  	[smem:$0x3F89] =	sst s1  }
0xa: {  	[smem:$0x3F8A] =	sst s2  }
0xb: {  	[smem:$0x3F8B] =	sst s3  }
0xc: {  	[smem:$0x3F8C] =	sst s4  }
0xd: {  	[smem:$0x3F8D] =	sst s5  }
0xe: {  	[smem:$0x3F8E] =	sst s6  }
0xf: {  	[smem:$0x3F8F] =	sst s7  }
0x10: {  	[smem:$0x3F90] =	sst s8  }
0x11: {  	[smem:$0x3F91] =	sst s9;
	s0 =	simm.s32 @!p0 $0x0  }
0x12: {  	s1 =	sld [smem:$0x3F77];
	s0 =	simm.s32 @p0 $0x1  }
0x13: {  	[smem:$0x3F92] =	sst s0;
	s0 =	simm.s32 @!p1 $0x0  }
0x14: {  	s2 =	sld [smem:$0x3F76];
	s0 =	simm.s32 @p1 $0x1  }
0x15: {  	[smem:$0x3F93] =	sst s0;
	s0 =	simm.s32 @!p2 $0x0  }
0x16: {  	s3 =	sld [smem:$0x3FDB];
	s0 =	simm.s32 @p2 $0x1  }
0x17: {  	s4 =	simm.s32 $0x1BF5;
	[smem:$0x3F95] =	sst s0  }
0x18: {  	s0 =	sld [smem:$0x3F78];
	_ =	swait.ge [sflag:s4], $0x0  }
0x19: {  	s7 =	sld [smem:$0x3F79]  }
0x1a: {  	s8 =	sadd.s32 $0xFFFFE003, lr  }
0x1b: {  	s9 =	sadd.s32 $0xFFFFFEF7, lr;
	s5 =	simm.s32 $0xFFFFFFFF;
	p2 =	slt.u32 s8, $0xFFFFF086  }
0x1c: {  	p1 =	slt.u32 s9, $0xF7A;
	s5 =	simm.s32 @!p2 $0x0  }
0x1d: {  	s5 =	simm.s32 @p1 $0x1;
	p0 =	seq.s32 s7, s2  }
0x1e: {  	s7 =	smul.u32 @!p0 $0xF7A, s2;
	p2 =	seq.s32 @!p0 s5, $0x0  }
0x1f: {  	s9 =	smul.u32 $0xF7A, s1;
	s8 =	simm.s32 @!p0 $0x1BF5;
	p2 =	por !p2, p0  }
0x20: {  	[sflag:s8] =	ssyncset.s32 @!p0 $0xFFFFF086;
	s6 =	sadd.s32 @!p0 s3, s7;
	s7 =	simm.s32 @!p0 $0x108  }
0x21: {  	s3 =	sadd.s32 s3, s9;
	s6 =	sadd.s32 @!p0 $0x88, s6;
	s7 =	simm.s32 @p2 $0x1082  }
0x22: {  	[simem:s7], [sflag:s8] =	dma.local @!p0 [hbm:s6], $0xF7A  }
0x23: {  	s9 =	sor.u32 $0xD0000000, s2;
	s6 =	simm.s32 $0x108;
	_ =	swait.ge @!p0 [sflag:s8], $0x0  }
0x24: {  	s3 =	sadd.s32 $0x88, s3;
	s6 =	simm.s32 @!p1 $0x1082;
	[sflag:s4] =	ssyncset.s32 $0xFFFFF086  }
0x25: {  	[simem:s6], [sflag:s4] =	dma.local [hbm:s3], $0xF7A  }
0x26: {  	[smem:$0x3F79] =	sst s1;
	(tag) =	ssettag s2;
	_ =	strace s9  }
0x27: {  	s1 =	sld [smem:$0x3F89]  }
0x28: {  	s2 =	sld [smem:$0x3F8A]  }
0x29: {  	s4 =	sld [smem:$0x3F8C]  }
0x2a: {  	p0 =	seq.s32 s5, $0x0;
	s5 =	sld [smem:$0x3F8D]  }
0x2b: {  	s6 =	sld [smem:$0x3F8E]  }
0x2c: {  	s7 =	sld [smem:$0x3F8F]  }
0x2d: {  	s3 =	simm.s32 $0x108;
	s8 =	sld [smem:$0x3F90]  }
0x2e: {  	s3 =	simm.s32 @!p0 $0x1082;
	s9 =	sld [smem:$0x3F91]  }
0x2f: {  	lr =	sadd.s32 s0, s3;
	s0 =	sld [smem:$0x3F88]  }
0x30: {  	s3 =	sld [smem:$0x3F8B]  }
0x31: {  	[smem:$0x3F94] =	sst s10  }
0x32: {  	s10 =	sld [smem:$0x3F92];
	_ =	sdelay $0x3  }
0x33: {  	p0 =	seq.s32 s10, $0x1;
	s10 =	sld [smem:$0x3F94];
	_ =	sdelay $0x3  }
0x34: {  	[smem:$0x3F94] =	sst s10  }
0x35: {  	s10 =	sld [smem:$0x3F93];
	_ =	sdelay $0x3  }
0x36: {  	p1 =	seq.s32 s10, $0x1;
	s10 =	sld [smem:$0x3F94];
	_ =	sdelay $0x3  }
0x37: {  	[smem:$0x3F94] =	sst s10  }
0x38: {  	s10 =	sld [smem:$0x3F95]  }
0x39: {  	_ = 	snop;
	(pc) =	sbr.ind lr, $3  }
0x3a: {  	_ = 	snop  }
0x3b: {  	_ = 	snop  }
0x3c: {  	p2 =	seq.s32 s10, $0x1;
	s10 =	sld [smem:$0x3F94]  }
0x3d: {  	_ =	shalt  }
0x3e: {  	_ =	shalt  }
0x3f: {  	_ =	shalt  }
0x40: {  	_ =	shalt  }
0x41: {  	_ =	shalt  }
0x42: {  	_ =	shalt  }
0x43: {  	_ =	shalt  }
0x44: {  	_ =	shalt  }
0x45: {  	_ =	shalt  }
0x46: {  	_ =	shalt  }
0x47: {  	_ =	shalt  }
0x48: {  	_ =	shalt  }
0x49: {  	_ =	shalt  }
0x4a: {  	_ =	shalt  }
0x4b: {  	_ =	shalt  }
0x4c: {  	_ =	shalt  }
0x4d: {  	_ =	shalt  }
0x4e: {  	_ =	shalt  }
0x4f: {  	_ =	shalt  }
0x50: {  	_ =	shalt  }
0x51: {  	_ =	shalt  }
0x52: {  	_ =	shalt  }
0x53: {  	_ =	shalt  }
0x54: {  	_ =	shalt  }
0x55: {  	_ =	shalt  }
0x56: {  	_ =	shalt  }
0x57: {  	_ =	shalt  }
0x58: {  	_ =	shalt  }
0x59: {  	_ =	shalt  }
0x5a: {  	_ =	shalt  }
0x5b: {  	_ =	shalt  }
0x5c: {  	_ =	shalt  }
0x5d: {  	_ =	shalt  }
0x5e: {  	_ =	shalt  }
0x5f: {  	_ =	shalt  }
0x60: {  	_ =	shalt  }
0x61: {  	_ =	shalt  }
0x62: {  	_ =	shalt  }
0x63: {  	_ =	shalt  }
0x64: {  	_ =	shalt  }
0x65: {  	_ =	shalt  }
0x66: {  	_ =	shalt  }
0x67: {  	_ =	shalt  }
0x68: {  	_ =	shalt  }
0x69: {  	_ =	shalt  }
0x6a: {  	_ =	shalt  }
0x6b: {  	_ =	shalt  }
0x6c: {  	_ =	shalt  }
0x6d: {  	_ =	shalt  }
0x6e: {  	_ =	shalt  }
0x6f: {  	_ =	shalt  }
0x70: {  	_ =	shalt  }
0x71: {  	_ =	shalt  }
0x72: {  	_ =	shalt  }
0x73: {  	_ =	shalt  }
0x74: {  	_ =	shalt  }
0x75: {  	_ =	shalt  }
0x76: {  	_ =	shalt  }
0x77: {  	_ =	shalt  }
0x78: {  	_ =	shalt  }
0x79: {  	_ =	shalt  }
0x7a: {  	_ =	shalt  }
0x7b: {  	_ =	shalt  }
0x7c: {  	_ =	shalt  }
0x7d: {  	_ =	shalt  }
0x7e: {  	_ =	shalt  }
0x7f: {  	_ =	shalt  }
0x80: {  	_ =	shalt  }
0x81: {  	_ =	shalt  }
0x82: {  	_ =	shalt  }
0x83: {  	_ =	shalt  }
0x84: {  	_ =	shalt  }
0x85: {  	_ =	shalt  }
0x86: {  	_ =	shalt  }
0x87: {  	_ =	shalt  }
.Lfunc_end0:
.L_simem_size_0:
called_computation.6_lowered:
.L_overlay_start_0:
0x88: {  	s2 =	sld [smem:$0x3FD9]  }
0x89: {  	s3 =	sld [smem:$0x3FFE];
	_ =	sdelay $0x1  }
0x8a: {  	s1 =	srdreg.scid  }
0x8b: {  	s0 =	sand.u32 $0x1, s1  }
0x8c: {  	s17 =	sshll.u32 s0, $0xA;
	s2 =	sadd.s32 s3, s2  }
0x8d: {  	s2 =	sadd.s32 s2, s17  }
0x8e: {  	[smem:$0x3FA0] =	sst s2  }
0x8f: {  	_ = 	snop  }
0x90: {  	s2 =	sld [smem:$0x3FD0];
	(tm) =	ssettm $0x1  }
0x91: {  	s18 =	sld [smem:$0x3FFB];
	_ =	sdelay $0x3  }
0x92: {  	_ =	strace s18  }
0x93: {  	s3 =	sld [smem:$0x3FFC];
	_ =	sdelay $0x3  }
0x94: {  	_ =	strace s3  }
0x95: {  	s3 =	sld [smem:$0x3FFD];
	_ =	sdelay $0x3  }
0x96: {  	_ =	strace s3  }
0x97: {  	_ =	strace $0x8FFFFFFF  }
0x98: {  	s19 =	sld [smem:$0x3FDB];
	_ =	sdelay $0x1  }
0x99: {  	s4 =	simm.s32 $_scs_section_size  }
0x9a: {  	s5 =	simm.s32 $_size__tile_overlayer_lowered;
	s6 =	simm.s32 $_tile_overlayer_lowered  }
0x9b: {  	s22 =	simm.s32 $0x1BFF;
	s21 =	sshll.u32 s6, $0x1;
	s3 =	sadd.s32 s4, s19  }
0x9c: {  	s7 =	simm.s32 $0x0;
	s20 =	sshll.u32 s5, $0x1;
	s5 =	sadd.s32 s21, s3  }
0x9d: {  	[timem:s7], [sflag:s22] =	dma.local [hbm:s5], s20  }
0x9e: {  	_ =	swait.ge [sflag:s22], s20  }
0x9f: {  	s4 =	ssub.s32 $0x0, s20;
	[sflag:s22] =	ssyncset.done $0x0  }
0xa0: {  	[sflag:s22] =	ssyncadd.s32 s4;
	_ =	sdelay $0x1  }
0xa1: {  	s23 =	simm.s32 $0x1B8B  }
0xa2: {  	_ =	swait.ge [sflag:s23], $0x1  }
0xa3: {  	[sflag:s23] =	ssyncset.done $0x0  }
0xa4: {  	s25 =	simm.s32 $0x1B8E;
	s24 =	sld [smem:$0x3FFE];
	[sflag:s23] =	ssyncadd.s32 $0xFFFFFFFF  }
0xa5: {  	s26 =	simm.s32 $execute0_lowered;
	[smem:$0x3FD2] =	sst s25  }
0xa6: {  	s5 =	sshll.u32 s26, $0x1;
	_ =	strace $0x80000058;
	[dreg:$0x1] =	wrdreg $0xFFFFFFFF  }
0xa7: {  	s28 =	simm.s32 $_size_execute0_lowered;
	s3 =	sadd.s32 s3, s5;
	[dreg:$0x0] =	wrdreg $0x0  }
0xa8: {  	s5 =	sshll.u32 s28, $0x1;
	[dreg:$0x2] =	wrdreg s3  }
0xa9: {  	[dreg:$0x3] =	wrdreg s5  }
0xaa: {  	[dreg:$0x4] =	wrdreg $0xC0  }
0xab: {  	_ =	task [dreg:s7], $0x5FFFF  }
0xac: {  	[dreg:$0x1] =	wrdreg $0xFFFFFFFF  }
0xad: {  	[dreg:$0x0] =	wrdreg $0x60  }
0xae: {  	[dreg:$0x2] =	wrdreg s24  }
0xaf: {  	[dreg:$0x3] =	wrdreg s2  }
0xb0: {  	[dreg:$0x4] =	wrdreg $0xDE000  }
0xb1: {  	[dreg:$0x5] =	wrdreg $0x9  }
0xb2: {  	_ =	task.clear_ibuf [dreg:s7], $0x6FFFF;
	_ =	strace $0x90000058  }
0xb3: {  	s29 =	simm.s32 $0x9;
	_ =	strace $0x8000005A  }
0xb4: {  	_ =	swait.ge [sflag:s29], $0x1  }
0xb5: {  	[sflag:s29] =	ssyncadd.s32 $0xFFFFFFFF  }
0xb6: {  	_ =	strace $0x9000005A  }
0xb7: {  	_ =	sfence  }
0xb8: {  	s30 =	sld [smem:$0x0];
	_ =	sdelay $0x2  }
0xb9: {  	s31 =	sshll.u32 s1, $0xD;
	s1 =	sshrl.u32 s1, $0x2  }
0xba: {  	s3 =	sand.u32 $0x4000, s31;
	s1 =	sadd.s32 s1, s30  }
0xbb: {  	s0 =	sor.u32 s3, s0;
	s1 =	sshll.u32 s1, $0x11  }
0xbc: {  	s0 =	sor.u32 s1, s0  }
0xbd: {  	s0 =	sadd.s32 $0x8F2B, s0  }
0xbe: {  	[sflag:s0] =	ssyncadd.remote.s32 $0x1  }
0xbf: {  	_ =	sfence.sel $0xFFFF  }
0xc0: {  	[dreg:$0x0] =	wrdreg $0xFFFFFFFF;
	(pc) =	sbr.abs _section_cstart, $3  }
0xc1: {  	[dreg:$0x1] =	wrdreg $0xFFFFFFFF  }
0xc2: {  	_ =	task.clear_ibuf [dreg:s7], $0x2FFFF;
	_ =	strace $0x9FFFFFFF  }
0xc3: {  	(tm) =	ssettm $0x7FFFFFFF  }
tec
execute0_lowered:
.L_overlay_start_1:
0x0: {  	(tag) =	ssettag $0x1  }
0x1: {  	s6 =	rddreg [dreg:$0x0]  }
0x2: {  	s2 =	rddreg [dreg:$0x1]  }
0x3: {  	s3 =	rddreg [dreg:$0x2];
	s4 =	srdreg.scid  }
0x4: {  	s0 =	rddreg [dreg:$0x3];
	s1 =	stileid.u32;
	s14 =	simm.s32 $0x80  }
0x5: {  	s15 =	simm.s32 $0x9E00;
	s16 =	simm.s32 $0xBE00;
	s17 =	simm.s32 $0x1  }
0x6: {  	s18 =	simm.s32 $0x2;
	s19 =	simm.s32 $0x4E80;
	s20 =	simm.s32 $0x9D00  }
0x7: {  	s21 =	simm.s32 $0x9D80;
	s22 =	simm.s32 $0x0;
	s8 =	smul.u32 $0x1400, s1  }
0x8: {  	s7 =	sand.u32 $0x1, s4;
	s4 =	simm.s32 $0x0;
	s28 =	smul.u32 $0x28000, s1  }
0x9: {  	s31 =	sshll.u32 s1, $0x6;
	s5 =	sshll.u32 s7, $0x4;
	[smem:$0x7FF] =	sst s4  }
0xa: {  	s10 =	smul.u32 $0x14000, s7;
	s7 =	ssub.s32 $0x2, s7;
	s9 =	sor.u32 s1, s5  }
0xb: {  	_ =	strace $0x80000059;
	s5 =	sadd.s32 $0x44200, s6;
	s29 =	sshrl.u32 s7, $0x1  }
0xc: {  	s30 =	sshrl.u32 s28, $0x2;
	s9 =	smul.u32 $0x9E0, s9;
	s8 =	sadd.s32 s8, s10  }
0xd: {  	s12 =	ssub.s32 s7, s29;
	s13 =	sadd.s32 s30, s3;
	s11 =	sadd.s32 s8, s6  }
0xe: {  	s10 =	smax.u32 s12, $0x1;
	s12 =	simm.s32 $0x3;
	s9 =	sadd.s32 s9, s6  }
0xf: {  	s6 =	sor.u32 $0x1C03, s31;
	s7 =	sadd.s32 $0x30600, s9;
	s8 =	sadd.s32 $0x1CA00, s9  }
0x10: {  	s9 =	sadd.s32 $0x58200, s11;
	s11 =	sshrl.u32 s13, $0x3;
	s13 =	simm.s32 $0x4F00  }
.LBB2_1:
0x11: {  	[spmem:s11], [sflag:s6] =	dma.local [hbm:s2], $0x1400  }
0x12: {  	_ =	swait.ge [sflag:s12], $0x1400  }
0x13: {  	[sflag:s12] =	ssyncset.done $0x0  }
0x14: {  	[sflag:s12] =	ssyncadd.s32 $0xFFFFEC00  }
0x15: {  	[tilespmem:s4], [sflag:$0x3] =	stream.linear.gather [hbm4b:s7+s4], $0x4F00, $0x38;
	[tilespmem:$0x17E00] =	vst v63  }
0x16: {  	_ =	swait.ge [sflag:s12], $0x4F00  }
0x17: {  	[sflag:s12] =	ssyncset.done $0x0  }
0x18: {  	[sflag:s12] =	ssyncadd.s32 $0xFFFFB100  }
0x19: {  	[tilespmem:s13], [sflag:$0x3] =	stream.linear.gather [hbm4b:s8+s4], $0x4F00, $0x38;
	[tilespmem:$0x17E00] =	vst v63  }
0x1a: {  	_ =	swait.ge [sflag:s12], $0x4F00  }
0x1b: {  	[sflag:s12] =	ssyncset.done $0x0  }
0x1c: {  	[sflag:s12] =	ssyncadd.s32 $0xFFFFB100  }
0x1d: {  	[bflag:$0x0] =	sbarrier.arrive $0xFFFF  }
0x1e: {  	[tilespmem:s15], [sflag:$0x1] =	stream.indirect.gather [hbm4b:s5+s14], $0x40, s4, s14, $0xb8;
	[tilespmem:$0x17E00] =	vst v63  }
0x1f: {  	s23 =	simm.s32 $0x80  }
0x20: {  	[tilespmem:s16], [sflag:$0x2] =	stream.indirect.gather [hbm4b:s5+s14], $0x40, s23, s14, $0xb8;
	[tilespmem:$0x17E00] =	vst v63  }
0x21: {  	_ =	swait.ge [sflag:s17], $0x2000  }
0x22: {  	[sflag:s17] =	ssyncset.done $0x0  }
0x23: {  	s29 =	simm.s32 $0x4F00;
	[sflag:s17] =	ssyncadd.s32 $0xFFFFE000  }
0x24: {  	[spmem:s3] =	stream.indirect.scatter.add.f32 [tilespmem:s15], [sflag:$0x3], $0x40, s29, s14, $0xb8;
	[tilespmem:$0x17E00] =	vst v63  }
0x25: {  	_ =	swait.ge [sflag:s12], $0x2000  }
0x26: {  	[sflag:s12] =	ssyncset.done $0x0  }
0x27: {  	s30 =	simm.s32 $0x100;
	[sflag:s12] =	ssyncadd.s32 $0xFFFFE000  }
0x28: {  	[tilespmem:s15], [sflag:$0x1] =	stream.indirect.gather [hbm4b:s5+s14], $0x40, s30, s14, $0xb8;
	[tilespmem:$0x17E00] =	vst v63  }
0x29: {  	_ =	swait.ge [sflag:s18], $0x2000  }
0x2a: {  	[sflag:s18] =	ssyncset.done $0x0  }
0x2b: {  	s31 =	simm.s32 $0x4F80;
	[sflag:s18] =	ssyncadd.s32 $0xFFFFE000  }
0x2c: {  	[spmem:s3] =	stream.indirect.scatter.add.f32 [tilespmem:s16], [sflag:$0x3], $0x40, s31, s14, $0xb8;
	[tilespmem:$0x17E00] =	vst v63  }
0x2d: {  	_ =	swait.ge [sflag:s12], $0x2000  }
0x2e: {  	s24 =	simm.s32 $0x800;
	s23 =	simm.s32 $0x100;
	[sflag:s12] =	ssyncset.done $0x0  }
.LBB2_2:
0x2f: {  	s25 =	sadd.s32 $0x80, s23  }
0x30: {  	[sflag:s12] =	ssyncadd.s32 $0xFFFFE000;
	s26 =	smov.u32 s24;
	s28 =	sadd.s32 $0x400, s24  }
0x31: {  	[tilespmem:s16], [sflag:$0x2] =	stream.indirect.gather [hbm4b:s5+s14], $0x40, s25, s14, $0xb8;
	[tilespmem:$0x17E00] =	vst v63  }
0x32: {  	p0 =	sne.s32 s24, $0x13400;
	_ =	swait.ge [sflag:s17], $0x2000  }
0x33: {  	[sflag:s17] =	ssyncset.done $0x0  }
0x34: {  	s24 =	sadd.s32 $0x4F00, s23;
	[sflag:s17] =	ssyncadd.s32 $0xFFFFE000  }
0x35: {  	[spmem:s3] =	stream.indirect.scatter.add.f32 [tilespmem:s15], [sflag:$0x3], $0x40, s24, s14, $0xb8;
	[tilespmem:$0x17E00] =	vst v63  }
0x36: {  	_ =	swait.ge [sflag:s12], $0x2000  }
0x37: {  	[sflag:s12] =	ssyncset.done $0x0  }
0x38: {  	s24 =	sadd.s32 $0x100, s23;
	[sflag:s12] =	ssyncadd.s32 $0xFFFFE000  }
0x39: {  	[tilespmem:s15], [sflag:$0x1] =	stream.indirect.gather [hbm4b:s5+s14], $0x40, s24, s14, $0xb8;
	[tilespmem:$0x17E00] =	vst v63  }
0x3a: {  	_ =	swait.ge [sflag:s18], $0x2000  }
.Ltmp0:
0x3b: {  	[sflag:s18] =	ssyncset.done $0x0;
	(pc) =	sbr.rel @p0 .LBB2_2-.Ltmp0, $4  }
0x3c: {  	s23 =	sadd.s32 $0x4F80, s23;
	[sflag:s18] =	ssyncadd.s32 $0xFFFFE000  }
0x3d: {  	[spmem:s3] =	stream.indirect.scatter.add.f32 [tilespmem:s16], [sflag:$0x3], $0x40, s23, s14, $0xb8;
	[tilespmem:$0x17E00] =	vst v63  }
0x3e: {  	_ =	swait.ge [sflag:s12], $0x2000  }
0x3f: {  	s24 =	smov.u32 s28;
	s23 =	sshra.s32 s26, $0x2;
	[sflag:s12] =	ssyncset.done $0x0  }
0x40: {  	s24 =	sadd.s32 $0x80, s23;
	[sflag:s12] =	ssyncadd.s32 $0xFFFFE000  }
0x41: {  	[tilespmem:s16], [sflag:$0x2] =	stream.indirect.gather [hbm4b:s5+s14], $0x40, s24, s14, $0xb8;
	[tilespmem:$0x17E00] =	vst v63  }
0x42: {  	_ =	swait.ge [sflag:s17], $0x2000  }
0x43: {  	[sflag:s17] =	ssyncset.done $0x0  }
0x44: {  	s29 =	sadd.s32 $0x4F00, s23;
	[sflag:s17] =	ssyncadd.s32 $0xFFFFE000  }
0x45: {  	[spmem:s3] =	stream.indirect.scatter.add.f32 [tilespmem:s15], [sflag:$0x3], $0x40, s29, s14, $0xb8;
	[tilespmem:$0x17E00] =	vst v63  }
0x46: {  	_ =	swait.ge [sflag:s12], $0x2000  }
0x47: {  	[sflag:s12] =	ssyncset.done $0x0  }
0x48: {  	s30 =	sadd.s32 $0x100, s23;
	[sflag:s12] =	ssyncadd.s32 $0xFFFFE000  }
0x49: {  	[tilespmem:s15], [sflag:$0x1] =	stream.indirect.gather [hbm4b:s5+s14], $0x40, s30, s14, $0xb8;
	[tilespmem:$0x17E00] =	vst v63  }
0x4a: {  	_ =	swait.ge [sflag:s18], $0x2000  }
0x4b: {  	[sflag:s18] =	ssyncset.done $0x0  }
0x4c: {  	s31 =	sadd.s32 $0x4F80, s23;
	[sflag:s18] =	ssyncadd.s32 $0xFFFFE000  }
0x4d: {  	[spmem:s3] =	stream.indirect.scatter.add.f32 [tilespmem:s16], [sflag:$0x3], $0x40, s31, s14, $0xb8;
	[tilespmem:$0x17E00] =	vst v63  }
0x4e: {  	_ =	swait.ge [sflag:s12], $0x2000  }
0x4f: {  	[sflag:s12] =	ssyncset.done $0x0  }
0x50: {  	[sflag:s12] =	ssyncadd.s32 $0xFFFFE000  }
0x51: {  	[tilespmem:s16], [sflag:$0x2] =	stream.indirect.gather [hbm4b:s5+s14], $0x40, s19, s14, $0xb8;
	[tilespmem:$0x17E00] =	vst v63  }
0x52: {  	_ =	swait.ge [sflag:s17], $0x2000  }
0x53: {  	[sflag:s17] =	ssyncset.done $0x0  }
0x54: {  	[sflag:s17] =	ssyncadd.s32 $0xFFFFE000  }
0x55: {  	[spmem:s3] =	stream.indirect.scatter.add.f32 [tilespmem:s15], [sflag:$0x3], $0x40, s20, s14, $0xb8;
	[tilespmem:$0x17E00] =	vst v63  }
0x56: {  	_ =	swait.ge [sflag:s12], $0x2000  }
0x57: {  	[sflag:s12] =	ssyncset.done $0x0  }
0x58: {  	[sflag:s12] =	ssyncadd.s32 $0xFFFFE000  }
0x59: {  	[tilespmem:s15], [sflag:$0x1] =	stream.indirect.gather [hbm4b:s5+s14], $0x40, s4, s14, $0xb8;
	[tilespmem:$0x17E00] =	vst v63  }
0x5a: {  	_ =	swait.ge [sflag:s18], $0x2000  }
0x5b: {  	[sflag:s18] =	ssyncset.done $0x0  }
0x5c: {  	[sflag:s18] =	ssyncadd.s32 $0xFFFFE000  }
0x5d: {  	[spmem:s3] =	stream.indirect.scatter.add.f32 [tilespmem:s16], [sflag:$0x3], $0x40, s21, s14, $0xb8;
	[tilespmem:$0x17E00] =	vst v63  }
0x5e: {  	_ =	swait.ge [sflag:s12], $0x2000  }
0x5f: {  	[sflag:s12] =	ssyncset.done $0x0  }
0x60: {  	[sflag:s12] =	ssyncadd.s32 $0xFFFFE000  }
0x61: {  	_ =	swait.ge [sflag:s17], $0x2000  }
0x62: {  	s22 =	sadd.s32 $0x1, s22;
	[sflag:s17] =	ssyncset.done $0x0  }
0x63: {  	p0 =	sne.s32 s22, s10;
	[sflag:s17] =	ssyncadd.s32 $0xFFFFE000  }
.Ltmp1:
0x64: {  	[bflag:$0x0] =	sbarrier.arrive $0xFFFF;
	(pc) =	sbr.rel @p0 .LBB2_1-.Ltmp1, $4  }
0x65: {  	[hbm:s9], [sflag:s6] =	dma.local [spmem:s11], $0x1400  }
0x66: {  	_ =	swait.ge [sflag:s12], $0x1400  }
0x67: {  	[sflag:s12] =	ssyncset.done $0x0  }
0x68: {  	[sflag:s12] =	ssyncadd.s32 $0xFFFFEC00  }
0x69: {  	_ =	sfence.sel $0x180000  }
0x6a: {  	[bflag:$0x0] =	sbarrier.arrive $0xFFFF  }
0x6b: {  	p0 =	sne.s32 s1, $0x0;
	_ =	strace $0x90000059  }
0x6c: {  	s0 =	sadd.s32 @!p0 $0x100000, s0;
	[bflag:$0x2] =	sbarrier.arrive $0xFFFF  }
0x6d: {  	[sflag:s0] =	ssyncadd.tile.s32 @!p0 $0x1;
	_ =	shalt  }
.Lfunc_end2:
_tile_overlayer_lowered:
.L_overlay_start_2:
0x6e: {  	(tag) =	ssettag $0x2  }
0x6f: {  	s0 =	rddreg [dreg:$0x0];
	s2 =	stileid.u32  }
0x70: {  	s1 =	rddreg [dreg:$0x1];
	p0 =	sne.s32 s2, $0x0  }
0x71: {  	s3 =	rddreg [dreg:$0x2];
	[bflag:$0x3] =	sbarrier.arrive $0xFFFF;
	s2 =	simm.s32 @!p0 $0x1C03  }
0x72: {  	[timem:s3], [sflag:s2] =	dma.local @!p0 [hbm:s0], s1  }
0x73: {  	s0 =	simm.s32 @!p0 $0x3  }
0x74: {  	_ =	swait.ge @!p0 [sflag:s0], s1  }
0x75: {  	s1 =	ssub.s32 @!p0 $0x0, s1;
	[sflag:s0] =	ssyncset.done @!p0 $0x0  }
0x76: {  	[sflag:s0] =	ssyncadd.s32 @!p0 s1  }
0x77: {  	[bflag:$0x3] =	sbarrier.arrive $0xFFFF  }
0x78: {  	_ =	shalt  }

// kernel: kernel.43.cloned.1.call-start
scs
__scs_entry_jumppad:
0x0: {  	(pc) =	sbr.rel $0x88, $3  }
0x1: {  	(tag) =	ssettag $0x0;
	lr =	simm.s32 $0x1  }
0x2: {  	[smem:$0x3F79] =	sst lr;
	_ =	strace $0xD0000000  }
0x3: {  	_ = 	snop  }
0x4: {  	_ = 	snop  }
0x5: {  	_ = 	snop  }
0x6: {  	_ = 	snop  }
0x7: {  	_ = 	snop  }
__scs_overlays_trampoline_lowered:
0x8: {  	[smem:$0x3F88] =	sst s0  }
0x9: {  	[smem:$0x3F89] =	sst s1  }
0xa: {  	[smem:$0x3F8A] =	sst s2  }
0xb: {  	[smem:$0x3F8B] =	sst s3  }
0xc: {  	[smem:$0x3F8C] =	sst s4  }
0xd: {  	[smem:$0x3F8D] =	sst s5  }
0xe: {  	[smem:$0x3F8E] =	sst s6  }
0xf: {  	[smem:$0x3F8F] =	sst s7  }
0x10: {  	[smem:$0x3F90] =	sst s8  }
0x11: {  	[smem:$0x3F91] =	sst s9;
	s0 =	simm.s32 @!p0 $0x0  }
0x12: {  	s1 =	sld [smem:$0x3F77];
	s0 =	simm.s32 @p0 $0x1  }
0x13: {  	[smem:$0x3F92] =	sst s0;
	s0 =	simm.s32 @!p1 $0x0  }
0x14: {  	s2 =	sld [smem:$0x3F76];
	s0 =	simm.s32 @p1 $0x1  }
0x15: {  	[smem:$0x3F93] =	sst s0;
	s0 =	simm.s32 @!p2 $0x0  }
0x16: {  	s3 =	sld [smem:$0x3FDB];
	s0 =	simm.s32 @p2 $0x1  }
0x17: {  	s4 =	simm.s32 $0x1BF5;
	[smem:$0x3F95] =	sst s0  }
0x18: {  	s0 =	sld [smem:$0x3F78];
	_ =	swait.ge [sflag:s4], $0x0  }
0x19: {  	s7 =	sld [smem:$0x3F79]  }
0x1a: {  	s8 =	sadd.s32 $0xFFFFE003, lr  }
0x1b: {  	s9 =	sadd.s32 $0xFFFFFEF7, lr;
	s5 =	simm.s32 $0xFFFFFFFF;
	p2 =	slt.u32 s8, $0xFFFFF086  }
0x1c: {  	p1 =	slt.u32 s9, $0xF7A;
	s5 =	simm.s32 @!p2 $0x0  }
0x1d: {  	s5 =	simm.s32 @p1 $0x1;
	p0 =	seq.s32 s7, s2  }
0x1e: {  	s7 =	smul.u32 @!p0 $0xF7A, s2;
	p2 =	seq.s32 @!p0 s5, $0x0  }
0x1f: {  	s9 =	smul.u32 $0xF7A, s1;
	s8 =	simm.s32 @!p0 $0x1BF5;
	p2 =	por !p2, p0  }
0x20: {  	[sflag:s8] =	ssyncset.s32 @!p0 $0xFFFFF086;
	s6 =	sadd.s32 @!p0 s3, s7;
	s7 =	simm.s32 @!p0 $0x108  }
0x21: {  	s3 =	sadd.s32 s3, s9;
	s6 =	sadd.s32 @!p0 $0x88, s6;
	s7 =	simm.s32 @p2 $0x1082  }
0x22: {  	[simem:s7], [sflag:s8] =	dma.local @!p0 [hbm:s6], $0xF7A  }
0x23: {  	s9 =	sor.u32 $0xD0000000, s2;
	s6 =	simm.s32 $0x108;
	_ =	swait.ge @!p0 [sflag:s8], $0x0  }
0x24: {  	s3 =	sadd.s32 $0x88, s3;
	s6 =	simm.s32 @!p1 $0x1082;
	[sflag:s4] =	ssyncset.s32 $0xFFFFF086  }
0x25: {  	[simem:s6], [sflag:s4] =	dma.local [hbm:s3], $0xF7A  }
0x26: {  	[smem:$0x3F79] =	sst s1;
	(tag) =	ssettag s2;
	_ =	strace s9  }
0x27: {  	s1 =	sld [smem:$0x3F89]  }
0x28: {  	s2 =	sld [smem:$0x3F8A]  }
0x29: {  	s4 =	sld [smem:$0x3F8C]  }
0x2a: {  	p0 =	seq.s32 s5, $0x0;
	s5 =	sld [smem:$0x3F8D]  }
0x2b: {  	s6 =	sld [smem:$0x3F8E]  }
0x2c: {  	s7 =	sld [smem:$0x3F8F]  }
0x2d: {  	s3 =	simm.s32 $0x108;
	s8 =	sld [smem:$0x3F90]  }
0x2e: {  	s3 =	simm.s32 @!p0 $0x1082;
	s9 =	sld [smem:$0x3F91]  }
0x2f: {  	lr =	sadd.s32 s0, s3;
	s0 =	sld [smem:$0x3F88]  }
0x30: {  	s3 =	sld [smem:$0x3F8B]  }
0x31: {  	[smem:$0x3F94] =	sst s10  }
0x32: {  	s10 =	sld [smem:$0x3F92];
	_ =	sdelay $0x3  }
0x33: {  	p0 =	seq.s32 s10, $0x1;
	s10 =	sld [smem:$0x3F94];
	_ =	sdelay $0x3  }
0x34: {  	[smem:$0x3F94] =	sst s10  }
0x35: {  	s10 =	sld [smem:$0x3F93];
	_ =	sdelay $0x3  }
0x36: {  	p1 =	seq.s32 s10, $0x1;
	s10 =	sld [smem:$0x3F94];
	_ =	sdelay $0x3  }
0x37: {  	[smem:$0x3F94] =	sst s10  }
0x38: {  	s10 =	sld [smem:$0x3F95]  }
0x39: {  	_ = 	snop;
	(pc) =	sbr.ind lr, $3  }
0x3a: {  	_ = 	snop  }
0x3b: {  	_ = 	snop  }
0x3c: {  	p2 =	seq.s32 s10, $0x1;
	s10 =	sld [smem:$0x3F94]  }
0x3d: {  	_ =	shalt  }
0x3e: {  	_ =	shalt  }
0x3f: {  	_ =	shalt  }
0x40: {  	_ =	shalt  }
0x41: {  	_ =	shalt  }
0x42: {  	_ =	shalt  }
0x43: {  	_ =	shalt  }
0x44: {  	_ =	shalt  }
0x45: {  	_ =	shalt  }
0x46: {  	_ =	shalt  }
0x47: {  	_ =	shalt  }
0x48: {  	_ =	shalt  }
0x49: {  	_ =	shalt  }
0x4a: {  	_ =	shalt  }
0x4b: {  	_ =	shalt  }
0x4c: {  	_ =	shalt  }
0x4d: {  	_ =	shalt  }
0x4e: {  	_ =	shalt  }
0x4f: {  	_ =	shalt  }
0x50: {  	_ =	shalt  }
0x51: {  	_ =	shalt  }
0x52: {  	_ =	shalt  }
0x53: {  	_ =	shalt  }
0x54: {  	_ =	shalt  }
0x55: {  	_ =	shalt  }
0x56: {  	_ =	shalt  }
0x57: {  	_ =	shalt  }
0x58: {  	_ =	shalt  }
0x59: {  	_ =	shalt  }
0x5a: {  	_ =	shalt  }
0x5b: {  	_ =	shalt  }
0x5c: {  	_ =	shalt  }
0x5d: {  	_ =	shalt  }
0x5e: {  	_ =	shalt  }
0x5f: {  	_ =	shalt  }
0x60: {  	_ =	shalt  }
0x61: {  	_ =	shalt  }
0x62: {  	_ =	shalt  }
0x63: {  	_ =	shalt  }
0x64: {  	_ =	shalt  }
0x65: {  	_ =	shalt  }
0x66: {  	_ =	shalt  }
0x67: {  	_ =	shalt  }
0x68: {  	_ =	shalt  }
0x69: {  	_ =	shalt  }
0x6a: {  	_ =	shalt  }
0x6b: {  	_ =	shalt  }
0x6c: {  	_ =	shalt  }
0x6d: {  	_ =	shalt  }
0x6e: {  	_ =	shalt  }
0x6f: {  	_ =	shalt  }
0x70: {  	_ =	shalt  }
0x71: {  	_ =	shalt  }
0x72: {  	_ =	shalt  }
0x73: {  	_ =	shalt  }
0x74: {  	_ =	shalt  }
0x75: {  	_ =	shalt  }
0x76: {  	_ =	shalt  }
0x77: {  	_ =	shalt  }
0x78: {  	_ =	shalt  }
0x79: {  	_ =	shalt  }
0x7a: {  	_ =	shalt  }
0x7b: {  	_ =	shalt  }
0x7c: {  	_ =	shalt  }
0x7d: {  	_ =	shalt  }
0x7e: {  	_ =	shalt  }
0x7f: {  	_ =	shalt  }
0x80: {  	_ =	shalt  }
0x81: {  	_ =	shalt  }
0x82: {  	_ =	shalt  }
0x83: {  	_ =	shalt  }
0x84: {  	_ =	shalt  }
0x85: {  	_ =	shalt  }
0x86: {  	_ =	shalt  }
0x87: {  	_ =	shalt  }
.Lfunc_end0:
.L_simem_size_0:
called_computation.7_lowered:
.L_overlay_start_0:
0x88: {  	s2 =	sld [smem:$0x3FD9]  }
0x89: {  	s3 =	sld [smem:$0x3FFE];
	_ =	sdelay $0x1  }
0x8a: {  	s1 =	srdreg.scid  }
0x8b: {  	s0 =	sand.u32 $0x1, s1  }
0x8c: {  	s17 =	sshll.u32 s0, $0xA;
	s2 =	sadd.s32 s3, s2  }
0x8d: {  	s2 =	sadd.s32 s2, s17  }
0x8e: {  	[smem:$0x3FA0] =	sst s2  }
0x8f: {  	_ = 	snop  }
0x90: {  	s2 =	sld [smem:$0x3FD0];
	(tm) =	ssettm $0x1  }
0x91: {  	s18 =	sld [smem:$0x3FFB];
	_ =	sdelay $0x3  }
0x92: {  	_ =	strace s18  }
0x93: {  	s3 =	sld [smem:$0x3FFC];
	_ =	sdelay $0x3  }
0x94: {  	_ =	strace s3  }
0x95: {  	s3 =	sld [smem:$0x3FFD];
	_ =	sdelay $0x3  }
0x96: {  	_ =	strace s3  }
0x97: {  	_ =	strace $0x8FFFFFFF  }
0x98: {  	s19 =	sld [smem:$0x3FDB];
	_ =	sdelay $0x1  }
0x99: {  	s4 =	simm.s32 $_scs_section_size  }
0x9a: {  	s5 =	simm.s32 $_size__tile_overlayer_lowered;
	s6 =	simm.s32 $_tile_overlayer_lowered  }
0x9b: {  	s22 =	simm.s32 $0x1BFF;
	s21 =	sshll.u32 s6, $0x1;
	s3 =	sadd.s32 s4, s19  }
0x9c: {  	s7 =	simm.s32 $0x0;
	s20 =	sshll.u32 s5, $0x1;
	s5 =	sadd.s32 s21, s3  }
0x9d: {  	[timem:s7], [sflag:s22] =	dma.local [hbm:s5], s20  }
0x9e: {  	_ =	swait.ge [sflag:s22], s20  }
0x9f: {  	s4 =	ssub.s32 $0x0, s20;
	[sflag:s22] =	ssyncset.done $0x0  }
0xa0: {  	[sflag:s22] =	ssyncadd.s32 s4;
	_ =	sdelay $0x1  }
0xa1: {  	s23 =	simm.s32 $0x1B8B  }
0xa2: {  	_ =	swait.ge [sflag:s23], $0x1  }
0xa3: {  	[sflag:s23] =	ssyncset.done $0x0  }
0xa4: {  	s25 =	simm.s32 $0x1B8E;
	s24 =	sld [smem:$0x3FFE];
	[sflag:s23] =	ssyncadd.s32 $0xFFFFFFFF  }
0xa5: {  	s26 =	simm.s32 $execute0_lowered;
	[smem:$0x3FD2] =	sst s25  }
0xa6: {  	s5 =	sshll.u32 s26, $0x1;
	_ =	strace $0x8000005B;
	[dreg:$0x1] =	wrdreg $0xFFFFFFFF  }
0xa7: {  	s28 =	simm.s32 $_size_execute0_lowered;
	s3 =	sadd.s32 s3, s5;
	[dreg:$0x0] =	wrdreg $0x0  }
0xa8: {  	s5 =	sshll.u32 s28, $0x1;
	[dreg:$0x2] =	wrdreg s3  }
0xa9: {  	[dreg:$0x3] =	wrdreg s5  }
0xaa: {  	[dreg:$0x4] =	wrdreg $0xC0  }
0xab: {  	_ =	task [dreg:s7], $0x5FFFF  }
0xac: {  	[dreg:$0x1] =	wrdreg $0xFFFFFFFF  }
0xad: {  	[dreg:$0x0] =	wrdreg $0x60  }
0xae: {  	[dreg:$0x2] =	wrdreg s24  }
0xaf: {  	[dreg:$0x3] =	wrdreg s2  }
0xb0: {  	[dreg:$0x4] =	wrdreg $0xDE000  }
0xb1: {  	[dreg:$0x5] =	wrdreg $0x9  }
0xb2: {  	_ =	task.clear_ibuf [dreg:s7], $0x6FFFF;
	_ =	strace $0x9000005B  }
0xb3: {  	s29 =	simm.s32 $0x9;
	_ =	strace $0x8000005D  }
0xb4: {  	_ =	swait.ge [sflag:s29], $0x1  }
0xb5: {  	[sflag:s29] =	ssyncadd.s32 $0xFFFFFFFF  }
0xb6: {  	_ =	strace $0x9000005D  }
0xb7: {  	_ =	sfence  }
0xb8: {  	s30 =	sld [smem:$0x0];
	_ =	sdelay $0x2  }
0xb9: {  	s31 =	sshll.u32 s1, $0xD;
	s1 =	sshrl.u32 s1, $0x2  }
0xba: {  	s3 =	sand.u32 $0x4000, s31;
	s1 =	sadd.s32 s1, s30  }
0xbb: {  	s0 =	sor.u32 s3, s0;
	s1 =	sshll.u32 s1, $0x11  }
0xbc: {  	s0 =	sor.u32 s1, s0  }
0xbd: {  	s0 =	sadd.s32 $0x8F2B, s0  }
0xbe: {  	[sflag:s0] =	ssyncadd.remote.s32 $0x1  }
0xbf: {  	_ =	sfence.sel $0xFFFF  }
0xc0: {  	[dreg:$0x0] =	wrdreg $0xFFFFFFFF;
	(pc) =	sbr.abs _section_cstart, $3  }
0xc1: {  	[dreg:$0x1] =	wrdreg $0xFFFFFFFF  }
0xc2: {  	_ =	task.clear_ibuf [dreg:s7], $0x2FFFF;
	_ =	strace $0x9FFFFFFF  }
0xc3: {  	(tm) =	ssettm $0x7FFFFFFF  }
tec
execute0_lowered:
.L_overlay_start_1:
0x0: {  	(tag) =	ssettag $0x1  }
0x1: {  	s6 =	rddreg [dreg:$0x0]  }
0x2: {  	s2 =	rddreg [dreg:$0x1]  }
0x3: {  	s3 =	rddreg [dreg:$0x2];
	s4 =	srdreg.scid  }
0x4: {  	s0 =	rddreg [dreg:$0x3];
	s1 =	stileid.u32;
	s14 =	simm.s32 $0x80  }
0x5: {  	s15 =	simm.s32 $0x9E00;
	s16 =	simm.s32 $0xBE00;
	s17 =	simm.s32 $0x1  }
0x6: {  	s18 =	simm.s32 $0x2;
	s19 =	simm.s32 $0x4E80;
	s20 =	simm.s32 $0x9D00  }
0x7: {  	s21 =	simm.s32 $0x9D80;
	s22 =	simm.s32 $0x0;
	s8 =	smul.u32 $0x1400, s1  }
0x8: {  	s7 =	sand.u32 $0x1, s4;
	s4 =	simm.s32 $0x0;
	s28 =	smul.u32 $0x28000, s1  }
0x9: {  	s31 =	sshll.u32 s1, $0x6;
	s5 =	sshll.u32 s7, $0x4;
	[smem:$0x7FF] =	sst s4  }
0xa: {  	s10 =	smul.u32 $0x14000, s7;
	s7 =	ssub.s32 $0x2, s7;
	s9 =	sor.u32 s1, s5  }
0xb: {  	_ =	strace $0x8000005C;
	s5 =	sadd.s32 $0x44200, s6;
	s29 =	sshrl.u32 s7, $0x1  }
0xc: {  	s30 =	sshrl.u32 s28, $0x2;
	s9 =	smul.u32 $0x9E0, s9;
	s8 =	sadd.s32 s8, s10  }
0xd: {  	s12 =	ssub.s32 s7, s29;
	s13 =	sadd.s32 s30, s3;
	s11 =	sadd.s32 s8, s6  }
0xe: {  	s10 =	smax.u32 s12, $0x1;
	s12 =	simm.s32 $0x3;
	s9 =	sadd.s32 s9, s6  }
0xf: {  	s6 =	sor.u32 $0x1C03, s31;
	s7 =	sadd.s32 $0x30600, s9;
	s8 =	sadd.s32 $0x1CA00, s9  }
0x10: {  	s9 =	sadd.s32 $0x58200, s11;
	s11 =	sshrl.u32 s13, $0x3;
	s13 =	simm.s32 $0x4F00  }
.LBB2_1:
0x11: {  	[spmem:s11], [sflag:s6] =	dma.local [hbm:s2], $0x1400  }
0x12: {  	_ =	swait.ge [sflag:s12], $0x1400  }
0x13: {  	[sflag:s12] =	ssyncset.done $0x0  }
0x14: {  	[sflag:s12] =	ssyncadd.s32 $0xFFFFEC00  }
0x15: {  	[tilespmem:s4], [sflag:$0x3] =	stream.linear.gather [hbm4b:s7+s4], $0x4F00, $0x38;
	[tilespmem:$0x17E00] =	vst v63  }
0x16: {  	_ =	swait.ge [sflag:s12], $0x4F00  }
0x17: {  	[sflag:s12] =	ssyncset.done $0x0  }
0x18: {  	[sflag:s12] =	ssyncadd.s32 $0xFFFFB100  }
0x19: {  	[tilespmem:s13], [sflag:$0x3] =	stream.linear.gather [hbm4b:s8+s4], $0x4F00, $0x38;
	[tilespmem:$0x17E00] =	vst v63  }
0x1a: {  	_ =	swait.ge [sflag:s12], $0x4F00  }
0x1b: {  	[sflag:s12] =	ssyncset.done $0x0  }
0x1c: {  	[sflag:s12] =	ssyncadd.s32 $0xFFFFB100  }
0x1d: {  	[bflag:$0x0] =	sbarrier.arrive $0xFFFF  }
0x1e: {  	[tilespmem:s15], [sflag:$0x1] =	stream.indirect.gather [hbm4b:s5+s14], $0x40, s4, s14, $0xb8;
	[tilespmem:$0x17E00] =	vst v63  }
0x1f: {  	s23 =	simm.s32 $0x80  }
0x20: {  	[tilespmem:s16], [sflag:$0x2] =	stream.indirect.gather [hbm4b:s5+s14], $0x40, s23, s14, $0xb8;
	[tilespmem:$0x17E00] =	vst v63  }
0x21: {  	_ =	swait.ge [sflag:s17], $0x2000  }
0x22: {  	[sflag:s17] =	ssyncset.done $0x0  }
0x23: {  	s29 =	simm.s32 $0x4F00;
	[sflag:s17] =	ssyncadd.s32 $0xFFFFE000  }
0x24: {  	[spmem:s3] =	stream.indirect.scatter.add.f32 [tilespmem:s15], [sflag:$0x3], $0x40, s29, s14, $0xb8;
	[tilespmem:$0x17E00] =	vst v63  }
0x25: {  	_ =	swait.ge [sflag:s12], $0x2000  }
0x26: {  	[sflag:s12] =	ssyncset.done $0x0  }
0x27: {  	s30 =	simm.s32 $0x100;
	[sflag:s12] =	ssyncadd.s32 $0xFFFFE000  }
0x28: {  	[tilespmem:s15], [sflag:$0x1] =	stream.indirect.gather [hbm4b:s5+s14], $0x40, s30, s14, $0xb8;
	[tilespmem:$0x17E00] =	vst v63  }
0x29: {  	_ =	swait.ge [sflag:s18], $0x2000  }
0x2a: {  	[sflag:s18] =	ssyncset.done $0x0  }
0x2b: {  	s31 =	simm.s32 $0x4F80;
	[sflag:s18] =	ssyncadd.s32 $0xFFFFE000  }
0x2c: {  	[spmem:s3] =	stream.indirect.scatter.add.f32 [tilespmem:s16], [sflag:$0x3], $0x40, s31, s14, $0xb8;
	[tilespmem:$0x17E00] =	vst v63  }
0x2d: {  	_ =	swait.ge [sflag:s12], $0x2000  }
0x2e: {  	s24 =	simm.s32 $0x800;
	s23 =	simm.s32 $0x100;
	[sflag:s12] =	ssyncset.done $0x0  }
.LBB2_2:
0x2f: {  	s25 =	sadd.s32 $0x80, s23  }
0x30: {  	[sflag:s12] =	ssyncadd.s32 $0xFFFFE000;
	s26 =	smov.u32 s24;
	s28 =	sadd.s32 $0x400, s24  }
0x31: {  	[tilespmem:s16], [sflag:$0x2] =	stream.indirect.gather [hbm4b:s5+s14], $0x40, s25, s14, $0xb8;
	[tilespmem:$0x17E00] =	vst v63  }
0x32: {  	p0 =	sne.s32 s24, $0x13400;
	_ =	swait.ge [sflag:s17], $0x2000  }
0x33: {  	[sflag:s17] =	ssyncset.done $0x0  }
0x34: {  	s24 =	sadd.s32 $0x4F00, s23;
	[sflag:s17] =	ssyncadd.s32 $0xFFFFE000  }
0x35: {  	[spmem:s3] =	stream.indirect.scatter.add.f32 [tilespmem:s15], [sflag:$0x3], $0x40, s24, s14, $0xb8;
	[tilespmem:$0x17E00] =	vst v63  }
0x36: {  	_ =	swait.ge [sflag:s12], $0x2000  }
0x37: {  	[sflag:s12] =	ssyncset.done $0x0  }
0x38: {  	s24 =	sadd.s32 $0x100, s23;
	[sflag:s12] =	ssyncadd.s32 $0xFFFFE000  }
0x39: {  	[tilespmem:s15], [sflag:$0x1] =	stream.indirect.gather [hbm4b:s5+s14], $0x40, s24, s14, $0xb8;
	[tilespmem:$0x17E00] =	vst v63  }
0x3a: {  	_ =	swait.ge [sflag:s18], $0x2000  }
.Ltmp0:
0x3b: {  	[sflag:s18] =	ssyncset.done $0x0;
	(pc) =	sbr.rel @p0 .LBB2_2-.Ltmp0, $4  }
0x3c: {  	s23 =	sadd.s32 $0x4F80, s23;
	[sflag:s18] =	ssyncadd.s32 $0xFFFFE000  }
0x3d: {  	[spmem:s3] =	stream.indirect.scatter.add.f32 [tilespmem:s16], [sflag:$0x3], $0x40, s23, s14, $0xb8;
	[tilespmem:$0x17E00] =	vst v63  }
0x3e: {  	_ =	swait.ge [sflag:s12], $0x2000  }
0x3f: {  	s24 =	smov.u32 s28;
	s23 =	sshra.s32 s26, $0x2;
	[sflag:s12] =	ssyncset.done $0x0  }
0x40: {  	s24 =	sadd.s32 $0x80, s23;
	[sflag:s12] =	ssyncadd.s32 $0xFFFFE000  }
0x41: {  	[tilespmem:s16], [sflag:$0x2] =	stream.indirect.gather [hbm4b:s5+s14], $0x40, s24, s14, $0xb8;
	[tilespmem:$0x17E00] =	vst v63  }
0x42: {  	_ =	swait.ge [sflag:s17], $0x2000  }
0x43: {  	[sflag:s17] =	ssyncset.done $0x0  }
0x44: {  	s29 =	sadd.s32 $0x4F00, s23;
	[sflag:s17] =	ssyncadd.s32 $0xFFFFE000  }
0x45: {  	[spmem:s3] =	stream.indirect.scatter.add.f32 [tilespmem:s15], [sflag:$0x3], $0x40, s29, s14, $0xb8;
	[tilespmem:$0x17E00] =	vst v63  }
0x46: {  	_ =	swait.ge [sflag:s12], $0x2000  }
0x47: {  	[sflag:s12] =	ssyncset.done $0x0  }
0x48: {  	s30 =	sadd.s32 $0x100, s23;
	[sflag:s12] =	ssyncadd.s32 $0xFFFFE000  }
0x49: {  	[tilespmem:s15], [sflag:$0x1] =	stream.indirect.gather [hbm4b:s5+s14], $0x40, s30, s14, $0xb8;
	[tilespmem:$0x17E00] =	vst v63  }
0x4a: {  	_ =	swait.ge [sflag:s18], $0x2000  }
0x4b: {  	[sflag:s18] =	ssyncset.done $0x0  }
0x4c: {  	s31 =	sadd.s32 $0x4F80, s23;
	[sflag:s18] =	ssyncadd.s32 $0xFFFFE000  }
0x4d: {  	[spmem:s3] =	stream.indirect.scatter.add.f32 [tilespmem:s16], [sflag:$0x3], $0x40, s31, s14, $0xb8;
	[tilespmem:$0x17E00] =	vst v63  }
0x4e: {  	_ =	swait.ge [sflag:s12], $0x2000  }
0x4f: {  	[sflag:s12] =	ssyncset.done $0x0  }
0x50: {  	[sflag:s12] =	ssyncadd.s32 $0xFFFFE000  }
0x51: {  	[tilespmem:s16], [sflag:$0x2] =	stream.indirect.gather [hbm4b:s5+s14], $0x40, s19, s14, $0xb8;
	[tilespmem:$0x17E00] =	vst v63  }
0x52: {  	_ =	swait.ge [sflag:s17], $0x2000  }
0x53: {  	[sflag:s17] =	ssyncset.done $0x0  }
0x54: {  	[sflag:s17] =	ssyncadd.s32 $0xFFFFE000  }
0x55: {  	[spmem:s3] =	stream.indirect.scatter.add.f32 [tilespmem:s15], [sflag:$0x3], $0x40, s20, s14, $0xb8;
	[tilespmem:$0x17E00] =	vst v63  }
0x56: {  	_ =	swait.ge [sflag:s12], $0x2000  }
0x57: {  	[sflag:s12] =	ssyncset.done $0x0  }
0x58: {  	[sflag:s12] =	ssyncadd.s32 $0xFFFFE000  }
0x59: {  	[tilespmem:s15], [sflag:$0x1] =	stream.indirect.gather [hbm4b:s5+s14], $0x40, s4, s14, $0xb8;
	[tilespmem:$0x17E00] =	vst v63  }
0x5a: {  	_ =	swait.ge [sflag:s18], $0x2000  }
0x5b: {  	[sflag:s18] =	ssyncset.done $0x0  }
0x5c: {  	[sflag:s18] =	ssyncadd.s32 $0xFFFFE000  }
0x5d: {  	[spmem:s3] =	stream.indirect.scatter.add.f32 [tilespmem:s16], [sflag:$0x3], $0x40, s21, s14, $0xb8;
	[tilespmem:$0x17E00] =	vst v63  }
0x5e: {  	_ =	swait.ge [sflag:s12], $0x2000  }
0x5f: {  	[sflag:s12] =	ssyncset.done $0x0  }
0x60: {  	[sflag:s12] =	ssyncadd.s32 $0xFFFFE000  }
0x61: {  	_ =	swait.ge [sflag:s17], $0x2000  }
0x62: {  	s22 =	sadd.s32 $0x1, s22;
	[sflag:s17] =	ssyncset.done $0x0  }
0x63: {  	p0 =	sne.s32 s22, s10;
	[sflag:s17] =	ssyncadd.s32 $0xFFFFE000  }
.Ltmp1:
0x64: {  	[bflag:$0x0] =	sbarrier.arrive $0xFFFF;
	(pc) =	sbr.rel @p0 .LBB2_1-.Ltmp1, $4  }
0x65: {  	[hbm:s9], [sflag:s6] =	dma.local [spmem:s11], $0x1400  }
0x66: {  	_ =	swait.ge [sflag:s12], $0x1400  }
0x67: {  	[sflag:s12] =	ssyncset.done $0x0  }
0x68: {  	[sflag:s12] =	ssyncadd.s32 $0xFFFFEC00  }
0x69: {  	_ =	sfence.sel $0x180000  }
0x6a: {  	[bflag:$0x0] =	sbarrier.arrive $0xFFFF  }
0x6b: {  	p0 =	sne.s32 s1, $0x0;
	_ =	strace $0x9000005C  }
0x6c: {  	s0 =	sadd.s32 @!p0 $0x100000, s0;
	[bflag:$0x2] =	sbarrier.arrive $0xFFFF  }
0x6d: {  	[sflag:s0] =	ssyncadd.tile.s32 @!p0 $0x1;
	_ =	shalt  }
.Lfunc_end2:
_tile_overlayer_lowered:
.L_overlay_start_2:
0x6e: {  	(tag) =	ssettag $0x2  }
0x6f: {  	s0 =	rddreg [dreg:$0x0];
	s2 =	stileid.u32  }
0x70: {  	s1 =	rddreg [dreg:$0x1];
	p0 =	sne.s32 s2, $0x0  }
0x71: {  	s3 =	rddreg [dreg:$0x2];
	[bflag:$0x3] =	sbarrier.arrive $0xFFFF;
	s2 =	simm.s32 @!p0 $0x1C03  }
0x72: {  	[timem:s3], [sflag:s2] =	dma.local @!p0 [hbm:s0], s1  }
0x73: {  	s0 =	simm.s32 @!p0 $0x3  }
0x74: {  	_ =	swait.ge @!p0 [sflag:s0], s1  }
0x75: {  	s1 =	ssub.s32 @!p0 $0x0, s1;
	[sflag:s0] =	ssyncset.done @!p0 $0x0  }
0x76: {  	[sflag:s0] =	ssyncadd.s32 @!p0 s1  }
0x77: {  	[bflag:$0x3] =	sbarrier.arrive $0xFFFF  }
0x78: {  	_ =	shalt  }

// kernel: kernel.46.cloned.1.call-start
scs
__scs_entry_jumppad:
0x0: {  	(pc) =	sbr.rel $0x88, $3  }
0x1: {  	(tag) =	ssettag $0x0;
	lr =	simm.s32 $0x1  }
0x2: {  	[smem:$0x3F79] =	sst lr;
	_ =	strace $0xD0000000  }
0x3: {  	_ = 	snop  }
0x4: {  	_ = 	snop  }
0x5: {  	_ = 	snop  }
0x6: {  	_ = 	snop  }
0x7: {  	_ = 	snop  }
__scs_overlays_trampoline_lowered:
0x8: {  	[smem:$0x3F88] =	sst s0  }
0x9: {  	[smem:$0x3F89] =	sst s1  }
0xa: {  	[smem:$0x3F8A] =	sst s2  }
0xb: {  	[smem:$0x3F8B] =	sst s3  }
0xc: {  	[smem:$0x3F8C] =	sst s4  }
0xd: {  	[smem:$0x3F8D] =	sst s5  }
0xe: {  	[smem:$0x3F8E] =	sst s6  }
0xf: {  	[smem:$0x3F8F] =	sst s7  }
0x10: {  	[smem:$0x3F90] =	sst s8  }
0x11: {  	[smem:$0x3F91] =	sst s9;
	s0 =	simm.s32 @!p0 $0x0  }
0x12: {  	s1 =	sld [smem:$0x3F77];
	s0 =	simm.s32 @p0 $0x1  }
0x13: {  	[smem:$0x3F92] =	sst s0;
	s0 =	simm.s32 @!p1 $0x0  }
0x14: {  	s2 =	sld [smem:$0x3F76];
	s0 =	simm.s32 @p1 $0x1  }
0x15: {  	[smem:$0x3F93] =	sst s0;
	s0 =	simm.s32 @!p2 $0x0  }
0x16: {  	s3 =	sld [smem:$0x3FDB];
	s0 =	simm.s32 @p2 $0x1  }
0x17: {  	s4 =	simm.s32 $0x1BF5;
	[smem:$0x3F95] =	sst s0  }
0x18: {  	s0 =	sld [smem:$0x3F78];
	_ =	swait.ge [sflag:s4], $0x0  }
0x19: {  	s7 =	sld [smem:$0x3F79]  }
0x1a: {  	s8 =	sadd.s32 $0xFFFFE003, lr  }
0x1b: {  	s9 =	sadd.s32 $0xFFFFFEF7, lr;
	s5 =	simm.s32 $0xFFFFFFFF;
	p2 =	slt.u32 s8, $0xFFFFF086  }
0x1c: {  	p1 =	slt.u32 s9, $0xF7A;
	s5 =	simm.s32 @!p2 $0x0  }
0x1d: {  	s5 =	simm.s32 @p1 $0x1;
	p0 =	seq.s32 s7, s2  }
0x1e: {  	s7 =	smul.u32 @!p0 $0xF7A, s2;
	p2 =	seq.s32 @!p0 s5, $0x0  }
0x1f: {  	s9 =	smul.u32 $0xF7A, s1;
	s8 =	simm.s32 @!p0 $0x1BF5;
	p2 =	por !p2, p0  }
0x20: {  	[sflag:s8] =	ssyncset.s32 @!p0 $0xFFFFF086;
	s6 =	sadd.s32 @!p0 s3, s7;
	s7 =	simm.s32 @!p0 $0x108  }
0x21: {  	s3 =	sadd.s32 s3, s9;
	s6 =	sadd.s32 @!p0 $0x88, s6;
	s7 =	simm.s32 @p2 $0x1082  }
0x22: {  	[simem:s7], [sflag:s8] =	dma.local @!p0 [hbm:s6], $0xF7A  }
0x23: {  	s9 =	sor.u32 $0xD0000000, s2;
	s6 =	simm.s32 $0x108;
	_ =	swait.ge @!p0 [sflag:s8], $0x0  }
0x24: {  	s3 =	sadd.s32 $0x88, s3;
	s6 =	simm.s32 @!p1 $0x1082;
	[sflag:s4] =	ssyncset.s32 $0xFFFFF086  }
0x25: {  	[simem:s6], [sflag:s4] =	dma.local [hbm:s3], $0xF7A  }
0x26: {  	[smem:$0x3F79] =	sst s1;
	(tag) =	ssettag s2;
	_ =	strace s9  }
0x27: {  	s1 =	sld [smem:$0x3F89]  }
0x28: {  	s2 =	sld [smem:$0x3F8A]  }
0x29: {  	s4 =	sld [smem:$0x3F8C]  }
0x2a: {  	p0 =	seq.s32 s5, $0x0;
	s5 =	sld [smem:$0x3F8D]  }
0x2b: {  	s6 =	sld [smem:$0x3F8E]  }
0x2c: {  	s7 =	sld [smem:$0x3F8F]  }
0x2d: {  	s3 =	simm.s32 $0x108;
	s8 =	sld [smem:$0x3F90]  }
0x2e: {  	s3 =	simm.s32 @!p0 $0x1082;
	s9 =	sld [smem:$0x3F91]  }
0x2f: {  	lr =	sadd.s32 s0, s3;
	s0 =	sld [smem:$0x3F88]  }
0x30: {  	s3 =	sld [smem:$0x3F8B]  }
0x31: {  	[smem:$0x3F94] =	sst s10  }
0x32: {  	s10 =	sld [smem:$0x3F92];
	_ =	sdelay $0x3  }
0x33: {  	p0 =	seq.s32 s10, $0x1;
	s10 =	sld [smem:$0x3F94];
	_ =	sdelay $0x3  }
0x34: {  	[smem:$0x3F94] =	sst s10  }
0x35: {  	s10 =	sld [smem:$0x3F93];
	_ =	sdelay $0x3  }
0x36: {  	p1 =	seq.s32 s10, $0x1;
	s10 =	sld [smem:$0x3F94];
	_ =	sdelay $0x3  }
0x37: {  	[smem:$0x3F94] =	sst s10  }
0x38: {  	s10 =	sld [smem:$0x3F95]  }
0x39: {  	_ = 	snop;
	(pc) =	sbr.ind lr, $3  }
0x3a: {  	_ = 	snop  }
0x3b: {  	_ = 	snop  }
0x3c: {  	p2 =	seq.s32 s10, $0x1;
	s10 =	sld [smem:$0x3F94]  }
0x3d: {  	_ =	shalt  }
0x3e: {  	_ =	shalt  }
0x3f: {  	_ =	shalt  }
0x40: {  	_ =	shalt  }
0x41: {  	_ =	shalt  }
0x42: {  	_ =	shalt  }
0x43: {  	_ =	shalt  }
0x44: {  	_ =	shalt  }
0x45: {  	_ =	shalt  }
0x46: {  	_ =	shalt  }
0x47: {  	_ =	shalt  }
0x48: {  	_ =	shalt  }
0x49: {  	_ =	shalt  }
0x4a: {  	_ =	shalt  }
0x4b: {  	_ =	shalt  }
0x4c: {  	_ =	shalt  }
0x4d: {  	_ =	shalt  }
0x4e: {  	_ =	shalt  }
0x4f: {  	_ =	shalt  }
0x50: {  	_ =	shalt  }
0x51: {  	_ =	shalt  }
0x52: {  	_ =	shalt  }
0x53: {  	_ =	shalt  }
0x54: {  	_ =	shalt  }
0x55: {  	_ =	shalt  }
0x56: {  	_ =	shalt  }
0x57: {  	_ =	shalt  }
0x58: {  	_ =	shalt  }
0x59: {  	_ =	shalt  }
0x5a: {  	_ =	shalt  }
0x5b: {  	_ =	shalt  }
0x5c: {  	_ =	shalt  }
0x5d: {  	_ =	shalt  }
0x5e: {  	_ =	shalt  }
0x5f: {  	_ =	shalt  }
0x60: {  	_ =	shalt  }
0x61: {  	_ =	shalt  }
0x62: {  	_ =	shalt  }
0x63: {  	_ =	shalt  }
0x64: {  	_ =	shalt  }
0x65: {  	_ =	shalt  }
0x66: {  	_ =	shalt  }
0x67: {  	_ =	shalt  }
0x68: {  	_ =	shalt  }
0x69: {  	_ =	shalt  }
0x6a: {  	_ =	shalt  }
0x6b: {  	_ =	shalt  }
0x6c: {  	_ =	shalt  }
0x6d: {  	_ =	shalt  }
0x6e: {  	_ =	shalt  }
0x6f: {  	_ =	shalt  }
0x70: {  	_ =	shalt  }
0x71: {  	_ =	shalt  }
0x72: {  	_ =	shalt  }
0x73: {  	_ =	shalt  }
0x74: {  	_ =	shalt  }
0x75: {  	_ =	shalt  }
0x76: {  	_ =	shalt  }
0x77: {  	_ =	shalt  }
0x78: {  	_ =	shalt  }
0x79: {  	_ =	shalt  }
0x7a: {  	_ =	shalt  }
0x7b: {  	_ =	shalt  }
0x7c: {  	_ =	shalt  }
0x7d: {  	_ =	shalt  }
0x7e: {  	_ =	shalt  }
0x7f: {  	_ =	shalt  }
0x80: {  	_ =	shalt  }
0x81: {  	_ =	shalt  }
0x82: {  	_ =	shalt  }
0x83: {  	_ =	shalt  }
0x84: {  	_ =	shalt  }
0x85: {  	_ =	shalt  }
0x86: {  	_ =	shalt  }
0x87: {  	_ =	shalt  }
.Lfunc_end0:
.L_simem_size_0:
called_computation.8_lowered:
.L_overlay_start_0:
0x88: {  	s2 =	sld [smem:$0x3FD9]  }
0x89: {  	s3 =	sld [smem:$0x3FFE];
	_ =	sdelay $0x1  }
0x8a: {  	s1 =	srdreg.scid  }
0x8b: {  	s0 =	sand.u32 $0x1, s1  }
0x8c: {  	s16 =	sshll.u32 s0, $0xA;
	s2 =	sadd.s32 s3, s2  }
0x8d: {  	s2 =	sadd.s32 s2, s16  }
0x8e: {  	[smem:$0x3FA0] =	sst s2  }
0x8f: {  	_ = 	snop  }
0x90: {  	(tm) =	ssettm $0x1  }
0x91: {  	s17 =	sld [smem:$0x3FFB];
	_ =	sdelay $0x3  }
0x92: {  	_ =	strace s17  }
0x93: {  	s2 =	sld [smem:$0x3FFC];
	_ =	sdelay $0x3  }
0x94: {  	_ =	strace s2  }
0x95: {  	s2 =	sld [smem:$0x3FFD];
	_ =	sdelay $0x3  }
0x96: {  	_ =	strace s2  }
0x97: {  	_ =	strace $0x8FFFFFFF  }
0x98: {  	s18 =	sld [smem:$0x3FDB];
	_ =	sdelay $0x1  }
0x99: {  	s19 =	simm.s32 $_scs_section_size  }
0x9a: {  	s4 =	simm.s32 $_size__tile_overlayer_lowered;
	s5 =	simm.s32 $_tile_overlayer_lowered  }
0x9b: {  	s22 =	simm.s32 $0x1BFF;
	s21 =	sshll.u32 s5, $0x1;
	s2 =	sadd.s32 s19, s18  }
0x9c: {  	s6 =	simm.s32 $0x0;
	s20 =	sshll.u32 s4, $0x1;
	s4 =	sadd.s32 s21, s2  }
0x9d: {  	[timem:s6], [sflag:s22] =	dma.local [hbm:s4], s20  }
0x9e: {  	_ =	swait.ge [sflag:s22], s20  }
0x9f: {  	s3 =	ssub.s32 $0x0, s20;
	[sflag:s22] =	ssyncset.done $0x0  }
0xa0: {  	[sflag:s22] =	ssyncadd.s32 s3;
	_ =	sdelay $0x1  }
0xa1: {  	s23 =	simm.s32 $0x1B8B  }
0xa2: {  	_ =	swait.ge [sflag:s23], $0x1  }
0xa3: {  	[sflag:s23] =	ssyncset.done $0x0  }
0xa4: {  	s25 =	simm.s32 $0x1B8E;
	s24 =	sld [smem:$0x3FFE];
	[sflag:s23] =	ssyncadd.s32 $0xFFFFFFFF  }
0xa5: {  	s26 =	simm.s32 $execute0_lowered;
	[smem:$0x3FD2] =	sst s25  }
0xa6: {  	s4 =	sshll.u32 s26, $0x1;
	_ =	strace $0x8000005E;
	[dreg:$0x1] =	wrdreg $0xFFFFFFFF  }
0xa7: {  	s28 =	simm.s32 $_size_execute0_lowered;
	s2 =	sadd.s32 s2, s4;
	[dreg:$0x0] =	wrdreg $0x0  }
0xa8: {  	s4 =	sshll.u32 s28, $0x1;
	[dreg:$0x2] =	wrdreg s2  }
0xa9: {  	[dreg:$0x3] =	wrdreg s4  }
0xaa: {  	[dreg:$0x4] =	wrdreg $0xC0  }
0xab: {  	_ =	task [dreg:s6], $0x5FFFF  }
0xac: {  	[dreg:$0x1] =	wrdreg $0xFFFFFFFF  }
0xad: {  	[dreg:$0x0] =	wrdreg $0x60  }
0xae: {  	[dreg:$0x2] =	wrdreg s24  }
0xaf: {  	[dreg:$0x3] =	wrdreg $0x9  }
0xb0: {  	_ =	task.clear_ibuf [dreg:s6], $0x4FFFF;
	_ =	strace $0x9000005E  }
0xb1: {  	s29 =	simm.s32 $0x9;
	_ =	strace $0x80000060  }
0xb2: {  	_ =	swait.ge [sflag:s29], $0x1  }
0xb3: {  	[sflag:s29] =	ssyncadd.s32 $0xFFFFFFFF  }
0xb4: {  	_ =	strace $0x90000060  }
0xb5: {  	_ =	sfence  }
0xb6: {  	s30 =	sld [smem:$0x0];
	_ =	sdelay $0x2  }
0xb7: {  	s31 =	sshll.u32 s1, $0xD;
	s1 =	sshrl.u32 s1, $0x2  }
0xb8: {  	s3 =	sand.u32 $0x4000, s31;
	s1 =	sadd.s32 s1, s30  }
0xb9: {  	s0 =	sor.u32 s3, s0;
	s1 =	sshll.u32 s1, $0x11  }
0xba: {  	s0 =	sor.u32 s1, s0  }
0xbb: {  	s0 =	sadd.s32 $0x8F2B, s0  }
0xbc: {  	[sflag:s0] =	ssyncadd.remote.s32 $0x1  }
0xbd: {  	_ =	sfence.sel $0xFFFF  }
0xbe: {  	[dreg:$0x0] =	wrdreg $0xFFFFFFFF;
	(pc) =	sbr.abs _section_cstart, $3  }
0xbf: {  	[dreg:$0x1] =	wrdreg $0xFFFFFFFF  }
0xc0: {  	_ =	task.clear_ibuf [dreg:s6], $0x2FFFF;
	_ =	strace $0x9FFFFFFF  }
0xc1: {  	(tm) =	ssettm $0x7FFFFFFF  }
tec
execute0_lowered:
.L_overlay_start_1:
0x0: {  	(tag) =	ssettag $0x1  }
0x1: {  	s0 =	srdreg.scid;
	s1 =	rddreg [dreg:$0x0]  }
0x2: {  	s13 =	stileid.u32;
	s2 =	simm.s32 $0x0;
	s16 =	simm.s32 $0x5  }
0x3: {  	s17 =	simm.s32 $0x2800;
	s18 =	simm.s32 $0x5000;
	s19 =	simm.s32 $0x9000  }
0x4: {  	s20 =	simm.s32 $0x80;
	s21 =	simm.s32 $0x7000;
	s22 =	simm.s32 $0xB000  }
0x5: {  	s23 =	simm.s32 $0x1;
	s24 =	simm.s32 $0x3;
	s25 =	simm.s32 $0x2  }
0x6: {  	s26 =	simm.s32 $0x4;
	s0 =	sand.u32 $0x1, s0;
	s12 =	smul.u32 $0x2800, s13  }
0x7: {  	s30 =	simm.s32 $0x0;
	[smem:$0x7FF] =	sst s2;
	s11 =	smul.u32 $0xA00000, s0  }
0x8: {  	s3 =	sshll.u32 s0, $0x4;
	s7 =	ssub.s32 $0x2, s0;
	s0 =	smul.u32 $0x28000, s0  }
0x9: {  	s14 =	sadd.s32 $0x30A200, s1;
	s5 =	sor.u32 s13, s3;
	s13 =	smul.u32 $0xA0000, s13  }
0xa: {  	s4 =	sadd.s32 $0x26E00, s1;
	_ =	strace $0x8000005F;
	s6 =	smul.u32 $0x2800, s5  }
0xb: {  	s3 =	sadd.s32 $0x12E00, s1;
	s9 =	sshrl.u32 s7, $0x1;
	s8 =	smul.u32 $0xA0000, s5  }
0xc: {  	s10 =	smul.u32 $0x14000, s5;
	s7 =	ssub.s32 s7, s9;
	s0 =	sadd.s32 s12, s0  }
0xd: {  	s7 =	smax.u32 s7, $0x1;
	s31 =	sadd.s32 s13, s11;
	s0 =	sshll.u32 s0, $0x3  }
0xe: {  	s6 =	sshrl.u32 s6, $0x3;
	s8 =	sshrl.u32 s8, $0x3;
	s15 =	sadd.s32 $0x13C00, s10  }
0xf: {  	s13 =	sshrl.u32 s31, $0x3;
	s0 =	sor.u32 $0x400, s0;
	s6 =	sadd.s32 s6, s1  }
0x10: {  	s1 =	sadd.s32 $0x8A200, s1;
	s29 =	sadd.s32 $0x13800, s8;
	s10 =	sadd.s32 s14, s15  }
0x11: {  	s5 =	sadd.s32 $0x80200, s6;
	s6 =	sadd.s32 $0x8E00, s6;
	s8 =	sadd.s32 s14, s29  }
0x12: {  	s9 =	sadd.s32 s1, s29;
	s11 =	sadd.s32 s1, s15;
	s12 =	sadd.s32 s13, s1  }
0x13: {  	s13 =	sadd.s32 s13, s14;
	s14 =	sadd.s32 s0, s14;
	s15 =	sadd.s32 s0, s1  }
.LBB2_1:
0x14: {  	[tilespmem:s2], [sflag:$0x5] =	stream.linear.gather [hbm4b:s5+s2], $0x2800, $0x38;
	[tilespmem:$0xD000] =	vst v63  }
0x15: {  	_ =	swait.ge [sflag:s16], $0x2800  }
0x16: {  	[sflag:s16] =	ssyncset.done $0x0  }
0x17: {  	[sflag:s16] =	ssyncadd.s32 $0xFFFFD800  }
0x18: {  	[tilespmem:s17], [sflag:$0x5] =	stream.linear.gather [hbm4b:s6+s2], $0x2800, $0x38;
	[tilespmem:$0xD000] =	vst v63  }
0x19: {  	_ =	swait.ge [sflag:s16], $0x2800  }
0x1a: {  	[sflag:s16] =	ssyncset.done $0x0  }
0x1b: {  	[sflag:s16] =	ssyncadd.s32 $0xFFFFD800  }
0x1c: {  	[tilespmem:s18], [sflag:$0x1] =	stream.indirect.gather [hbm4b:s3+s20], $0x40, s2, s20, $0xb8;
	[tilespmem:$0xD000] =	vst v63  }
0x1d: {  	_ = 	snop  }
0x1e: {  	[tilespmem:s19], [sflag:$0x3] =	stream.indirect.gather [hbm4b:s4+s20], $0x40, s17, s20, $0xb8;
	[tilespmem:$0xD000] =	vst v63  }
0x1f: {  	_ = 	snop  }
0x20: {  	[tilespmem:s21], [sflag:$0x2] =	stream.indirect.gather [hbm4b:s3+s20], $0x40, s20, s20, $0xb8;
	[tilespmem:$0xD000] =	vst v63  }
0x21: {  	s31 =	simm.s32 $0x2880  }
0x22: {  	[tilespmem:s22], [sflag:$0x4] =	stream.indirect.gather [hbm4b:s4+s20], $0x40, s31, s20, $0xb8;
	[tilespmem:$0xD000] =	vst v63  }
0x23: {  	_ =	swait.ge [sflag:s23], $0x2000  }
0x24: {  	[sflag:s23] =	ssyncset.done $0x0  }
0x25: {  	s0 =	sadd.s32 $0x0, s13;
	[sflag:s23] =	ssyncadd.s32 $0xFFFFE000  }
0x26: {  	[hbm4b:s0+s2] =	stream.linear.scatter [tilespmem:s18], [sflag:$0x5], $0x2000, $0x38;
	[tilespmem:$0xD000] =	vst v63  }
0x27: {  	_ =	swait.ge [sflag:s16], $0x2000  }
0x28: {  	[sflag:s16] =	ssyncset.done $0x0  }
0x29: {  	[sflag:s16] =	ssyncadd.s32 $0xFFFFE000  }
0x2a: {  	_ =	swait.ge [sflag:s24], $0x2000  }
0x2b: {  	[sflag:s24] =	ssyncset.done $0x0  }
0x2c: {  	s28 =	sadd.s32 $0x0, s12;
	[sflag:s24] =	ssyncadd.s32 $0xFFFFE000  }
0x2d: {  	[hbm4b:s28+s2] =	stream.linear.scatter [tilespmem:s19], [sflag:$0x5], $0x2000, $0x38;
	[tilespmem:$0xD000] =	vst v63  }
0x2e: {  	_ =	swait.ge [sflag:s16], $0x2000  }
0x2f: {  	[sflag:s16] =	ssyncset.done $0x0  }
0x30: {  	s29 =	simm.s32 $0x100;
	[sflag:s16] =	ssyncadd.s32 $0xFFFFE000  }
0x31: {  	[tilespmem:s18], [sflag:$0x1] =	stream.indirect.gather [hbm4b:s3+s20], $0x40, s29, s20, $0xb8;
	[tilespmem:$0xD000] =	vst v63  }
0x32: {  	s1 =	simm.s32 $0x2900  }
0x33: {  	[tilespmem:s19], [sflag:$0x3] =	stream.indirect.gather [hbm4b:s4+s20], $0x40, s1, s20, $0xb8;
	[tilespmem:$0xD000] =	vst v63  }
0x34: {  	_ =	swait.ge [sflag:s25], $0x2000  }
0x35: {  	[sflag:s25] =	ssyncset.done $0x0  }
0x36: {  	s28 =	sadd.s32 $0x0, s14;
	[sflag:s25] =	ssyncadd.s32 $0xFFFFE000  }
0x37: {  	[hbm4b:s28+s2] =	stream.linear.scatter [tilespmem:s21], [sflag:$0x5], $0x2000, $0x38;
	[tilespmem:$0xD000] =	vst v63  }
0x38: {  	_ =	swait.ge [sflag:s16], $0x2000  }
0x39: {  	[sflag:s16] =	ssyncset.done $0x0  }
0x3a: {  	[sflag:s16] =	ssyncadd.s32 $0xFFFFE000  }
0x3b: {  	_ =	swait.ge [sflag:s26], $0x2000  }
0x3c: {  	[sflag:s26] =	ssyncset.done $0x0  }
0x3d: {  	s29 =	sadd.s32 $0x0, s15;
	[sflag:s26] =	ssyncadd.s32 $0xFFFFE000  }
0x3e: {  	[hbm4b:s29+s2] =	stream.linear.scatter [tilespmem:s22], [sflag:$0x5], $0x2000, $0x38;
	[tilespmem:$0xD000] =	vst v63  }
0x3f: {  	_ =	swait.ge [sflag:s16], $0x2000  }
0x40: {  	s0 =	simm.s32 $0x800;
	s1 =	simm.s32 $0x80;
	[sflag:s16] =	ssyncset.done $0x0  }
.LBB2_2:
0x41: {  	[sflag:s16] =	ssyncadd.s32 $0xFFFFE000;
	s31 =	sadd.s32 $0x100, s31;
	s1 =	sadd.s32 $0x100, s1  }
0x42: {  	[tilespmem:s21], [sflag:$0x2] =	stream.indirect.gather [hbm4b:s3+s20], $0x40, s1, s20, $0xb8;
	[tilespmem:$0xD000] =	vst v63  }
0x43: {  	p0 =	sne.s32 s0, $0x13000;
	s28 =	smov.u32 s0;
	s0 =	sadd.s32 $0x800, s0  }
0x44: {  	[tilespmem:s22], [sflag:$0x4] =	stream.indirect.gather [hbm4b:s4+s20], $0x40, s31, s20, $0xb8;
	[tilespmem:$0xD000] =	vst v63  }
0x45: {  	_ =	swait.ge [sflag:s23], $0x2000  }
0x46: {  	[sflag:s23] =	ssyncset.done $0x0  }
0x47: {  	s29 =	sadd.s32 s28, s13;
	[sflag:s23] =	ssyncadd.s32 $0xFFFFE000  }
0x48: {  	[hbm4b:s29+s2] =	stream.linear.scatter [tilespmem:s18], [sflag:$0x5], $0x2000, $0x38;
	[tilespmem:$0xD000] =	vst v63  }
0x49: {  	_ =	swait.ge [sflag:s16], $0x2000  }
0x4a: {  	[sflag:s16] =	ssyncset.done $0x0  }
0x4b: {  	[sflag:s16] =	ssyncadd.s32 $0xFFFFE000  }
0x4c: {  	_ =	swait.ge [sflag:s24], $0x2000  }
0x4d: {  	[sflag:s24] =	ssyncset.done $0x0  }
0x4e: {  	s29 =	sadd.s32 s28, s12;
	[sflag:s24] =	ssyncadd.s32 $0xFFFFE000  }
0x4f: {  	[hbm4b:s29+s2] =	stream.linear.scatter [tilespmem:s19], [sflag:$0x5], $0x2000, $0x38;
	[tilespmem:$0xD000] =	vst v63  }
0x50: {  	_ =	swait.ge [sflag:s16], $0x2000  }
0x51: {  	[sflag:s16] =	ssyncset.done $0x0  }
0x52: {  	s29 =	sadd.s32 $0x80, s1;
	[sflag:s16] =	ssyncadd.s32 $0xFFFFE000  }
0x53: {  	[tilespmem:s18], [sflag:$0x1] =	stream.indirect.gather [hbm4b:s3+s20], $0x40, s29, s20, $0xb8;
	[tilespmem:$0xD000] =	vst v63  }
0x54: {  	s29 =	sadd.s32 $0x80, s31  }
0x55: {  	[tilespmem:s19], [sflag:$0x3] =	stream.indirect.gather [hbm4b:s4+s20], $0x40, s29, s20, $0xb8;
	[tilespmem:$0xD000] =	vst v63  }
0x56: {  	_ =	swait.ge [sflag:s25], $0x2000  }
0x57: {  	[sflag:s25] =	ssyncset.done $0x0  }
0x58: {  	s29 =	sadd.s32 s28, s14;
	[sflag:s25] =	ssyncadd.s32 $0xFFFFE000  }
0x59: {  	[hbm4b:s29+s2] =	stream.linear.scatter [tilespmem:s21], [sflag:$0x5], $0x2000, $0x38;
	[tilespmem:$0xD000] =	vst v63  }
0x5a: {  	_ =	swait.ge [sflag:s16], $0x2000  }
0x5b: {  	[sflag:s16] =	ssyncset.done $0x0  }
0x5c: {  	[sflag:s16] =	ssyncadd.s32 $0xFFFFE000  }
0x5d: {  	_ =	swait.ge [sflag:s26], $0x2000  }
.Ltmp0:
0x5e: {  	[sflag:s26] =	ssyncset.done $0x0;
	(pc) =	sbr.rel @p0 .LBB2_2-.Ltmp0, $4  }
0x5f: {  	s28 =	sadd.s32 s28, s15;
	[sflag:s26] =	ssyncadd.s32 $0xFFFFE000  }
0x60: {  	[hbm4b:s28+s2] =	stream.linear.scatter [tilespmem:s22], [sflag:$0x5], $0x2000, $0x38;
	[tilespmem:$0xD000] =	vst v63  }
0x61: {  	_ =	swait.ge [sflag:s16], $0x2000  }
0x62: {  	[sflag:s16] =	ssyncset.done $0x0  }
0x63: {  	[sflag:s16] =	ssyncadd.s32 $0xFFFFE000;
	s0 =	simm.s32 $0x2780  }
0x64: {  	[tilespmem:s21], [sflag:$0x2] =	stream.indirect.gather [hbm4b:s3+s20], $0x40, s0, s20, $0xb8;
	[tilespmem:$0xD000] =	vst v63  }
0x65: {  	s31 =	simm.s32 $0x4F80  }
0x66: {  	[tilespmem:s22], [sflag:$0x4] =	stream.indirect.gather [hbm4b:s4+s20], $0x40, s31, s20, $0xb8;
	[tilespmem:$0xD000] =	vst v63  }
0x67: {  	_ =	swait.ge [sflag:s23], $0x2000  }
0x68: {  	[sflag:s23] =	ssyncset.done $0x0  }
0x69: {  	[sflag:s23] =	ssyncadd.s32 $0xFFFFE000  }
0x6a: {  	[hbm4b:s8+s2] =	stream.linear.scatter [tilespmem:s18], [sflag:$0x5], $0x2000, $0x38;
	[tilespmem:$0xD000] =	vst v63  }
0x6b: {  	_ =	swait.ge [sflag:s16], $0x2000  }
0x6c: {  	[sflag:s16] =	ssyncset.done $0x0  }
0x6d: {  	[sflag:s16] =	ssyncadd.s32 $0xFFFFE000  }
0x6e: {  	_ =	swait.ge [sflag:s24], $0x2000  }
0x6f: {  	[sflag:s24] =	ssyncset.done $0x0  }
0x70: {  	[sflag:s24] =	ssyncadd.s32 $0xFFFFE000  }
0x71: {  	[hbm4b:s9+s2] =	stream.linear.scatter [tilespmem:s19], [sflag:$0x5], $0x2000, $0x38;
	[tilespmem:$0xD000] =	vst v63  }
0x72: {  	_ =	swait.ge [sflag:s16], $0x2000  }
0x73: {  	[sflag:s16] =	ssyncset.done $0x0  }
0x74: {  	[sflag:s16] =	ssyncadd.s32 $0xFFFFE000  }
0x75: {  	[tilespmem:s18], [sflag:$0x1] =	stream.indirect.gather [hbm4b:s3+s20], $0x40, s2, s20, $0xb8;
	[tilespmem:$0xD000] =	vst v63  }
0x76: {  	_ = 	snop  }
0x77: {  	[tilespmem:s19], [sflag:$0x3] =	stream.indirect.gather [hbm4b:s4+s20], $0x40, s17, s20, $0xb8;
	[tilespmem:$0xD000] =	vst v63  }
0x78: {  	_ =	swait.ge [sflag:s25], $0x2000  }
0x79: {  	[sflag:s25] =	ssyncset.done $0x0  }
0x7a: {  	[sflag:s25] =	ssyncadd.s32 $0xFFFFE000  }
0x7b: {  	[hbm4b:s10+s2] =	stream.linear.scatter [tilespmem:s21], [sflag:$0x5], $0x2000, $0x38;
	[tilespmem:$0xD000] =	vst v63  }
0x7c: {  	_ =	swait.ge [sflag:s16], $0x2000  }
0x7d: {  	[sflag:s16] =	ssyncset.done $0x0  }
0x7e: {  	[sflag:s16] =	ssyncadd.s32 $0xFFFFE000  }
0x7f: {  	_ =	swait.ge [sflag:s26], $0x2000  }
0x80: {  	[sflag:s26] =	ssyncset.done $0x0  }
0x81: {  	[sflag:s26] =	ssyncadd.s32 $0xFFFFE000  }
0x82: {  	[hbm4b:s11+s2] =	stream.linear.scatter [tilespmem:s22], [sflag:$0x5], $0x2000, $0x38;
	[tilespmem:$0xD000] =	vst v63  }
0x83: {  	_ =	swait.ge [sflag:s16], $0x2000  }
0x84: {  	[sflag:s16] =	ssyncset.done $0x0  }
0x85: {  	s30 =	sadd.s32 $0x1, s30;
	[sflag:s16] =	ssyncadd.s32 $0xFFFFE000  }
0x86: {  	p0 =	sne.s32 s30, s7;
	_ =	swait.ge [sflag:s23], $0x2000  }
.Ltmp1:
0x87: {  	[sflag:s23] =	ssyncset.done $0x0;
	(pc) =	sbr.rel @p0 .LBB2_1-.Ltmp1, $4  }
0x88: {  	[sflag:s23] =	ssyncadd.s32 $0xFFFFE000  }
0x89: {  	_ =	swait.ge [sflag:s24], $0x2000  }
0x8a: {  	[sflag:s24] =	ssyncset.done $0x0  }
0x8b: {  	[sflag:s24] =	ssyncadd.s32 $0xFFFFE000  }
0x8c: {  	_ =	sfence.sel $0x180000  }
0x8d: {  	[bflag:$0x0] =	sbarrier.arrive $0xFFFF  }
0x8e: {  	_ =	strace $0x9000005F  }
0x8f: {  	s0 =	stileid.u32;
	[bflag:$0x2] =	sbarrier.arrive $0xFFFF  }
0x90: {  	p0 =	sne.s32 s0, $0x0;
	s0 =	rddreg [dreg:$0x1]  }
0x91: {  	s0 =	sadd.s32 @!p0 $0x100000, s0  }
0x92: {  	[sflag:s0] =	ssyncadd.tile.s32 @!p0 $0x1;
	_ =	shalt  }
.Lfunc_end2:
_tile_overlayer_lowered:
.L_overlay_start_2:
0x93: {  	(tag) =	ssettag $0x2  }
0x94: {  	s0 =	rddreg [dreg:$0x0];
	s2 =	stileid.u32  }
0x95: {  	s1 =	rddreg [dreg:$0x1];
	p0 =	sne.s32 s2, $0x0  }
0x96: {  	s3 =	rddreg [dreg:$0x2];
	[bflag:$0x3] =	sbarrier.arrive $0xFFFF;
	s2 =	simm.s32 @!p0 $0x1C05  }
0x97: {  	[timem:s3], [sflag:s2] =	dma.local @!p0 [hbm:s0], s1  }
0x98: {  	s0 =	simm.s32 @!p0 $0x5  }
0x99: {  	_ =	swait.ge @!p0 [sflag:s0], s1  }
0x9a: {  	s1 =	ssub.s32 @!p0 $0x0, s1;
	[sflag:s0] =	ssyncset.done @!p0 $0x0  }
0x9b: {  	[sflag:s0] =	ssyncadd.s32 @!p0 s1  }
0x9c: {  	[bflag:$0x3] =	sbarrier.arrive $0xFFFF  }
0x9d: {  	_ =	shalt  }

</sc_bundles>
